<compile_context>
chip_gen: v7x
topology: tpu7x:2x2x1
jax: 0.10.2.dev20260603
libtpu: 0.0.44.dev20260713+nightly
codegen_flags: <defaults>
</compile_context>

<pallas_src>
import functools

import jax
import jax.numpy as jnp
from jax import lax
from jax.experimental import pallas as pl
from jax.experimental.pallas import tpu as pltpu
from jax.experimental.pallas import tpu_sc as plsc

_B = 16384
_L = 50
_D = 32
_V = 1000000
_NW = 32
_BPW = _B // _NW
_R = 32
_NCHUNK = _BPW // _R
_NIDX = _R * _L

_G = 31
_VPAD = _G * 32768


def _tc_retile_body(wt_ref, out_ref):
    eye = jnp.eye(128, dtype=jnp.float32)
    for cc in range(64):
        blk = wt_ref[:, cc * 512:(cc + 1) * 512]
        g = jnp.concatenate(
            [blk[:, a * 128:(a + 1) * 128] for a in range(4)], axis=0)
        t = lax.dot_general(g, eye, (((0,), (0,)), ((), ())),
                            precision=lax.Precision.HIGHEST,
                            preferred_element_type=jnp.float32)
        out_ref[cc * 128:(cc + 1) * 128, :] = t


def _body(x_hbm, xlen_hbm, tab_hbm, out_hbm,
          xlen_v, idx_v, idxm_v, rows_v, out_v, sem):
    wid = lax.axis_index("s") * 2 + lax.axis_index("c")
    b0 = wid * _BPW

    pltpu.sync_copy(xlen_hbm.at[pl.ds(b0, _BPW)], xlen_v.at[pl.ds(0, _BPW)])

    z16 = jnp.zeros((16,), jnp.float32)
    c_hi = jnp.full((16,), -512, jnp.int32)
    c_127 = jnp.full((16,), 127, jnp.int32)
    c_3 = jnp.full((16,), 3, jnp.int32)
    c_s7 = jnp.full((16,), 7, jnp.int32)
    c_s2 = jnp.full((16,), 2, jnp.int32)

    def chunk_body(c, carry):
        cb = c * _R

        pltpu.sync_copy(x_hbm.at[pl.ds((b0 + cb) * _L, _NIDX)],
                        idx_v.at[pl.ds(0, _NIDX)])

        for t in range(_NIDX // 16):
            r = idx_v[pl.ds(t * 16, 16)]
            hi = r & c_hi
            s2 = lax.shift_left(r & c_127, c_s2)
            a = lax.shift_right_logical(r, c_s7) & c_3
            idxm_v[pl.ds(t * 16, 16)] = (hi | s2) | a

        descs = []
        for rr in range(12):
            descs.append(pltpu.async_copy(
                tab_hbm.at[idxm_v.at[pl.ds(rr * 128, 128)]],
                rows_v.at[pl.ds(rr * 128, 128)], sem))
        descs.append(pltpu.async_copy(
            tab_hbm.at[idxm_v.at[pl.ds(1536, 64)]],
            rows_v.at[pl.ds(1536, 64)], sem))
        for dsc in descs:
            dsc.wait()

        def row_body(i, inner_carry):
            base = i * _L
            ln = xlen_v[pl.ds(cb + i, 16)][0]

            def jbody(j, acc):
                a0, a1 = acc
                v = idx_v[pl.ds(base + j, 16)][0]
                r0 = rows_v[base + j, pl.ds(0, 16)]
                r1 = rows_v[base + j, pl.ds(16, 16)]
                nz = v != 0
                a0 = a0 + jnp.where(nz, r0, z16)
                a1 = a1 + jnp.where(nz, r1, z16)
                return (a0, a1)

            a0, a1 = lax.fori_loop(0, ln, jbody, (z16, z16))
            lnv = jnp.broadcast_to(ln, (16,))
            lnf = lnv.astype(jnp.float32)
            rv = jnp.where(lnv > 0, 1.0 / lnf, jnp.zeros((16,), jnp.float32))
            out_v[pl.ds(i * _D, 16)] = a0 * rv
            out_v[pl.ds(i * _D + 16, 16)] = a1 * rv
            return inner_carry

        lax.fori_loop(0, _R, row_body, 0)

        pltpu.sync_copy(out_v, out_hbm.at[pl.ds((b0 + cb) * _D, _R * _D)])
        return carry

    lax.fori_loop(0, _NCHUNK, chunk_body, 0)


@jax.jit
def kernel(x, x_len, embed_weight):
    x_flat = x.astype(jnp.int32).reshape(-1)

    wt = jnp.transpose(embed_weight, (1, 0))
    tab128 = pl.pallas_call(
        _tc_retile_body,
        grid=(_G,),
        in_specs=[pl.BlockSpec((_D, 32768), lambda g: (0, g))],
        out_specs=pl.BlockSpec((8192, 128), lambda g: (g, 0)),
        out_shape=jax.ShapeDtypeStruct((_G * 8192, 128), jnp.float32),
    )(wt)
    tab = tab128.reshape(-1).reshape(_VPAD, _D)

    mesh = plsc.VectorSubcoreMesh(core_axis_name="c", subcore_axis_name="s")
    f = functools.partial(
        pl.kernel,
        out_type=jax.ShapeDtypeStruct((_B * _D,), jnp.float32),
        mesh=mesh,
        compiler_params=pltpu.CompilerParams(use_tc_tiling_on_sc=False),
        scratch_types=[
            pltpu.VMEM((_BPW + 16,), jnp.int32),
            pltpu.VMEM((_NIDX + 16,), jnp.int32),
            pltpu.VMEM((_NIDX,), jnp.int32),
            pltpu.VMEM((_NIDX, _D), jnp.float32),
            pltpu.VMEM((_R * _D,), jnp.float32),
            pltpu.SemaphoreType.DMA,
        ],
    )(_body)
    out = f(x_flat, x_len.astype(jnp.int32), tab)
    return out.reshape(_B, _D)

# --- scband reference (transcript-rebuilt; emitter-appended) ---
"""Pipeline reference for scband-bowencoder-53206054863277 (READ-ONLY COPY).

The authoritative reference and input builder live on the scoring server;
editing this copy changes nothing except your own understanding.
"""

import jax, jax.numpy as jnp
import numpy as np

VERY_SMALL_NUMBER = 1e-10
VOCAB = 1000000
EMBED = 32
BATCH = 16384
SEQ = 50

def setup_inputs(seed: int = 0) -> dict:
    key = jax.random.key(seed)
    k1, k2, k3 = jax.random.split(key, 3)
    x = jax.random.randint(k1, (BATCH, SEQ), 0, VOCAB, dtype=jnp.int64) if jax.config.jax_enable_x64 else jax.random.randint(k1, (BATCH, SEQ), 0, VOCAB).astype(jnp.int32)
    x_len = jax.random.randint(k2, (BATCH,), 0, SEQ).astype(jnp.int32)
    embed_weight = jax.random.uniform(k3, (VOCAB, EMBED), minval=-0.08, maxval=0.08, dtype=jnp.float32)
    return {"x": x, "x_len": x_len, "embed_weight": embed_weight}

def reference(x, x_len, embed_weight):
    # padding_idx=0 -> row 0 is forced to zeros (as in nn.Embedding(padding_idx=0))
    W = embed_weight.at[0].set(0.0)
    emb = jnp.take(W, x, axis=0)  # [B, L, D] gather
    # create_mask: mask[i, :x_len[i]] = 1
    mask = (jnp.arange(x.shape[1])[None, :] < x_len[:, None]).astype(jnp.float32)
    num = jnp.sum(emb * mask[:, :, None], axis=1)
    den = jnp.clip(jnp.sum(mask, axis=-1, keepdims=True), VERY_SMALL_NUMBER, None)
    avg_x = num / den
    return avg_x

if __name__ == "__main__":
    import jax
    _d = setup_inputs()
    print(jax.jit(kernel)(*tuple(_d.values())))

</pallas_src>

<mosaic_0001>
#map = affine_map<(d0, d1) -> (0)>
#map1 = affine_map<(d0, d1) -> (0, 0)>
module attributes {stable_mosaic.version = 14 : i64} {
  func.func @_body(%arg0: i32, %arg1: i32, %arg2: memref<819200xi32, #tpu.memory_space<hbm>>, %arg3: memref<16384xi32, #tpu.memory_space<hbm>>, %arg4: memref<1015808x32xf32, #tpu.memory_space<hbm>>, %arg5: memref<524288xf32, #tpu.memory_space<hbm>>, %arg6: memref<528xi32, #tpu.memory_space<vmem>>, %arg7: memref<1616xi32, #tpu.memory_space<vmem>>, %arg8: memref<1600xi32, #tpu.memory_space<vmem>>, %arg9: memref<1600x32xf32, #tpu.memory_space<vmem>>, %arg10: memref<1024xf32, #tpu.memory_space<vmem>>, %arg11: memref<!tpu.dma_semaphore, #tpu.memory_space<semaphore_mem>>) attributes {dimension_semantics = [#tpu.dimension_semantics<core_parallel>, #tpu.dimension_semantics<subcore_parallel>], iteration_bounds = array<i64: 2, 16>, scalar_prefetch = 0 : i64, scratch_operands = 6 : i64, tpu.core_type = #tpu.core_type<sc_vector_subcore>, window_params = [{transform_indices = #map}, {transform_indices = #map}, {transform_indices = #map1}, {transform_indices = #map}]} {
    %mul3A = arith.constant 2 : i32
    %mul3A_0 = arith.muli %arg1, %mul3A : i32
    %add3A = arith.addi %mul3A_0, %arg0 : i32
    %mul3A_1 = arith.constant 512 : i32
    %mul3A_2 = arith.muli %add3A, %mul3A_1 : i32
    "tpu.region"() ({
      %run_scoped3A = tpu.sem_alloc : memref<!tpu.dma_semaphore, #tpu.memory_space<semaphore_mem>>
      %dma_start3A = arith.constant 0 : i32
      %dma_start3A_19 = tpu.memref_slice %arg6[%dma_start3A] : memref<528xi32, #tpu.memory_space<vmem>> -> memref<512xi32, #tpu.memory_space<vmem>>
      %dma_start3A_20 = tpu.memref_slice %arg3[%mul3A_2] : memref<16384xi32, #tpu.memory_space<hbm>> -> memref<512xi32, #tpu.memory_space<hbm>>
      %dma_start3A_21 = arith.constant 0 : i32
      %dma_start3A_22 = tpu.memref_slice %arg6[%dma_start3A_21] : memref<528xi32, #tpu.memory_space<vmem>> -> memref<512xi32, #tpu.memory_space<vmem>>
      %dma_start3A_23 = tpu.memref_slice %arg3[%mul3A_2] : memref<16384xi32, #tpu.memory_space<hbm>> -> memref<512xi32, #tpu.memory_space<hbm>>
      tpu.enqueue_dma source(%dma_start3A_23 : memref<512xi32, #tpu.memory_space<hbm>>) target(%dma_start3A_22 : memref<512xi32, #tpu.memory_space<vmem>>) target_semaphore(%run_scoped3A : memref<!tpu.dma_semaphore, #tpu.memory_space<semaphore_mem>>)
      %dma_wait3A = arith.constant 0 : i32
      %dma_wait3A_24 = tpu.memref_slice %arg6[%dma_wait3A] : memref<528xi32, #tpu.memory_space<vmem>> -> memref<512xi32, #tpu.memory_space<vmem>>
      %dma_wait3A_25 = tpu.memref_slice %arg3[%mul3A_2] : memref<16384xi32, #tpu.memory_space<hbm>> -> memref<512xi32, #tpu.memory_space<hbm>>
      %dma_wait3A_26 = arith.constant 0 : i32
      %dma_wait3A_27 = tpu.memref_slice %arg6[%dma_wait3A_26] : memref<528xi32, #tpu.memory_space<vmem>> -> memref<512xi32, #tpu.memory_space<vmem>>
      %dma_wait3A_28 = tpu.memref_slice %arg3[%mul3A_2] : memref<16384xi32, #tpu.memory_space<hbm>> -> memref<512xi32, #tpu.memory_space<hbm>>
      tpu.wait_dma2 semaphore(%run_scoped3A : memref<!tpu.dma_semaphore, #tpu.memory_space<semaphore_mem>>) src(%dma_wait3A_28 : memref<512xi32, #tpu.memory_space<hbm>>) dst(%dma_wait3A_27 : memref<512xi32, #tpu.memory_space<vmem>>)
      tpu.yield
    }) : () -> ()
    %broadcast_in_dim3A = arith.constant 0.000000e+00 : f32
    %broadcast_in_dim3A_3 = vector.broadcast %broadcast_in_dim3A : f32 to vector<16xf32>
    %broadcast_in_dim3A_4 = arith.constant -512 : i32
    %broadcast_in_dim3A_5 = vector.broadcast %broadcast_in_dim3A_4 : i32 to vector<16xi32>
    %broadcast_in_dim3A_6 = arith.constant 127 : i32
    %broadcast_in_dim3A_7 = vector.broadcast %broadcast_in_dim3A_6 : i32 to vector<16xi32>
    %broadcast_in_dim3A_8 = arith.constant 3 : i32
    %broadcast_in_dim3A_9 = vector.broadcast %broadcast_in_dim3A_8 : i32 to vector<16xi32>
    %broadcast_in_dim3A_10 = arith.constant 7 : i32
    %broadcast_in_dim3A_11 = vector.broadcast %broadcast_in_dim3A_10 : i32 to vector<16xi32>
    %broadcast_in_dim3A_12 = arith.constant 2 : i32
    %broadcast_in_dim3A_13 = vector.broadcast %broadcast_in_dim3A_12 : i32 to vector<16xi32>
    %scan3A = arith.constant 0 : i32
    %scan3A_14 = arith.constant 0 : i32
    %scan3A_15 = arith.constant 16 : i32
    %scan3A_16 = arith.addi %scan3A_14, %scan3A_15 : i32
    %scan3A_17 = arith.constant 1 : i32
    scf.for %scan3A_19 = %scan3A_14 to %scan3A_16 step %scan3A_17  : i32 {
      %mul3A_20 = arith.constant 32 : i32
      %mul3A_21 = arith.muli %scan3A_19, %mul3A_20 : i32
      %add3A_22 = arith.addi %mul3A_2, %mul3A_21 : i32
      %mul3A_23 = arith.constant 50 : i32
      %mul3A_24 = arith.muli %add3A_22, %mul3A_23 : i32
      "tpu.region"() ({
        %run_scoped3A = tpu.sem_alloc : memref<!tpu.dma_semaphore, #tpu.memory_space<semaphore_mem>>
        %dma_start3A_1634 = arith.constant 0 : i32
        %dma_start3A_1635 = tpu.memref_slice %arg7[%dma_start3A_1634] : memref<1616xi32, #tpu.memory_space<vmem>> -> memref<1600xi32, #tpu.memory_space<vmem>>
        %dma_start3A_1636 = tpu.memref_slice %arg2[%mul3A_24] : memref<819200xi32, #tpu.memory_space<hbm>> -> memref<1600xi32, #tpu.memory_space<hbm>>
        %dma_start3A_1637 = arith.constant 0 : i32
        %dma_start3A_1638 = tpu.memref_slice %arg7[%dma_start3A_1637] : memref<1616xi32, #tpu.memory_space<vmem>> -> memref<1600xi32, #tpu.memory_space<vmem>>
        %dma_start3A_1639 = tpu.memref_slice %arg2[%mul3A_24] : memref<819200xi32, #tpu.memory_space<hbm>> -> memref<1600xi32, #tpu.memory_space<hbm>>
        tpu.enqueue_dma source(%dma_start3A_1639 : memref<1600xi32, #tpu.memory_space<hbm>>) target(%dma_start3A_1638 : memref<1600xi32, #tpu.memory_space<vmem>>) target_semaphore(%run_scoped3A : memref<!tpu.dma_semaphore, #tpu.memory_space<semaphore_mem>>)
        %dma_wait3A_1640 = arith.constant 0 : i32
        %dma_wait3A_1641 = tpu.memref_slice %arg7[%dma_wait3A_1640] : memref<1616xi32, #tpu.memory_space<vmem>> -> memref<1600xi32, #tpu.memory_space<vmem>>
        %dma_wait3A_1642 = tpu.memref_slice %arg2[%mul3A_24] : memref<819200xi32, #tpu.memory_space<hbm>> -> memref<1600xi32, #tpu.memory_space<hbm>>
        %dma_wait3A_1643 = arith.constant 0 : i32
        %dma_wait3A_1644 = tpu.memref_slice %arg7[%dma_wait3A_1643] : memref<1616xi32, #tpu.memory_space<vmem>> -> memref<1600xi32, #tpu.memory_space<vmem>>
        %dma_wait3A_1645 = tpu.memref_slice %arg2[%mul3A_24] : memref<819200xi32, #tpu.memory_space<hbm>> -> memref<1600xi32, #tpu.memory_space<hbm>>
        tpu.wait_dma2 semaphore(%run_scoped3A : memref<!tpu.dma_semaphore, #tpu.memory_space<semaphore_mem>>) src(%dma_wait3A_1645 : memref<1600xi32, #tpu.memory_space<hbm>>) dst(%dma_wait3A_1644 : memref<1600xi32, #tpu.memory_space<vmem>>)
        tpu.yield
      }) : () -> ()
      %get3A = arith.constant 0 : index
      %get3A_25 = tpu.vector_load %arg7[%get3A] {strides = array<i32>} : memref<1616xi32, #tpu.memory_space<vmem>>, vector<16xi32>,
      %get3A_26 = vector.shape_cast %get3A_25 : vector<16xi32> to vector<16xi32>
      %and3A = arith.andi %get3A_26, %broadcast_in_dim3A_5 : vector<16xi32>
      %and3A_27 = arith.andi %get3A_26, %broadcast_in_dim3A_7 : vector<16xi32>
      %shift_left3A = arith.shli %and3A_27, %broadcast_in_dim3A_13 : vector<16xi32>
      %shift_right_logical3A = arith.shrui %get3A_26, %broadcast_in_dim3A_11 : vector<16xi32>
      %and3A_28 = arith.andi %shift_right_logical3A, %broadcast_in_dim3A_9 : vector<16xi32>
      %or3A = arith.ori %and3A, %shift_left3A : vector<16xi32>
      %or3A_29 = arith.ori %or3A, %and3A_28 : vector<16xi32>
      %swap3A = arith.constant 0 : index
      %swap3A_30 = tpu.vector_load %arg8[%swap3A] {strides = array<i32>} : memref<1600xi32, #tpu.memory_space<vmem>>, vector<16xi32>,
      %swap3A_31 = vector.shape_cast %swap3A_30 : vector<16xi32> to vector<16xi32>
      %swap3A_32 = vector.shape_cast %or3A_29 : vector<16xi32> to vector<16xi32>
      tpu.vector_store %arg8[%swap3A], %swap3A_32 {strides = array<i32>} : memref<1600xi32, #tpu.memory_space<vmem>>, vector<16xi32>,
      %get3A_33 = arith.constant 16 : index
      %get3A_34 = tpu.vector_load %arg7[%get3A_33] {strides = array<i32>} : memref<1616xi32, #tpu.memory_space<vmem>>, vector<16xi32>,
      %get3A_35 = vector.shape_cast %get3A_34 : vector<16xi32> to vector<16xi32>
      %and3A_36 = arith.andi %get3A_35, %broadcast_in_dim3A_5 : vector<16xi32>
      %and3A_37 = arith.andi %get3A_35, %broadcast_in_dim3A_7 : vector<16xi32>
      %shift_left3A_38 = arith.shli %and3A_37, %broadcast_in_dim3A_13 : vector<16xi32>
      %shift_right_logical3A_39 = arith.shrui %get3A_35, %broadcast_in_dim3A_11 : vector<16xi32>
      %and3A_40 = arith.andi %shift_right_logical3A_39, %broadcast_in_dim3A_9 : vector<16xi32>
      %or3A_41 = arith.ori %and3A_36, %shift_left3A_38 : vector<16xi32>
      %or3A_42 = arith.ori %or3A_41, %and3A_40 : vector<16xi32>
      %swap3A_43 = arith.constant 16 : index
      %swap3A_44 = tpu.vector_load %arg8[%swap3A_43] {strides = array<i32>} : memref<1600xi32, #tpu.memory_space<vmem>>, vector<16xi32>,
      %swap3A_45 = vector.shape_cast %swap3A_44 : vector<16xi32> to vector<16xi32>
      %swap3A_46 = vector.shape_cast %or3A_42 : vector<16xi32> to vector<16xi32>
      tpu.vector_store %arg8[%swap3A_43], %swap3A_46 {strides = array<i32>} : memref<1600xi32, #tpu.memory_space<vmem>>, vector<16xi32>,
      %get3A_47 = arith.constant 32 : index
      %get3A_48 = tpu.vector_load %arg7[%get3A_47] {strides = array<i32>} : memref<1616xi32, #tpu.memory_space<vmem>>, vector<16xi32>,
      %get3A_49 = vector.shape_cast %get3A_48 : vector<16xi32> to vector<16xi32>
      %and3A_50 = arith.andi %get3A_49, %broadcast_in_dim3A_5 : vector<16xi32>
      %and3A_51 = arith.andi %get3A_49, %broadcast_in_dim3A_7 : vector<16xi32>
      %shift_left3A_52 = arith.shli %and3A_51, %broadcast_in_dim3A_13 : vector<16xi32>
      %shift_right_logical3A_53 = arith.shrui %get3A_49, %broadcast_in_dim3A_11 : vector<16xi32>
      %and3A_54 = arith.andi %shift_right_logical3A_53, %broadcast_in_dim3A_9 : vector<16xi32>
      %or3A_55 = arith.ori %and3A_50, %shift_left3A_52 : vector<16xi32>
      %or3A_56 = arith.ori %or3A_55, %and3A_54 : vector<16xi32>
      %swap3A_57 = arith.constant 32 : index
      %swap3A_58 = tpu.vector_load %arg8[%swap3A_57] {strides = array<i32>} : memref<1600xi32, #tpu.memory_space<vmem>>, vector<16xi32>,
      %swap3A_59 = vector.shape_cast %swap3A_58 : vector<16xi32> to vector<16xi32>
      %swap3A_60 = vector.shape_cast %or3A_56 : vector<16xi32> to vector<16xi32>
      tpu.vector_store %arg8[%swap3A_57], %swap3A_60 {strides = array<i32>} : memref<1600xi32, #tpu.memory_space<vmem>>, vector<16xi32>,
      %get3A_61 = arith.constant 48 : index
      %get3A_62 = tpu.vector_load %arg7[%get3A_61] {strides = array<i32>} : memref<1616xi32, #tpu.memory_space<vmem>>, vector<16xi32>,
      %get3A_63 = vector.shape_cast %get3A_62 : vector<16xi32> to vector<16xi32>
      %and3A_64 = arith.andi %get3A_63, %broadcast_in_dim3A_5 : vector<16xi32>
      %and3A_65 = arith.andi %get3A_63, %broadcast_in_dim3A_7 : vector<16xi32>
      %shift_left3A_66 = arith.shli %and3A_65, %broadcast_in_dim3A_13 : vector<16xi32>
      %shift_right_logical3A_67 = arith.shrui %get3A_63, %broadcast_in_dim3A_11 : vector<16xi32>
      %and3A_68 = arith.andi %shift_right_logical3A_67, %broadcast_in_dim3A_9 : vector<16xi32>
      %or3A_69 = arith.ori %and3A_64, %shift_left3A_66 : vector<16xi32>
      %or3A_70 = arith.ori %or3A_69, %and3A_68 : vector<16xi32>
      %swap3A_71 = arith.constant 48 : index
      %swap3A_72 = tpu.vector_load %arg8[%swap3A_71] {strides = array<i32>} : memref<1600xi32, #tpu.memory_space<vmem>>, vector<16xi32>,
      %swap3A_73 = vector.shape_cast %swap3A_72 : vector<16xi32> to vector<16xi32>
      %swap3A_74 = vector.shape_cast %or3A_70 : vector<16xi32> to vector<16xi32>
      tpu.vector_store %arg8[%swap3A_71], %swap3A_74 {strides = array<i32>} : memref<1600xi32, #tpu.memory_space<vmem>>, vector<16xi32>,
      %get3A_75 = arith.constant 64 : index
      %get3A_76 = tpu.vector_load %arg7[%get3A_75] {strides = array<i32>} : memref<1616xi32, #tpu.memory_space<vmem>>, vector<16xi32>,
      %get3A_77 = vector.shape_cast %get3A_76 : vector<16xi32> to vector<16xi32>
      %and3A_78 = arith.andi %get3A_77, %broadcast_in_dim3A_5 : vector<16xi32>
      %and3A_79 = arith.andi %get3A_77, %broadcast_in_dim3A_7 : vector<16xi32>
      %shift_left3A_80 = arith.shli %and3A_79, %broadcast_in_dim3A_13 : vector<16xi32>
      %shift_right_logical3A_81 = arith.shrui %get3A_77, %broadcast_in_dim3A_11 : vector<16xi32>
      %and3A_82 = arith.andi %shift_right_logical3A_81, %broadcast_in_dim3A_9 : vector<16xi32>
      %or3A_83 = arith.ori %and3A_78, %shift_left3A_80 : vector<16xi32>
      %or3A_84 = arith.ori %or3A_83, %and3A_82 : vector<16xi32>
      %swap3A_85 = arith.constant 64 : index
      %swap3A_86 = tpu.vector_load %arg8[%swap3A_85] {strides = array<i32>} : memref<1600xi32, #tpu.memory_space<vmem>>, vector<16xi32>,
      %swap3A_87 = vector.shape_cast %swap3A_86 : vector<16xi32> to vector<16xi32>
      %swap3A_88 = vector.shape_cast %or3A_84 : vector<16xi32> to vector<16xi32>
      tpu.vector_store %arg8[%swap3A_85], %swap3A_88 {strides = array<i32>} : memref<1600xi32, #tpu.memory_space<vmem>>, vector<16xi32>,
      %get3A_89 = arith.constant 80 : index
      %get3A_90 = tpu.vector_load %arg7[%get3A_89] {strides = array<i32>} : memref<1616xi32, #tpu.memory_space<vmem>>, vector<16xi32>,
      %get3A_91 = vector.shape_cast %get3A_90 : vector<16xi32> to vector<16xi32>
      %and3A_92 = arith.andi %get3A_91, %broadcast_in_dim3A_5 : vector<16xi32>
      %and3A_93 = arith.andi %get3A_91, %broadcast_in_dim3A_7 : vector<16xi32>
      %shift_left3A_94 = arith.shli %and3A_93, %broadcast_in_dim3A_13 : vector<16xi32>
      %shift_right_logical3A_95 = arith.shrui %get3A_91, %broadcast_in_dim3A_11 : vector<16xi32>
      %and3A_96 = arith.andi %shift_right_logical3A_95, %broadcast_in_dim3A_9 : vector<16xi32>
      %or3A_97 = arith.ori %and3A_92, %shift_left3A_94 : vector<16xi32>
      %or3A_98 = arith.ori %or3A_97, %and3A_96 : vector<16xi32>
      %swap3A_99 = arith.constant 80 : index
      %swap3A_100 = tpu.vector_load %arg8[%swap3A_99] {strides = array<i32>} : memref<1600xi32, #tpu.memory_space<vmem>>, vector<16xi32>,
      %swap3A_101 = vector.shape_cast %swap3A_100 : vector<16xi32> to vector<16xi32>
      %swap3A_102 = vector.shape_cast %or3A_98 : vector<16xi32> to vector<16xi32>
      tpu.vector_store %arg8[%swap3A_99], %swap3A_102 {strides = array<i32>} : memref<1600xi32, #tpu.memory_space<vmem>>, vector<16xi32>,
      %get3A_103 = arith.constant 96 : index
      %get3A_104 = tpu.vector_load %arg7[%get3A_103] {strides = array<i32>} : memref<1616xi32, #tpu.memory_space<vmem>>, vector<16xi32>,
      %get3A_105 = vector.shape_cast %get3A_104 : vector<16xi32> to vector<16xi32>
      %and3A_106 = arith.andi %get3A_105, %broadcast_in_dim3A_5 : vector<16xi32>
      %and3A_107 = arith.andi %get3A_105, %broadcast_in_dim3A_7 : vector<16xi32>
      %shift_left3A_108 = arith.shli %and3A_107, %broadcast_in_dim3A_13 : vector<16xi32>
      %shift_right_logical3A_109 = arith.shrui %get3A_105, %broadcast_in_dim3A_11 : vector<16xi32>
      %and3A_110 = arith.andi %shift_right_logical3A_109, %broadcast_in_dim3A_9 : vector<16xi32>
      %or3A_111 = arith.ori %and3A_106, %shift_left3A_108 : vector<16xi32>
      %or3A_112 = arith.ori %or3A_111, %and3A_110 : vector<16xi32>
      %swap3A_113 = arith.constant 96 : index
      %swap3A_114 = tpu.vector_load %arg8[%swap3A_113] {strides = array<i32>} : memref<1600xi32, #tpu.memory_space<vmem>>, vector<16xi32>,
      %swap3A_115 = vector.shape_cast %swap3A_114 : vector<16xi32> to vector<16xi32>
      %swap3A_116 = vector.shape_cast %or3A_112 : vector<16xi32> to vector<16xi32>
      tpu.vector_store %arg8[%swap3A_113], %swap3A_116 {strides = array<i32>} : memref<1600xi32, #tpu.memory_space<vmem>>, vector<16xi32>,
      %get3A_117 = arith.constant 112 : index
      %get3A_118 = tpu.vector_load %arg7[%get3A_117] {strides = array<i32>} : memref<1616xi32, #tpu.memory_space<vmem>>, vector<16xi32>,
      %get3A_119 = vector.shape_cast %get3A_118 : vector<16xi32> to vector<16xi32>
      %and3A_120 = arith.andi %get3A_119, %broadcast_in_dim3A_5 : vector<16xi32>
      %and3A_121 = arith.andi %get3A_119, %broadcast_in_dim3A_7 : vector<16xi32>
      %shift_left3A_122 = arith.shli %and3A_121, %broadcast_in_dim3A_13 : vector<16xi32>
      %shift_right_logical3A_123 = arith.shrui %get3A_119, %broadcast_in_dim3A_11 : vector<16xi32>
      %and3A_124 = arith.andi %shift_right_logical3A_123, %broadcast_in_dim3A_9 : vector<16xi32>
      %or3A_125 = arith.ori %and3A_120, %shift_left3A_122 : vector<16xi32>
      %or3A_126 = arith.ori %or3A_125, %and3A_124 : vector<16xi32>
      %swap3A_127 = arith.constant 112 : index
      %swap3A_128 = tpu.vector_load %arg8[%swap3A_127] {strides = array<i32>} : memref<1600xi32, #tpu.memory_space<vmem>>, vector<16xi32>,
      %swap3A_129 = vector.shape_cast %swap3A_128 : vector<16xi32> to vector<16xi32>
      %swap3A_130 = vector.shape_cast %or3A_126 : vector<16xi32> to vector<16xi32>
      tpu.vector_store %arg8[%swap3A_127], %swap3A_130 {strides = array<i32>} : memref<1600xi32, #tpu.memory_space<vmem>>, vector<16xi32>,
      %get3A_131 = arith.constant 128 : index
      %get3A_132 = tpu.vector_load %arg7[%get3A_131] {strides = array<i32>} : memref<1616xi32, #tpu.memory_space<vmem>>, vector<16xi32>,
      %get3A_133 = vector.shape_cast %get3A_132 : vector<16xi32> to vector<16xi32>
      %and3A_134 = arith.andi %get3A_133, %broadcast_in_dim3A_5 : vector<16xi32>
      %and3A_135 = arith.andi %get3A_133, %broadcast_in_dim3A_7 : vector<16xi32>
      %shift_left3A_136 = arith.shli %and3A_135, %broadcast_in_dim3A_13 : vector<16xi32>
      %shift_right_logical3A_137 = arith.shrui %get3A_133, %broadcast_in_dim3A_11 : vector<16xi32>
      %and3A_138 = arith.andi %shift_right_logical3A_137, %broadcast_in_dim3A_9 : vector<16xi32>
      %or3A_139 = arith.ori %and3A_134, %shift_left3A_136 : vector<16xi32>
      %or3A_140 = arith.ori %or3A_139, %and3A_138 : vector<16xi32>
      %swap3A_141 = arith.constant 128 : index
      %swap3A_142 = tpu.vector_load %arg8[%swap3A_141] {strides = array<i32>} : memref<1600xi32, #tpu.memory_space<vmem>>, vector<16xi32>,
      %swap3A_143 = vector.shape_cast %swap3A_142 : vector<16xi32> to vector<16xi32>
      %swap3A_144 = vector.shape_cast %or3A_140 : vector<16xi32> to vector<16xi32>
      tpu.vector_store %arg8[%swap3A_141], %swap3A_144 {strides = array<i32>} : memref<1600xi32, #tpu.memory_space<vmem>>, vector<16xi32>,
      %get3A_145 = arith.constant 144 : index
      %get3A_146 = tpu.vector_load %arg7[%get3A_145] {strides = array<i32>} : memref<1616xi32, #tpu.memory_space<vmem>>, vector<16xi32>,
      %get3A_147 = vector.shape_cast %get3A_146 : vector<16xi32> to vector<16xi32>
      %and3A_148 = arith.andi %get3A_147, %broadcast_in_dim3A_5 : vector<16xi32>
      %and3A_149 = arith.andi %get3A_147, %broadcast_in_dim3A_7 : vector<16xi32>
      %shift_left3A_150 = arith.shli %and3A_149, %broadcast_in_dim3A_13 : vector<16xi32>
      %shift_right_logical3A_151 = arith.shrui %get3A_147, %broadcast_in_dim3A_11 : vector<16xi32>
      %and3A_152 = arith.andi %shift_right_logical3A_151, %broadcast_in_dim3A_9 : vector<16xi32>
      %or3A_153 = arith.ori %and3A_148, %shift_left3A_150 : vector<16xi32>
      %or3A_154 = arith.ori %or3A_153, %and3A_152 : vector<16xi32>
      %swap3A_155 = arith.constant 144 : index
      %swap3A_156 = tpu.vector_load %arg8[%swap3A_155] {strides = array<i32>} : memref<1600xi32, #tpu.memory_space<vmem>>, vector<16xi32>,
      %swap3A_157 = vector.shape_cast %swap3A_156 : vector<16xi32> to vector<16xi32>
      %swap3A_158 = vector.shape_cast %or3A_154 : vector<16xi32> to vector<16xi32>
      tpu.vector_store %arg8[%swap3A_155], %swap3A_158 {strides = array<i32>} : memref<1600xi32, #tpu.memory_space<vmem>>, vector<16xi32>,
      %get3A_159 = arith.constant 160 : index
      %get3A_160 = tpu.vector_load %arg7[%get3A_159] {strides = array<i32>} : memref<1616xi32, #tpu.memory_space<vmem>>, vector<16xi32>,
      %get3A_161 = vector.shape_cast %get3A_160 : vector<16xi32> to vector<16xi32>
      %and3A_162 = arith.andi %get3A_161, %broadcast_in_dim3A_5 : vector<16xi32>
      %and3A_163 = arith.andi %get3A_161, %broadcast_in_dim3A_7 : vector<16xi32>
      %shift_left3A_164 = arith.shli %and3A_163, %broadcast_in_dim3A_13 : vector<16xi32>
      %shift_right_logical3A_165 = arith.shrui %get3A_161, %broadcast_in_dim3A_11 : vector<16xi32>
      %and3A_166 = arith.andi %shift_right_logical3A_165, %broadcast_in_dim3A_9 : vector<16xi32>
      %or3A_167 = arith.ori %and3A_162, %shift_left3A_164 : vector<16xi32>
      %or3A_168 = arith.ori %or3A_167, %and3A_166 : vector<16xi32>
      %swap3A_169 = arith.constant 160 : index
      %swap3A_170 = tpu.vector_load %arg8[%swap3A_169] {strides = array<i32>} : memref<1600xi32, #tpu.memory_space<vmem>>, vector<16xi32>,
      %swap3A_171 = vector.shape_cast %swap3A_170 : vector<16xi32> to vector<16xi32>
      %swap3A_172 = vector.shape_cast %or3A_168 : vector<16xi32> to vector<16xi32>
      tpu.vector_store %arg8[%swap3A_169], %swap3A_172 {strides = array<i32>} : memref<1600xi32, #tpu.memory_space<vmem>>, vector<16xi32>,
      %get3A_173 = arith.constant 176 : index
      %get3A_174 = tpu.vector_load %arg7[%get3A_173] {strides = array<i32>} : memref<1616xi32, #tpu.memory_space<vmem>>, vector<16xi32>,
      %get3A_175 = vector.shape_cast %get3A_174 : vector<16xi32> to vector<16xi32>
      %and3A_176 = arith.andi %get3A_175, %broadcast_in_dim3A_5 : vector<16xi32>
      %and3A_177 = arith.andi %get3A_175, %broadcast_in_dim3A_7 : vector<16xi32>
      %shift_left3A_178 = arith.shli %and3A_177, %broadcast_in_dim3A_13 : vector<16xi32>
      %shift_right_logical3A_179 = arith.shrui %get3A_175, %broadcast_in_dim3A_11 : vector<16xi32>
      %and3A_180 = arith.andi %shift_right_logical3A_179, %broadcast_in_dim3A_9 : vector<16xi32>
      %or3A_181 = arith.ori %and3A_176, %shift_left3A_178 : vector<16xi32>
      %or3A_182 = arith.ori %or3A_181, %and3A_180 : vector<16xi32>
      %swap3A_183 = arith.constant 176 : index
      %swap3A_184 = tpu.vector_load %arg8[%swap3A_183] {strides = array<i32>} : memref<1600xi32, #tpu.memory_space<vmem>>, vector<16xi32>,
      %swap3A_185 = vector.shape_cast %swap3A_184 : vector<16xi32> to vector<16xi32>
      %swap3A_186 = vector.shape_cast %or3A_182 : vector<16xi32> to vector<16xi32>
      tpu.vector_store %arg8[%swap3A_183], %swap3A_186 {strides = array<i32>} : memref<1600xi32, #tpu.memory_space<vmem>>, vector<16xi32>,
      %get3A_187 = arith.constant 192 : index
      %get3A_188 = tpu.vector_load %arg7[%get3A_187] {strides = array<i32>} : memref<1616xi32, #tpu.memory_space<vmem>>, vector<16xi32>,
      %get3A_189 = vector.shape_cast %get3A_188 : vector<16xi32> to vector<16xi32>
      %and3A_190 = arith.andi %get3A_189, %broadcast_in_dim3A_5 : vector<16xi32>
      %and3A_191 = arith.andi %get3A_189, %broadcast_in_dim3A_7 : vector<16xi32>
      %shift_left3A_192 = arith.shli %and3A_191, %broadcast_in_dim3A_13 : vector<16xi32>
      %shift_right_logical3A_193 = arith.shrui %get3A_189, %broadcast_in_dim3A_11 : vector<16xi32>
      %and3A_194 = arith.andi %shift_right_logical3A_193, %broadcast_in_dim3A_9 : vector<16xi32>
      %or3A_195 = arith.ori %and3A_190, %shift_left3A_192 : vector<16xi32>
      %or3A_196 = arith.ori %or3A_195, %and3A_194 : vector<16xi32>
      %swap3A_197 = arith.constant 192 : index
      %swap3A_198 = tpu.vector_load %arg8[%swap3A_197] {strides = array<i32>} : memref<1600xi32, #tpu.memory_space<vmem>>, vector<16xi32>,
      %swap3A_199 = vector.shape_cast %swap3A_198 : vector<16xi32> to vector<16xi32>
      %swap3A_200 = vector.shape_cast %or3A_196 : vector<16xi32> to vector<16xi32>
      tpu.vector_store %arg8[%swap3A_197], %swap3A_200 {strides = array<i32>} : memref<1600xi32, #tpu.memory_space<vmem>>, vector<16xi32>,
      %get3A_201 = arith.constant 208 : index
      %get3A_202 = tpu.vector_load %arg7[%get3A_201] {strides = array<i32>} : memref<1616xi32, #tpu.memory_space<vmem>>, vector<16xi32>,
      %get3A_203 = vector.shape_cast %get3A_202 : vector<16xi32> to vector<16xi32>
      %and3A_204 = arith.andi %get3A_203, %broadcast_in_dim3A_5 : vector<16xi32>
      %and3A_205 = arith.andi %get3A_203, %broadcast_in_dim3A_7 : vector<16xi32>
      %shift_left3A_206 = arith.shli %and3A_205, %broadcast_in_dim3A_13 : vector<16xi32>
      %shift_right_logical3A_207 = arith.shrui %get3A_203, %broadcast_in_dim3A_11 : vector<16xi32>
      %and3A_208 = arith.andi %shift_right_logical3A_207, %broadcast_in_dim3A_9 : vector<16xi32>
      %or3A_209 = arith.ori %and3A_204, %shift_left3A_206 : vector<16xi32>
      %or3A_210 = arith.ori %or3A_209, %and3A_208 : vector<16xi32>
      %swap3A_211 = arith.constant 208 : index
      %swap3A_212 = tpu.vector_load %arg8[%swap3A_211] {strides = array<i32>} : memref<1600xi32, #tpu.memory_space<vmem>>, vector<16xi32>,
      %swap3A_213 = vector.shape_cast %swap3A_212 : vector<16xi32> to vector<16xi32>
      %swap3A_214 = vector.shape_cast %or3A_210 : vector<16xi32> to vector<16xi32>
      tpu.vector_store %arg8[%swap3A_211], %swap3A_214 {strides = array<i32>} : memref<1600xi32, #tpu.memory_space<vmem>>, vector<16xi32>,
      %get3A_215 = arith.constant 224 : index
      %get3A_216 = tpu.vector_load %arg7[%get3A_215] {strides = array<i32>} : memref<1616xi32, #tpu.memory_space<vmem>>, vector<16xi32>,
      %get3A_217 = vector.shape_cast %get3A_216 : vector<16xi32> to vector<16xi32>
      %and3A_218 = arith.andi %get3A_217, %broadcast_in_dim3A_5 : vector<16xi32>
      %and3A_219 = arith.andi %get3A_217, %broadcast_in_dim3A_7 : vector<16xi32>
      %shift_left3A_220 = arith.shli %and3A_219, %broadcast_in_dim3A_13 : vector<16xi32>
      %shift_right_logical3A_221 = arith.shrui %get3A_217, %broadcast_in_dim3A_11 : vector<16xi32>
      %and3A_222 = arith.andi %shift_right_logical3A_221, %broadcast_in_dim3A_9 : vector<16xi32>
      %or3A_223 = arith.ori %and3A_218, %shift_left3A_220 : vector<16xi32>
      %or3A_224 = arith.ori %or3A_223, %and3A_222 : vector<16xi32>
      %swap3A_225 = arith.constant 224 : index
      %swap3A_226 = tpu.vector_load %arg8[%swap3A_225] {strides = array<i32>} : memref<1600xi32, #tpu.memory_space<vmem>>, vector<16xi32>,
      %swap3A_227 = vector.shape_cast %swap3A_226 : vector<16xi32> to vector<16xi32>
      %swap3A_228 = vector.shape_cast %or3A_224 : vector<16xi32> to vector<16xi32>
      tpu.vector_store %arg8[%swap3A_225], %swap3A_228 {strides = array<i32>} : memref<1600xi32, #tpu.memory_space<vmem>>, vector<16xi32>,
      %get3A_229 = arith.constant 240 : index
      %get3A_230 = tpu.vector_load %arg7[%get3A_229] {strides = array<i32>} : memref<1616xi32, #tpu.memory_space<vmem>>, vector<16xi32>,
      %get3A_231 = vector.shape_cast %get3A_230 : vector<16xi32> to vector<16xi32>
      %and3A_232 = arith.andi %get3A_231, %broadcast_in_dim3A_5 : vector<16xi32>
      %and3A_233 = arith.andi %get3A_231, %broadcast_in_dim3A_7 : vector<16xi32>
      %shift_left3A_234 = arith.shli %and3A_233, %broadcast_in_dim3A_13 : vector<16xi32>
      %shift_right_logical3A_235 = arith.shrui %get3A_231, %broadcast_in_dim3A_11 : vector<16xi32>
      %and3A_236 = arith.andi %shift_right_logical3A_235, %broadcast_in_dim3A_9 : vector<16xi32>
      %or3A_237 = arith.ori %and3A_232, %shift_left3A_234 : vector<16xi32>
      %or3A_238 = arith.ori %or3A_237, %and3A_236 : vector<16xi32>
      %swap3A_239 = arith.constant 240 : index
      %swap3A_240 = tpu.vector_load %arg8[%swap3A_239] {strides = array<i32>} : memref<1600xi32, #tpu.memory_space<vmem>>, vector<16xi32>,
      %swap3A_241 = vector.shape_cast %swap3A_240 : vector<16xi32> to vector<16xi32>
      %swap3A_242 = vector.shape_cast %or3A_238 : vector<16xi32> to vector<16xi32>
      tpu.vector_store %arg8[%swap3A_239], %swap3A_242 {strides = array<i32>} : memref<1600xi32, #tpu.memory_space<vmem>>, vector<16xi32>,
      %get3A_243 = arith.constant 256 : index
      %get3A_244 = tpu.vector_load %arg7[%get3A_243] {strides = array<i32>} : memref<1616xi32, #tpu.memory_space<vmem>>, vector<16xi32>,
      %get3A_245 = vector.shape_cast %get3A_244 : vector<16xi32> to vector<16xi32>
      %and3A_246 = arith.andi %get3A_245, %broadcast_in_dim3A_5 : vector<16xi32>
      %and3A_247 = arith.andi %get3A_245, %broadcast_in_dim3A_7 : vector<16xi32>
      %shift_left3A_248 = arith.shli %and3A_247, %broadcast_in_dim3A_13 : vector<16xi32>
      %shift_right_logical3A_249 = arith.shrui %get3A_245, %broadcast_in_dim3A_11 : vector<16xi32>
      %and3A_250 = arith.andi %shift_right_logical3A_249, %broadcast_in_dim3A_9 : vector<16xi32>
      %or3A_251 = arith.ori %and3A_246, %shift_left3A_248 : vector<16xi32>
      %or3A_252 = arith.ori %or3A_251, %and3A_250 : vector<16xi32>
      %swap3A_253 = arith.constant 256 : index
      %swap3A_254 = tpu.vector_load %arg8[%swap3A_253] {strides = array<i32>} : memref<1600xi32, #tpu.memory_space<vmem>>, vector<16xi32>,
      %swap3A_255 = vector.shape_cast %swap3A_254 : vector<16xi32> to vector<16xi32>
      %swap3A_256 = vector.shape_cast %or3A_252 : vector<16xi32> to vector<16xi32>
      tpu.vector_store %arg8[%swap3A_253], %swap3A_256 {strides = array<i32>} : memref<1600xi32, #tpu.memory_space<vmem>>, vector<16xi32>,
      %get3A_257 = arith.constant 272 : index
      %get3A_258 = tpu.vector_load %arg7[%get3A_257] {strides = array<i32>} : memref<1616xi32, #tpu.memory_space<vmem>>, vector<16xi32>,
      %get3A_259 = vector.shape_cast %get3A_258 : vector<16xi32> to vector<16xi32>
      %and3A_260 = arith.andi %get3A_259, %broadcast_in_dim3A_5 : vector<16xi32>
      %and3A_261 = arith.andi %get3A_259, %broadcast_in_dim3A_7 : vector<16xi32>
      %shift_left3A_262 = arith.shli %and3A_261, %broadcast_in_dim3A_13 : vector<16xi32>
      %shift_right_logical3A_263 = arith.shrui %get3A_259, %broadcast_in_dim3A_11 : vector<16xi32>
      %and3A_264 = arith.andi %shift_right_logical3A_263, %broadcast_in_dim3A_9 : vector<16xi32>
      %or3A_265 = arith.ori %and3A_260, %shift_left3A_262 : vector<16xi32>
      %or3A_266 = arith.ori %or3A_265, %and3A_264 : vector<16xi32>
      %swap3A_267 = arith.constant 272 : index
      %swap3A_268 = tpu.vector_load %arg8[%swap3A_267] {strides = array<i32>} : memref<1600xi32, #tpu.memory_space<vmem>>, vector<16xi32>,
      %swap3A_269 = vector.shape_cast %swap3A_268 : vector<16xi32> to vector<16xi32>
      %swap3A_270 = vector.shape_cast %or3A_266 : vector<16xi32> to vector<16xi32>
      tpu.vector_store %arg8[%swap3A_267], %swap3A_270 {strides = array<i32>} : memref<1600xi32, #tpu.memory_space<vmem>>, vector<16xi32>,
      %get3A_271 = arith.constant 288 : index
      %get3A_272 = tpu.vector_load %arg7[%get3A_271] {strides = array<i32>} : memref<1616xi32, #tpu.memory_space<vmem>>, vector<16xi32>,
      %get3A_273 = vector.shape_cast %get3A_272 : vector<16xi32> to vector<16xi32>
      %and3A_274 = arith.andi %get3A_273, %broadcast_in_dim3A_5 : vector<16xi32>
      %and3A_275 = arith.andi %get3A_273, %broadcast_in_dim3A_7 : vector<16xi32>
      %shift_left3A_276 = arith.shli %and3A_275, %broadcast_in_dim3A_13 : vector<16xi32>
      %shift_right_logical3A_277 = arith.shrui %get3A_273, %broadcast_in_dim3A_11 : vector<16xi32>
      %and3A_278 = arith.andi %shift_right_logical3A_277, %broadcast_in_dim3A_9 : vector<16xi32>
      %or3A_279 = arith.ori %and3A_274, %shift_left3A_276 : vector<16xi32>
      %or3A_280 = arith.ori %or3A_279, %and3A_278 : vector<16xi32>
      %swap3A_281 = arith.constant 288 : index
      %swap3A_282 = tpu.vector_load %arg8[%swap3A_281] {strides = array<i32>} : memref<1600xi32, #tpu.memory_space<vmem>>, vector<16xi32>,
      %swap3A_283 = vector.shape_cast %swap3A_282 : vector<16xi32> to vector<16xi32>
      %swap3A_284 = vector.shape_cast %or3A_280 : vector<16xi32> to vector<16xi32>
      tpu.vector_store %arg8[%swap3A_281], %swap3A_284 {strides = array<i32>} : memref<1600xi32, #tpu.memory_space<vmem>>, vector<16xi32>,
      %get3A_285 = arith.constant 304 : index
      %get3A_286 = tpu.vector_load %arg7[%get3A_285] {strides = array<i32>} : memref<1616xi32, #tpu.memory_space<vmem>>, vector<16xi32>,
      %get3A_287 = vector.shape_cast %get3A_286 : vector<16xi32> to vector<16xi32>
      %and3A_288 = arith.andi %get3A_287, %broadcast_in_dim3A_5 : vector<16xi32>
      %and3A_289 = arith.andi %get3A_287, %broadcast_in_dim3A_7 : vector<16xi32>
      %shift_left3A_290 = arith.shli %and3A_289, %broadcast_in_dim3A_13 : vector<16xi32>
      %shift_right_logical3A_291 = arith.shrui %get3A_287, %broadcast_in_dim3A_11 : vector<16xi32>
      %and3A_292 = arith.andi %shift_right_logical3A_291, %broadcast_in_dim3A_9 : vector<16xi32>
      %or3A_293 = arith.ori %and3A_288, %shift_left3A_290 : vector<16xi32>
      %or3A_294 = arith.ori %or3A_293, %and3A_292 : vector<16xi32>
      %swap3A_295 = arith.constant 304 : index
      %swap3A_296 = tpu.vector_load %arg8[%swap3A_295] {strides = array<i32>} : memref<1600xi32, #tpu.memory_space<vmem>>, vector<16xi32>,
      %swap3A_297 = vector.shape_cast %swap3A_296 : vector<16xi32> to vector<16xi32>
      %swap3A_298 = vector.shape_cast %or3A_294 : vector<16xi32> to vector<16xi32>
      tpu.vector_store %arg8[%swap3A_295], %swap3A_298 {strides = array<i32>} : memref<1600xi32, #tpu.memory_space<vmem>>, vector<16xi32>,
      %get3A_299 = arith.constant 320 : index
      %get3A_300 = tpu.vector_load %arg7[%get3A_299] {strides = array<i32>} : memref<1616xi32, #tpu.memory_space<vmem>>, vector<16xi32>,
      %get3A_301 = vector.shape_cast %get3A_300 : vector<16xi32> to vector<16xi32>
      %and3A_302 = arith.andi %get3A_301, %broadcast_in_dim3A_5 : vector<16xi32>
      %and3A_303 = arith.andi %get3A_301, %broadcast_in_dim3A_7 : vector<16xi32>
      %shift_left3A_304 = arith.shli %and3A_303, %broadcast_in_dim3A_13 : vector<16xi32>
      %shift_right_logical3A_305 = arith.shrui %get3A_301, %broadcast_in_dim3A_11 : vector<16xi32>
      %and3A_306 = arith.andi %shift_right_logical3A_305, %broadcast_in_dim3A_9 : vector<16xi32>
      %or3A_307 = arith.ori %and3A_302, %shift_left3A_304 : vector<16xi32>
      %or3A_308 = arith.ori %or3A_307, %and3A_306 : vector<16xi32>
      %swap3A_309 = arith.constant 320 : index
      %swap3A_310 = tpu.vector_load %arg8[%swap3A_309] {strides = array<i32>} : memref<1600xi32, #tpu.memory_space<vmem>>, vector<16xi32>,
      %swap3A_311 = vector.shape_cast %swap3A_310 : vector<16xi32> to vector<16xi32>
      %swap3A_312 = vector.shape_cast %or3A_308 : vector<16xi32> to vector<16xi32>
      tpu.vector_store %arg8[%swap3A_309], %swap3A_312 {strides = array<i32>} : memref<1600xi32, #tpu.memory_space<vmem>>, vector<16xi32>,
      %get3A_313 = arith.constant 336 : index
      %get3A_314 = tpu.vector_load %arg7[%get3A_313] {strides = array<i32>} : memref<1616xi32, #tpu.memory_space<vmem>>, vector<16xi32>,
      %get3A_315 = vector.shape_cast %get3A_314 : vector<16xi32> to vector<16xi32>
      %and3A_316 = arith.andi %get3A_315, %broadcast_in_dim3A_5 : vector<16xi32>
      %and3A_317 = arith.andi %get3A_315, %broadcast_in_dim3A_7 : vector<16xi32>
      %shift_left3A_318 = arith.shli %and3A_317, %broadcast_in_dim3A_13 : vector<16xi32>
      %shift_right_logical3A_319 = arith.shrui %get3A_315, %broadcast_in_dim3A_11 : vector<16xi32>
      %and3A_320 = arith.andi %shift_right_logical3A_319, %broadcast_in_dim3A_9 : vector<16xi32>
      %or3A_321 = arith.ori %and3A_316, %shift_left3A_318 : vector<16xi32>
      %or3A_322 = arith.ori %or3A_321, %and3A_320 : vector<16xi32>
      %swap3A_323 = arith.constant 336 : index
      %swap3A_324 = tpu.vector_load %arg8[%swap3A_323] {strides = array<i32>} : memref<1600xi32, #tpu.memory_space<vmem>>, vector<16xi32>,
      %swap3A_325 = vector.shape_cast %swap3A_324 : vector<16xi32> to vector<16xi32>
      %swap3A_326 = vector.shape_cast %or3A_322 : vector<16xi32> to vector<16xi32>
      tpu.vector_store %arg8[%swap3A_323], %swap3A_326 {strides = array<i32>} : memref<1600xi32, #tpu.memory_space<vmem>>, vector<16xi32>,
      %get3A_327 = arith.constant 352 : index
      %get3A_328 = tpu.vector_load %arg7[%get3A_327] {strides = array<i32>} : memref<1616xi32, #tpu.memory_space<vmem>>, vector<16xi32>,
      %get3A_329 = vector.shape_cast %get3A_328 : vector<16xi32> to vector<16xi32>
      %and3A_330 = arith.andi %get3A_329, %broadcast_in_dim3A_5 : vector<16xi32>
      %and3A_331 = arith.andi %get3A_329, %broadcast_in_dim3A_7 : vector<16xi32>
      %shift_left3A_332 = arith.shli %and3A_331, %broadcast_in_dim3A_13 : vector<16xi32>
      %shift_right_logical3A_333 = arith.shrui %get3A_329, %broadcast_in_dim3A_11 : vector<16xi32>
      %and3A_334 = arith.andi %shift_right_logical3A_333, %broadcast_in_dim3A_9 : vector<16xi32>
      %or3A_335 = arith.ori %and3A_330, %shift_left3A_332 : vector<16xi32>
      %or3A_336 = arith.ori %or3A_335, %and3A_334 : vector<16xi32>
      %swap3A_337 = arith.constant 352 : index
      %swap3A_338 = tpu.vector_load %arg8[%swap3A_337] {strides = array<i32>} : memref<1600xi32, #tpu.memory_space<vmem>>, vector<16xi32>,
      %swap3A_339 = vector.shape_cast %swap3A_338 : vector<16xi32> to vector<16xi32>
      %swap3A_340 = vector.shape_cast %or3A_336 : vector<16xi32> to vector<16xi32>
      tpu.vector_store %arg8[%swap3A_337], %swap3A_340 {strides = array<i32>} : memref<1600xi32, #tpu.memory_space<vmem>>, vector<16xi32>,
      %get3A_341 = arith.constant 368 : index
      %get3A_342 = tpu.vector_load %arg7[%get3A_341] {strides = array<i32>} : memref<1616xi32, #tpu.memory_space<vmem>>, vector<16xi32>,
      %get3A_343 = vector.shape_cast %get3A_342 : vector<16xi32> to vector<16xi32>
      %and3A_344 = arith.andi %get3A_343, %broadcast_in_dim3A_5 : vector<16xi32>
      %and3A_345 = arith.andi %get3A_343, %broadcast_in_dim3A_7 : vector<16xi32>
      %shift_left3A_346 = arith.shli %and3A_345, %broadcast_in_dim3A_13 : vector<16xi32>
      %shift_right_logical3A_347 = arith.shrui %get3A_343, %broadcast_in_dim3A_11 : vector<16xi32>
      %and3A_348 = arith.andi %shift_right_logical3A_347, %broadcast_in_dim3A_9 : vector<16xi32>
      %or3A_349 = arith.ori %and3A_344, %shift_left3A_346 : vector<16xi32>
      %or3A_350 = arith.ori %or3A_349, %and3A_348 : vector<16xi32>
      %swap3A_351 = arith.constant 368 : index
      %swap3A_352 = tpu.vector_load %arg8[%swap3A_351] {strides = array<i32>} : memref<1600xi32, #tpu.memory_space<vmem>>, vector<16xi32>,
      %swap3A_353 = vector.shape_cast %swap3A_352 : vector<16xi32> to vector<16xi32>
      %swap3A_354 = vector.shape_cast %or3A_350 : vector<16xi32> to vector<16xi32>
      tpu.vector_store %arg8[%swap3A_351], %swap3A_354 {strides = array<i32>} : memref<1600xi32, #tpu.memory_space<vmem>>, vector<16xi32>,
      %get3A_355 = arith.constant 384 : index
      %get3A_356 = tpu.vector_load %arg7[%get3A_355] {strides = array<i32>} : memref<1616xi32, #tpu.memory_space<vmem>>, vector<16xi32>,
      %get3A_357 = vector.shape_cast %get3A_356 : vector<16xi32> to vector<16xi32>
      %and3A_358 = arith.andi %get3A_357, %broadcast_in_dim3A_5 : vector<16xi32>
      %and3A_359 = arith.andi %get3A_357, %broadcast_in_dim3A_7 : vector<16xi32>
      %shift_left3A_360 = arith.shli %and3A_359, %broadcast_in_dim3A_13 : vector<16xi32>
      %shift_right_logical3A_361 = arith.shrui %get3A_357, %broadcast_in_dim3A_11 : vector<16xi32>
      %and3A_362 = arith.andi %shift_right_logical3A_361, %broadcast_in_dim3A_9 : vector<16xi32>
      %or3A_363 = arith.ori %and3A_358, %shift_left3A_360 : vector<16xi32>
      %or3A_364 = arith.ori %or3A_363, %and3A_362 : vector<16xi32>
      %swap3A_365 = arith.constant 384 : index
      %swap3A_366 = tpu.vector_load %arg8[%swap3A_365] {strides = array<i32>} : memref<1600xi32, #tpu.memory_space<vmem>>, vector<16xi32>,
      %swap3A_367 = vector.shape_cast %swap3A_366 : vector<16xi32> to vector<16xi32>
      %swap3A_368 = vector.shape_cast %or3A_364 : vector<16xi32> to vector<16xi32>
      tpu.vector_store %arg8[%swap3A_365], %swap3A_368 {strides = array<i32>} : memref<1600xi32, #tpu.memory_space<vmem>>, vector<16xi32>,
      %get3A_369 = arith.constant 400 : index
      %get3A_370 = tpu.vector_load %arg7[%get3A_369] {strides = array<i32>} : memref<1616xi32, #tpu.memory_space<vmem>>, vector<16xi32>,
      %get3A_371 = vector.shape_cast %get3A_370 : vector<16xi32> to vector<16xi32>
      %and3A_372 = arith.andi %get3A_371, %broadcast_in_dim3A_5 : vector<16xi32>
      %and3A_373 = arith.andi %get3A_371, %broadcast_in_dim3A_7 : vector<16xi32>
      %shift_left3A_374 = arith.shli %and3A_373, %broadcast_in_dim3A_13 : vector<16xi32>
      %shift_right_logical3A_375 = arith.shrui %get3A_371, %broadcast_in_dim3A_11 : vector<16xi32>
      %and3A_376 = arith.andi %shift_right_logical3A_375, %broadcast_in_dim3A_9 : vector<16xi32>
      %or3A_377 = arith.ori %and3A_372, %shift_left3A_374 : vector<16xi32>
      %or3A_378 = arith.ori %or3A_377, %and3A_376 : vector<16xi32>
      %swap3A_379 = arith.constant 400 : index
      %swap3A_380 = tpu.vector_load %arg8[%swap3A_379] {strides = array<i32>} : memref<1600xi32, #tpu.memory_space<vmem>>, vector<16xi32>,
      %swap3A_381 = vector.shape_cast %swap3A_380 : vector<16xi32> to vector<16xi32>
      %swap3A_382 = vector.shape_cast %or3A_378 : vector<16xi32> to vector<16xi32>
      tpu.vector_store %arg8[%swap3A_379], %swap3A_382 {strides = array<i32>} : memref<1600xi32, #tpu.memory_space<vmem>>, vector<16xi32>,
      %get3A_383 = arith.constant 416 : index
      %get3A_384 = tpu.vector_load %arg7[%get3A_383] {strides = array<i32>} : memref<1616xi32, #tpu.memory_space<vmem>>, vector<16xi32>,
      %get3A_385 = vector.shape_cast %get3A_384 : vector<16xi32> to vector<16xi32>
      %and3A_386 = arith.andi %get3A_385, %broadcast_in_dim3A_5 : vector<16xi32>
      %and3A_387 = arith.andi %get3A_385, %broadcast_in_dim3A_7 : vector<16xi32>
      %shift_left3A_388 = arith.shli %and3A_387, %broadcast_in_dim3A_13 : vector<16xi32>
      %shift_right_logical3A_389 = arith.shrui %get3A_385, %broadcast_in_dim3A_11 : vector<16xi32>
      %and3A_390 = arith.andi %shift_right_logical3A_389, %broadcast_in_dim3A_9 : vector<16xi32>
      %or3A_391 = arith.ori %and3A_386, %shift_left3A_388 : vector<16xi32>
      %or3A_392 = arith.ori %or3A_391, %and3A_390 : vector<16xi32>
      %swap3A_393 = arith.constant 416 : index
      %swap3A_394 = tpu.vector_load %arg8[%swap3A_393] {strides = array<i32>} : memref<1600xi32, #tpu.memory_space<vmem>>, vector<16xi32>,
      %swap3A_395 = vector.shape_cast %swap3A_394 : vector<16xi32> to vector<16xi32>
      %swap3A_396 = vector.shape_cast %or3A_392 : vector<16xi32> to vector<16xi32>
      tpu.vector_store %arg8[%swap3A_393], %swap3A_396 {strides = array<i32>} : memref<1600xi32, #tpu.memory_space<vmem>>, vector<16xi32>,
      %get3A_397 = arith.constant 432 : index
      %get3A_398 = tpu.vector_load %arg7[%get3A_397] {strides = array<i32>} : memref<1616xi32, #tpu.memory_space<vmem>>, vector<16xi32>,
      %get3A_399 = vector.shape_cast %get3A_398 : vector<16xi32> to vector<16xi32>
      %and3A_400 = arith.andi %get3A_399, %broadcast_in_dim3A_5 : vector<16xi32>
      %and3A_401 = arith.andi %get3A_399, %broadcast_in_dim3A_7 : vector<16xi32>
      %shift_left3A_402 = arith.shli %and3A_401, %broadcast_in_dim3A_13 : vector<16xi32>
      %shift_right_logical3A_403 = arith.shrui %get3A_399, %broadcast_in_dim3A_11 : vector<16xi32>
      %and3A_404 = arith.andi %shift_right_logical3A_403, %broadcast_in_dim3A_9 : vector<16xi32>
      %or3A_405 = arith.ori %and3A_400, %shift_left3A_402 : vector<16xi32>
      %or3A_406 = arith.ori %or3A_405, %and3A_404 : vector<16xi32>
      %swap3A_407 = arith.constant 432 : index
      %swap3A_408 = tpu.vector_load %arg8[%swap3A_407] {strides = array<i32>} : memref<1600xi32, #tpu.memory_space<vmem>>, vector<16xi32>,
      %swap3A_409 = vector.shape_cast %swap3A_408 : vector<16xi32> to vector<16xi32>
      %swap3A_410 = vector.shape_cast %or3A_406 : vector<16xi32> to vector<16xi32>
      tpu.vector_store %arg8[%swap3A_407], %swap3A_410 {strides = array<i32>} : memref<1600xi32, #tpu.memory_space<vmem>>, vector<16xi32>,
      %get3A_411 = arith.constant 448 : index
      %get3A_412 = tpu.vector_load %arg7[%get3A_411] {strides = array<i32>} : memref<1616xi32, #tpu.memory_space<vmem>>, vector<16xi32>,
      %get3A_413 = vector.shape_cast %get3A_412 : vector<16xi32> to vector<16xi32>
      %and3A_414 = arith.andi %get3A_413, %broadcast_in_dim3A_5 : vector<16xi32>
      %and3A_415 = arith.andi %get3A_413, %broadcast_in_dim3A_7 : vector<16xi32>
      %shift_left3A_416 = arith.shli %and3A_415, %broadcast_in_dim3A_13 : vector<16xi32>
      %shift_right_logical3A_417 = arith.shrui %get3A_413, %broadcast_in_dim3A_11 : vector<16xi32>
      %and3A_418 = arith.andi %shift_right_logical3A_417, %broadcast_in_dim3A_9 : vector<16xi32>
      %or3A_419 = arith.ori %and3A_414, %shift_left3A_416 : vector<16xi32>
      %or3A_420 = arith.ori %or3A_419, %and3A_418 : vector<16xi32>
      %swap3A_421 = arith.constant 448 : index
      %swap3A_422 = tpu.vector_load %arg8[%swap3A_421] {strides = array<i32>} : memref<1600xi32, #tpu.memory_space<vmem>>, vector<16xi32>,
      %swap3A_423 = vector.shape_cast %swap3A_422 : vector<16xi32> to vector<16xi32>
      %swap3A_424 = vector.shape_cast %or3A_420 : vector<16xi32> to vector<16xi32>
      tpu.vector_store %arg8[%swap3A_421], %swap3A_424 {strides = array<i32>} : memref<1600xi32, #tpu.memory_space<vmem>>, vector<16xi32>,
      %get3A_425 = arith.constant 464 : index
      %get3A_426 = tpu.vector_load %arg7[%get3A_425] {strides = array<i32>} : memref<1616xi32, #tpu.memory_space<vmem>>, vector<16xi32>,
      %get3A_427 = vector.shape_cast %get3A_426 : vector<16xi32> to vector<16xi32>
      %and3A_428 = arith.andi %get3A_427, %broadcast_in_dim3A_5 : vector<16xi32>
      %and3A_429 = arith.andi %get3A_427, %broadcast_in_dim3A_7 : vector<16xi32>
      %shift_left3A_430 = arith.shli %and3A_429, %broadcast_in_dim3A_13 : vector<16xi32>
      %shift_right_logical3A_431 = arith.shrui %get3A_427, %broadcast_in_dim3A_11 : vector<16xi32>
      %and3A_432 = arith.andi %shift_right_logical3A_431, %broadcast_in_dim3A_9 : vector<16xi32>
      %or3A_433 = arith.ori %and3A_428, %shift_left3A_430 : vector<16xi32>
      %or3A_434 = arith.ori %or3A_433, %and3A_432 : vector<16xi32>
      %swap3A_435 = arith.constant 464 : index
      %swap3A_436 = tpu.vector_load %arg8[%swap3A_435] {strides = array<i32>} : memref<1600xi32, #tpu.memory_space<vmem>>, vector<16xi32>,
      %swap3A_437 = vector.shape_cast %swap3A_436 : vector<16xi32> to vector<16xi32>
      %swap3A_438 = vector.shape_cast %or3A_434 : vector<16xi32> to vector<16xi32>
      tpu.vector_store %arg8[%swap3A_435], %swap3A_438 {strides = array<i32>} : memref<1600xi32, #tpu.memory_space<vmem>>, vector<16xi32>,
      %get3A_439 = arith.constant 480 : index
      %get3A_440 = tpu.vector_load %arg7[%get3A_439] {strides = array<i32>} : memref<1616xi32, #tpu.memory_space<vmem>>, vector<16xi32>,
      %get3A_441 = vector.shape_cast %get3A_440 : vector<16xi32> to vector<16xi32>
      %and3A_442 = arith.andi %get3A_441, %broadcast_in_dim3A_5 : vector<16xi32>
      %and3A_443 = arith.andi %get3A_441, %broadcast_in_dim3A_7 : vector<16xi32>
      %shift_left3A_444 = arith.shli %and3A_443, %broadcast_in_dim3A_13 : vector<16xi32>
      %shift_right_logical3A_445 = arith.shrui %get3A_441, %broadcast_in_dim3A_11 : vector<16xi32>
      %and3A_446 = arith.andi %shift_right_logical3A_445, %broadcast_in_dim3A_9 : vector<16xi32>
      %or3A_447 = arith.ori %and3A_442, %shift_left3A_444 : vector<16xi32>
      %or3A_448 = arith.ori %or3A_447, %and3A_446 : vector<16xi32>
      %swap3A_449 = arith.constant 480 : index
      %swap3A_450 = tpu.vector_load %arg8[%swap3A_449] {strides = array<i32>} : memref<1600xi32, #tpu.memory_space<vmem>>, vector<16xi32>,
      %swap3A_451 = vector.shape_cast %swap3A_450 : vector<16xi32> to vector<16xi32>
      %swap3A_452 = vector.shape_cast %or3A_448 : vector<16xi32> to vector<16xi32>
      tpu.vector_store %arg8[%swap3A_449], %swap3A_452 {strides = array<i32>} : memref<1600xi32, #tpu.memory_space<vmem>>, vector<16xi32>,
      %get3A_453 = arith.constant 496 : index
      %get3A_454 = tpu.vector_load %arg7[%get3A_453] {strides = array<i32>} : memref<1616xi32, #tpu.memory_space<vmem>>, vector<16xi32>,
      %get3A_455 = vector.shape_cast %get3A_454 : vector<16xi32> to vector<16xi32>
      %and3A_456 = arith.andi %get3A_455, %broadcast_in_dim3A_5 : vector<16xi32>
      %and3A_457 = arith.andi %get3A_455, %broadcast_in_dim3A_7 : vector<16xi32>
      %shift_left3A_458 = arith.shli %and3A_457, %broadcast_in_dim3A_13 : vector<16xi32>
      %shift_right_logical3A_459 = arith.shrui %get3A_455, %broadcast_in_dim3A_11 : vector<16xi32>
      %and3A_460 = arith.andi %shift_right_logical3A_459, %broadcast_in_dim3A_9 : vector<16xi32>
      %or3A_461 = arith.ori %and3A_456, %shift_left3A_458 : vector<16xi32>
      %or3A_462 = arith.ori %or3A_461, %and3A_460 : vector<16xi32>
      %swap3A_463 = arith.constant 496 : index
      %swap3A_464 = tpu.vector_load %arg8[%swap3A_463] {strides = array<i32>} : memref<1600xi32, #tpu.memory_space<vmem>>, vector<16xi32>,
      %swap3A_465 = vector.shape_cast %swap3A_464 : vector<16xi32> to vector<16xi32>
      %swap3A_466 = vector.shape_cast %or3A_462 : vector<16xi32> to vector<16xi32>
      tpu.vector_store %arg8[%swap3A_463], %swap3A_466 {strides = array<i32>} : memref<1600xi32, #tpu.memory_space<vmem>>, vector<16xi32>,
      %get3A_467 = arith.constant 512 : index
      %get3A_468 = tpu.vector_load %arg7[%get3A_467] {strides = array<i32>} : memref<1616xi32, #tpu.memory_space<vmem>>, vector<16xi32>,
      %get3A_469 = vector.shape_cast %get3A_468 : vector<16xi32> to vector<16xi32>
      %and3A_470 = arith.andi %get3A_469, %broadcast_in_dim3A_5 : vector<16xi32>
      %and3A_471 = arith.andi %get3A_469, %broadcast_in_dim3A_7 : vector<16xi32>
      %shift_left3A_472 = arith.shli %and3A_471, %broadcast_in_dim3A_13 : vector<16xi32>
      %shift_right_logical3A_473 = arith.shrui %get3A_469, %broadcast_in_dim3A_11 : vector<16xi32>
      %and3A_474 = arith.andi %shift_right_logical3A_473, %broadcast_in_dim3A_9 : vector<16xi32>
      %or3A_475 = arith.ori %and3A_470, %shift_left3A_472 : vector<16xi32>
      %or3A_476 = arith.ori %or3A_475, %and3A_474 : vector<16xi32>
      %swap3A_477 = arith.constant 512 : index
      %swap3A_478 = tpu.vector_load %arg8[%swap3A_477] {strides = array<i32>} : memref<1600xi32, #tpu.memory_space<vmem>>, vector<16xi32>,
      %swap3A_479 = vector.shape_cast %swap3A_478 : vector<16xi32> to vector<16xi32>
      %swap3A_480 = vector.shape_cast %or3A_476 : vector<16xi32> to vector<16xi32>
      tpu.vector_store %arg8[%swap3A_477], %swap3A_480 {strides = array<i32>} : memref<1600xi32, #tpu.memory_space<vmem>>, vector<16xi32>,
      %get3A_481 = arith.constant 528 : index
      %get3A_482 = tpu.vector_load %arg7[%get3A_481] {strides = array<i32>} : memref<1616xi32, #tpu.memory_space<vmem>>, vector<16xi32>,
      %get3A_483 = vector.shape_cast %get3A_482 : vector<16xi32> to vector<16xi32>
      %and3A_484 = arith.andi %get3A_483, %broadcast_in_dim3A_5 : vector<16xi32>
      %and3A_485 = arith.andi %get3A_483, %broadcast_in_dim3A_7 : vector<16xi32>
      %shift_left3A_486 = arith.shli %and3A_485, %broadcast_in_dim3A_13 : vector<16xi32>
      %shift_right_logical3A_487 = arith.shrui %get3A_483, %broadcast_in_dim3A_11 : vector<16xi32>
      %and3A_488 = arith.andi %shift_right_logical3A_487, %broadcast_in_dim3A_9 : vector<16xi32>
      %or3A_489 = arith.ori %and3A_484, %shift_left3A_486 : vector<16xi32>
      %or3A_490 = arith.ori %or3A_489, %and3A_488 : vector<16xi32>
      %swap3A_491 = arith.constant 528 : index
      %swap3A_492 = tpu.vector_load %arg8[%swap3A_491] {strides = array<i32>} : memref<1600xi32, #tpu.memory_space<vmem>>, vector<16xi32>,
      %swap3A_493 = vector.shape_cast %swap3A_492 : vector<16xi32> to vector<16xi32>
      %swap3A_494 = vector.shape_cast %or3A_490 : vector<16xi32> to vector<16xi32>
      tpu.vector_store %arg8[%swap3A_491], %swap3A_494 {strides = array<i32>} : memref<1600xi32, #tpu.memory_space<vmem>>, vector<16xi32>,
      %get3A_495 = arith.constant 544 : index
      %get3A_496 = tpu.vector_load %arg7[%get3A_495] {strides = array<i32>} : memref<1616xi32, #tpu.memory_space<vmem>>, vector<16xi32>,
      %get3A_497 = vector.shape_cast %get3A_496 : vector<16xi32> to vector<16xi32>
      %and3A_498 = arith.andi %get3A_497, %broadcast_in_dim3A_5 : vector<16xi32>
      %and3A_499 = arith.andi %get3A_497, %broadcast_in_dim3A_7 : vector<16xi32>
      %shift_left3A_500 = arith.shli %and3A_499, %broadcast_in_dim3A_13 : vector<16xi32>
      %shift_right_logical3A_501 = arith.shrui %get3A_497, %broadcast_in_dim3A_11 : vector<16xi32>
      %and3A_502 = arith.andi %shift_right_logical3A_501, %broadcast_in_dim3A_9 : vector<16xi32>
      %or3A_503 = arith.ori %and3A_498, %shift_left3A_500 : vector<16xi32>
      %or3A_504 = arith.ori %or3A_503, %and3A_502 : vector<16xi32>
      %swap3A_505 = arith.constant 544 : index
      %swap3A_506 = tpu.vector_load %arg8[%swap3A_505] {strides = array<i32>} : memref<1600xi32, #tpu.memory_space<vmem>>, vector<16xi32>,
      %swap3A_507 = vector.shape_cast %swap3A_506 : vector<16xi32> to vector<16xi32>
      %swap3A_508 = vector.shape_cast %or3A_504 : vector<16xi32> to vector<16xi32>
      tpu.vector_store %arg8[%swap3A_505], %swap3A_508 {strides = array<i32>} : memref<1600xi32, #tpu.memory_space<vmem>>, vector<16xi32>,
      %get3A_509 = arith.constant 560 : index
      %get3A_510 = tpu.vector_load %arg7[%get3A_509] {strides = array<i32>} : memref<1616xi32, #tpu.memory_space<vmem>>, vector<16xi32>,
      %get3A_511 = vector.shape_cast %get3A_510 : vector<16xi32> to vector<16xi32>
      %and3A_512 = arith.andi %get3A_511, %broadcast_in_dim3A_5 : vector<16xi32>
      %and3A_513 = arith.andi %get3A_511, %broadcast_in_dim3A_7 : vector<16xi32>
      %shift_left3A_514 = arith.shli %and3A_513, %broadcast_in_dim3A_13 : vector<16xi32>
      %shift_right_logical3A_515 = arith.shrui %get3A_511, %broadcast_in_dim3A_11 : vector<16xi32>
      %and3A_516 = arith.andi %shift_right_logical3A_515, %broadcast_in_dim3A_9 : vector<16xi32>
      %or3A_517 = arith.ori %and3A_512, %shift_left3A_514 : vector<16xi32>
      %or3A_518 = arith.ori %or3A_517, %and3A_516 : vector<16xi32>
      %swap3A_519 = arith.constant 560 : index
      %swap3A_520 = tpu.vector_load %arg8[%swap3A_519] {strides = array<i32>} : memref<1600xi32, #tpu.memory_space<vmem>>, vector<16xi32>,
      %swap3A_521 = vector.shape_cast %swap3A_520 : vector<16xi32> to vector<16xi32>
      %swap3A_522 = vector.shape_cast %or3A_518 : vector<16xi32> to vector<16xi32>
      tpu.vector_store %arg8[%swap3A_519], %swap3A_522 {strides = array<i32>} : memref<1600xi32, #tpu.memory_space<vmem>>, vector<16xi32>,
      %get3A_523 = arith.constant 576 : index
      %get3A_524 = tpu.vector_load %arg7[%get3A_523] {strides = array<i32>} : memref<1616xi32, #tpu.memory_space<vmem>>, vector<16xi32>,
      %get3A_525 = vector.shape_cast %get3A_524 : vector<16xi32> to vector<16xi32>
      %and3A_526 = arith.andi %get3A_525, %broadcast_in_dim3A_5 : vector<16xi32>
      %and3A_527 = arith.andi %get3A_525, %broadcast_in_dim3A_7 : vector<16xi32>
      %shift_left3A_528 = arith.shli %and3A_527, %broadcast_in_dim3A_13 : vector<16xi32>
      %shift_right_logical3A_529 = arith.shrui %get3A_525, %broadcast_in_dim3A_11 : vector<16xi32>
      %and3A_530 = arith.andi %shift_right_logical3A_529, %broadcast_in_dim3A_9 : vector<16xi32>
      %or3A_531 = arith.ori %and3A_526, %shift_left3A_528 : vector<16xi32>
      %or3A_532 = arith.ori %or3A_531, %and3A_530 : vector<16xi32>
      %swap3A_533 = arith.constant 576 : index
      %swap3A_534 = tpu.vector_load %arg8[%swap3A_533] {strides = array<i32>} : memref<1600xi32, #tpu.memory_space<vmem>>, vector<16xi32>,
      %swap3A_535 = vector.shape_cast %swap3A_534 : vector<16xi32> to vector<16xi32>
      %swap3A_536 = vector.shape_cast %or3A_532 : vector<16xi32> to vector<16xi32>
      tpu.vector_store %arg8[%swap3A_533], %swap3A_536 {strides = array<i32>} : memref<1600xi32, #tpu.memory_space<vmem>>, vector<16xi32>,
      %get3A_537 = arith.constant 592 : index
      %get3A_538 = tpu.vector_load %arg7[%get3A_537] {strides = array<i32>} : memref<1616xi32, #tpu.memory_space<vmem>>, vector<16xi32>,
      %get3A_539 = vector.shape_cast %get3A_538 : vector<16xi32> to vector<16xi32>
      %and3A_540 = arith.andi %get3A_539, %broadcast_in_dim3A_5 : vector<16xi32>
      %and3A_541 = arith.andi %get3A_539, %broadcast_in_dim3A_7 : vector<16xi32>
      %shift_left3A_542 = arith.shli %and3A_541, %broadcast_in_dim3A_13 : vector<16xi32>
      %shift_right_logical3A_543 = arith.shrui %get3A_539, %broadcast_in_dim3A_11 : vector<16xi32>
      %and3A_544 = arith.andi %shift_right_logical3A_543, %broadcast_in_dim3A_9 : vector<16xi32>
      %or3A_545 = arith.ori %and3A_540, %shift_left3A_542 : vector<16xi32>
      %or3A_546 = arith.ori %or3A_545, %and3A_544 : vector<16xi32>
      %swap3A_547 = arith.constant 592 : index
      %swap3A_548 = tpu.vector_load %arg8[%swap3A_547] {strides = array<i32>} : memref<1600xi32, #tpu.memory_space<vmem>>, vector<16xi32>,
      %swap3A_549 = vector.shape_cast %swap3A_548 : vector<16xi32> to vector<16xi32>
      %swap3A_550 = vector.shape_cast %or3A_546 : vector<16xi32> to vector<16xi32>
      tpu.vector_store %arg8[%swap3A_547], %swap3A_550 {strides = array<i32>} : memref<1600xi32, #tpu.memory_space<vmem>>, vector<16xi32>,
      %get3A_551 = arith.constant 608 : index
      %get3A_552 = tpu.vector_load %arg7[%get3A_551] {strides = array<i32>} : memref<1616xi32, #tpu.memory_space<vmem>>, vector<16xi32>,
      %get3A_553 = vector.shape_cast %get3A_552 : vector<16xi32> to vector<16xi32>
      %and3A_554 = arith.andi %get3A_553, %broadcast_in_dim3A_5 : vector<16xi32>
      %and3A_555 = arith.andi %get3A_553, %broadcast_in_dim3A_7 : vector<16xi32>
      %shift_left3A_556 = arith.shli %and3A_555, %broadcast_in_dim3A_13 : vector<16xi32>
      %shift_right_logical3A_557 = arith.shrui %get3A_553, %broadcast_in_dim3A_11 : vector<16xi32>
      %and3A_558 = arith.andi %shift_right_logical3A_557, %broadcast_in_dim3A_9 : vector<16xi32>
      %or3A_559 = arith.ori %and3A_554, %shift_left3A_556 : vector<16xi32>
      %or3A_560 = arith.ori %or3A_559, %and3A_558 : vector<16xi32>
      %swap3A_561 = arith.constant 608 : index
      %swap3A_562 = tpu.vector_load %arg8[%swap3A_561] {strides = array<i32>} : memref<1600xi32, #tpu.memory_space<vmem>>, vector<16xi32>,
      %swap3A_563 = vector.shape_cast %swap3A_562 : vector<16xi32> to vector<16xi32>
      %swap3A_564 = vector.shape_cast %or3A_560 : vector<16xi32> to vector<16xi32>
      tpu.vector_store %arg8[%swap3A_561], %swap3A_564 {strides = array<i32>} : memref<1600xi32, #tpu.memory_space<vmem>>, vector<16xi32>,
      %get3A_565 = arith.constant 624 : index
      %get3A_566 = tpu.vector_load %arg7[%get3A_565] {strides = array<i32>} : memref<1616xi32, #tpu.memory_space<vmem>>, vector<16xi32>,
      %get3A_567 = vector.shape_cast %get3A_566 : vector<16xi32> to vector<16xi32>
      %and3A_568 = arith.andi %get3A_567, %broadcast_in_dim3A_5 : vector<16xi32>
      %and3A_569 = arith.andi %get3A_567, %broadcast_in_dim3A_7 : vector<16xi32>
      %shift_left3A_570 = arith.shli %and3A_569, %broadcast_in_dim3A_13 : vector<16xi32>
      %shift_right_logical3A_571 = arith.shrui %get3A_567, %broadcast_in_dim3A_11 : vector<16xi32>
      %and3A_572 = arith.andi %shift_right_logical3A_571, %broadcast_in_dim3A_9 : vector<16xi32>
      %or3A_573 = arith.ori %and3A_568, %shift_left3A_570 : vector<16xi32>
      %or3A_574 = arith.ori %or3A_573, %and3A_572 : vector<16xi32>
      %swap3A_575 = arith.constant 624 : index
      %swap3A_576 = tpu.vector_load %arg8[%swap3A_575] {strides = array<i32>} : memref<1600xi32, #tpu.memory_space<vmem>>, vector<16xi32>,
      %swap3A_577 = vector.shape_cast %swap3A_576 : vector<16xi32> to vector<16xi32>
      %swap3A_578 = vector.shape_cast %or3A_574 : vector<16xi32> to vector<16xi32>
      tpu.vector_store %arg8[%swap3A_575], %swap3A_578 {strides = array<i32>} : memref<1600xi32, #tpu.memory_space<vmem>>, vector<16xi32>,
      %get3A_579 = arith.constant 640 : index
      %get3A_580 = tpu.vector_load %arg7[%get3A_579] {strides = array<i32>} : memref<1616xi32, #tpu.memory_space<vmem>>, vector<16xi32>,
      %get3A_581 = vector.shape_cast %get3A_580 : vector<16xi32> to vector<16xi32>
      %and3A_582 = arith.andi %get3A_581, %broadcast_in_dim3A_5 : vector<16xi32>
      %and3A_583 = arith.andi %get3A_581, %broadcast_in_dim3A_7 : vector<16xi32>
      %shift_left3A_584 = arith.shli %and3A_583, %broadcast_in_dim3A_13 : vector<16xi32>
      %shift_right_logical3A_585 = arith.shrui %get3A_581, %broadcast_in_dim3A_11 : vector<16xi32>
      %and3A_586 = arith.andi %shift_right_logical3A_585, %broadcast_in_dim3A_9 : vector<16xi32>
      %or3A_587 = arith.ori %and3A_582, %shift_left3A_584 : vector<16xi32>
      %or3A_588 = arith.ori %or3A_587, %and3A_586 : vector<16xi32>
      %swap3A_589 = arith.constant 640 : index
      %swap3A_590 = tpu.vector_load %arg8[%swap3A_589] {strides = array<i32>} : memref<1600xi32, #tpu.memory_space<vmem>>, vector<16xi32>,
      %swap3A_591 = vector.shape_cast %swap3A_590 : vector<16xi32> to vector<16xi32>
      %swap3A_592 = vector.shape_cast %or3A_588 : vector<16xi32> to vector<16xi32>
      tpu.vector_store %arg8[%swap3A_589], %swap3A_592 {strides = array<i32>} : memref<1600xi32, #tpu.memory_space<vmem>>, vector<16xi32>,
      %get3A_593 = arith.constant 656 : index
      %get3A_594 = tpu.vector_load %arg7[%get3A_593] {strides = array<i32>} : memref<1616xi32, #tpu.memory_space<vmem>>, vector<16xi32>,
      %get3A_595 = vector.shape_cast %get3A_594 : vector<16xi32> to vector<16xi32>
      %and3A_596 = arith.andi %get3A_595, %broadcast_in_dim3A_5 : vector<16xi32>
      %and3A_597 = arith.andi %get3A_595, %broadcast_in_dim3A_7 : vector<16xi32>
      %shift_left3A_598 = arith.shli %and3A_597, %broadcast_in_dim3A_13 : vector<16xi32>
      %shift_right_logical3A_599 = arith.shrui %get3A_595, %broadcast_in_dim3A_11 : vector<16xi32>
      %and3A_600 = arith.andi %shift_right_logical3A_599, %broadcast_in_dim3A_9 : vector<16xi32>
      %or3A_601 = arith.ori %and3A_596, %shift_left3A_598 : vector<16xi32>
      %or3A_602 = arith.ori %or3A_601, %and3A_600 : vector<16xi32>
      %swap3A_603 = arith.constant 656 : index
      %swap3A_604 = tpu.vector_load %arg8[%swap3A_603] {strides = array<i32>} : memref<1600xi32, #tpu.memory_space<vmem>>, vector<16xi32>,
      %swap3A_605 = vector.shape_cast %swap3A_604 : vector<16xi32> to vector<16xi32>
      %swap3A_606 = vector.shape_cast %or3A_602 : vector<16xi32> to vector<16xi32>
      tpu.vector_store %arg8[%swap3A_603], %swap3A_606 {strides = array<i32>} : memref<1600xi32, #tpu.memory_space<vmem>>, vector<16xi32>,
      %get3A_607 = arith.constant 672 : index
      %get3A_608 = tpu.vector_load %arg7[%get3A_607] {strides = array<i32>} : memref<1616xi32, #tpu.memory_space<vmem>>, vector<16xi32>,
      %get3A_609 = vector.shape_cast %get3A_608 : vector<16xi32> to vector<16xi32>
      %and3A_610 = arith.andi %get3A_609, %broadcast_in_dim3A_5 : vector<16xi32>
      %and3A_611 = arith.andi %get3A_609, %broadcast_in_dim3A_7 : vector<16xi32>
      %shift_left3A_612 = arith.shli %and3A_611, %broadcast_in_dim3A_13 : vector<16xi32>
      %shift_right_logical3A_613 = arith.shrui %get3A_609, %broadcast_in_dim3A_11 : vector<16xi32>
      %and3A_614 = arith.andi %shift_right_logical3A_613, %broadcast_in_dim3A_9 : vector<16xi32>
      %or3A_615 = arith.ori %and3A_610, %shift_left3A_612 : vector<16xi32>
      %or3A_616 = arith.ori %or3A_615, %and3A_614 : vector<16xi32>
      %swap3A_617 = arith.constant 672 : index
      %swap3A_618 = tpu.vector_load %arg8[%swap3A_617] {strides = array<i32>} : memref<1600xi32, #tpu.memory_space<vmem>>, vector<16xi32>,
      %swap3A_619 = vector.shape_cast %swap3A_618 : vector<16xi32> to vector<16xi32>
      %swap3A_620 = vector.shape_cast %or3A_616 : vector<16xi32> to vector<16xi32>
      tpu.vector_store %arg8[%swap3A_617], %swap3A_620 {strides = array<i32>} : memref<1600xi32, #tpu.memory_space<vmem>>, vector<16xi32>,
      %get3A_621 = arith.constant 688 : index
      %get3A_622 = tpu.vector_load %arg7[%get3A_621] {strides = array<i32>} : memref<1616xi32, #tpu.memory_space<vmem>>, vector<16xi32>,
      %get3A_623 = vector.shape_cast %get3A_622 : vector<16xi32> to vector<16xi32>
      %and3A_624 = arith.andi %get3A_623, %broadcast_in_dim3A_5 : vector<16xi32>
      %and3A_625 = arith.andi %get3A_623, %broadcast_in_dim3A_7 : vector<16xi32>
      %shift_left3A_626 = arith.shli %and3A_625, %broadcast_in_dim3A_13 : vector<16xi32>
      %shift_right_logical3A_627 = arith.shrui %get3A_623, %broadcast_in_dim3A_11 : vector<16xi32>
      %and3A_628 = arith.andi %shift_right_logical3A_627, %broadcast_in_dim3A_9 : vector<16xi32>
      %or3A_629 = arith.ori %and3A_624, %shift_left3A_626 : vector<16xi32>
      %or3A_630 = arith.ori %or3A_629, %and3A_628 : vector<16xi32>
      %swap3A_631 = arith.constant 688 : index
      %swap3A_632 = tpu.vector_load %arg8[%swap3A_631] {strides = array<i32>} : memref<1600xi32, #tpu.memory_space<vmem>>, vector<16xi32>,
      %swap3A_633 = vector.shape_cast %swap3A_632 : vector<16xi32> to vector<16xi32>
      %swap3A_634 = vector.shape_cast %or3A_630 : vector<16xi32> to vector<16xi32>
      tpu.vector_store %arg8[%swap3A_631], %swap3A_634 {strides = array<i32>} : memref<1600xi32, #tpu.memory_space<vmem>>, vector<16xi32>,
      %get3A_635 = arith.constant 704 : index
      %get3A_636 = tpu.vector_load %arg7[%get3A_635] {strides = array<i32>} : memref<1616xi32, #tpu.memory_space<vmem>>, vector<16xi32>,
      %get3A_637 = vector.shape_cast %get3A_636 : vector<16xi32> to vector<16xi32>
      %and3A_638 = arith.andi %get3A_637, %broadcast_in_dim3A_5 : vector<16xi32>
      %and3A_639 = arith.andi %get3A_637, %broadcast_in_dim3A_7 : vector<16xi32>
      %shift_left3A_640 = arith.shli %and3A_639, %broadcast_in_dim3A_13 : vector<16xi32>
      %shift_right_logical3A_641 = arith.shrui %get3A_637, %broadcast_in_dim3A_11 : vector<16xi32>
      %and3A_642 = arith.andi %shift_right_logical3A_641, %broadcast_in_dim3A_9 : vector<16xi32>
      %or3A_643 = arith.ori %and3A_638, %shift_left3A_640 : vector<16xi32>
      %or3A_644 = arith.ori %or3A_643, %and3A_642 : vector<16xi32>
      %swap3A_645 = arith.constant 704 : index
      %swap3A_646 = tpu.vector_load %arg8[%swap3A_645] {strides = array<i32>} : memref<1600xi32, #tpu.memory_space<vmem>>, vector<16xi32>,
      %swap3A_647 = vector.shape_cast %swap3A_646 : vector<16xi32> to vector<16xi32>
      %swap3A_648 = vector.shape_cast %or3A_644 : vector<16xi32> to vector<16xi32>
      tpu.vector_store %arg8[%swap3A_645], %swap3A_648 {strides = array<i32>} : memref<1600xi32, #tpu.memory_space<vmem>>, vector<16xi32>,
      %get3A_649 = arith.constant 720 : index
      %get3A_650 = tpu.vector_load %arg7[%get3A_649] {strides = array<i32>} : memref<1616xi32, #tpu.memory_space<vmem>>, vector<16xi32>,
      %get3A_651 = vector.shape_cast %get3A_650 : vector<16xi32> to vector<16xi32>
      %and3A_652 = arith.andi %get3A_651, %broadcast_in_dim3A_5 : vector<16xi32>
      %and3A_653 = arith.andi %get3A_651, %broadcast_in_dim3A_7 : vector<16xi32>
      %shift_left3A_654 = arith.shli %and3A_653, %broadcast_in_dim3A_13 : vector<16xi32>
      %shift_right_logical3A_655 = arith.shrui %get3A_651, %broadcast_in_dim3A_11 : vector<16xi32>
      %and3A_656 = arith.andi %shift_right_logical3A_655, %broadcast_in_dim3A_9 : vector<16xi32>
      %or3A_657 = arith.ori %and3A_652, %shift_left3A_654 : vector<16xi32>
      %or3A_658 = arith.ori %or3A_657, %and3A_656 : vector<16xi32>
      %swap3A_659 = arith.constant 720 : index
      %swap3A_660 = tpu.vector_load %arg8[%swap3A_659] {strides = array<i32>} : memref<1600xi32, #tpu.memory_space<vmem>>, vector<16xi32>,
      %swap3A_661 = vector.shape_cast %swap3A_660 : vector<16xi32> to vector<16xi32>
      %swap3A_662 = vector.shape_cast %or3A_658 : vector<16xi32> to vector<16xi32>
      tpu.vector_store %arg8[%swap3A_659], %swap3A_662 {strides = array<i32>} : memref<1600xi32, #tpu.memory_space<vmem>>, vector<16xi32>,
      %get3A_663 = arith.constant 736 : index
      %get3A_664 = tpu.vector_load %arg7[%get3A_663] {strides = array<i32>} : memref<1616xi32, #tpu.memory_space<vmem>>, vector<16xi32>,
      %get3A_665 = vector.shape_cast %get3A_664 : vector<16xi32> to vector<16xi32>
      %and3A_666 = arith.andi %get3A_665, %broadcast_in_dim3A_5 : vector<16xi32>
      %and3A_667 = arith.andi %get3A_665, %broadcast_in_dim3A_7 : vector<16xi32>
      %shift_left3A_668 = arith.shli %and3A_667, %broadcast_in_dim3A_13 : vector<16xi32>
      %shift_right_logical3A_669 = arith.shrui %get3A_665, %broadcast_in_dim3A_11 : vector<16xi32>
      %and3A_670 = arith.andi %shift_right_logical3A_669, %broadcast_in_dim3A_9 : vector<16xi32>
      %or3A_671 = arith.ori %and3A_666, %shift_left3A_668 : vector<16xi32>
      %or3A_672 = arith.ori %or3A_671, %and3A_670 : vector<16xi32>
      %swap3A_673 = arith.constant 736 : index
      %swap3A_674 = tpu.vector_load %arg8[%swap3A_673] {strides = array<i32>} : memref<1600xi32, #tpu.memory_space<vmem>>, vector<16xi32>,
      %swap3A_675 = vector.shape_cast %swap3A_674 : vector<16xi32> to vector<16xi32>
      %swap3A_676 = vector.shape_cast %or3A_672 : vector<16xi32> to vector<16xi32>
      tpu.vector_store %arg8[%swap3A_673], %swap3A_676 {strides = array<i32>} : memref<1600xi32, #tpu.memory_space<vmem>>, vector<16xi32>,
      %get3A_677 = arith.constant 752 : index
      %get3A_678 = tpu.vector_load %arg7[%get3A_677] {strides = array<i32>} : memref<1616xi32, #tpu.memory_space<vmem>>, vector<16xi32>,
      %get3A_679 = vector.shape_cast %get3A_678 : vector<16xi32> to vector<16xi32>
      %and3A_680 = arith.andi %get3A_679, %broadcast_in_dim3A_5 : vector<16xi32>
      %and3A_681 = arith.andi %get3A_679, %broadcast_in_dim3A_7 : vector<16xi32>
      %shift_left3A_682 = arith.shli %and3A_681, %broadcast_in_dim3A_13 : vector<16xi32>
      %shift_right_logical3A_683 = arith.shrui %get3A_679, %broadcast_in_dim3A_11 : vector<16xi32>
      %and3A_684 = arith.andi %shift_right_logical3A_683, %broadcast_in_dim3A_9 : vector<16xi32>
      %or3A_685 = arith.ori %and3A_680, %shift_left3A_682 : vector<16xi32>
      %or3A_686 = arith.ori %or3A_685, %and3A_684 : vector<16xi32>
      %swap3A_687 = arith.constant 752 : index
      %swap3A_688 = tpu.vector_load %arg8[%swap3A_687] {strides = array<i32>} : memref<1600xi32, #tpu.memory_space<vmem>>, vector<16xi32>,
      %swap3A_689 = vector.shape_cast %swap3A_688 : vector<16xi32> to vector<16xi32>
      %swap3A_690 = vector.shape_cast %or3A_686 : vector<16xi32> to vector<16xi32>
      tpu.vector_store %arg8[%swap3A_687], %swap3A_690 {strides = array<i32>} : memref<1600xi32, #tpu.memory_space<vmem>>, vector<16xi32>,
      %get3A_691 = arith.constant 768 : index
      %get3A_692 = tpu.vector_load %arg7[%get3A_691] {strides = array<i32>} : memref<1616xi32, #tpu.memory_space<vmem>>, vector<16xi32>,
      %get3A_693 = vector.shape_cast %get3A_692 : vector<16xi32> to vector<16xi32>
      %and3A_694 = arith.andi %get3A_693, %broadcast_in_dim3A_5 : vector<16xi32>
      %and3A_695 = arith.andi %get3A_693, %broadcast_in_dim3A_7 : vector<16xi32>
      %shift_left3A_696 = arith.shli %and3A_695, %broadcast_in_dim3A_13 : vector<16xi32>
      %shift_right_logical3A_697 = arith.shrui %get3A_693, %broadcast_in_dim3A_11 : vector<16xi32>
      %and3A_698 = arith.andi %shift_right_logical3A_697, %broadcast_in_dim3A_9 : vector<16xi32>
      %or3A_699 = arith.ori %and3A_694, %shift_left3A_696 : vector<16xi32>
      %or3A_700 = arith.ori %or3A_699, %and3A_698 : vector<16xi32>
      %swap3A_701 = arith.constant 768 : index
      %swap3A_702 = tpu.vector_load %arg8[%swap3A_701] {strides = array<i32>} : memref<1600xi32, #tpu.memory_space<vmem>>, vector<16xi32>,
      %swap3A_703 = vector.shape_cast %swap3A_702 : vector<16xi32> to vector<16xi32>
      %swap3A_704 = vector.shape_cast %or3A_700 : vector<16xi32> to vector<16xi32>
      tpu.vector_store %arg8[%swap3A_701], %swap3A_704 {strides = array<i32>} : memref<1600xi32, #tpu.memory_space<vmem>>, vector<16xi32>,
      %get3A_705 = arith.constant 784 : index
      %get3A_706 = tpu.vector_load %arg7[%get3A_705] {strides = array<i32>} : memref<1616xi32, #tpu.memory_space<vmem>>, vector<16xi32>,
      %get3A_707 = vector.shape_cast %get3A_706 : vector<16xi32> to vector<16xi32>
      %and3A_708 = arith.andi %get3A_707, %broadcast_in_dim3A_5 : vector<16xi32>
      %and3A_709 = arith.andi %get3A_707, %broadcast_in_dim3A_7 : vector<16xi32>
      %shift_left3A_710 = arith.shli %and3A_709, %broadcast_in_dim3A_13 : vector<16xi32>
      %shift_right_logical3A_711 = arith.shrui %get3A_707, %broadcast_in_dim3A_11 : vector<16xi32>
      %and3A_712 = arith.andi %shift_right_logical3A_711, %broadcast_in_dim3A_9 : vector<16xi32>
      %or3A_713 = arith.ori %and3A_708, %shift_left3A_710 : vector<16xi32>
      %or3A_714 = arith.ori %or3A_713, %and3A_712 : vector<16xi32>
      %swap3A_715 = arith.constant 784 : index
      %swap3A_716 = tpu.vector_load %arg8[%swap3A_715] {strides = array<i32>} : memref<1600xi32, #tpu.memory_space<vmem>>, vector<16xi32>,
      %swap3A_717 = vector.shape_cast %swap3A_716 : vector<16xi32> to vector<16xi32>
      %swap3A_718 = vector.shape_cast %or3A_714 : vector<16xi32> to vector<16xi32>
      tpu.vector_store %arg8[%swap3A_715], %swap3A_718 {strides = array<i32>} : memref<1600xi32, #tpu.memory_space<vmem>>, vector<16xi32>,
      %get3A_719 = arith.constant 800 : index
      %get3A_720 = tpu.vector_load %arg7[%get3A_719] {strides = array<i32>} : memref<1616xi32, #tpu.memory_space<vmem>>, vector<16xi32>,
      %get3A_721 = vector.shape_cast %get3A_720 : vector<16xi32> to vector<16xi32>
      %and3A_722 = arith.andi %get3A_721, %broadcast_in_dim3A_5 : vector<16xi32>
      %and3A_723 = arith.andi %get3A_721, %broadcast_in_dim3A_7 : vector<16xi32>
      %shift_left3A_724 = arith.shli %and3A_723, %broadcast_in_dim3A_13 : vector<16xi32>
      %shift_right_logical3A_725 = arith.shrui %get3A_721, %broadcast_in_dim3A_11 : vector<16xi32>
      %and3A_726 = arith.andi %shift_right_logical3A_725, %broadcast_in_dim3A_9 : vector<16xi32>
      %or3A_727 = arith.ori %and3A_722, %shift_left3A_724 : vector<16xi32>
      %or3A_728 = arith.ori %or3A_727, %and3A_726 : vector<16xi32>
      %swap3A_729 = arith.constant 800 : index
      %swap3A_730 = tpu.vector_load %arg8[%swap3A_729] {strides = array<i32>} : memref<1600xi32, #tpu.memory_space<vmem>>, vector<16xi32>,
      %swap3A_731 = vector.shape_cast %swap3A_730 : vector<16xi32> to vector<16xi32>
      %swap3A_732 = vector.shape_cast %or3A_728 : vector<16xi32> to vector<16xi32>
      tpu.vector_store %arg8[%swap3A_729], %swap3A_732 {strides = array<i32>} : memref<1600xi32, #tpu.memory_space<vmem>>, vector<16xi32>,
      %get3A_733 = arith.constant 816 : index
      %get3A_734 = tpu.vector_load %arg7[%get3A_733] {strides = array<i32>} : memref<1616xi32, #tpu.memory_space<vmem>>, vector<16xi32>,
      %get3A_735 = vector.shape_cast %get3A_734 : vector<16xi32> to vector<16xi32>
      %and3A_736 = arith.andi %get3A_735, %broadcast_in_dim3A_5 : vector<16xi32>
      %and3A_737 = arith.andi %get3A_735, %broadcast_in_dim3A_7 : vector<16xi32>
      %shift_left3A_738 = arith.shli %and3A_737, %broadcast_in_dim3A_13 : vector<16xi32>
      %shift_right_logical3A_739 = arith.shrui %get3A_735, %broadcast_in_dim3A_11 : vector<16xi32>
      %and3A_740 = arith.andi %shift_right_logical3A_739, %broadcast_in_dim3A_9 : vector<16xi32>
      %or3A_741 = arith.ori %and3A_736, %shift_left3A_738 : vector<16xi32>
      %or3A_742 = arith.ori %or3A_741, %and3A_740 : vector<16xi32>
      %swap3A_743 = arith.constant 816 : index
      %swap3A_744 = tpu.vector_load %arg8[%swap3A_743] {strides = array<i32>} : memref<1600xi32, #tpu.memory_space<vmem>>, vector<16xi32>,
      %swap3A_745 = vector.shape_cast %swap3A_744 : vector<16xi32> to vector<16xi32>
      %swap3A_746 = vector.shape_cast %or3A_742 : vector<16xi32> to vector<16xi32>
      tpu.vector_store %arg8[%swap3A_743], %swap3A_746 {strides = array<i32>} : memref<1600xi32, #tpu.memory_space<vmem>>, vector<16xi32>,
      %get3A_747 = arith.constant 832 : index
      %get3A_748 = tpu.vector_load %arg7[%get3A_747] {strides = array<i32>} : memref<1616xi32, #tpu.memory_space<vmem>>, vector<16xi32>,
      %get3A_749 = vector.shape_cast %get3A_748 : vector<16xi32> to vector<16xi32>
      %and3A_750 = arith.andi %get3A_749, %broadcast_in_dim3A_5 : vector<16xi32>
      %and3A_751 = arith.andi %get3A_749, %broadcast_in_dim3A_7 : vector<16xi32>
      %shift_left3A_752 = arith.shli %and3A_751, %broadcast_in_dim3A_13 : vector<16xi32>
      %shift_right_logical3A_753 = arith.shrui %get3A_749, %broadcast_in_dim3A_11 : vector<16xi32>
      %and3A_754 = arith.andi %shift_right_logical3A_753, %broadcast_in_dim3A_9 : vector<16xi32>
      %or3A_755 = arith.ori %and3A_750, %shift_left3A_752 : vector<16xi32>
      %or3A_756 = arith.ori %or3A_755, %and3A_754 : vector<16xi32>
      %swap3A_757 = arith.constant 832 : index
      %swap3A_758 = tpu.vector_load %arg8[%swap3A_757] {strides = array<i32>} : memref<1600xi32, #tpu.memory_space<vmem>>, vector<16xi32>,
      %swap3A_759 = vector.shape_cast %swap3A_758 : vector<16xi32> to vector<16xi32>
      %swap3A_760 = vector.shape_cast %or3A_756 : vector<16xi32> to vector<16xi32>
      tpu.vector_store %arg8[%swap3A_757], %swap3A_760 {strides = array<i32>} : memref<1600xi32, #tpu.memory_space<vmem>>, vector<16xi32>,
      %get3A_761 = arith.constant 848 : index
      %get3A_762 = tpu.vector_load %arg7[%get3A_761] {strides = array<i32>} : memref<1616xi32, #tpu.memory_space<vmem>>, vector<16xi32>,
      %get3A_763 = vector.shape_cast %get3A_762 : vector<16xi32> to vector<16xi32>
      %and3A_764 = arith.andi %get3A_763, %broadcast_in_dim3A_5 : vector<16xi32>
      %and3A_765 = arith.andi %get3A_763, %broadcast_in_dim3A_7 : vector<16xi32>
      %shift_left3A_766 = arith.shli %and3A_765, %broadcast_in_dim3A_13 : vector<16xi32>
      %shift_right_logical3A_767 = arith.shrui %get3A_763, %broadcast_in_dim3A_11 : vector<16xi32>
      %and3A_768 = arith.andi %shift_right_logical3A_767, %broadcast_in_dim3A_9 : vector<16xi32>
      %or3A_769 = arith.ori %and3A_764, %shift_left3A_766 : vector<16xi32>
      %or3A_770 = arith.ori %or3A_769, %and3A_768 : vector<16xi32>
      %swap3A_771 = arith.constant 848 : index
      %swap3A_772 = tpu.vector_load %arg8[%swap3A_771] {strides = array<i32>} : memref<1600xi32, #tpu.memory_space<vmem>>, vector<16xi32>,
      %swap3A_773 = vector.shape_cast %swap3A_772 : vector<16xi32> to vector<16xi32>
      %swap3A_774 = vector.shape_cast %or3A_770 : vector<16xi32> to vector<16xi32>
      tpu.vector_store %arg8[%swap3A_771], %swap3A_774 {strides = array<i32>} : memref<1600xi32, #tpu.memory_space<vmem>>, vector<16xi32>,
      %get3A_775 = arith.constant 864 : index
      %get3A_776 = tpu.vector_load %arg7[%get3A_775] {strides = array<i32>} : memref<1616xi32, #tpu.memory_space<vmem>>, vector<16xi32>,
      %get3A_777 = vector.shape_cast %get3A_776 : vector<16xi32> to vector<16xi32>
      %and3A_778 = arith.andi %get3A_777, %broadcast_in_dim3A_5 : vector<16xi32>
      %and3A_779 = arith.andi %get3A_777, %broadcast_in_dim3A_7 : vector<16xi32>
      %shift_left3A_780 = arith.shli %and3A_779, %broadcast_in_dim3A_13 : vector<16xi32>
      %shift_right_logical3A_781 = arith.shrui %get3A_777, %broadcast_in_dim3A_11 : vector<16xi32>
      %and3A_782 = arith.andi %shift_right_logical3A_781, %broadcast_in_dim3A_9 : vector<16xi32>
      %or3A_783 = arith.ori %and3A_778, %shift_left3A_780 : vector<16xi32>
      %or3A_784 = arith.ori %or3A_783, %and3A_782 : vector<16xi32>
      %swap3A_785 = arith.constant 864 : index
      %swap3A_786 = tpu.vector_load %arg8[%swap3A_785] {strides = array<i32>} : memref<1600xi32, #tpu.memory_space<vmem>>, vector<16xi32>,
      %swap3A_787 = vector.shape_cast %swap3A_786 : vector<16xi32> to vector<16xi32>
      %swap3A_788 = vector.shape_cast %or3A_784 : vector<16xi32> to vector<16xi32>
      tpu.vector_store %arg8[%swap3A_785], %swap3A_788 {strides = array<i32>} : memref<1600xi32, #tpu.memory_space<vmem>>, vector<16xi32>,
      %get3A_789 = arith.constant 880 : index
      %get3A_790 = tpu.vector_load %arg7[%get3A_789] {strides = array<i32>} : memref<1616xi32, #tpu.memory_space<vmem>>, vector<16xi32>,
      %get3A_791 = vector.shape_cast %get3A_790 : vector<16xi32> to vector<16xi32>
      %and3A_792 = arith.andi %get3A_791, %broadcast_in_dim3A_5 : vector<16xi32>
      %and3A_793 = arith.andi %get3A_791, %broadcast_in_dim3A_7 : vector<16xi32>
      %shift_left3A_794 = arith.shli %and3A_793, %broadcast_in_dim3A_13 : vector<16xi32>
      %shift_right_logical3A_795 = arith.shrui %get3A_791, %broadcast_in_dim3A_11 : vector<16xi32>
      %and3A_796 = arith.andi %shift_right_logical3A_795, %broadcast_in_dim3A_9 : vector<16xi32>
      %or3A_797 = arith.ori %and3A_792, %shift_left3A_794 : vector<16xi32>
      %or3A_798 = arith.ori %or3A_797, %and3A_796 : vector<16xi32>
      %swap3A_799 = arith.constant 880 : index
      %swap3A_800 = tpu.vector_load %arg8[%swap3A_799] {strides = array<i32>} : memref<1600xi32, #tpu.memory_space<vmem>>, vector<16xi32>,
      %swap3A_801 = vector.shape_cast %swap3A_800 : vector<16xi32> to vector<16xi32>
      %swap3A_802 = vector.shape_cast %or3A_798 : vector<16xi32> to vector<16xi32>
      tpu.vector_store %arg8[%swap3A_799], %swap3A_802 {strides = array<i32>} : memref<1600xi32, #tpu.memory_space<vmem>>, vector<16xi32>,
      %get3A_803 = arith.constant 896 : index
      %get3A_804 = tpu.vector_load %arg7[%get3A_803] {strides = array<i32>} : memref<1616xi32, #tpu.memory_space<vmem>>, vector<16xi32>,
      %get3A_805 = vector.shape_cast %get3A_804 : vector<16xi32> to vector<16xi32>
      %and3A_806 = arith.andi %get3A_805, %broadcast_in_dim3A_5 : vector<16xi32>
      %and3A_807 = arith.andi %get3A_805, %broadcast_in_dim3A_7 : vector<16xi32>
      %shift_left3A_808 = arith.shli %and3A_807, %broadcast_in_dim3A_13 : vector<16xi32>
      %shift_right_logical3A_809 = arith.shrui %get3A_805, %broadcast_in_dim3A_11 : vector<16xi32>
      %and3A_810 = arith.andi %shift_right_logical3A_809, %broadcast_in_dim3A_9 : vector<16xi32>
      %or3A_811 = arith.ori %and3A_806, %shift_left3A_808 : vector<16xi32>
      %or3A_812 = arith.ori %or3A_811, %and3A_810 : vector<16xi32>
      %swap3A_813 = arith.constant 896 : index
      %swap3A_814 = tpu.vector_load %arg8[%swap3A_813] {strides = array<i32>} : memref<1600xi32, #tpu.memory_space<vmem>>, vector<16xi32>,
      %swap3A_815 = vector.shape_cast %swap3A_814 : vector<16xi32> to vector<16xi32>
      %swap3A_816 = vector.shape_cast %or3A_812 : vector<16xi32> to vector<16xi32>
      tpu.vector_store %arg8[%swap3A_813], %swap3A_816 {strides = array<i32>} : memref<1600xi32, #tpu.memory_space<vmem>>, vector<16xi32>,
      %get3A_817 = arith.constant 912 : index
      %get3A_818 = tpu.vector_load %arg7[%get3A_817] {strides = array<i32>} : memref<1616xi32, #tpu.memory_space<vmem>>, vector<16xi32>,
      %get3A_819 = vector.shape_cast %get3A_818 : vector<16xi32> to vector<16xi32>
      %and3A_820 = arith.andi %get3A_819, %broadcast_in_dim3A_5 : vector<16xi32>
      %and3A_821 = arith.andi %get3A_819, %broadcast_in_dim3A_7 : vector<16xi32>
      %shift_left3A_822 = arith.shli %and3A_821, %broadcast_in_dim3A_13 : vector<16xi32>
      %shift_right_logical3A_823 = arith.shrui %get3A_819, %broadcast_in_dim3A_11 : vector<16xi32>
      %and3A_824 = arith.andi %shift_right_logical3A_823, %broadcast_in_dim3A_9 : vector<16xi32>
      %or3A_825 = arith.ori %and3A_820, %shift_left3A_822 : vector<16xi32>
      %or3A_826 = arith.ori %or3A_825, %and3A_824 : vector<16xi32>
      %swap3A_827 = arith.constant 912 : index
      %swap3A_828 = tpu.vector_load %arg8[%swap3A_827] {strides = array<i32>} : memref<1600xi32, #tpu.memory_space<vmem>>, vector<16xi32>,
      %swap3A_829 = vector.shape_cast %swap3A_828 : vector<16xi32> to vector<16xi32>
      %swap3A_830 = vector.shape_cast %or3A_826 : vector<16xi32> to vector<16xi32>
      tpu.vector_store %arg8[%swap3A_827], %swap3A_830 {strides = array<i32>} : memref<1600xi32, #tpu.memory_space<vmem>>, vector<16xi32>,
      %get3A_831 = arith.constant 928 : index
      %get3A_832 = tpu.vector_load %arg7[%get3A_831] {strides = array<i32>} : memref<1616xi32, #tpu.memory_space<vmem>>, vector<16xi32>,
      %get3A_833 = vector.shape_cast %get3A_832 : vector<16xi32> to vector<16xi32>
      %and3A_834 = arith.andi %get3A_833, %broadcast_in_dim3A_5 : vector<16xi32>
      %and3A_835 = arith.andi %get3A_833, %broadcast_in_dim3A_7 : vector<16xi32>
      %shift_left3A_836 = arith.shli %and3A_835, %broadcast_in_dim3A_13 : vector<16xi32>
      %shift_right_logical3A_837 = arith.shrui %get3A_833, %broadcast_in_dim3A_11 : vector<16xi32>
      %and3A_838 = arith.andi %shift_right_logical3A_837, %broadcast_in_dim3A_9 : vector<16xi32>
      %or3A_839 = arith.ori %and3A_834, %shift_left3A_836 : vector<16xi32>
      %or3A_840 = arith.ori %or3A_839, %and3A_838 : vector<16xi32>
      %swap3A_841 = arith.constant 928 : index
      %swap3A_842 = tpu.vector_load %arg8[%swap3A_841] {strides = array<i32>} : memref<1600xi32, #tpu.memory_space<vmem>>, vector<16xi32>,
      %swap3A_843 = vector.shape_cast %swap3A_842 : vector<16xi32> to vector<16xi32>
      %swap3A_844 = vector.shape_cast %or3A_840 : vector<16xi32> to vector<16xi32>
      tpu.vector_store %arg8[%swap3A_841], %swap3A_844 {strides = array<i32>} : memref<1600xi32, #tpu.memory_space<vmem>>, vector<16xi32>,
      %get3A_845 = arith.constant 944 : index
      %get3A_846 = tpu.vector_load %arg7[%get3A_845] {strides = array<i32>} : memref<1616xi32, #tpu.memory_space<vmem>>, vector<16xi32>,
      %get3A_847 = vector.shape_cast %get3A_846 : vector<16xi32> to vector<16xi32>
      %and3A_848 = arith.andi %get3A_847, %broadcast_in_dim3A_5 : vector<16xi32>
      %and3A_849 = arith.andi %get3A_847, %broadcast_in_dim3A_7 : vector<16xi32>
      %shift_left3A_850 = arith.shli %and3A_849, %broadcast_in_dim3A_13 : vector<16xi32>
      %shift_right_logical3A_851 = arith.shrui %get3A_847, %broadcast_in_dim3A_11 : vector<16xi32>
      %and3A_852 = arith.andi %shift_right_logical3A_851, %broadcast_in_dim3A_9 : vector<16xi32>
      %or3A_853 = arith.ori %and3A_848, %shift_left3A_850 : vector<16xi32>
      %or3A_854 = arith.ori %or3A_853, %and3A_852 : vector<16xi32>
      %swap3A_855 = arith.constant 944 : index
      %swap3A_856 = tpu.vector_load %arg8[%swap3A_855] {strides = array<i32>} : memref<1600xi32, #tpu.memory_space<vmem>>, vector<16xi32>,
      %swap3A_857 = vector.shape_cast %swap3A_856 : vector<16xi32> to vector<16xi32>
      %swap3A_858 = vector.shape_cast %or3A_854 : vector<16xi32> to vector<16xi32>
      tpu.vector_store %arg8[%swap3A_855], %swap3A_858 {strides = array<i32>} : memref<1600xi32, #tpu.memory_space<vmem>>, vector<16xi32>,
      %get3A_859 = arith.constant 960 : index
      %get3A_860 = tpu.vector_load %arg7[%get3A_859] {strides = array<i32>} : memref<1616xi32, #tpu.memory_space<vmem>>, vector<16xi32>,
      %get3A_861 = vector.shape_cast %get3A_860 : vector<16xi32> to vector<16xi32>
      %and3A_862 = arith.andi %get3A_861, %broadcast_in_dim3A_5 : vector<16xi32>
      %and3A_863 = arith.andi %get3A_861, %broadcast_in_dim3A_7 : vector<16xi32>
      %shift_left3A_864 = arith.shli %and3A_863, %broadcast_in_dim3A_13 : vector<16xi32>
      %shift_right_logical3A_865 = arith.shrui %get3A_861, %broadcast_in_dim3A_11 : vector<16xi32>
      %and3A_866 = arith.andi %shift_right_logical3A_865, %broadcast_in_dim3A_9 : vector<16xi32>
      %or3A_867 = arith.ori %and3A_862, %shift_left3A_864 : vector<16xi32>
      %or3A_868 = arith.ori %or3A_867, %and3A_866 : vector<16xi32>
      %swap3A_869 = arith.constant 960 : index
      %swap3A_870 = tpu.vector_load %arg8[%swap3A_869] {strides = array<i32>} : memref<1600xi32, #tpu.memory_space<vmem>>, vector<16xi32>,
      %swap3A_871 = vector.shape_cast %swap3A_870 : vector<16xi32> to vector<16xi32>
      %swap3A_872 = vector.shape_cast %or3A_868 : vector<16xi32> to vector<16xi32>
      tpu.vector_store %arg8[%swap3A_869], %swap3A_872 {strides = array<i32>} : memref<1600xi32, #tpu.memory_space<vmem>>, vector<16xi32>,
      %get3A_873 = arith.constant 976 : index
      %get3A_874 = tpu.vector_load %arg7[%get3A_873] {strides = array<i32>} : memref<1616xi32, #tpu.memory_space<vmem>>, vector<16xi32>,
      %get3A_875 = vector.shape_cast %get3A_874 : vector<16xi32> to vector<16xi32>
      %and3A_876 = arith.andi %get3A_875, %broadcast_in_dim3A_5 : vector<16xi32>
      %and3A_877 = arith.andi %get3A_875, %broadcast_in_dim3A_7 : vector<16xi32>
      %shift_left3A_878 = arith.shli %and3A_877, %broadcast_in_dim3A_13 : vector<16xi32>
      %shift_right_logical3A_879 = arith.shrui %get3A_875, %broadcast_in_dim3A_11 : vector<16xi32>
      %and3A_880 = arith.andi %shift_right_logical3A_879, %broadcast_in_dim3A_9 : vector<16xi32>
      %or3A_881 = arith.ori %and3A_876, %shift_left3A_878 : vector<16xi32>
      %or3A_882 = arith.ori %or3A_881, %and3A_880 : vector<16xi32>
      %swap3A_883 = arith.constant 976 : index
      %swap3A_884 = tpu.vector_load %arg8[%swap3A_883] {strides = array<i32>} : memref<1600xi32, #tpu.memory_space<vmem>>, vector<16xi32>,
      %swap3A_885 = vector.shape_cast %swap3A_884 : vector<16xi32> to vector<16xi32>
      %swap3A_886 = vector.shape_cast %or3A_882 : vector<16xi32> to vector<16xi32>
      tpu.vector_store %arg8[%swap3A_883], %swap3A_886 {strides = array<i32>} : memref<1600xi32, #tpu.memory_space<vmem>>, vector<16xi32>,
      %get3A_887 = arith.constant 992 : index
      %get3A_888 = tpu.vector_load %arg7[%get3A_887] {strides = array<i32>} : memref<1616xi32, #tpu.memory_space<vmem>>, vector<16xi32>,
      %get3A_889 = vector.shape_cast %get3A_888 : vector<16xi32> to vector<16xi32>
      %and3A_890 = arith.andi %get3A_889, %broadcast_in_dim3A_5 : vector<16xi32>
      %and3A_891 = arith.andi %get3A_889, %broadcast_in_dim3A_7 : vector<16xi32>
      %shift_left3A_892 = arith.shli %and3A_891, %broadcast_in_dim3A_13 : vector<16xi32>
      %shift_right_logical3A_893 = arith.shrui %get3A_889, %broadcast_in_dim3A_11 : vector<16xi32>
      %and3A_894 = arith.andi %shift_right_logical3A_893, %broadcast_in_dim3A_9 : vector<16xi32>
      %or3A_895 = arith.ori %and3A_890, %shift_left3A_892 : vector<16xi32>
      %or3A_896 = arith.ori %or3A_895, %and3A_894 : vector<16xi32>
      %swap3A_897 = arith.constant 992 : index
      %swap3A_898 = tpu.vector_load %arg8[%swap3A_897] {strides = array<i32>} : memref<1600xi32, #tpu.memory_space<vmem>>, vector<16xi32>,
      %swap3A_899 = vector.shape_cast %swap3A_898 : vector<16xi32> to vector<16xi32>
      %swap3A_900 = vector.shape_cast %or3A_896 : vector<16xi32> to vector<16xi32>
      tpu.vector_store %arg8[%swap3A_897], %swap3A_900 {strides = array<i32>} : memref<1600xi32, #tpu.memory_space<vmem>>, vector<16xi32>,
      %get3A_901 = arith.constant 1008 : index
      %get3A_902 = tpu.vector_load %arg7[%get3A_901] {strides = array<i32>} : memref<1616xi32, #tpu.memory_space<vmem>>, vector<16xi32>,
      %get3A_903 = vector.shape_cast %get3A_902 : vector<16xi32> to vector<16xi32>
      %and3A_904 = arith.andi %get3A_903, %broadcast_in_dim3A_5 : vector<16xi32>
      %and3A_905 = arith.andi %get3A_903, %broadcast_in_dim3A_7 : vector<16xi32>
      %shift_left3A_906 = arith.shli %and3A_905, %broadcast_in_dim3A_13 : vector<16xi32>
      %shift_right_logical3A_907 = arith.shrui %get3A_903, %broadcast_in_dim3A_11 : vector<16xi32>
      %and3A_908 = arith.andi %shift_right_logical3A_907, %broadcast_in_dim3A_9 : vector<16xi32>
      %or3A_909 = arith.ori %and3A_904, %shift_left3A_906 : vector<16xi32>
      %or3A_910 = arith.ori %or3A_909, %and3A_908 : vector<16xi32>
      %swap3A_911 = arith.constant 1008 : index
      %swap3A_912 = tpu.vector_load %arg8[%swap3A_911] {strides = array<i32>} : memref<1600xi32, #tpu.memory_space<vmem>>, vector<16xi32>,
      %swap3A_913 = vector.shape_cast %swap3A_912 : vector<16xi32> to vector<16xi32>
      %swap3A_914 = vector.shape_cast %or3A_910 : vector<16xi32> to vector<16xi32>
      tpu.vector_store %arg8[%swap3A_911], %swap3A_914 {strides = array<i32>} : memref<1600xi32, #tpu.memory_space<vmem>>, vector<16xi32>,
      %get3A_915 = arith.constant 1024 : index
      %get3A_916 = tpu.vector_load %arg7[%get3A_915] {strides = array<i32>} : memref<1616xi32, #tpu.memory_space<vmem>>, vector<16xi32>,
      %get3A_917 = vector.shape_cast %get3A_916 : vector<16xi32> to vector<16xi32>
      %and3A_918 = arith.andi %get3A_917, %broadcast_in_dim3A_5 : vector<16xi32>
      %and3A_919 = arith.andi %get3A_917, %broadcast_in_dim3A_7 : vector<16xi32>
      %shift_left3A_920 = arith.shli %and3A_919, %broadcast_in_dim3A_13 : vector<16xi32>
      %shift_right_logical3A_921 = arith.shrui %get3A_917, %broadcast_in_dim3A_11 : vector<16xi32>
      %and3A_922 = arith.andi %shift_right_logical3A_921, %broadcast_in_dim3A_9 : vector<16xi32>
      %or3A_923 = arith.ori %and3A_918, %shift_left3A_920 : vector<16xi32>
      %or3A_924 = arith.ori %or3A_923, %and3A_922 : vector<16xi32>
      %swap3A_925 = arith.constant 1024 : index
      %swap3A_926 = tpu.vector_load %arg8[%swap3A_925] {strides = array<i32>} : memref<1600xi32, #tpu.memory_space<vmem>>, vector<16xi32>,
      %swap3A_927 = vector.shape_cast %swap3A_926 : vector<16xi32> to vector<16xi32>
      %swap3A_928 = vector.shape_cast %or3A_924 : vector<16xi32> to vector<16xi32>
      tpu.vector_store %arg8[%swap3A_925], %swap3A_928 {strides = array<i32>} : memref<1600xi32, #tpu.memory_space<vmem>>, vector<16xi32>,
      %get3A_929 = arith.constant 1040 : index
      %get3A_930 = tpu.vector_load %arg7[%get3A_929] {strides = array<i32>} : memref<1616xi32, #tpu.memory_space<vmem>>, vector<16xi32>,
      %get3A_931 = vector.shape_cast %get3A_930 : vector<16xi32> to vector<16xi32>
      %and3A_932 = arith.andi %get3A_931, %broadcast_in_dim3A_5 : vector<16xi32>
      %and3A_933 = arith.andi %get3A_931, %broadcast_in_dim3A_7 : vector<16xi32>
      %shift_left3A_934 = arith.shli %and3A_933, %broadcast_in_dim3A_13 : vector<16xi32>
      %shift_right_logical3A_935 = arith.shrui %get3A_931, %broadcast_in_dim3A_11 : vector<16xi32>
      %and3A_936 = arith.andi %shift_right_logical3A_935, %broadcast_in_dim3A_9 : vector<16xi32>
      %or3A_937 = arith.ori %and3A_932, %shift_left3A_934 : vector<16xi32>
      %or3A_938 = arith.ori %or3A_937, %and3A_936 : vector<16xi32>
      %swap3A_939 = arith.constant 1040 : index
      %swap3A_940 = tpu.vector_load %arg8[%swap3A_939] {strides = array<i32>} : memref<1600xi32, #tpu.memory_space<vmem>>, vector<16xi32>,
      %swap3A_941 = vector.shape_cast %swap3A_940 : vector<16xi32> to vector<16xi32>
      %swap3A_942 = vector.shape_cast %or3A_938 : vector<16xi32> to vector<16xi32>
      tpu.vector_store %arg8[%swap3A_939], %swap3A_942 {strides = array<i32>} : memref<1600xi32, #tpu.memory_space<vmem>>, vector<16xi32>,
      %get3A_943 = arith.constant 1056 : index
      %get3A_944 = tpu.vector_load %arg7[%get3A_943] {strides = array<i32>} : memref<1616xi32, #tpu.memory_space<vmem>>, vector<16xi32>,
      %get3A_945 = vector.shape_cast %get3A_944 : vector<16xi32> to vector<16xi32>
      %and3A_946 = arith.andi %get3A_945, %broadcast_in_dim3A_5 : vector<16xi32>
      %and3A_947 = arith.andi %get3A_945, %broadcast_in_dim3A_7 : vector<16xi32>
      %shift_left3A_948 = arith.shli %and3A_947, %broadcast_in_dim3A_13 : vector<16xi32>
      %shift_right_logical3A_949 = arith.shrui %get3A_945, %broadcast_in_dim3A_11 : vector<16xi32>
      %and3A_950 = arith.andi %shift_right_logical3A_949, %broadcast_in_dim3A_9 : vector<16xi32>
      %or3A_951 = arith.ori %and3A_946, %shift_left3A_948 : vector<16xi32>
      %or3A_952 = arith.ori %or3A_951, %and3A_950 : vector<16xi32>
      %swap3A_953 = arith.constant 1056 : index
      %swap3A_954 = tpu.vector_load %arg8[%swap3A_953] {strides = array<i32>} : memref<1600xi32, #tpu.memory_space<vmem>>, vector<16xi32>,
      %swap3A_955 = vector.shape_cast %swap3A_954 : vector<16xi32> to vector<16xi32>
      %swap3A_956 = vector.shape_cast %or3A_952 : vector<16xi32> to vector<16xi32>
      tpu.vector_store %arg8[%swap3A_953], %swap3A_956 {strides = array<i32>} : memref<1600xi32, #tpu.memory_space<vmem>>, vector<16xi32>,
      %get3A_957 = arith.constant 1072 : index
      %get3A_958 = tpu.vector_load %arg7[%get3A_957] {strides = array<i32>} : memref<1616xi32, #tpu.memory_space<vmem>>, vector<16xi32>,
      %get3A_959 = vector.shape_cast %get3A_958 : vector<16xi32> to vector<16xi32>
      %and3A_960 = arith.andi %get3A_959, %broadcast_in_dim3A_5 : vector<16xi32>
      %and3A_961 = arith.andi %get3A_959, %broadcast_in_dim3A_7 : vector<16xi32>
      %shift_left3A_962 = arith.shli %and3A_961, %broadcast_in_dim3A_13 : vector<16xi32>
      %shift_right_logical3A_963 = arith.shrui %get3A_959, %broadcast_in_dim3A_11 : vector<16xi32>
      %and3A_964 = arith.andi %shift_right_logical3A_963, %broadcast_in_dim3A_9 : vector<16xi32>
      %or3A_965 = arith.ori %and3A_960, %shift_left3A_962 : vector<16xi32>
      %or3A_966 = arith.ori %or3A_965, %and3A_964 : vector<16xi32>
      %swap3A_967 = arith.constant 1072 : index
      %swap3A_968 = tpu.vector_load %arg8[%swap3A_967] {strides = array<i32>} : memref<1600xi32, #tpu.memory_space<vmem>>, vector<16xi32>,
      %swap3A_969 = vector.shape_cast %swap3A_968 : vector<16xi32> to vector<16xi32>
      %swap3A_970 = vector.shape_cast %or3A_966 : vector<16xi32> to vector<16xi32>
      tpu.vector_store %arg8[%swap3A_967], %swap3A_970 {strides = array<i32>} : memref<1600xi32, #tpu.memory_space<vmem>>, vector<16xi32>,
      %get3A_971 = arith.constant 1088 : index
      %get3A_972 = tpu.vector_load %arg7[%get3A_971] {strides = array<i32>} : memref<1616xi32, #tpu.memory_space<vmem>>, vector<16xi32>,
      %get3A_973 = vector.shape_cast %get3A_972 : vector<16xi32> to vector<16xi32>
      %and3A_974 = arith.andi %get3A_973, %broadcast_in_dim3A_5 : vector<16xi32>
      %and3A_975 = arith.andi %get3A_973, %broadcast_in_dim3A_7 : vector<16xi32>
      %shift_left3A_976 = arith.shli %and3A_975, %broadcast_in_dim3A_13 : vector<16xi32>
      %shift_right_logical3A_977 = arith.shrui %get3A_973, %broadcast_in_dim3A_11 : vector<16xi32>
      %and3A_978 = arith.andi %shift_right_logical3A_977, %broadcast_in_dim3A_9 : vector<16xi32>
      %or3A_979 = arith.ori %and3A_974, %shift_left3A_976 : vector<16xi32>
      %or3A_980 = arith.ori %or3A_979, %and3A_978 : vector<16xi32>
      %swap3A_981 = arith.constant 1088 : index
      %swap3A_982 = tpu.vector_load %arg8[%swap3A_981] {strides = array<i32>} : memref<1600xi32, #tpu.memory_space<vmem>>, vector<16xi32>,
      %swap3A_983 = vector.shape_cast %swap3A_982 : vector<16xi32> to vector<16xi32>
      %swap3A_984 = vector.shape_cast %or3A_980 : vector<16xi32> to vector<16xi32>
      tpu.vector_store %arg8[%swap3A_981], %swap3A_984 {strides = array<i32>} : memref<1600xi32, #tpu.memory_space<vmem>>, vector<16xi32>,
      %get3A_985 = arith.constant 1104 : index
      %get3A_986 = tpu.vector_load %arg7[%get3A_985] {strides = array<i32>} : memref<1616xi32, #tpu.memory_space<vmem>>, vector<16xi32>,
      %get3A_987 = vector.shape_cast %get3A_986 : vector<16xi32> to vector<16xi32>
      %and3A_988 = arith.andi %get3A_987, %broadcast_in_dim3A_5 : vector<16xi32>
      %and3A_989 = arith.andi %get3A_987, %broadcast_in_dim3A_7 : vector<16xi32>
      %shift_left3A_990 = arith.shli %and3A_989, %broadcast_in_dim3A_13 : vector<16xi32>
      %shift_right_logical3A_991 = arith.shrui %get3A_987, %broadcast_in_dim3A_11 : vector<16xi32>
      %and3A_992 = arith.andi %shift_right_logical3A_991, %broadcast_in_dim3A_9 : vector<16xi32>
      %or3A_993 = arith.ori %and3A_988, %shift_left3A_990 : vector<16xi32>
      %or3A_994 = arith.ori %or3A_993, %and3A_992 : vector<16xi32>
      %swap3A_995 = arith.constant 1104 : index
      %swap3A_996 = tpu.vector_load %arg8[%swap3A_995] {strides = array<i32>} : memref<1600xi32, #tpu.memory_space<vmem>>, vector<16xi32>,
      %swap3A_997 = vector.shape_cast %swap3A_996 : vector<16xi32> to vector<16xi32>
      %swap3A_998 = vector.shape_cast %or3A_994 : vector<16xi32> to vector<16xi32>
      tpu.vector_store %arg8[%swap3A_995], %swap3A_998 {strides = array<i32>} : memref<1600xi32, #tpu.memory_space<vmem>>, vector<16xi32>,
      %get3A_999 = arith.constant 1120 : index
      %get3A_1000 = tpu.vector_load %arg7[%get3A_999] {strides = array<i32>} : memref<1616xi32, #tpu.memory_space<vmem>>, vector<16xi32>,
      %get3A_1001 = vector.shape_cast %get3A_1000 : vector<16xi32> to vector<16xi32>
      %and3A_1002 = arith.andi %get3A_1001, %broadcast_in_dim3A_5 : vector<16xi32>
      %and3A_1003 = arith.andi %get3A_1001, %broadcast_in_dim3A_7 : vector<16xi32>
      %shift_left3A_1004 = arith.shli %and3A_1003, %broadcast_in_dim3A_13 : vector<16xi32>
      %shift_right_logical3A_1005 = arith.shrui %get3A_1001, %broadcast_in_dim3A_11 : vector<16xi32>
      %and3A_1006 = arith.andi %shift_right_logical3A_1005, %broadcast_in_dim3A_9 : vector<16xi32>
      %or3A_1007 = arith.ori %and3A_1002, %shift_left3A_1004 : vector<16xi32>
      %or3A_1008 = arith.ori %or3A_1007, %and3A_1006 : vector<16xi32>
      %swap3A_1009 = arith.constant 1120 : index
      %swap3A_1010 = tpu.vector_load %arg8[%swap3A_1009] {strides = array<i32>} : memref<1600xi32, #tpu.memory_space<vmem>>, vector<16xi32>,
      %swap3A_1011 = vector.shape_cast %swap3A_1010 : vector<16xi32> to vector<16xi32>
      %swap3A_1012 = vector.shape_cast %or3A_1008 : vector<16xi32> to vector<16xi32>
      tpu.vector_store %arg8[%swap3A_1009], %swap3A_1012 {strides = array<i32>} : memref<1600xi32, #tpu.memory_space<vmem>>, vector<16xi32>,
      %get3A_1013 = arith.constant 1136 : index
      %get3A_1014 = tpu.vector_load %arg7[%get3A_1013] {strides = array<i32>} : memref<1616xi32, #tpu.memory_space<vmem>>, vector<16xi32>,
      %get3A_1015 = vector.shape_cast %get3A_1014 : vector<16xi32> to vector<16xi32>
      %and3A_1016 = arith.andi %get3A_1015, %broadcast_in_dim3A_5 : vector<16xi32>
      %and3A_1017 = arith.andi %get3A_1015, %broadcast_in_dim3A_7 : vector<16xi32>
      %shift_left3A_1018 = arith.shli %and3A_1017, %broadcast_in_dim3A_13 : vector<16xi32>
      %shift_right_logical3A_1019 = arith.shrui %get3A_1015, %broadcast_in_dim3A_11 : vector<16xi32>
      %and3A_1020 = arith.andi %shift_right_logical3A_1019, %broadcast_in_dim3A_9 : vector<16xi32>
      %or3A_1021 = arith.ori %and3A_1016, %shift_left3A_1018 : vector<16xi32>
      %or3A_1022 = arith.ori %or3A_1021, %and3A_1020 : vector<16xi32>
      %swap3A_1023 = arith.constant 1136 : index
      %swap3A_1024 = tpu.vector_load %arg8[%swap3A_1023] {strides = array<i32>} : memref<1600xi32, #tpu.memory_space<vmem>>, vector<16xi32>,
      %swap3A_1025 = vector.shape_cast %swap3A_1024 : vector<16xi32> to vector<16xi32>
      %swap3A_1026 = vector.shape_cast %or3A_1022 : vector<16xi32> to vector<16xi32>
      tpu.vector_store %arg8[%swap3A_1023], %swap3A_1026 {strides = array<i32>} : memref<1600xi32, #tpu.memory_space<vmem>>, vector<16xi32>,
      %get3A_1027 = arith.constant 1152 : index
      %get3A_1028 = tpu.vector_load %arg7[%get3A_1027] {strides = array<i32>} : memref<1616xi32, #tpu.memory_space<vmem>>, vector<16xi32>,
      %get3A_1029 = vector.shape_cast %get3A_1028 : vector<16xi32> to vector<16xi32>
      %and3A_1030 = arith.andi %get3A_1029, %broadcast_in_dim3A_5 : vector<16xi32>
      %and3A_1031 = arith.andi %get3A_1029, %broadcast_in_dim3A_7 : vector<16xi32>
      %shift_left3A_1032 = arith.shli %and3A_1031, %broadcast_in_dim3A_13 : vector<16xi32>
      %shift_right_logical3A_1033 = arith.shrui %get3A_1029, %broadcast_in_dim3A_11 : vector<16xi32>
      %and3A_1034 = arith.andi %shift_right_logical3A_1033, %broadcast_in_dim3A_9 : vector<16xi32>
      %or3A_1035 = arith.ori %and3A_1030, %shift_left3A_1032 : vector<16xi32>
      %or3A_1036 = arith.ori %or3A_1035, %and3A_1034 : vector<16xi32>
      %swap3A_1037 = arith.constant 1152 : index
      %swap3A_1038 = tpu.vector_load %arg8[%swap3A_1037] {strides = array<i32>} : memref<1600xi32, #tpu.memory_space<vmem>>, vector<16xi32>,
      %swap3A_1039 = vector.shape_cast %swap3A_1038 : vector<16xi32> to vector<16xi32>
      %swap3A_1040 = vector.shape_cast %or3A_1036 : vector<16xi32> to vector<16xi32>
      tpu.vector_store %arg8[%swap3A_1037], %swap3A_1040 {strides = array<i32>} : memref<1600xi32, #tpu.memory_space<vmem>>, vector<16xi32>,
      %get3A_1041 = arith.constant 1168 : index
      %get3A_1042 = tpu.vector_load %arg7[%get3A_1041] {strides = array<i32>} : memref<1616xi32, #tpu.memory_space<vmem>>, vector<16xi32>,
      %get3A_1043 = vector.shape_cast %get3A_1042 : vector<16xi32> to vector<16xi32>
      %and3A_1044 = arith.andi %get3A_1043, %broadcast_in_dim3A_5 : vector<16xi32>
      %and3A_1045 = arith.andi %get3A_1043, %broadcast_in_dim3A_7 : vector<16xi32>
      %shift_left3A_1046 = arith.shli %and3A_1045, %broadcast_in_dim3A_13 : vector<16xi32>
      %shift_right_logical3A_1047 = arith.shrui %get3A_1043, %broadcast_in_dim3A_11 : vector<16xi32>
      %and3A_1048 = arith.andi %shift_right_logical3A_1047, %broadcast_in_dim3A_9 : vector<16xi32>
      %or3A_1049 = arith.ori %and3A_1044, %shift_left3A_1046 : vector<16xi32>
      %or3A_1050 = arith.ori %or3A_1049, %and3A_1048 : vector<16xi32>
      %swap3A_1051 = arith.constant 1168 : index
      %swap3A_1052 = tpu.vector_load %arg8[%swap3A_1051] {strides = array<i32>} : memref<1600xi32, #tpu.memory_space<vmem>>, vector<16xi32>,
      %swap3A_1053 = vector.shape_cast %swap3A_1052 : vector<16xi32> to vector<16xi32>
      %swap3A_1054 = vector.shape_cast %or3A_1050 : vector<16xi32> to vector<16xi32>
      tpu.vector_store %arg8[%swap3A_1051], %swap3A_1054 {strides = array<i32>} : memref<1600xi32, #tpu.memory_space<vmem>>, vector<16xi32>,
      %get3A_1055 = arith.constant 1184 : index
      %get3A_1056 = tpu.vector_load %arg7[%get3A_1055] {strides = array<i32>} : memref<1616xi32, #tpu.memory_space<vmem>>, vector<16xi32>,
      %get3A_1057 = vector.shape_cast %get3A_1056 : vector<16xi32> to vector<16xi32>
      %and3A_1058 = arith.andi %get3A_1057, %broadcast_in_dim3A_5 : vector<16xi32>
      %and3A_1059 = arith.andi %get3A_1057, %broadcast_in_dim3A_7 : vector<16xi32>
      %shift_left3A_1060 = arith.shli %and3A_1059, %broadcast_in_dim3A_13 : vector<16xi32>
      %shift_right_logical3A_1061 = arith.shrui %get3A_1057, %broadcast_in_dim3A_11 : vector<16xi32>
      %and3A_1062 = arith.andi %shift_right_logical3A_1061, %broadcast_in_dim3A_9 : vector<16xi32>
      %or3A_1063 = arith.ori %and3A_1058, %shift_left3A_1060 : vector<16xi32>
      %or3A_1064 = arith.ori %or3A_1063, %and3A_1062 : vector<16xi32>
      %swap3A_1065 = arith.constant 1184 : index
      %swap3A_1066 = tpu.vector_load %arg8[%swap3A_1065] {strides = array<i32>} : memref<1600xi32, #tpu.memory_space<vmem>>, vector<16xi32>,
      %swap3A_1067 = vector.shape_cast %swap3A_1066 : vector<16xi32> to vector<16xi32>
      %swap3A_1068 = vector.shape_cast %or3A_1064 : vector<16xi32> to vector<16xi32>
      tpu.vector_store %arg8[%swap3A_1065], %swap3A_1068 {strides = array<i32>} : memref<1600xi32, #tpu.memory_space<vmem>>, vector<16xi32>,
      %get3A_1069 = arith.constant 1200 : index
      %get3A_1070 = tpu.vector_load %arg7[%get3A_1069] {strides = array<i32>} : memref<1616xi32, #tpu.memory_space<vmem>>, vector<16xi32>,
      %get3A_1071 = vector.shape_cast %get3A_1070 : vector<16xi32> to vector<16xi32>
      %and3A_1072 = arith.andi %get3A_1071, %broadcast_in_dim3A_5 : vector<16xi32>
      %and3A_1073 = arith.andi %get3A_1071, %broadcast_in_dim3A_7 : vector<16xi32>
      %shift_left3A_1074 = arith.shli %and3A_1073, %broadcast_in_dim3A_13 : vector<16xi32>
      %shift_right_logical3A_1075 = arith.shrui %get3A_1071, %broadcast_in_dim3A_11 : vector<16xi32>
      %and3A_1076 = arith.andi %shift_right_logical3A_1075, %broadcast_in_dim3A_9 : vector<16xi32>
      %or3A_1077 = arith.ori %and3A_1072, %shift_left3A_1074 : vector<16xi32>
      %or3A_1078 = arith.ori %or3A_1077, %and3A_1076 : vector<16xi32>
      %swap3A_1079 = arith.constant 1200 : index
      %swap3A_1080 = tpu.vector_load %arg8[%swap3A_1079] {strides = array<i32>} : memref<1600xi32, #tpu.memory_space<vmem>>, vector<16xi32>,
      %swap3A_1081 = vector.shape_cast %swap3A_1080 : vector<16xi32> to vector<16xi32>
      %swap3A_1082 = vector.shape_cast %or3A_1078 : vector<16xi32> to vector<16xi32>
      tpu.vector_store %arg8[%swap3A_1079], %swap3A_1082 {strides = array<i32>} : memref<1600xi32, #tpu.memory_space<vmem>>, vector<16xi32>,
      %get3A_1083 = arith.constant 1216 : index
      %get3A_1084 = tpu.vector_load %arg7[%get3A_1083] {strides = array<i32>} : memref<1616xi32, #tpu.memory_space<vmem>>, vector<16xi32>,
      %get3A_1085 = vector.shape_cast %get3A_1084 : vector<16xi32> to vector<16xi32>
      %and3A_1086 = arith.andi %get3A_1085, %broadcast_in_dim3A_5 : vector<16xi32>
      %and3A_1087 = arith.andi %get3A_1085, %broadcast_in_dim3A_7 : vector<16xi32>
      %shift_left3A_1088 = arith.shli %and3A_1087, %broadcast_in_dim3A_13 : vector<16xi32>
      %shift_right_logical3A_1089 = arith.shrui %get3A_1085, %broadcast_in_dim3A_11 : vector<16xi32>
      %and3A_1090 = arith.andi %shift_right_logical3A_1089, %broadcast_in_dim3A_9 : vector<16xi32>
      %or3A_1091 = arith.ori %and3A_1086, %shift_left3A_1088 : vector<16xi32>
      %or3A_1092 = arith.ori %or3A_1091, %and3A_1090 : vector<16xi32>
      %swap3A_1093 = arith.constant 1216 : index
      %swap3A_1094 = tpu.vector_load %arg8[%swap3A_1093] {strides = array<i32>} : memref<1600xi32, #tpu.memory_space<vmem>>, vector<16xi32>,
      %swap3A_1095 = vector.shape_cast %swap3A_1094 : vector<16xi32> to vector<16xi32>
      %swap3A_1096 = vector.shape_cast %or3A_1092 : vector<16xi32> to vector<16xi32>
      tpu.vector_store %arg8[%swap3A_1093], %swap3A_1096 {strides = array<i32>} : memref<1600xi32, #tpu.memory_space<vmem>>, vector<16xi32>,
      %get3A_1097 = arith.constant 1232 : index
      %get3A_1098 = tpu.vector_load %arg7[%get3A_1097] {strides = array<i32>} : memref<1616xi32, #tpu.memory_space<vmem>>, vector<16xi32>,
      %get3A_1099 = vector.shape_cast %get3A_1098 : vector<16xi32> to vector<16xi32>
      %and3A_1100 = arith.andi %get3A_1099, %broadcast_in_dim3A_5 : vector<16xi32>
      %and3A_1101 = arith.andi %get3A_1099, %broadcast_in_dim3A_7 : vector<16xi32>
      %shift_left3A_1102 = arith.shli %and3A_1101, %broadcast_in_dim3A_13 : vector<16xi32>
      %shift_right_logical3A_1103 = arith.shrui %get3A_1099, %broadcast_in_dim3A_11 : vector<16xi32>
      %and3A_1104 = arith.andi %shift_right_logical3A_1103, %broadcast_in_dim3A_9 : vector<16xi32>
      %or3A_1105 = arith.ori %and3A_1100, %shift_left3A_1102 : vector<16xi32>
      %or3A_1106 = arith.ori %or3A_1105, %and3A_1104 : vector<16xi32>
      %swap3A_1107 = arith.constant 1232 : index
      %swap3A_1108 = tpu.vector_load %arg8[%swap3A_1107] {strides = array<i32>} : memref<1600xi32, #tpu.memory_space<vmem>>, vector<16xi32>,
      %swap3A_1109 = vector.shape_cast %swap3A_1108 : vector<16xi32> to vector<16xi32>
      %swap3A_1110 = vector.shape_cast %or3A_1106 : vector<16xi32> to vector<16xi32>
      tpu.vector_store %arg8[%swap3A_1107], %swap3A_1110 {strides = array<i32>} : memref<1600xi32, #tpu.memory_space<vmem>>, vector<16xi32>,
      %get3A_1111 = arith.constant 1248 : index
      %get3A_1112 = tpu.vector_load %arg7[%get3A_1111] {strides = array<i32>} : memref<1616xi32, #tpu.memory_space<vmem>>, vector<16xi32>,
      %get3A_1113 = vector.shape_cast %get3A_1112 : vector<16xi32> to vector<16xi32>
      %and3A_1114 = arith.andi %get3A_1113, %broadcast_in_dim3A_5 : vector<16xi32>
      %and3A_1115 = arith.andi %get3A_1113, %broadcast_in_dim3A_7 : vector<16xi32>
      %shift_left3A_1116 = arith.shli %and3A_1115, %broadcast_in_dim3A_13 : vector<16xi32>
      %shift_right_logical3A_1117 = arith.shrui %get3A_1113, %broadcast_in_dim3A_11 : vector<16xi32>
      %and3A_1118 = arith.andi %shift_right_logical3A_1117, %broadcast_in_dim3A_9 : vector<16xi32>
      %or3A_1119 = arith.ori %and3A_1114, %shift_left3A_1116 : vector<16xi32>
      %or3A_1120 = arith.ori %or3A_1119, %and3A_1118 : vector<16xi32>
      %swap3A_1121 = arith.constant 1248 : index
      %swap3A_1122 = tpu.vector_load %arg8[%swap3A_1121] {strides = array<i32>} : memref<1600xi32, #tpu.memory_space<vmem>>, vector<16xi32>,
      %swap3A_1123 = vector.shape_cast %swap3A_1122 : vector<16xi32> to vector<16xi32>
      %swap3A_1124 = vector.shape_cast %or3A_1120 : vector<16xi32> to vector<16xi32>
      tpu.vector_store %arg8[%swap3A_1121], %swap3A_1124 {strides = array<i32>} : memref<1600xi32, #tpu.memory_space<vmem>>, vector<16xi32>,
      %get3A_1125 = arith.constant 1264 : index
      %get3A_1126 = tpu.vector_load %arg7[%get3A_1125] {strides = array<i32>} : memref<1616xi32, #tpu.memory_space<vmem>>, vector<16xi32>,
      %get3A_1127 = vector.shape_cast %get3A_1126 : vector<16xi32> to vector<16xi32>
      %and3A_1128 = arith.andi %get3A_1127, %broadcast_in_dim3A_5 : vector<16xi32>
      %and3A_1129 = arith.andi %get3A_1127, %broadcast_in_dim3A_7 : vector<16xi32>
      %shift_left3A_1130 = arith.shli %and3A_1129, %broadcast_in_dim3A_13 : vector<16xi32>
      %shift_right_logical3A_1131 = arith.shrui %get3A_1127, %broadcast_in_dim3A_11 : vector<16xi32>
      %and3A_1132 = arith.andi %shift_right_logical3A_1131, %broadcast_in_dim3A_9 : vector<16xi32>
      %or3A_1133 = arith.ori %and3A_1128, %shift_left3A_1130 : vector<16xi32>
      %or3A_1134 = arith.ori %or3A_1133, %and3A_1132 : vector<16xi32>
      %swap3A_1135 = arith.constant 1264 : index
      %swap3A_1136 = tpu.vector_load %arg8[%swap3A_1135] {strides = array<i32>} : memref<1600xi32, #tpu.memory_space<vmem>>, vector<16xi32>,
      %swap3A_1137 = vector.shape_cast %swap3A_1136 : vector<16xi32> to vector<16xi32>
      %swap3A_1138 = vector.shape_cast %or3A_1134 : vector<16xi32> to vector<16xi32>
      tpu.vector_store %arg8[%swap3A_1135], %swap3A_1138 {strides = array<i32>} : memref<1600xi32, #tpu.memory_space<vmem>>, vector<16xi32>,
      %get3A_1139 = arith.constant 1280 : index
      %get3A_1140 = tpu.vector_load %arg7[%get3A_1139] {strides = array<i32>} : memref<1616xi32, #tpu.memory_space<vmem>>, vector<16xi32>,
      %get3A_1141 = vector.shape_cast %get3A_1140 : vector<16xi32> to vector<16xi32>
      %and3A_1142 = arith.andi %get3A_1141, %broadcast_in_dim3A_5 : vector<16xi32>
      %and3A_1143 = arith.andi %get3A_1141, %broadcast_in_dim3A_7 : vector<16xi32>
      %shift_left3A_1144 = arith.shli %and3A_1143, %broadcast_in_dim3A_13 : vector<16xi32>
      %shift_right_logical3A_1145 = arith.shrui %get3A_1141, %broadcast_in_dim3A_11 : vector<16xi32>
      %and3A_1146 = arith.andi %shift_right_logical3A_1145, %broadcast_in_dim3A_9 : vector<16xi32>
      %or3A_1147 = arith.ori %and3A_1142, %shift_left3A_1144 : vector<16xi32>
      %or3A_1148 = arith.ori %or3A_1147, %and3A_1146 : vector<16xi32>
      %swap3A_1149 = arith.constant 1280 : index
      %swap3A_1150 = tpu.vector_load %arg8[%swap3A_1149] {strides = array<i32>} : memref<1600xi32, #tpu.memory_space<vmem>>, vector<16xi32>,
      %swap3A_1151 = vector.shape_cast %swap3A_1150 : vector<16xi32> to vector<16xi32>
      %swap3A_1152 = vector.shape_cast %or3A_1148 : vector<16xi32> to vector<16xi32>
      tpu.vector_store %arg8[%swap3A_1149], %swap3A_1152 {strides = array<i32>} : memref<1600xi32, #tpu.memory_space<vmem>>, vector<16xi32>,
      %get3A_1153 = arith.constant 1296 : index
      %get3A_1154 = tpu.vector_load %arg7[%get3A_1153] {strides = array<i32>} : memref<1616xi32, #tpu.memory_space<vmem>>, vector<16xi32>,
      %get3A_1155 = vector.shape_cast %get3A_1154 : vector<16xi32> to vector<16xi32>
      %and3A_1156 = arith.andi %get3A_1155, %broadcast_in_dim3A_5 : vector<16xi32>
      %and3A_1157 = arith.andi %get3A_1155, %broadcast_in_dim3A_7 : vector<16xi32>
      %shift_left3A_1158 = arith.shli %and3A_1157, %broadcast_in_dim3A_13 : vector<16xi32>
      %shift_right_logical3A_1159 = arith.shrui %get3A_1155, %broadcast_in_dim3A_11 : vector<16xi32>
      %and3A_1160 = arith.andi %shift_right_logical3A_1159, %broadcast_in_dim3A_9 : vector<16xi32>
      %or3A_1161 = arith.ori %and3A_1156, %shift_left3A_1158 : vector<16xi32>
      %or3A_1162 = arith.ori %or3A_1161, %and3A_1160 : vector<16xi32>
      %swap3A_1163 = arith.constant 1296 : index
      %swap3A_1164 = tpu.vector_load %arg8[%swap3A_1163] {strides = array<i32>} : memref<1600xi32, #tpu.memory_space<vmem>>, vector<16xi32>,
      %swap3A_1165 = vector.shape_cast %swap3A_1164 : vector<16xi32> to vector<16xi32>
      %swap3A_1166 = vector.shape_cast %or3A_1162 : vector<16xi32> to vector<16xi32>
      tpu.vector_store %arg8[%swap3A_1163], %swap3A_1166 {strides = array<i32>} : memref<1600xi32, #tpu.memory_space<vmem>>, vector<16xi32>,
      %get3A_1167 = arith.constant 1312 : index
      %get3A_1168 = tpu.vector_load %arg7[%get3A_1167] {strides = array<i32>} : memref<1616xi32, #tpu.memory_space<vmem>>, vector<16xi32>,
      %get3A_1169 = vector.shape_cast %get3A_1168 : vector<16xi32> to vector<16xi32>
      %and3A_1170 = arith.andi %get3A_1169, %broadcast_in_dim3A_5 : vector<16xi32>
      %and3A_1171 = arith.andi %get3A_1169, %broadcast_in_dim3A_7 : vector<16xi32>
      %shift_left3A_1172 = arith.shli %and3A_1171, %broadcast_in_dim3A_13 : vector<16xi32>
      %shift_right_logical3A_1173 = arith.shrui %get3A_1169, %broadcast_in_dim3A_11 : vector<16xi32>
      %and3A_1174 = arith.andi %shift_right_logical3A_1173, %broadcast_in_dim3A_9 : vector<16xi32>
      %or3A_1175 = arith.ori %and3A_1170, %shift_left3A_1172 : vector<16xi32>
      %or3A_1176 = arith.ori %or3A_1175, %and3A_1174 : vector<16xi32>
      %swap3A_1177 = arith.constant 1312 : index
      %swap3A_1178 = tpu.vector_load %arg8[%swap3A_1177] {strides = array<i32>} : memref<1600xi32, #tpu.memory_space<vmem>>, vector<16xi32>,
      %swap3A_1179 = vector.shape_cast %swap3A_1178 : vector<16xi32> to vector<16xi32>
      %swap3A_1180 = vector.shape_cast %or3A_1176 : vector<16xi32> to vector<16xi32>
      tpu.vector_store %arg8[%swap3A_1177], %swap3A_1180 {strides = array<i32>} : memref<1600xi32, #tpu.memory_space<vmem>>, vector<16xi32>,
      %get3A_1181 = arith.constant 1328 : index
      %get3A_1182 = tpu.vector_load %arg7[%get3A_1181] {strides = array<i32>} : memref<1616xi32, #tpu.memory_space<vmem>>, vector<16xi32>,
      %get3A_1183 = vector.shape_cast %get3A_1182 : vector<16xi32> to vector<16xi32>
      %and3A_1184 = arith.andi %get3A_1183, %broadcast_in_dim3A_5 : vector<16xi32>
      %and3A_1185 = arith.andi %get3A_1183, %broadcast_in_dim3A_7 : vector<16xi32>
      %shift_left3A_1186 = arith.shli %and3A_1185, %broadcast_in_dim3A_13 : vector<16xi32>
      %shift_right_logical3A_1187 = arith.shrui %get3A_1183, %broadcast_in_dim3A_11 : vector<16xi32>
      %and3A_1188 = arith.andi %shift_right_logical3A_1187, %broadcast_in_dim3A_9 : vector<16xi32>
      %or3A_1189 = arith.ori %and3A_1184, %shift_left3A_1186 : vector<16xi32>
      %or3A_1190 = arith.ori %or3A_1189, %and3A_1188 : vector<16xi32>
      %swap3A_1191 = arith.constant 1328 : index
      %swap3A_1192 = tpu.vector_load %arg8[%swap3A_1191] {strides = array<i32>} : memref<1600xi32, #tpu.memory_space<vmem>>, vector<16xi32>,
      %swap3A_1193 = vector.shape_cast %swap3A_1192 : vector<16xi32> to vector<16xi32>
      %swap3A_1194 = vector.shape_cast %or3A_1190 : vector<16xi32> to vector<16xi32>
      tpu.vector_store %arg8[%swap3A_1191], %swap3A_1194 {strides = array<i32>} : memref<1600xi32, #tpu.memory_space<vmem>>, vector<16xi32>,
      %get3A_1195 = arith.constant 1344 : index
      %get3A_1196 = tpu.vector_load %arg7[%get3A_1195] {strides = array<i32>} : memref<1616xi32, #tpu.memory_space<vmem>>, vector<16xi32>,
      %get3A_1197 = vector.shape_cast %get3A_1196 : vector<16xi32> to vector<16xi32>
      %and3A_1198 = arith.andi %get3A_1197, %broadcast_in_dim3A_5 : vector<16xi32>
      %and3A_1199 = arith.andi %get3A_1197, %broadcast_in_dim3A_7 : vector<16xi32>
      %shift_left3A_1200 = arith.shli %and3A_1199, %broadcast_in_dim3A_13 : vector<16xi32>
      %shift_right_logical3A_1201 = arith.shrui %get3A_1197, %broadcast_in_dim3A_11 : vector<16xi32>
      %and3A_1202 = arith.andi %shift_right_logical3A_1201, %broadcast_in_dim3A_9 : vector<16xi32>
      %or3A_1203 = arith.ori %and3A_1198, %shift_left3A_1200 : vector<16xi32>
      %or3A_1204 = arith.ori %or3A_1203, %and3A_1202 : vector<16xi32>
      %swap3A_1205 = arith.constant 1344 : index
      %swap3A_1206 = tpu.vector_load %arg8[%swap3A_1205] {strides = array<i32>} : memref<1600xi32, #tpu.memory_space<vmem>>, vector<16xi32>,
      %swap3A_1207 = vector.shape_cast %swap3A_1206 : vector<16xi32> to vector<16xi32>
      %swap3A_1208 = vector.shape_cast %or3A_1204 : vector<16xi32> to vector<16xi32>
      tpu.vector_store %arg8[%swap3A_1205], %swap3A_1208 {strides = array<i32>} : memref<1600xi32, #tpu.memory_space<vmem>>, vector<16xi32>,
      %get3A_1209 = arith.constant 1360 : index
      %get3A_1210 = tpu.vector_load %arg7[%get3A_1209] {strides = array<i32>} : memref<1616xi32, #tpu.memory_space<vmem>>, vector<16xi32>,
      %get3A_1211 = vector.shape_cast %get3A_1210 : vector<16xi32> to vector<16xi32>
      %and3A_1212 = arith.andi %get3A_1211, %broadcast_in_dim3A_5 : vector<16xi32>
      %and3A_1213 = arith.andi %get3A_1211, %broadcast_in_dim3A_7 : vector<16xi32>
      %shift_left3A_1214 = arith.shli %and3A_1213, %broadcast_in_dim3A_13 : vector<16xi32>
      %shift_right_logical3A_1215 = arith.shrui %get3A_1211, %broadcast_in_dim3A_11 : vector<16xi32>
      %and3A_1216 = arith.andi %shift_right_logical3A_1215, %broadcast_in_dim3A_9 : vector<16xi32>
      %or3A_1217 = arith.ori %and3A_1212, %shift_left3A_1214 : vector<16xi32>
      %or3A_1218 = arith.ori %or3A_1217, %and3A_1216 : vector<16xi32>
      %swap3A_1219 = arith.constant 1360 : index
      %swap3A_1220 = tpu.vector_load %arg8[%swap3A_1219] {strides = array<i32>} : memref<1600xi32, #tpu.memory_space<vmem>>, vector<16xi32>,
      %swap3A_1221 = vector.shape_cast %swap3A_1220 : vector<16xi32> to vector<16xi32>
      %swap3A_1222 = vector.shape_cast %or3A_1218 : vector<16xi32> to vector<16xi32>
      tpu.vector_store %arg8[%swap3A_1219], %swap3A_1222 {strides = array<i32>} : memref<1600xi32, #tpu.memory_space<vmem>>, vector<16xi32>,
      %get3A_1223 = arith.constant 1376 : index
      %get3A_1224 = tpu.vector_load %arg7[%get3A_1223] {strides = array<i32>} : memref<1616xi32, #tpu.memory_space<vmem>>, vector<16xi32>,
      %get3A_1225 = vector.shape_cast %get3A_1224 : vector<16xi32> to vector<16xi32>
      %and3A_1226 = arith.andi %get3A_1225, %broadcast_in_dim3A_5 : vector<16xi32>
      %and3A_1227 = arith.andi %get3A_1225, %broadcast_in_dim3A_7 : vector<16xi32>
      %shift_left3A_1228 = arith.shli %and3A_1227, %broadcast_in_dim3A_13 : vector<16xi32>
      %shift_right_logical3A_1229 = arith.shrui %get3A_1225, %broadcast_in_dim3A_11 : vector<16xi32>
      %and3A_1230 = arith.andi %shift_right_logical3A_1229, %broadcast_in_dim3A_9 : vector<16xi32>
      %or3A_1231 = arith.ori %and3A_1226, %shift_left3A_1228 : vector<16xi32>
      %or3A_1232 = arith.ori %or3A_1231, %and3A_1230 : vector<16xi32>
      %swap3A_1233 = arith.constant 1376 : index
      %swap3A_1234 = tpu.vector_load %arg8[%swap3A_1233] {strides = array<i32>} : memref<1600xi32, #tpu.memory_space<vmem>>, vector<16xi32>,
      %swap3A_1235 = vector.shape_cast %swap3A_1234 : vector<16xi32> to vector<16xi32>
      %swap3A_1236 = vector.shape_cast %or3A_1232 : vector<16xi32> to vector<16xi32>
      tpu.vector_store %arg8[%swap3A_1233], %swap3A_1236 {strides = array<i32>} : memref<1600xi32, #tpu.memory_space<vmem>>, vector<16xi32>,
      %get3A_1237 = arith.constant 1392 : index
      %get3A_1238 = tpu.vector_load %arg7[%get3A_1237] {strides = array<i32>} : memref<1616xi32, #tpu.memory_space<vmem>>, vector<16xi32>,
      %get3A_1239 = vector.shape_cast %get3A_1238 : vector<16xi32> to vector<16xi32>
      %and3A_1240 = arith.andi %get3A_1239, %broadcast_in_dim3A_5 : vector<16xi32>
      %and3A_1241 = arith.andi %get3A_1239, %broadcast_in_dim3A_7 : vector<16xi32>
      %shift_left3A_1242 = arith.shli %and3A_1241, %broadcast_in_dim3A_13 : vector<16xi32>
      %shift_right_logical3A_1243 = arith.shrui %get3A_1239, %broadcast_in_dim3A_11 : vector<16xi32>
      %and3A_1244 = arith.andi %shift_right_logical3A_1243, %broadcast_in_dim3A_9 : vector<16xi32>
      %or3A_1245 = arith.ori %and3A_1240, %shift_left3A_1242 : vector<16xi32>
      %or3A_1246 = arith.ori %or3A_1245, %and3A_1244 : vector<16xi32>
      %swap3A_1247 = arith.constant 1392 : index
      %swap3A_1248 = tpu.vector_load %arg8[%swap3A_1247] {strides = array<i32>} : memref<1600xi32, #tpu.memory_space<vmem>>, vector<16xi32>,
      %swap3A_1249 = vector.shape_cast %swap3A_1248 : vector<16xi32> to vector<16xi32>
      %swap3A_1250 = vector.shape_cast %or3A_1246 : vector<16xi32> to vector<16xi32>
      tpu.vector_store %arg8[%swap3A_1247], %swap3A_1250 {strides = array<i32>} : memref<1600xi32, #tpu.memory_space<vmem>>, vector<16xi32>,
      %get3A_1251 = arith.constant 1408 : index
      %get3A_1252 = tpu.vector_load %arg7[%get3A_1251] {strides = array<i32>} : memref<1616xi32, #tpu.memory_space<vmem>>, vector<16xi32>,
      %get3A_1253 = vector.shape_cast %get3A_1252 : vector<16xi32> to vector<16xi32>
      %and3A_1254 = arith.andi %get3A_1253, %broadcast_in_dim3A_5 : vector<16xi32>
      %and3A_1255 = arith.andi %get3A_1253, %broadcast_in_dim3A_7 : vector<16xi32>
      %shift_left3A_1256 = arith.shli %and3A_1255, %broadcast_in_dim3A_13 : vector<16xi32>
      %shift_right_logical3A_1257 = arith.shrui %get3A_1253, %broadcast_in_dim3A_11 : vector<16xi32>
      %and3A_1258 = arith.andi %shift_right_logical3A_1257, %broadcast_in_dim3A_9 : vector<16xi32>
      %or3A_1259 = arith.ori %and3A_1254, %shift_left3A_1256 : vector<16xi32>
      %or3A_1260 = arith.ori %or3A_1259, %and3A_1258 : vector<16xi32>
      %swap3A_1261 = arith.constant 1408 : index
      %swap3A_1262 = tpu.vector_load %arg8[%swap3A_1261] {strides = array<i32>} : memref<1600xi32, #tpu.memory_space<vmem>>, vector<16xi32>,
      %swap3A_1263 = vector.shape_cast %swap3A_1262 : vector<16xi32> to vector<16xi32>
      %swap3A_1264 = vector.shape_cast %or3A_1260 : vector<16xi32> to vector<16xi32>
      tpu.vector_store %arg8[%swap3A_1261], %swap3A_1264 {strides = array<i32>} : memref<1600xi32, #tpu.memory_space<vmem>>, vector<16xi32>,
      %get3A_1265 = arith.constant 1424 : index
      %get3A_1266 = tpu.vector_load %arg7[%get3A_1265] {strides = array<i32>} : memref<1616xi32, #tpu.memory_space<vmem>>, vector<16xi32>,
      %get3A_1267 = vector.shape_cast %get3A_1266 : vector<16xi32> to vector<16xi32>
      %and3A_1268 = arith.andi %get3A_1267, %broadcast_in_dim3A_5 : vector<16xi32>
      %and3A_1269 = arith.andi %get3A_1267, %broadcast_in_dim3A_7 : vector<16xi32>
      %shift_left3A_1270 = arith.shli %and3A_1269, %broadcast_in_dim3A_13 : vector<16xi32>
      %shift_right_logical3A_1271 = arith.shrui %get3A_1267, %broadcast_in_dim3A_11 : vector<16xi32>
      %and3A_1272 = arith.andi %shift_right_logical3A_1271, %broadcast_in_dim3A_9 : vector<16xi32>
      %or3A_1273 = arith.ori %and3A_1268, %shift_left3A_1270 : vector<16xi32>
      %or3A_1274 = arith.ori %or3A_1273, %and3A_1272 : vector<16xi32>
      %swap3A_1275 = arith.constant 1424 : index
      %swap3A_1276 = tpu.vector_load %arg8[%swap3A_1275] {strides = array<i32>} : memref<1600xi32, #tpu.memory_space<vmem>>, vector<16xi32>,
      %swap3A_1277 = vector.shape_cast %swap3A_1276 : vector<16xi32> to vector<16xi32>
      %swap3A_1278 = vector.shape_cast %or3A_1274 : vector<16xi32> to vector<16xi32>
      tpu.vector_store %arg8[%swap3A_1275], %swap3A_1278 {strides = array<i32>} : memref<1600xi32, #tpu.memory_space<vmem>>, vector<16xi32>,
      %get3A_1279 = arith.constant 1440 : index
      %get3A_1280 = tpu.vector_load %arg7[%get3A_1279] {strides = array<i32>} : memref<1616xi32, #tpu.memory_space<vmem>>, vector<16xi32>,
      %get3A_1281 = vector.shape_cast %get3A_1280 : vector<16xi32> to vector<16xi32>
      %and3A_1282 = arith.andi %get3A_1281, %broadcast_in_dim3A_5 : vector<16xi32>
      %and3A_1283 = arith.andi %get3A_1281, %broadcast_in_dim3A_7 : vector<16xi32>
      %shift_left3A_1284 = arith.shli %and3A_1283, %broadcast_in_dim3A_13 : vector<16xi32>
      %shift_right_logical3A_1285 = arith.shrui %get3A_1281, %broadcast_in_dim3A_11 : vector<16xi32>
      %and3A_1286 = arith.andi %shift_right_logical3A_1285, %broadcast_in_dim3A_9 : vector<16xi32>
      %or3A_1287 = arith.ori %and3A_1282, %shift_left3A_1284 : vector<16xi32>
      %or3A_1288 = arith.ori %or3A_1287, %and3A_1286 : vector<16xi32>
      %swap3A_1289 = arith.constant 1440 : index
      %swap3A_1290 = tpu.vector_load %arg8[%swap3A_1289] {strides = array<i32>} : memref<1600xi32, #tpu.memory_space<vmem>>, vector<16xi32>,
      %swap3A_1291 = vector.shape_cast %swap3A_1290 : vector<16xi32> to vector<16xi32>
      %swap3A_1292 = vector.shape_cast %or3A_1288 : vector<16xi32> to vector<16xi32>
      tpu.vector_store %arg8[%swap3A_1289], %swap3A_1292 {strides = array<i32>} : memref<1600xi32, #tpu.memory_space<vmem>>, vector<16xi32>,
      %get3A_1293 = arith.constant 1456 : index
      %get3A_1294 = tpu.vector_load %arg7[%get3A_1293] {strides = array<i32>} : memref<1616xi32, #tpu.memory_space<vmem>>, vector<16xi32>,
      %get3A_1295 = vector.shape_cast %get3A_1294 : vector<16xi32> to vector<16xi32>
      %and3A_1296 = arith.andi %get3A_1295, %broadcast_in_dim3A_5 : vector<16xi32>
      %and3A_1297 = arith.andi %get3A_1295, %broadcast_in_dim3A_7 : vector<16xi32>
      %shift_left3A_1298 = arith.shli %and3A_1297, %broadcast_in_dim3A_13 : vector<16xi32>
      %shift_right_logical3A_1299 = arith.shrui %get3A_1295, %broadcast_in_dim3A_11 : vector<16xi32>
      %and3A_1300 = arith.andi %shift_right_logical3A_1299, %broadcast_in_dim3A_9 : vector<16xi32>
      %or3A_1301 = arith.ori %and3A_1296, %shift_left3A_1298 : vector<16xi32>
      %or3A_1302 = arith.ori %or3A_1301, %and3A_1300 : vector<16xi32>
      %swap3A_1303 = arith.constant 1456 : index
      %swap3A_1304 = tpu.vector_load %arg8[%swap3A_1303] {strides = array<i32>} : memref<1600xi32, #tpu.memory_space<vmem>>, vector<16xi32>,
      %swap3A_1305 = vector.shape_cast %swap3A_1304 : vector<16xi32> to vector<16xi32>
      %swap3A_1306 = vector.shape_cast %or3A_1302 : vector<16xi32> to vector<16xi32>
      tpu.vector_store %arg8[%swap3A_1303], %swap3A_1306 {strides = array<i32>} : memref<1600xi32, #tpu.memory_space<vmem>>, vector<16xi32>,
      %get3A_1307 = arith.constant 1472 : index
      %get3A_1308 = tpu.vector_load %arg7[%get3A_1307] {strides = array<i32>} : memref<1616xi32, #tpu.memory_space<vmem>>, vector<16xi32>,
      %get3A_1309 = vector.shape_cast %get3A_1308 : vector<16xi32> to vector<16xi32>
      %and3A_1310 = arith.andi %get3A_1309, %broadcast_in_dim3A_5 : vector<16xi32>
      %and3A_1311 = arith.andi %get3A_1309, %broadcast_in_dim3A_7 : vector<16xi32>
      %shift_left3A_1312 = arith.shli %and3A_1311, %broadcast_in_dim3A_13 : vector<16xi32>
      %shift_right_logical3A_1313 = arith.shrui %get3A_1309, %broadcast_in_dim3A_11 : vector<16xi32>
      %and3A_1314 = arith.andi %shift_right_logical3A_1313, %broadcast_in_dim3A_9 : vector<16xi32>
      %or3A_1315 = arith.ori %and3A_1310, %shift_left3A_1312 : vector<16xi32>
      %or3A_1316 = arith.ori %or3A_1315, %and3A_1314 : vector<16xi32>
      %swap3A_1317 = arith.constant 1472 : index
      %swap3A_1318 = tpu.vector_load %arg8[%swap3A_1317] {strides = array<i32>} : memref<1600xi32, #tpu.memory_space<vmem>>, vector<16xi32>,
      %swap3A_1319 = vector.shape_cast %swap3A_1318 : vector<16xi32> to vector<16xi32>
      %swap3A_1320 = vector.shape_cast %or3A_1316 : vector<16xi32> to vector<16xi32>
      tpu.vector_store %arg8[%swap3A_1317], %swap3A_1320 {strides = array<i32>} : memref<1600xi32, #tpu.memory_space<vmem>>, vector<16xi32>,
      %get3A_1321 = arith.constant 1488 : index
      %get3A_1322 = tpu.vector_load %arg7[%get3A_1321] {strides = array<i32>} : memref<1616xi32, #tpu.memory_space<vmem>>, vector<16xi32>,
      %get3A_1323 = vector.shape_cast %get3A_1322 : vector<16xi32> to vector<16xi32>
      %and3A_1324 = arith.andi %get3A_1323, %broadcast_in_dim3A_5 : vector<16xi32>
      %and3A_1325 = arith.andi %get3A_1323, %broadcast_in_dim3A_7 : vector<16xi32>
      %shift_left3A_1326 = arith.shli %and3A_1325, %broadcast_in_dim3A_13 : vector<16xi32>
      %shift_right_logical3A_1327 = arith.shrui %get3A_1323, %broadcast_in_dim3A_11 : vector<16xi32>
      %and3A_1328 = arith.andi %shift_right_logical3A_1327, %broadcast_in_dim3A_9 : vector<16xi32>
      %or3A_1329 = arith.ori %and3A_1324, %shift_left3A_1326 : vector<16xi32>
      %or3A_1330 = arith.ori %or3A_1329, %and3A_1328 : vector<16xi32>
      %swap3A_1331 = arith.constant 1488 : index
      %swap3A_1332 = tpu.vector_load %arg8[%swap3A_1331] {strides = array<i32>} : memref<1600xi32, #tpu.memory_space<vmem>>, vector<16xi32>,
      %swap3A_1333 = vector.shape_cast %swap3A_1332 : vector<16xi32> to vector<16xi32>
      %swap3A_1334 = vector.shape_cast %or3A_1330 : vector<16xi32> to vector<16xi32>
      tpu.vector_store %arg8[%swap3A_1331], %swap3A_1334 {strides = array<i32>} : memref<1600xi32, #tpu.memory_space<vmem>>, vector<16xi32>,
      %get3A_1335 = arith.constant 1504 : index
      %get3A_1336 = tpu.vector_load %arg7[%get3A_1335] {strides = array<i32>} : memref<1616xi32, #tpu.memory_space<vmem>>, vector<16xi32>,
      %get3A_1337 = vector.shape_cast %get3A_1336 : vector<16xi32> to vector<16xi32>
      %and3A_1338 = arith.andi %get3A_1337, %broadcast_in_dim3A_5 : vector<16xi32>
      %and3A_1339 = arith.andi %get3A_1337, %broadcast_in_dim3A_7 : vector<16xi32>
      %shift_left3A_1340 = arith.shli %and3A_1339, %broadcast_in_dim3A_13 : vector<16xi32>
      %shift_right_logical3A_1341 = arith.shrui %get3A_1337, %broadcast_in_dim3A_11 : vector<16xi32>
      %and3A_1342 = arith.andi %shift_right_logical3A_1341, %broadcast_in_dim3A_9 : vector<16xi32>
      %or3A_1343 = arith.ori %and3A_1338, %shift_left3A_1340 : vector<16xi32>
      %or3A_1344 = arith.ori %or3A_1343, %and3A_1342 : vector<16xi32>
      %swap3A_1345 = arith.constant 1504 : index
      %swap3A_1346 = tpu.vector_load %arg8[%swap3A_1345] {strides = array<i32>} : memref<1600xi32, #tpu.memory_space<vmem>>, vector<16xi32>,
      %swap3A_1347 = vector.shape_cast %swap3A_1346 : vector<16xi32> to vector<16xi32>
      %swap3A_1348 = vector.shape_cast %or3A_1344 : vector<16xi32> to vector<16xi32>
      tpu.vector_store %arg8[%swap3A_1345], %swap3A_1348 {strides = array<i32>} : memref<1600xi32, #tpu.memory_space<vmem>>, vector<16xi32>,
      %get3A_1349 = arith.constant 1520 : index
      %get3A_1350 = tpu.vector_load %arg7[%get3A_1349] {strides = array<i32>} : memref<1616xi32, #tpu.memory_space<vmem>>, vector<16xi32>,
      %get3A_1351 = vector.shape_cast %get3A_1350 : vector<16xi32> to vector<16xi32>
      %and3A_1352 = arith.andi %get3A_1351, %broadcast_in_dim3A_5 : vector<16xi32>
      %and3A_1353 = arith.andi %get3A_1351, %broadcast_in_dim3A_7 : vector<16xi32>
      %shift_left3A_1354 = arith.shli %and3A_1353, %broadcast_in_dim3A_13 : vector<16xi32>
      %shift_right_logical3A_1355 = arith.shrui %get3A_1351, %broadcast_in_dim3A_11 : vector<16xi32>
      %and3A_1356 = arith.andi %shift_right_logical3A_1355, %broadcast_in_dim3A_9 : vector<16xi32>
      %or3A_1357 = arith.ori %and3A_1352, %shift_left3A_1354 : vector<16xi32>
      %or3A_1358 = arith.ori %or3A_1357, %and3A_1356 : vector<16xi32>
      %swap3A_1359 = arith.constant 1520 : index
      %swap3A_1360 = tpu.vector_load %arg8[%swap3A_1359] {strides = array<i32>} : memref<1600xi32, #tpu.memory_space<vmem>>, vector<16xi32>,
      %swap3A_1361 = vector.shape_cast %swap3A_1360 : vector<16xi32> to vector<16xi32>
      %swap3A_1362 = vector.shape_cast %or3A_1358 : vector<16xi32> to vector<16xi32>
      tpu.vector_store %arg8[%swap3A_1359], %swap3A_1362 {strides = array<i32>} : memref<1600xi32, #tpu.memory_space<vmem>>, vector<16xi32>,
      %get3A_1363 = arith.constant 1536 : index
      %get3A_1364 = tpu.vector_load %arg7[%get3A_1363] {strides = array<i32>} : memref<1616xi32, #tpu.memory_space<vmem>>, vector<16xi32>,
      %get3A_1365 = vector.shape_cast %get3A_1364 : vector<16xi32> to vector<16xi32>
      %and3A_1366 = arith.andi %get3A_1365, %broadcast_in_dim3A_5 : vector<16xi32>
      %and3A_1367 = arith.andi %get3A_1365, %broadcast_in_dim3A_7 : vector<16xi32>
      %shift_left3A_1368 = arith.shli %and3A_1367, %broadcast_in_dim3A_13 : vector<16xi32>
      %shift_right_logical3A_1369 = arith.shrui %get3A_1365, %broadcast_in_dim3A_11 : vector<16xi32>
      %and3A_1370 = arith.andi %shift_right_logical3A_1369, %broadcast_in_dim3A_9 : vector<16xi32>
      %or3A_1371 = arith.ori %and3A_1366, %shift_left3A_1368 : vector<16xi32>
      %or3A_1372 = arith.ori %or3A_1371, %and3A_1370 : vector<16xi32>
      %swap3A_1373 = arith.constant 1536 : index
      %swap3A_1374 = tpu.vector_load %arg8[%swap3A_1373] {strides = array<i32>} : memref<1600xi32, #tpu.memory_space<vmem>>, vector<16xi32>,
      %swap3A_1375 = vector.shape_cast %swap3A_1374 : vector<16xi32> to vector<16xi32>
      %swap3A_1376 = vector.shape_cast %or3A_1372 : vector<16xi32> to vector<16xi32>
      tpu.vector_store %arg8[%swap3A_1373], %swap3A_1376 {strides = array<i32>} : memref<1600xi32, #tpu.memory_space<vmem>>, vector<16xi32>,
      %get3A_1377 = arith.constant 1552 : index
      %get3A_1378 = tpu.vector_load %arg7[%get3A_1377] {strides = array<i32>} : memref<1616xi32, #tpu.memory_space<vmem>>, vector<16xi32>,
      %get3A_1379 = vector.shape_cast %get3A_1378 : vector<16xi32> to vector<16xi32>
      %and3A_1380 = arith.andi %get3A_1379, %broadcast_in_dim3A_5 : vector<16xi32>
      %and3A_1381 = arith.andi %get3A_1379, %broadcast_in_dim3A_7 : vector<16xi32>
      %shift_left3A_1382 = arith.shli %and3A_1381, %broadcast_in_dim3A_13 : vector<16xi32>
      %shift_right_logical3A_1383 = arith.shrui %get3A_1379, %broadcast_in_dim3A_11 : vector<16xi32>
      %and3A_1384 = arith.andi %shift_right_logical3A_1383, %broadcast_in_dim3A_9 : vector<16xi32>
      %or3A_1385 = arith.ori %and3A_1380, %shift_left3A_1382 : vector<16xi32>
      %or3A_1386 = arith.ori %or3A_1385, %and3A_1384 : vector<16xi32>
      %swap3A_1387 = arith.constant 1552 : index
      %swap3A_1388 = tpu.vector_load %arg8[%swap3A_1387] {strides = array<i32>} : memref<1600xi32, #tpu.memory_space<vmem>>, vector<16xi32>,
      %swap3A_1389 = vector.shape_cast %swap3A_1388 : vector<16xi32> to vector<16xi32>
      %swap3A_1390 = vector.shape_cast %or3A_1386 : vector<16xi32> to vector<16xi32>
      tpu.vector_store %arg8[%swap3A_1387], %swap3A_1390 {strides = array<i32>} : memref<1600xi32, #tpu.memory_space<vmem>>, vector<16xi32>,
      %get3A_1391 = arith.constant 1568 : index
      %get3A_1392 = tpu.vector_load %arg7[%get3A_1391] {strides = array<i32>} : memref<1616xi32, #tpu.memory_space<vmem>>, vector<16xi32>,
      %get3A_1393 = vector.shape_cast %get3A_1392 : vector<16xi32> to vector<16xi32>
      %and3A_1394 = arith.andi %get3A_1393, %broadcast_in_dim3A_5 : vector<16xi32>
      %and3A_1395 = arith.andi %get3A_1393, %broadcast_in_dim3A_7 : vector<16xi32>
      %shift_left3A_1396 = arith.shli %and3A_1395, %broadcast_in_dim3A_13 : vector<16xi32>
      %shift_right_logical3A_1397 = arith.shrui %get3A_1393, %broadcast_in_dim3A_11 : vector<16xi32>
      %and3A_1398 = arith.andi %shift_right_logical3A_1397, %broadcast_in_dim3A_9 : vector<16xi32>
      %or3A_1399 = arith.ori %and3A_1394, %shift_left3A_1396 : vector<16xi32>
      %or3A_1400 = arith.ori %or3A_1399, %and3A_1398 : vector<16xi32>
      %swap3A_1401 = arith.constant 1568 : index
      %swap3A_1402 = tpu.vector_load %arg8[%swap3A_1401] {strides = array<i32>} : memref<1600xi32, #tpu.memory_space<vmem>>, vector<16xi32>,
      %swap3A_1403 = vector.shape_cast %swap3A_1402 : vector<16xi32> to vector<16xi32>
      %swap3A_1404 = vector.shape_cast %or3A_1400 : vector<16xi32> to vector<16xi32>
      tpu.vector_store %arg8[%swap3A_1401], %swap3A_1404 {strides = array<i32>} : memref<1600xi32, #tpu.memory_space<vmem>>, vector<16xi32>,
      %get3A_1405 = arith.constant 1584 : index
      %get3A_1406 = tpu.vector_load %arg7[%get3A_1405] {strides = array<i32>} : memref<1616xi32, #tpu.memory_space<vmem>>, vector<16xi32>,
      %get3A_1407 = vector.shape_cast %get3A_1406 : vector<16xi32> to vector<16xi32>
      %and3A_1408 = arith.andi %get3A_1407, %broadcast_in_dim3A_5 : vector<16xi32>
      %and3A_1409 = arith.andi %get3A_1407, %broadcast_in_dim3A_7 : vector<16xi32>
      %shift_left3A_1410 = arith.shli %and3A_1409, %broadcast_in_dim3A_13 : vector<16xi32>
      %shift_right_logical3A_1411 = arith.shrui %get3A_1407, %broadcast_in_dim3A_11 : vector<16xi32>
      %and3A_1412 = arith.andi %shift_right_logical3A_1411, %broadcast_in_dim3A_9 : vector<16xi32>
      %or3A_1413 = arith.ori %and3A_1408, %shift_left3A_1410 : vector<16xi32>
      %or3A_1414 = arith.ori %or3A_1413, %and3A_1412 : vector<16xi32>
      %swap3A_1415 = arith.constant 1584 : index
      %swap3A_1416 = tpu.vector_load %arg8[%swap3A_1415] {strides = array<i32>} : memref<1600xi32, #tpu.memory_space<vmem>>, vector<16xi32>,
      %swap3A_1417 = vector.shape_cast %swap3A_1416 : vector<16xi32> to vector<16xi32>
      %swap3A_1418 = vector.shape_cast %or3A_1414 : vector<16xi32> to vector<16xi32>
      tpu.vector_store %arg8[%swap3A_1415], %swap3A_1418 {strides = array<i32>} : memref<1600xi32, #tpu.memory_space<vmem>>, vector<16xi32>,
      %dma_start3A = arith.constant 0 : i32
      %dma_start3A_1419 = arith.constant 0 : i32
      %dma_start3A_1420 = tpu.memref_slice %arg9[%dma_start3A, %dma_start3A_1419] : memref<1600x32xf32, #tpu.memory_space<vmem>> -> memref<128x32xf32, #tpu.memory_space<vmem>>
      %dma_start3A_1421 = arith.constant 0 : i32
      %dma_start3A_1422 = tpu.memref_slice %arg8[%dma_start3A_1421] : memref<1600xi32, #tpu.memory_space<vmem>> -> memref<128xi32, #tpu.memory_space<vmem>>
      %dma_start3A_1423 = arith.constant 0 : i32
      %dma_start3A_1424 = arith.constant 0 : i32
      %dma_start3A_1425 = tpu.memref_slice %arg4[%dma_start3A_1423, %dma_start3A_1424] : memref<1015808x32xf32, #tpu.memory_space<hbm>> -> memref<1015808x32xf32, #tpu.memory_space<hbm>>
      tpu.enqueue_indirect_dma source(%dma_start3A_1425 : memref<1015808x32xf32, #tpu.memory_space<hbm>>) target(%dma_start3A_1420 : memref<128x32xf32, #tpu.memory_space<vmem>>) offsets(%dma_start3A_1422 : memref<128xi32, #tpu.memory_space<vmem>>) semaphore(%arg11 : memref<!tpu.dma_semaphore, #tpu.memory_space<semaphore_mem>>)
      %dma_start3A_1426 = arith.constant 128 : i32
      %dma_start3A_1427 = arith.constant 0 : i32
      %dma_start3A_1428 = tpu.memref_slice %arg9[%dma_start3A_1426, %dma_start3A_1427] : memref<1600x32xf32, #tpu.memory_space<vmem>> -> memref<128x32xf32, #tpu.memory_space<vmem>>
      %dma_start3A_1429 = arith.constant 128 : i32
      %dma_start3A_1430 = tpu.memref_slice %arg8[%dma_start3A_1429] : memref<1600xi32, #tpu.memory_space<vmem>> -> memref<128xi32, #tpu.memory_space<vmem>>
      %dma_start3A_1431 = arith.constant 0 : i32
      %dma_start3A_1432 = arith.constant 0 : i32
      %dma_start3A_1433 = tpu.memref_slice %arg4[%dma_start3A_1431, %dma_start3A_1432] : memref<1015808x32xf32, #tpu.memory_space<hbm>> -> memref<1015808x32xf32, #tpu.memory_space<hbm>>
      tpu.enqueue_indirect_dma source(%dma_start3A_1433 : memref<1015808x32xf32, #tpu.memory_space<hbm>>) target(%dma_start3A_1428 : memref<128x32xf32, #tpu.memory_space<vmem>>) offsets(%dma_start3A_1430 : memref<128xi32, #tpu.memory_space<vmem>>) semaphore(%arg11 : memref<!tpu.dma_semaphore, #tpu.memory_space<semaphore_mem>>)
      %dma_start3A_1434 = arith.constant 256 : i32
      %dma_start3A_1435 = arith.constant 0 : i32
      %dma_start3A_1436 = tpu.memref_slice %arg9[%dma_start3A_1434, %dma_start3A_1435] : memref<1600x32xf32, #tpu.memory_space<vmem>> -> memref<128x32xf32, #tpu.memory_space<vmem>>
      %dma_start3A_1437 = arith.constant 256 : i32
      %dma_start3A_1438 = tpu.memref_slice %arg8[%dma_start3A_1437] : memref<1600xi32, #tpu.memory_space<vmem>> -> memref<128xi32, #tpu.memory_space<vmem>>
      %dma_start3A_1439 = arith.constant 0 : i32
      %dma_start3A_1440 = arith.constant 0 : i32
      %dma_start3A_1441 = tpu.memref_slice %arg4[%dma_start3A_1439, %dma_start3A_1440] : memref<1015808x32xf32, #tpu.memory_space<hbm>> -> memref<1015808x32xf32, #tpu.memory_space<hbm>>
      tpu.enqueue_indirect_dma source(%dma_start3A_1441 : memref<1015808x32xf32, #tpu.memory_space<hbm>>) target(%dma_start3A_1436 : memref<128x32xf32, #tpu.memory_space<vmem>>) offsets(%dma_start3A_1438 : memref<128xi32, #tpu.memory_space<vmem>>) semaphore(%arg11 : memref<!tpu.dma_semaphore, #tpu.memory_space<semaphore_mem>>)
      %dma_start3A_1442 = arith.constant 384 : i32
      %dma_start3A_1443 = arith.constant 0 : i32
      %dma_start3A_1444 = tpu.memref_slice %arg9[%dma_start3A_1442, %dma_start3A_1443] : memref<1600x32xf32, #tpu.memory_space<vmem>> -> memref<128x32xf32, #tpu.memory_space<vmem>>
      %dma_start3A_1445 = arith.constant 384 : i32
      %dma_start3A_1446 = tpu.memref_slice %arg8[%dma_start3A_1445] : memref<1600xi32, #tpu.memory_space<vmem>> -> memref<128xi32, #tpu.memory_space<vmem>>
      %dma_start3A_1447 = arith.constant 0 : i32
      %dma_start3A_1448 = arith.constant 0 : i32
      %dma_start3A_1449 = tpu.memref_slice %arg4[%dma_start3A_1447, %dma_start3A_1448] : memref<1015808x32xf32, #tpu.memory_space<hbm>> -> memref<1015808x32xf32, #tpu.memory_space<hbm>>
      tpu.enqueue_indirect_dma source(%dma_start3A_1449 : memref<1015808x32xf32, #tpu.memory_space<hbm>>) target(%dma_start3A_1444 : memref<128x32xf32, #tpu.memory_space<vmem>>) offsets(%dma_start3A_1446 : memref<128xi32, #tpu.memory_space<vmem>>) semaphore(%arg11 : memref<!tpu.dma_semaphore, #tpu.memory_space<semaphore_mem>>)
      %dma_start3A_1450 = arith.constant 512 : i32
      %dma_start3A_1451 = arith.constant 0 : i32
      %dma_start3A_1452 = tpu.memref_slice %arg9[%dma_start3A_1450, %dma_start3A_1451] : memref<1600x32xf32, #tpu.memory_space<vmem>> -> memref<128x32xf32, #tpu.memory_space<vmem>>
      %dma_start3A_1453 = arith.constant 512 : i32
      %dma_start3A_1454 = tpu.memref_slice %arg8[%dma_start3A_1453] : memref<1600xi32, #tpu.memory_space<vmem>> -> memref<128xi32, #tpu.memory_space<vmem>>
      %dma_start3A_1455 = arith.constant 0 : i32
      %dma_start3A_1456 = arith.constant 0 : i32
      %dma_start3A_1457 = tpu.memref_slice %arg4[%dma_start3A_1455, %dma_start3A_1456] : memref<1015808x32xf32, #tpu.memory_space<hbm>> -> memref<1015808x32xf32, #tpu.memory_space<hbm>>
      tpu.enqueue_indirect_dma source(%dma_start3A_1457 : memref<1015808x32xf32, #tpu.memory_space<hbm>>) target(%dma_start3A_1452 : memref<128x32xf32, #tpu.memory_space<vmem>>) offsets(%dma_start3A_1454 : memref<128xi32, #tpu.memory_space<vmem>>) semaphore(%arg11 : memref<!tpu.dma_semaphore, #tpu.memory_space<semaphore_mem>>)
      %dma_start3A_1458 = arith.constant 640 : i32
      %dma_start3A_1459 = arith.constant 0 : i32
      %dma_start3A_1460 = tpu.memref_slice %arg9[%dma_start3A_1458, %dma_start3A_1459] : memref<1600x32xf32, #tpu.memory_space<vmem>> -> memref<128x32xf32, #tpu.memory_space<vmem>>
      %dma_start3A_1461 = arith.constant 640 : i32
      %dma_start3A_1462 = tpu.memref_slice %arg8[%dma_start3A_1461] : memref<1600xi32, #tpu.memory_space<vmem>> -> memref<128xi32, #tpu.memory_space<vmem>>
      %dma_start3A_1463 = arith.constant 0 : i32
      %dma_start3A_1464 = arith.constant 0 : i32
      %dma_start3A_1465 = tpu.memref_slice %arg4[%dma_start3A_1463, %dma_start3A_1464] : memref<1015808x32xf32, #tpu.memory_space<hbm>> -> memref<1015808x32xf32, #tpu.memory_space<hbm>>
      tpu.enqueue_indirect_dma source(%dma_start3A_1465 : memref<1015808x32xf32, #tpu.memory_space<hbm>>) target(%dma_start3A_1460 : memref<128x32xf32, #tpu.memory_space<vmem>>) offsets(%dma_start3A_1462 : memref<128xi32, #tpu.memory_space<vmem>>) semaphore(%arg11 : memref<!tpu.dma_semaphore, #tpu.memory_space<semaphore_mem>>)
      %dma_start3A_1466 = arith.constant 768 : i32
      %dma_start3A_1467 = arith.constant 0 : i32
      %dma_start3A_1468 = tpu.memref_slice %arg9[%dma_start3A_1466, %dma_start3A_1467] : memref<1600x32xf32, #tpu.memory_space<vmem>> -> memref<128x32xf32, #tpu.memory_space<vmem>>
      %dma_start3A_1469 = arith.constant 768 : i32
      %dma_start3A_1470 = tpu.memref_slice %arg8[%dma_start3A_1469] : memref<1600xi32, #tpu.memory_space<vmem>> -> memref<128xi32, #tpu.memory_space<vmem>>
      %dma_start3A_1471 = arith.constant 0 : i32
      %dma_start3A_1472 = arith.constant 0 : i32
      %dma_start3A_1473 = tpu.memref_slice %arg4[%dma_start3A_1471, %dma_start3A_1472] : memref<1015808x32xf32, #tpu.memory_space<hbm>> -> memref<1015808x32xf32, #tpu.memory_space<hbm>>
      tpu.enqueue_indirect_dma source(%dma_start3A_1473 : memref<1015808x32xf32, #tpu.memory_space<hbm>>) target(%dma_start3A_1468 : memref<128x32xf32, #tpu.memory_space<vmem>>) offsets(%dma_start3A_1470 : memref<128xi32, #tpu.memory_space<vmem>>) semaphore(%arg11 : memref<!tpu.dma_semaphore, #tpu.memory_space<semaphore_mem>>)
      %dma_start3A_1474 = arith.constant 896 : i32
      %dma_start3A_1475 = arith.constant 0 : i32
      %dma_start3A_1476 = tpu.memref_slice %arg9[%dma_start3A_1474, %dma_start3A_1475] : memref<1600x32xf32, #tpu.memory_space<vmem>> -> memref<128x32xf32, #tpu.memory_space<vmem>>
      %dma_start3A_1477 = arith.constant 896 : i32
      %dma_start3A_1478 = tpu.memref_slice %arg8[%dma_start3A_1477] : memref<1600xi32, #tpu.memory_space<vmem>> -> memref<128xi32, #tpu.memory_space<vmem>>
      %dma_start3A_1479 = arith.constant 0 : i32
      %dma_start3A_1480 = arith.constant 0 : i32
      %dma_start3A_1481 = tpu.memref_slice %arg4[%dma_start3A_1479, %dma_start3A_1480] : memref<1015808x32xf32, #tpu.memory_space<hbm>> -> memref<1015808x32xf32, #tpu.memory_space<hbm>>
      tpu.enqueue_indirect_dma source(%dma_start3A_1481 : memref<1015808x32xf32, #tpu.memory_space<hbm>>) target(%dma_start3A_1476 : memref<128x32xf32, #tpu.memory_space<vmem>>) offsets(%dma_start3A_1478 : memref<128xi32, #tpu.memory_space<vmem>>) semaphore(%arg11 : memref<!tpu.dma_semaphore, #tpu.memory_space<semaphore_mem>>)
      %dma_start3A_1482 = arith.constant 1024 : i32
      %dma_start3A_1483 = arith.constant 0 : i32
      %dma_start3A_1484 = tpu.memref_slice %arg9[%dma_start3A_1482, %dma_start3A_1483] : memref<1600x32xf32, #tpu.memory_space<vmem>> -> memref<128x32xf32, #tpu.memory_space<vmem>>
      %dma_start3A_1485 = arith.constant 1024 : i32
      %dma_start3A_1486 = tpu.memref_slice %arg8[%dma_start3A_1485] : memref<1600xi32, #tpu.memory_space<vmem>> -> memref<128xi32, #tpu.memory_space<vmem>>
      %dma_start3A_1487 = arith.constant 0 : i32
      %dma_start3A_1488 = arith.constant 0 : i32
      %dma_start3A_1489 = tpu.memref_slice %arg4[%dma_start3A_1487, %dma_start3A_1488] : memref<1015808x32xf32, #tpu.memory_space<hbm>> -> memref<1015808x32xf32, #tpu.memory_space<hbm>>
      tpu.enqueue_indirect_dma source(%dma_start3A_1489 : memref<1015808x32xf32, #tpu.memory_space<hbm>>) target(%dma_start3A_1484 : memref<128x32xf32, #tpu.memory_space<vmem>>) offsets(%dma_start3A_1486 : memref<128xi32, #tpu.memory_space<vmem>>) semaphore(%arg11 : memref<!tpu.dma_semaphore, #tpu.memory_space<semaphore_mem>>)
      %dma_start3A_1490 = arith.constant 1152 : i32
      %dma_start3A_1491 = arith.constant 0 : i32
      %dma_start3A_1492 = tpu.memref_slice %arg9[%dma_start3A_1490, %dma_start3A_1491] : memref<1600x32xf32, #tpu.memory_space<vmem>> -> memref<128x32xf32, #tpu.memory_space<vmem>>
      %dma_start3A_1493 = arith.constant 1152 : i32
      %dma_start3A_1494 = tpu.memref_slice %arg8[%dma_start3A_1493] : memref<1600xi32, #tpu.memory_space<vmem>> -> memref<128xi32, #tpu.memory_space<vmem>>
      %dma_start3A_1495 = arith.constant 0 : i32
      %dma_start3A_1496 = arith.constant 0 : i32
      %dma_start3A_1497 = tpu.memref_slice %arg4[%dma_start3A_1495, %dma_start3A_1496] : memref<1015808x32xf32, #tpu.memory_space<hbm>> -> memref<1015808x32xf32, #tpu.memory_space<hbm>>
      tpu.enqueue_indirect_dma source(%dma_start3A_1497 : memref<1015808x32xf32, #tpu.memory_space<hbm>>) target(%dma_start3A_1492 : memref<128x32xf32, #tpu.memory_space<vmem>>) offsets(%dma_start3A_1494 : memref<128xi32, #tpu.memory_space<vmem>>) semaphore(%arg11 : memref<!tpu.dma_semaphore, #tpu.memory_space<semaphore_mem>>)
      %dma_start3A_1498 = arith.constant 1280 : i32
      %dma_start3A_1499 = arith.constant 0 : i32
      %dma_start3A_1500 = tpu.memref_slice %arg9[%dma_start3A_1498, %dma_start3A_1499] : memref<1600x32xf32, #tpu.memory_space<vmem>> -> memref<128x32xf32, #tpu.memory_space<vmem>>
      %dma_start3A_1501 = arith.constant 1280 : i32
      %dma_start3A_1502 = tpu.memref_slice %arg8[%dma_start3A_1501] : memref<1600xi32, #tpu.memory_space<vmem>> -> memref<128xi32, #tpu.memory_space<vmem>>
      %dma_start3A_1503 = arith.constant 0 : i32
      %dma_start3A_1504 = arith.constant 0 : i32
      %dma_start3A_1505 = tpu.memref_slice %arg4[%dma_start3A_1503, %dma_start3A_1504] : memref<1015808x32xf32, #tpu.memory_space<hbm>> -> memref<1015808x32xf32, #tpu.memory_space<hbm>>
      tpu.enqueue_indirect_dma source(%dma_start3A_1505 : memref<1015808x32xf32, #tpu.memory_space<hbm>>) target(%dma_start3A_1500 : memref<128x32xf32, #tpu.memory_space<vmem>>) offsets(%dma_start3A_1502 : memref<128xi32, #tpu.memory_space<vmem>>) semaphore(%arg11 : memref<!tpu.dma_semaphore, #tpu.memory_space<semaphore_mem>>)
      %dma_start3A_1506 = arith.constant 1408 : i32
      %dma_start3A_1507 = arith.constant 0 : i32
      %dma_start3A_1508 = tpu.memref_slice %arg9[%dma_start3A_1506, %dma_start3A_1507] : memref<1600x32xf32, #tpu.memory_space<vmem>> -> memref<128x32xf32, #tpu.memory_space<vmem>>
      %dma_start3A_1509 = arith.constant 1408 : i32
      %dma_start3A_1510 = tpu.memref_slice %arg8[%dma_start3A_1509] : memref<1600xi32, #tpu.memory_space<vmem>> -> memref<128xi32, #tpu.memory_space<vmem>>
      %dma_start3A_1511 = arith.constant 0 : i32
      %dma_start3A_1512 = arith.constant 0 : i32
      %dma_start3A_1513 = tpu.memref_slice %arg4[%dma_start3A_1511, %dma_start3A_1512] : memref<1015808x32xf32, #tpu.memory_space<hbm>> -> memref<1015808x32xf32, #tpu.memory_space<hbm>>
      tpu.enqueue_indirect_dma source(%dma_start3A_1513 : memref<1015808x32xf32, #tpu.memory_space<hbm>>) target(%dma_start3A_1508 : memref<128x32xf32, #tpu.memory_space<vmem>>) offsets(%dma_start3A_1510 : memref<128xi32, #tpu.memory_space<vmem>>) semaphore(%arg11 : memref<!tpu.dma_semaphore, #tpu.memory_space<semaphore_mem>>)
      %dma_start3A_1514 = arith.constant 1536 : i32
      %dma_start3A_1515 = arith.constant 0 : i32
      %dma_start3A_1516 = tpu.memref_slice %arg9[%dma_start3A_1514, %dma_start3A_1515] : memref<1600x32xf32, #tpu.memory_space<vmem>> -> memref<64x32xf32, #tpu.memory_space<vmem>>
      %dma_start3A_1517 = arith.constant 1536 : i32
      %dma_start3A_1518 = tpu.memref_slice %arg8[%dma_start3A_1517] : memref<1600xi32, #tpu.memory_space<vmem>> -> memref<64xi32, #tpu.memory_space<vmem>>
      %dma_start3A_1519 = arith.constant 0 : i32
      %dma_start3A_1520 = arith.constant 0 : i32
      %dma_start3A_1521 = tpu.memref_slice %arg4[%dma_start3A_1519, %dma_start3A_1520] : memref<1015808x32xf32, #tpu.memory_space<hbm>> -> memref<1015808x32xf32, #tpu.memory_space<hbm>>
      tpu.enqueue_indirect_dma source(%dma_start3A_1521 : memref<1015808x32xf32, #tpu.memory_space<hbm>>) target(%dma_start3A_1516 : memref<64x32xf32, #tpu.memory_space<vmem>>) offsets(%dma_start3A_1518 : memref<64xi32, #tpu.memory_space<vmem>>) semaphore(%arg11 : memref<!tpu.dma_semaphore, #tpu.memory_space<semaphore_mem>>)
      %dma_wait3A = arith.constant 0 : i32
      %dma_wait3A_1522 = arith.constant 0 : i32
      %dma_wait3A_1523 = tpu.memref_slice %arg9[%dma_wait3A, %dma_wait3A_1522] : memref<1600x32xf32, #tpu.memory_space<vmem>> -> memref<128x32xf32, #tpu.memory_space<vmem>>
      %dma_wait3A_1524 = arith.constant 0 : i32
      %dma_wait3A_1525 = tpu.memref_slice %arg8[%dma_wait3A_1524] : memref<1600xi32, #tpu.memory_space<vmem>> -> memref<128xi32, #tpu.memory_space<vmem>>
      %dma_wait3A_1526 = arith.constant 0 : i32
      %dma_wait3A_1527 = arith.constant 0 : i32
      %dma_wait3A_1528 = tpu.memref_slice %arg4[%dma_wait3A_1526, %dma_wait3A_1527] : memref<1015808x32xf32, #tpu.memory_space<hbm>> -> memref<1015808x32xf32, #tpu.memory_space<hbm>>
      tpu.wait_indirect_dma semaphore(%arg11 : memref<!tpu.dma_semaphore, #tpu.memory_space<semaphore_mem>>) src(%dma_wait3A_1528 : memref<1015808x32xf32, #tpu.memory_space<hbm>>) dst(%dma_wait3A_1523 : memref<128x32xf32, #tpu.memory_space<vmem>>)
      %dma_wait3A_1529 = arith.constant 128 : i32
      %dma_wait3A_1530 = arith.constant 0 : i32
      %dma_wait3A_1531 = tpu.memref_slice %arg9[%dma_wait3A_1529, %dma_wait3A_1530] : memref<1600x32xf32, #tpu.memory_space<vmem>> -> memref<128x32xf32, #tpu.memory_space<vmem>>
      %dma_wait3A_1532 = arith.constant 128 : i32
      %dma_wait3A_1533 = tpu.memref_slice %arg8[%dma_wait3A_1532] : memref<1600xi32, #tpu.memory_space<vmem>> -> memref<128xi32, #tpu.memory_space<vmem>>
      %dma_wait3A_1534 = arith.constant 0 : i32
      %dma_wait3A_1535 = arith.constant 0 : i32
      %dma_wait3A_1536 = tpu.memref_slice %arg4[%dma_wait3A_1534, %dma_wait3A_1535] : memref<1015808x32xf32, #tpu.memory_space<hbm>> -> memref<1015808x32xf32, #tpu.memory_space<hbm>>
      tpu.wait_indirect_dma semaphore(%arg11 : memref<!tpu.dma_semaphore, #tpu.memory_space<semaphore_mem>>) src(%dma_wait3A_1536 : memref<1015808x32xf32, #tpu.memory_space<hbm>>) dst(%dma_wait3A_1531 : memref<128x32xf32, #tpu.memory_space<vmem>>)
      %dma_wait3A_1537 = arith.constant 256 : i32
      %dma_wait3A_1538 = arith.constant 0 : i32
      %dma_wait3A_1539 = tpu.memref_slice %arg9[%dma_wait3A_1537, %dma_wait3A_1538] : memref<1600x32xf32, #tpu.memory_space<vmem>> -> memref<128x32xf32, #tpu.memory_space<vmem>>
      %dma_wait3A_1540 = arith.constant 256 : i32
      %dma_wait3A_1541 = tpu.memref_slice %arg8[%dma_wait3A_1540] : memref<1600xi32, #tpu.memory_space<vmem>> -> memref<128xi32, #tpu.memory_space<vmem>>
      %dma_wait3A_1542 = arith.constant 0 : i32
      %dma_wait3A_1543 = arith.constant 0 : i32
      %dma_wait3A_1544 = tpu.memref_slice %arg4[%dma_wait3A_1542, %dma_wait3A_1543] : memref<1015808x32xf32, #tpu.memory_space<hbm>> -> memref<1015808x32xf32, #tpu.memory_space<hbm>>
      tpu.wait_indirect_dma semaphore(%arg11 : memref<!tpu.dma_semaphore, #tpu.memory_space<semaphore_mem>>) src(%dma_wait3A_1544 : memref<1015808x32xf32, #tpu.memory_space<hbm>>) dst(%dma_wait3A_1539 : memref<128x32xf32, #tpu.memory_space<vmem>>)
      %dma_wait3A_1545 = arith.constant 384 : i32
      %dma_wait3A_1546 = arith.constant 0 : i32
      %dma_wait3A_1547 = tpu.memref_slice %arg9[%dma_wait3A_1545, %dma_wait3A_1546] : memref<1600x32xf32, #tpu.memory_space<vmem>> -> memref<128x32xf32, #tpu.memory_space<vmem>>
      %dma_wait3A_1548 = arith.constant 384 : i32
      %dma_wait3A_1549 = tpu.memref_slice %arg8[%dma_wait3A_1548] : memref<1600xi32, #tpu.memory_space<vmem>> -> memref<128xi32, #tpu.memory_space<vmem>>
      %dma_wait3A_1550 = arith.constant 0 : i32
      %dma_wait3A_1551 = arith.constant 0 : i32
      %dma_wait3A_1552 = tpu.memref_slice %arg4[%dma_wait3A_1550, %dma_wait3A_1551] : memref<1015808x32xf32, #tpu.memory_space<hbm>> -> memref<1015808x32xf32, #tpu.memory_space<hbm>>
      tpu.wait_indirect_dma semaphore(%arg11 : memref<!tpu.dma_semaphore, #tpu.memory_space<semaphore_mem>>) src(%dma_wait3A_1552 : memref<1015808x32xf32, #tpu.memory_space<hbm>>) dst(%dma_wait3A_1547 : memref<128x32xf32, #tpu.memory_space<vmem>>)
      %dma_wait3A_1553 = arith.constant 512 : i32
      %dma_wait3A_1554 = arith.constant 0 : i32
      %dma_wait3A_1555 = tpu.memref_slice %arg9[%dma_wait3A_1553, %dma_wait3A_1554] : memref<1600x32xf32, #tpu.memory_space<vmem>> -> memref<128x32xf32, #tpu.memory_space<vmem>>
      %dma_wait3A_1556 = arith.constant 512 : i32
      %dma_wait3A_1557 = tpu.memref_slice %arg8[%dma_wait3A_1556] : memref<1600xi32, #tpu.memory_space<vmem>> -> memref<128xi32, #tpu.memory_space<vmem>>
      %dma_wait3A_1558 = arith.constant 0 : i32
      %dma_wait3A_1559 = arith.constant 0 : i32
      %dma_wait3A_1560 = tpu.memref_slice %arg4[%dma_wait3A_1558, %dma_wait3A_1559] : memref<1015808x32xf32, #tpu.memory_space<hbm>> -> memref<1015808x32xf32, #tpu.memory_space<hbm>>
      tpu.wait_indirect_dma semaphore(%arg11 : memref<!tpu.dma_semaphore, #tpu.memory_space<semaphore_mem>>) src(%dma_wait3A_1560 : memref<1015808x32xf32, #tpu.memory_space<hbm>>) dst(%dma_wait3A_1555 : memref<128x32xf32, #tpu.memory_space<vmem>>)
      %dma_wait3A_1561 = arith.constant 640 : i32
      %dma_wait3A_1562 = arith.constant 0 : i32
      %dma_wait3A_1563 = tpu.memref_slice %arg9[%dma_wait3A_1561, %dma_wait3A_1562] : memref<1600x32xf32, #tpu.memory_space<vmem>> -> memref<128x32xf32, #tpu.memory_space<vmem>>
      %dma_wait3A_1564 = arith.constant 640 : i32
      %dma_wait3A_1565 = tpu.memref_slice %arg8[%dma_wait3A_1564] : memref<1600xi32, #tpu.memory_space<vmem>> -> memref<128xi32, #tpu.memory_space<vmem>>
      %dma_wait3A_1566 = arith.constant 0 : i32
      %dma_wait3A_1567 = arith.constant 0 : i32
      %dma_wait3A_1568 = tpu.memref_slice %arg4[%dma_wait3A_1566, %dma_wait3A_1567] : memref<1015808x32xf32, #tpu.memory_space<hbm>> -> memref<1015808x32xf32, #tpu.memory_space<hbm>>
      tpu.wait_indirect_dma semaphore(%arg11 : memref<!tpu.dma_semaphore, #tpu.memory_space<semaphore_mem>>) src(%dma_wait3A_1568 : memref<1015808x32xf32, #tpu.memory_space<hbm>>) dst(%dma_wait3A_1563 : memref<128x32xf32, #tpu.memory_space<vmem>>)
      %dma_wait3A_1569 = arith.constant 768 : i32
      %dma_wait3A_1570 = arith.constant 0 : i32
      %dma_wait3A_1571 = tpu.memref_slice %arg9[%dma_wait3A_1569, %dma_wait3A_1570] : memref<1600x32xf32, #tpu.memory_space<vmem>> -> memref<128x32xf32, #tpu.memory_space<vmem>>
      %dma_wait3A_1572 = arith.constant 768 : i32
      %dma_wait3A_1573 = tpu.memref_slice %arg8[%dma_wait3A_1572] : memref<1600xi32, #tpu.memory_space<vmem>> -> memref<128xi32, #tpu.memory_space<vmem>>
      %dma_wait3A_1574 = arith.constant 0 : i32
      %dma_wait3A_1575 = arith.constant 0 : i32
      %dma_wait3A_1576 = tpu.memref_slice %arg4[%dma_wait3A_1574, %dma_wait3A_1575] : memref<1015808x32xf32, #tpu.memory_space<hbm>> -> memref<1015808x32xf32, #tpu.memory_space<hbm>>
      tpu.wait_indirect_dma semaphore(%arg11 : memref<!tpu.dma_semaphore, #tpu.memory_space<semaphore_mem>>) src(%dma_wait3A_1576 : memref<1015808x32xf32, #tpu.memory_space<hbm>>) dst(%dma_wait3A_1571 : memref<128x32xf32, #tpu.memory_space<vmem>>)
      %dma_wait3A_1577 = arith.constant 896 : i32
      %dma_wait3A_1578 = arith.constant 0 : i32
      %dma_wait3A_1579 = tpu.memref_slice %arg9[%dma_wait3A_1577, %dma_wait3A_1578] : memref<1600x32xf32, #tpu.memory_space<vmem>> -> memref<128x32xf32, #tpu.memory_space<vmem>>
      %dma_wait3A_1580 = arith.constant 896 : i32
      %dma_wait3A_1581 = tpu.memref_slice %arg8[%dma_wait3A_1580] : memref<1600xi32, #tpu.memory_space<vmem>> -> memref<128xi32, #tpu.memory_space<vmem>>
      %dma_wait3A_1582 = arith.constant 0 : i32
      %dma_wait3A_1583 = arith.constant 0 : i32
      %dma_wait3A_1584 = tpu.memref_slice %arg4[%dma_wait3A_1582, %dma_wait3A_1583] : memref<1015808x32xf32, #tpu.memory_space<hbm>> -> memref<1015808x32xf32, #tpu.memory_space<hbm>>
      tpu.wait_indirect_dma semaphore(%arg11 : memref<!tpu.dma_semaphore, #tpu.memory_space<semaphore_mem>>) src(%dma_wait3A_1584 : memref<1015808x32xf32, #tpu.memory_space<hbm>>) dst(%dma_wait3A_1579 : memref<128x32xf32, #tpu.memory_space<vmem>>)
      %dma_wait3A_1585 = arith.constant 1024 : i32
      %dma_wait3A_1586 = arith.constant 0 : i32
      %dma_wait3A_1587 = tpu.memref_slice %arg9[%dma_wait3A_1585, %dma_wait3A_1586] : memref<1600x32xf32, #tpu.memory_space<vmem>> -> memref<128x32xf32, #tpu.memory_space<vmem>>
      %dma_wait3A_1588 = arith.constant 1024 : i32
      %dma_wait3A_1589 = tpu.memref_slice %arg8[%dma_wait3A_1588] : memref<1600xi32, #tpu.memory_space<vmem>> -> memref<128xi32, #tpu.memory_space<vmem>>
      %dma_wait3A_1590 = arith.constant 0 : i32
      %dma_wait3A_1591 = arith.constant 0 : i32
      %dma_wait3A_1592 = tpu.memref_slice %arg4[%dma_wait3A_1590, %dma_wait3A_1591] : memref<1015808x32xf32, #tpu.memory_space<hbm>> -> memref<1015808x32xf32, #tpu.memory_space<hbm>>
      tpu.wait_indirect_dma semaphore(%arg11 : memref<!tpu.dma_semaphore, #tpu.memory_space<semaphore_mem>>) src(%dma_wait3A_1592 : memref<1015808x32xf32, #tpu.memory_space<hbm>>) dst(%dma_wait3A_1587 : memref<128x32xf32, #tpu.memory_space<vmem>>)
      %dma_wait3A_1593 = arith.constant 1152 : i32
      %dma_wait3A_1594 = arith.constant 0 : i32
      %dma_wait3A_1595 = tpu.memref_slice %arg9[%dma_wait3A_1593, %dma_wait3A_1594] : memref<1600x32xf32, #tpu.memory_space<vmem>> -> memref<128x32xf32, #tpu.memory_space<vmem>>
      %dma_wait3A_1596 = arith.constant 1152 : i32
      %dma_wait3A_1597 = tpu.memref_slice %arg8[%dma_wait3A_1596] : memref<1600xi32, #tpu.memory_space<vmem>> -> memref<128xi32, #tpu.memory_space<vmem>>
      %dma_wait3A_1598 = arith.constant 0 : i32
      %dma_wait3A_1599 = arith.constant 0 : i32
      %dma_wait3A_1600 = tpu.memref_slice %arg4[%dma_wait3A_1598, %dma_wait3A_1599] : memref<1015808x32xf32, #tpu.memory_space<hbm>> -> memref<1015808x32xf32, #tpu.memory_space<hbm>>
      tpu.wait_indirect_dma semaphore(%arg11 : memref<!tpu.dma_semaphore, #tpu.memory_space<semaphore_mem>>) src(%dma_wait3A_1600 : memref<1015808x32xf32, #tpu.memory_space<hbm>>) dst(%dma_wait3A_1595 : memref<128x32xf32, #tpu.memory_space<vmem>>)
      %dma_wait3A_1601 = arith.constant 1280 : i32
      %dma_wait3A_1602 = arith.constant 0 : i32
      %dma_wait3A_1603 = tpu.memref_slice %arg9[%dma_wait3A_1601, %dma_wait3A_1602] : memref<1600x32xf32, #tpu.memory_space<vmem>> -> memref<128x32xf32, #tpu.memory_space<vmem>>
      %dma_wait3A_1604 = arith.constant 1280 : i32
      %dma_wait3A_1605 = tpu.memref_slice %arg8[%dma_wait3A_1604] : memref<1600xi32, #tpu.memory_space<vmem>> -> memref<128xi32, #tpu.memory_space<vmem>>
      %dma_wait3A_1606 = arith.constant 0 : i32
      %dma_wait3A_1607 = arith.constant 0 : i32
      %dma_wait3A_1608 = tpu.memref_slice %arg4[%dma_wait3A_1606, %dma_wait3A_1607] : memref<1015808x32xf32, #tpu.memory_space<hbm>> -> memref<1015808x32xf32, #tpu.memory_space<hbm>>
      tpu.wait_indirect_dma semaphore(%arg11 : memref<!tpu.dma_semaphore, #tpu.memory_space<semaphore_mem>>) src(%dma_wait3A_1608 : memref<1015808x32xf32, #tpu.memory_space<hbm>>) dst(%dma_wait3A_1603 : memref<128x32xf32, #tpu.memory_space<vmem>>)
      %dma_wait3A_1609 = arith.constant 1408 : i32
      %dma_wait3A_1610 = arith.constant 0 : i32
      %dma_wait3A_1611 = tpu.memref_slice %arg9[%dma_wait3A_1609, %dma_wait3A_1610] : memref<1600x32xf32, #tpu.memory_space<vmem>> -> memref<128x32xf32, #tpu.memory_space<vmem>>
      %dma_wait3A_1612 = arith.constant 1408 : i32
      %dma_wait3A_1613 = tpu.memref_slice %arg8[%dma_wait3A_1612] : memref<1600xi32, #tpu.memory_space<vmem>> -> memref<128xi32, #tpu.memory_space<vmem>>
      %dma_wait3A_1614 = arith.constant 0 : i32
      %dma_wait3A_1615 = arith.constant 0 : i32
      %dma_wait3A_1616 = tpu.memref_slice %arg4[%dma_wait3A_1614, %dma_wait3A_1615] : memref<1015808x32xf32, #tpu.memory_space<hbm>> -> memref<1015808x32xf32, #tpu.memory_space<hbm>>
      tpu.wait_indirect_dma semaphore(%arg11 : memref<!tpu.dma_semaphore, #tpu.memory_space<semaphore_mem>>) src(%dma_wait3A_1616 : memref<1015808x32xf32, #tpu.memory_space<hbm>>) dst(%dma_wait3A_1611 : memref<128x32xf32, #tpu.memory_space<vmem>>)
      %dma_wait3A_1617 = arith.constant 1536 : i32
      %dma_wait3A_1618 = arith.constant 0 : i32
      %dma_wait3A_1619 = tpu.memref_slice %arg9[%dma_wait3A_1617, %dma_wait3A_1618] : memref<1600x32xf32, #tpu.memory_space<vmem>> -> memref<64x32xf32, #tpu.memory_space<vmem>>
      %dma_wait3A_1620 = arith.constant 1536 : i32
      %dma_wait3A_1621 = tpu.memref_slice %arg8[%dma_wait3A_1620] : memref<1600xi32, #tpu.memory_space<vmem>> -> memref<64xi32, #tpu.memory_space<vmem>>
      %dma_wait3A_1622 = arith.constant 0 : i32
      %dma_wait3A_1623 = arith.constant 0 : i32
      %dma_wait3A_1624 = tpu.memref_slice %arg4[%dma_wait3A_1622, %dma_wait3A_1623] : memref<1015808x32xf32, #tpu.memory_space<hbm>> -> memref<1015808x32xf32, #tpu.memory_space<hbm>>
      tpu.wait_indirect_dma semaphore(%arg11 : memref<!tpu.dma_semaphore, #tpu.memory_space<semaphore_mem>>) src(%dma_wait3A_1624 : memref<1015808x32xf32, #tpu.memory_space<hbm>>) dst(%dma_wait3A_1619 : memref<64x32xf32, #tpu.memory_space<vmem>>)
      %scan3A_1625 = arith.constant 0 : i32
      %scan3A_1626 = arith.constant 0 : i32
      %scan3A_1627 = arith.constant 32 : i32
      %scan3A_1628 = arith.addi %scan3A_1626, %scan3A_1627 : i32
      %scan3A_1629 = arith.constant 1 : i32
      scf.for %scan3A_1634 = %scan3A_1626 to %scan3A_1628 step %scan3A_1629  : i32 {
        %mul3A_1635 = arith.constant 50 : i32
        %mul3A_1636 = arith.muli %scan3A_1634, %mul3A_1635 : i32
        %add3A_1637 = arith.addi %mul3A_21, %scan3A_1634 : i32
        %get3A_1638 = arith.index_cast %add3A_1637 : i32 to index
        %get3A_1639 = tpu.vector_load %arg6[%get3A_1638] {strides = array<i32>} : memref<528xi32, #tpu.memory_space<vmem>>, vector<16xi32>,
        %get3A_1640 = vector.shape_cast %get3A_1639 : vector<16xi32> to vector<16xi32>
        %slice3A = vector.extract_strided_slice %get3A_1640 {offsets = [0], sizes = [1], strides = [1]} : vector<16xi32> to vector<1xi32>
        %squeeze3A = vector.extract %slice3A[0] : i32 from vector<1xi32>
        %while3A = arith.constant 0 : i32
        %while3A_1641 = arith.subi %squeeze3A, %while3A : i32
        %while3A_1642 = arith.addi %while3A, %while3A_1641 : i32
        %while3A_1643 = arith.constant 1 : i32
        %while3A_1644 = arith.divsi %while3A_1641, %while3A_1643 : i32
        %while3A_1645 = arith.muli %while3A_1644, %while3A_1643 : i32
        %while3A_1646 = arith.addi %while3A, %while3A_1645 : i32
        %while3A_1647 = arith.constant 1 : i32
        %while3A_1648:2 = scf.for %while3A_1674 = %while3A to %while3A_1646 step %while3A_1647 iter_args(%while3A_1675 = %broadcast_in_dim3A_3, %while3A_1676 = %broadcast_in_dim3A_3) -> (vector<16xf32>, vector<16xf32>)  : i32 {
          %add3A_1677 = arith.addi %mul3A_1636, %while3A_1674 : i32
          %get3A_1678 = arith.index_cast %add3A_1677 : i32 to index
          %get3A_1679 = tpu.vector_load %arg7[%get3A_1678] {strides = array<i32>} : memref<1616xi32, #tpu.memory_space<vmem>>, vector<16xi32>,
          %get3A_1680 = vector.shape_cast %get3A_1679 : vector<16xi32> to vector<16xi32>
          %slice3A_1681 = vector.extract_strided_slice %get3A_1680 {offsets = [0], sizes = [1], strides = [1]} : vector<16xi32> to vector<1xi32>
          %squeeze3A_1682 = vector.extract %slice3A_1681[0] : i32 from vector<1xi32>
          %add3A_1683 = arith.addi %mul3A_1636, %while3A_1674 : i32
          %get3A_1684 = arith.index_cast %add3A_1683 : i32 to index
          %get3A_1685 = arith.constant 0 : index
          %get3A_1686 = tpu.vector_load %arg9[%get3A_1684, %get3A_1685] {strides = array<i32>} : memref<1600x32xf32, #tpu.memory_space<vmem>>, vector<1x16xf32>,
          %get3A_1687 = vector.shape_cast %get3A_1686 : vector<1x16xf32> to vector<16xf32>
          %add3A_1688 = arith.addi %mul3A_1636, %while3A_1674 : i32
          %get3A_1689 = arith.index_cast %add3A_1688 : i32 to index
          %get3A_1690 = arith.constant 16 : index
          %get3A_1691 = tpu.vector_load %arg9[%get3A_1689, %get3A_1690] {strides = array<i32>} : memref<1600x32xf32, #tpu.memory_space<vmem>>, vector<1x16xf32>,
          %get3A_1692 = vector.shape_cast %get3A_1691 : vector<1x16xf32> to vector<16xf32>
          %ne3A = arith.constant 0 : i32
          %ne3A_1693 = arith.cmpi ne, %squeeze3A_1682, %ne3A : i32
          %select_n3A_1694 = arith.select %ne3A_1693, %get3A_1687, %broadcast_in_dim3A_3 : vector<16xf32>
          %add3A_1695 = arith.addf %while3A_1675, %select_n3A_1694 : vector<16xf32>
          %select_n3A_1696 = arith.select %ne3A_1693, %get3A_1692, %broadcast_in_dim3A_3 : vector<16xf32>
          %add3A_1697 = arith.addf %while3A_1676, %select_n3A_1696 : vector<16xf32>
          scf.yield %add3A_1695, %add3A_1697 : vector<16xf32>, vector<16xf32>
        }
        %while3A_1649 = arith.constant 1 : i32
        %while3A_1650:2 = scf.for %while3A_1674 = %while3A_1646 to %while3A_1642 step %while3A_1649 iter_args(%while3A_1675 = %while3A_1648#0, %while3A_1676 = %while3A_1648#1) -> (vector<16xf32>, vector<16xf32>)  : i32 {
          %add3A_1677 = arith.addi %mul3A_1636, %while3A_1674 : i32
          %get3A_1678 = arith.index_cast %add3A_1677 : i32 to index
          %get3A_1679 = tpu.vector_load %arg7[%get3A_1678] {strides = array<i32>} : memref<1616xi32, #tpu.memory_space<vmem>>, vector<16xi32>,
          %get3A_1680 = vector.shape_cast %get3A_1679 : vector<16xi32> to vector<16xi32>
          %slice3A_1681 = vector.extract_strided_slice %get3A_1680 {offsets = [0], sizes = [1], strides = [1]} : vector<16xi32> to vector<1xi32>
          %squeeze3A_1682 = vector.extract %slice3A_1681[0] : i32 from vector<1xi32>
          %add3A_1683 = arith.addi %mul3A_1636, %while3A_1674 : i32
          %get3A_1684 = arith.index_cast %add3A_1683 : i32 to index
          %get3A_1685 = arith.constant 0 : index
          %get3A_1686 = tpu.vector_load %arg9[%get3A_1684, %get3A_1685] {strides = array<i32>} : memref<1600x32xf32, #tpu.memory_space<vmem>>, vector<1x16xf32>,
          %get3A_1687 = vector.shape_cast %get3A_1686 : vector<1x16xf32> to vector<16xf32>
          %add3A_1688 = arith.addi %mul3A_1636, %while3A_1674 : i32
          %get3A_1689 = arith.index_cast %add3A_1688 : i32 to index
          %get3A_1690 = arith.constant 16 : index
          %get3A_1691 = tpu.vector_load %arg9[%get3A_1689, %get3A_1690] {strides = array<i32>} : memref<1600x32xf32, #tpu.memory_space<vmem>>, vector<1x16xf32>,
          %get3A_1692 = vector.shape_cast %get3A_1691 : vector<1x16xf32> to vector<16xf32>
          %ne3A = arith.constant 0 : i32
          %ne3A_1693 = arith.cmpi ne, %squeeze3A_1682, %ne3A : i32
          %select_n3A_1694 = arith.select %ne3A_1693, %get3A_1687, %broadcast_in_dim3A_3 : vector<16xf32>
          %add3A_1695 = arith.addf %while3A_1675, %select_n3A_1694 : vector<16xf32>
          %select_n3A_1696 = arith.select %ne3A_1693, %get3A_1692, %broadcast_in_dim3A_3 : vector<16xf32>
          %add3A_1697 = arith.addf %while3A_1676, %select_n3A_1696 : vector<16xf32>
          scf.yield %add3A_1695, %add3A_1697 : vector<16xf32>, vector<16xf32>
        }
        %broadcast_in_dim3A_1651 = vector.broadcast %squeeze3A : i32 to vector<16xi32>
        %convert_element_type3A = arith.sitofp %broadcast_in_dim3A_1651 : vector<16xi32> to vector<16xf32>
        %gt3A = arith.constant 0 : i32
        %gt3A_1652 = vector.broadcast %gt3A : i32 to vector<16xi32>
        %gt3A_1653 = arith.cmpi sgt, %broadcast_in_dim3A_1651, %gt3A_1652 : vector<16xi32>
        %div3A = arith.constant 1.000000e+00 : f32
        %div3A_1654 = vector.broadcast %div3A : f32 to vector<16xf32>
        %div3A_1655 = arith.divf %div3A_1654, %convert_element_type3A : vector<16xf32>
        %broadcast_in_dim3A_1656 = arith.constant 0.000000e+00 : f32
        %broadcast_in_dim3A_1657 = vector.broadcast %broadcast_in_dim3A_1656 : f32 to vector<16xf32>
        %select_n3A = arith.select %gt3A_1653, %div3A_1655, %broadcast_in_dim3A_1657 : vector<16xi1>, vector<16xf32>
        %mul3A_1658 = arith.mulf %while3A_1650#0, %select_n3A : vector<16xf32>
        %mul3A_1659 = arith.constant 32 : i32
        %mul3A_1660 = arith.muli %scan3A_1634, %mul3A_1659 : i32
        %swap3A_1661 = arith.index_cast %mul3A_1660 : i32 to index
        %swap3A_1662 = tpu.vector_load %arg10[%swap3A_1661] {strides = array<i32>} : memref<1024xf32, #tpu.memory_space<vmem>>, vector<16xf32>,
        %swap3A_1663 = vector.shape_cast %swap3A_1662 : vector<16xf32> to vector<16xf32>
        %swap3A_1664 = vector.shape_cast %mul3A_1658 : vector<16xf32> to vector<16xf32>
        tpu.vector_store %arg10[%swap3A_1661], %swap3A_1664 {strides = array<i32>} : memref<1024xf32, #tpu.memory_space<vmem>>, vector<16xf32>,
        %mul3A_1665 = arith.mulf %while3A_1650#1, %select_n3A : vector<16xf32>
        %mul3A_1666 = arith.constant 32 : i32
        %mul3A_1667 = arith.muli %scan3A_1634, %mul3A_1666 : i32
        %add3A_1668 = arith.constant 16 : i32
        %add3A_1669 = arith.addi %mul3A_1667, %add3A_1668 : i32
        %swap3A_1670 = arith.index_cast %add3A_1669 : i32 to index
        %swap3A_1671 = tpu.vector_load %arg10[%swap3A_1670] {strides = array<i32>} : memref<1024xf32, #tpu.memory_space<vmem>>, vector<16xf32>,
        %swap3A_1672 = vector.shape_cast %swap3A_1671 : vector<16xf32> to vector<16xf32>
        %swap3A_1673 = vector.shape_cast %mul3A_1665 : vector<16xf32> to vector<16xf32>
        tpu.vector_store %arg10[%swap3A_1670], %swap3A_1673 {strides = array<i32>} : memref<1024xf32, #tpu.memory_space<vmem>>, vector<16xf32>,
      }
      %scan3A_1630 = arith.constant 32 : i32
      %add3A_1631 = arith.addi %mul3A_2, %mul3A_21 : i32
      %mul3A_1632 = arith.constant 32 : i32
      %mul3A_1633 = arith.muli %add3A_1631, %mul3A_1632 : i32
      "tpu.region"() ({
        %run_scoped3A = tpu.sem_alloc : memref<!tpu.dma_semaphore, #tpu.memory_space<semaphore_mem>>
        %dma_start3A_1634 = tpu.memref_slice %arg5[%mul3A_1633] : memref<524288xf32, #tpu.memory_space<hbm>> -> memref<1024xf32, #tpu.memory_space<hbm>>
        %dma_start3A_1635 = tpu.memref_slice %arg5[%mul3A_1633] : memref<524288xf32, #tpu.memory_space<hbm>> -> memref<1024xf32, #tpu.memory_space<hbm>>
        tpu.enqueue_dma source(%arg10 : memref<1024xf32, #tpu.memory_space<vmem>>) target(%dma_start3A_1635 : memref<1024xf32, #tpu.memory_space<hbm>>) target_semaphore(%run_scoped3A : memref<!tpu.dma_semaphore, #tpu.memory_space<semaphore_mem>>)
        %dma_wait3A_1636 = tpu.memref_slice %arg5[%mul3A_1633] : memref<524288xf32, #tpu.memory_space<hbm>> -> memref<1024xf32, #tpu.memory_space<hbm>>
        %dma_wait3A_1637 = tpu.memref_slice %arg5[%mul3A_1633] : memref<524288xf32, #tpu.memory_space<hbm>> -> memref<1024xf32, #tpu.memory_space<hbm>>
        tpu.wait_dma2 semaphore(%run_scoped3A : memref<!tpu.dma_semaphore, #tpu.memory_space<semaphore_mem>>) src(%arg10 : memref<1024xf32, #tpu.memory_space<vmem>>) dst(%dma_wait3A_1637 : memref<1024xf32, #tpu.memory_space<hbm>>)
        tpu.yield
      }) : () -> ()
    }
    %scan3A_18 = arith.constant 16 : i32
    return
  }
}

module attributes {stable_mosaic.version = 14 : i64} {
  func.func @_tc_retile_body(%arg0: i32, %arg1: memref<32x32768xf32, #tpu.memory_space<vmem>>, %arg2: memref<8192x128xf32, #tpu.memory_space<vmem>>) attributes {dimension_semantics = [#tpu.dimension_semantics<arbitrary>], iteration_bounds = array<i64: 31>, scalar_prefetch = 0 : i64, scratch_operands = 0 : i64, tpu.core_type = #tpu.core_type<tc>, window_params = [{transform_indices = @transform_0, window_bounds = array<i64: 32, 32768>}, {transform_indices = @transform_1, window_bounds = array<i64: 8192, 128>}]} {
    %iota3A = tpu.iota {dimensions = array<i32: 0>} : vector<128x128xi32>
    %iota3A_0 = tpu.iota {dimensions = array<i32: 1>} : vector<128x128xi32>
    %add3A = arith.constant 0 : i32
    %add3A_1 = vector.broadcast %add3A : i32 to vector<128x128xi32>
    %add3A_2 = arith.addi %iota3A, %add3A_1 : vector<128x128xi32>
    %eq3A = arith.cmpi eq, %add3A_2, %iota3A_0 : vector<128x128xi32>
    %convert_element_type3A = arith.extui %eq3A : vector<128x128xi1> to vector<128x128xi32>
    %convert_element_type3A_3 = arith.sitofp %convert_element_type3A : vector<128x128xi32> to vector<128x128xf32>
    %get3A = arith.constant 0 : index
    %get3A_4 = arith.constant 0 : index
    %get3A_5 = vector.load %arg1[%get3A, %get3A_4] : memref<32x32768xf32, #tpu.memory_space<vmem>>, vector<32x512xf32>
    %slice3A = vector.extract_strided_slice %get3A_5 {offsets = [0, 0], sizes = [32, 128], strides = [1, 1]} : vector<32x512xf32> to vector<32x128xf32>
    %slice3A_6 = vector.extract_strided_slice %get3A_5 {offsets = [0, 128], sizes = [32, 128], strides = [1, 1]} : vector<32x512xf32> to vector<32x128xf32>
    %slice3A_7 = vector.extract_strided_slice %get3A_5 {offsets = [0, 256], sizes = [32, 128], strides = [1, 1]} : vector<32x512xf32> to vector<32x128xf32>
    %slice3A_8 = vector.extract_strided_slice %get3A_5 {offsets = [0, 384], sizes = [32, 128], strides = [1, 1]} : vector<32x512xf32> to vector<32x128xf32>
    %concatenate3A = tpu.concatenate %slice3A, %slice3A_6, %slice3A_7, %slice3A_8 in 0 : vector<32x128xf32>, vector<32x128xf32>, vector<32x128xf32>, vector<32x128xf32> -> vector<128x128xf32>
    %dot_general3A = arith.constant dense<0.000000e+00> : vector<128x128xf32>
    %dot_general3A_9 = tpu.matmul %concatenate3A, %convert_element_type3A_3, %dot_general3A {dimension_numbers = #tpu.dot_dimension_numbers<[0], [0], [1], [1], [0, 1, 1, 1], [], []>, precision = #tpu.contract_precision<fp32>, transpose_lhs_hint = false} : vector<128x128xf32>, vector<128x128xf32>, vector<128x128xf32> -> vector<128x128xf32>
    %swap3A = arith.constant 0 : index
    %swap3A_10 = arith.constant 0 : index
    %swap3A_11 = vector.load %arg2[%swap3A, %swap3A_10] : memref<8192x128xf32, #tpu.memory_space<vmem>>, vector<128x128xf32>
    tpu.vector_store %arg2[%swap3A, %swap3A_10], %dot_general3A_9 {strides = array<i32>} : memref<8192x128xf32, #tpu.memory_space<vmem>>, vector<128x128xf32>,
    %get3A_12 = arith.constant 0 : index
    %get3A_13 = arith.constant 512 : index
    %get3A_14 = vector.load %arg1[%get3A_12, %get3A_13] : memref<32x32768xf32, #tpu.memory_space<vmem>>, vector<32x512xf32>
    %slice3A_15 = vector.extract_strided_slice %get3A_14 {offsets = [0, 0], sizes = [32, 128], strides = [1, 1]} : vector<32x512xf32> to vector<32x128xf32>
    %slice3A_16 = vector.extract_strided_slice %get3A_14 {offsets = [0, 128], sizes = [32, 128], strides = [1, 1]} : vector<32x512xf32> to vector<32x128xf32>
    %slice3A_17 = vector.extract_strided_slice %get3A_14 {offsets = [0, 256], sizes = [32, 128], strides = [1, 1]} : vector<32x512xf32> to vector<32x128xf32>
    %slice3A_18 = vector.extract_strided_slice %get3A_14 {offsets = [0, 384], sizes = [32, 128], strides = [1, 1]} : vector<32x512xf32> to vector<32x128xf32>
    %concatenate3A_19 = tpu.concatenate %slice3A_15, %slice3A_16, %slice3A_17, %slice3A_18 in 0 : vector<32x128xf32>, vector<32x128xf32>, vector<32x128xf32>, vector<32x128xf32> -> vector<128x128xf32>
    %dot_general3A_20 = arith.constant dense<0.000000e+00> : vector<128x128xf32>
    %dot_general3A_21 = tpu.matmul %concatenate3A_19, %convert_element_type3A_3, %dot_general3A_20 {dimension_numbers = #tpu.dot_dimension_numbers<[0], [0], [1], [1], [0, 1, 1, 1], [], []>, precision = #tpu.contract_precision<fp32>, transpose_lhs_hint = false} : vector<128x128xf32>, vector<128x128xf32>, vector<128x128xf32> -> vector<128x128xf32>
    %swap3A_22 = arith.constant 128 : index
    %swap3A_23 = arith.constant 0 : index
    %swap3A_24 = vector.load %arg2[%swap3A_22, %swap3A_23] : memref<8192x128xf32, #tpu.memory_space<vmem>>, vector<128x128xf32>
    tpu.vector_store %arg2[%swap3A_22, %swap3A_23], %dot_general3A_21 {strides = array<i32>} : memref<8192x128xf32, #tpu.memory_space<vmem>>, vector<128x128xf32>,
    %get3A_25 = arith.constant 0 : index
    %get3A_26 = arith.constant 1024 : index
    %get3A_27 = vector.load %arg1[%get3A_25, %get3A_26] : memref<32x32768xf32, #tpu.memory_space<vmem>>, vector<32x512xf32>
    %slice3A_28 = vector.extract_strided_slice %get3A_27 {offsets = [0, 0], sizes = [32, 128], strides = [1, 1]} : vector<32x512xf32> to vector<32x128xf32>
    %slice3A_29 = vector.extract_strided_slice %get3A_27 {offsets = [0, 128], sizes = [32, 128], strides = [1, 1]} : vector<32x512xf32> to vector<32x128xf32>
    %slice3A_30 = vector.extract_strided_slice %get3A_27 {offsets = [0, 256], sizes = [32, 128], strides = [1, 1]} : vector<32x512xf32> to vector<32x128xf32>
    %slice3A_31 = vector.extract_strided_slice %get3A_27 {offsets = [0, 384], sizes = [32, 128], strides = [1, 1]} : vector<32x512xf32> to vector<32x128xf32>
    %concatenate3A_32 = tpu.concatenate %slice3A_28, %slice3A_29, %slice3A_30, %slice3A_31 in 0 : vector<32x128xf32>, vector<32x128xf32>, vector<32x128xf32>, vector<32x128xf32> -> vector<128x128xf32>
    %dot_general3A_33 = arith.constant dense<0.000000e+00> : vector<128x128xf32>
    %dot_general3A_34 = tpu.matmul %concatenate3A_32, %convert_element_type3A_3, %dot_general3A_33 {dimension_numbers = #tpu.dot_dimension_numbers<[0], [0], [1], [1], [0, 1, 1, 1], [], []>, precision = #tpu.contract_precision<fp32>, transpose_lhs_hint = false} : vector<128x128xf32>, vector<128x128xf32>, vector<128x128xf32> -> vector<128x128xf32>
    %swap3A_35 = arith.constant 256 : index
    %swap3A_36 = arith.constant 0 : index
    %swap3A_37 = vector.load %arg2[%swap3A_35, %swap3A_36] : memref<8192x128xf32, #tpu.memory_space<vmem>>, vector<128x128xf32>
    tpu.vector_store %arg2[%swap3A_35, %swap3A_36], %dot_general3A_34 {strides = array<i32>} : memref<8192x128xf32, #tpu.memory_space<vmem>>, vector<128x128xf32>,
    %get3A_38 = arith.constant 0 : index
    %get3A_39 = arith.constant 1536 : index
    %get3A_40 = vector.load %arg1[%get3A_38, %get3A_39] : memref<32x32768xf32, #tpu.memory_space<vmem>>, vector<32x512xf32>
    %slice3A_41 = vector.extract_strided_slice %get3A_40 {offsets = [0, 0], sizes = [32, 128], strides = [1, 1]} : vector<32x512xf32> to vector<32x128xf32>
    %slice3A_42 = vector.extract_strided_slice %get3A_40 {offsets = [0, 128], sizes = [32, 128], strides = [1, 1]} : vector<32x512xf32> to vector<32x128xf32>
    %slice3A_43 = vector.extract_strided_slice %get3A_40 {offsets = [0, 256], sizes = [32, 128], strides = [1, 1]} : vector<32x512xf32> to vector<32x128xf32>
    %slice3A_44 = vector.extract_strided_slice %get3A_40 {offsets = [0, 384], sizes = [32, 128], strides = [1, 1]} : vector<32x512xf32> to vector<32x128xf32>
    %concatenate3A_45 = tpu.concatenate %slice3A_41, %slice3A_42, %slice3A_43, %slice3A_44 in 0 : vector<32x128xf32>, vector<32x128xf32>, vector<32x128xf32>, vector<32x128xf32> -> vector<128x128xf32>
    %dot_general3A_46 = arith.constant dense<0.000000e+00> : vector<128x128xf32>
    %dot_general3A_47 = tpu.matmul %concatenate3A_45, %convert_element_type3A_3, %dot_general3A_46 {dimension_numbers = #tpu.dot_dimension_numbers<[0], [0], [1], [1], [0, 1, 1, 1], [], []>, precision = #tpu.contract_precision<fp32>, transpose_lhs_hint = false} : vector<128x128xf32>, vector<128x128xf32>, vector<128x128xf32> -> vector<128x128xf32>
    %swap3A_48 = arith.constant 384 : index
    %swap3A_49 = arith.constant 0 : index
    %swap3A_50 = vector.load %arg2[%swap3A_48, %swap3A_49] : memref<8192x128xf32, #tpu.memory_space<vmem>>, vector<128x128xf32>
    tpu.vector_store %arg2[%swap3A_48, %swap3A_49], %dot_general3A_47 {strides = array<i32>} : memref<8192x128xf32, #tpu.memory_space<vmem>>, vector<128x128xf32>,
    %get3A_51 = arith.constant 0 : index
    %get3A_52 = arith.constant 2048 : index
    %get3A_53 = vector.load %arg1[%get3A_51, %get3A_52] : memref<32x32768xf32, #tpu.memory_space<vmem>>, vector<32x512xf32>
    %slice3A_54 = vector.extract_strided_slice %get3A_53 {offsets = [0, 0], sizes = [32, 128], strides = [1, 1]} : vector<32x512xf32> to vector<32x128xf32>
    %slice3A_55 = vector.extract_strided_slice %get3A_53 {offsets = [0, 128], sizes = [32, 128], strides = [1, 1]} : vector<32x512xf32> to vector<32x128xf32>
    %slice3A_56 = vector.extract_strided_slice %get3A_53 {offsets = [0, 256], sizes = [32, 128], strides = [1, 1]} : vector<32x512xf32> to vector<32x128xf32>
    %slice3A_57 = vector.extract_strided_slice %get3A_53 {offsets = [0, 384], sizes = [32, 128], strides = [1, 1]} : vector<32x512xf32> to vector<32x128xf32>
    %concatenate3A_58 = tpu.concatenate %slice3A_54, %slice3A_55, %slice3A_56, %slice3A_57 in 0 : vector<32x128xf32>, vector<32x128xf32>, vector<32x128xf32>, vector<32x128xf32> -> vector<128x128xf32>
    %dot_general3A_59 = arith.constant dense<0.000000e+00> : vector<128x128xf32>
    %dot_general3A_60 = tpu.matmul %concatenate3A_58, %convert_element_type3A_3, %dot_general3A_59 {dimension_numbers = #tpu.dot_dimension_numbers<[0], [0], [1], [1], [0, 1, 1, 1], [], []>, precision = #tpu.contract_precision<fp32>, transpose_lhs_hint = false} : vector<128x128xf32>, vector<128x128xf32>, vector<128x128xf32> -> vector<128x128xf32>
    %swap3A_61 = arith.constant 512 : index
    %swap3A_62 = arith.constant 0 : index
    %swap3A_63 = vector.load %arg2[%swap3A_61, %swap3A_62] : memref<8192x128xf32, #tpu.memory_space<vmem>>, vector<128x128xf32>
    tpu.vector_store %arg2[%swap3A_61, %swap3A_62], %dot_general3A_60 {strides = array<i32>} : memref<8192x128xf32, #tpu.memory_space<vmem>>, vector<128x128xf32>,
    %get3A_64 = arith.constant 0 : index
    %get3A_65 = arith.constant 2560 : index
    %get3A_66 = vector.load %arg1[%get3A_64, %get3A_65] : memref<32x32768xf32, #tpu.memory_space<vmem>>, vector<32x512xf32>
    %slice3A_67 = vector.extract_strided_slice %get3A_66 {offsets = [0, 0], sizes = [32, 128], strides = [1, 1]} : vector<32x512xf32> to vector<32x128xf32>
    %slice3A_68 = vector.extract_strided_slice %get3A_66 {offsets = [0, 128], sizes = [32, 128], strides = [1, 1]} : vector<32x512xf32> to vector<32x128xf32>
    %slice3A_69 = vector.extract_strided_slice %get3A_66 {offsets = [0, 256], sizes = [32, 128], strides = [1, 1]} : vector<32x512xf32> to vector<32x128xf32>
    %slice3A_70 = vector.extract_strided_slice %get3A_66 {offsets = [0, 384], sizes = [32, 128], strides = [1, 1]} : vector<32x512xf32> to vector<32x128xf32>
    %concatenate3A_71 = tpu.concatenate %slice3A_67, %slice3A_68, %slice3A_69, %slice3A_70 in 0 : vector<32x128xf32>, vector<32x128xf32>, vector<32x128xf32>, vector<32x128xf32> -> vector<128x128xf32>
    %dot_general3A_72 = arith.constant dense<0.000000e+00> : vector<128x128xf32>
    %dot_general3A_73 = tpu.matmul %concatenate3A_71, %convert_element_type3A_3, %dot_general3A_72 {dimension_numbers = #tpu.dot_dimension_numbers<[0], [0], [1], [1], [0, 1, 1, 1], [], []>, precision = #tpu.contract_precision<fp32>, transpose_lhs_hint = false} : vector<128x128xf32>, vector<128x128xf32>, vector<128x128xf32> -> vector<128x128xf32>
    %swap3A_74 = arith.constant 640 : index
    %swap3A_75 = arith.constant 0 : index
    %swap3A_76 = vector.load %arg2[%swap3A_74, %swap3A_75] : memref<8192x128xf32, #tpu.memory_space<vmem>>, vector<128x128xf32>
    tpu.vector_store %arg2[%swap3A_74, %swap3A_75], %dot_general3A_73 {strides = array<i32>} : memref<8192x128xf32, #tpu.memory_space<vmem>>, vector<128x128xf32>,
    %get3A_77 = arith.constant 0 : index
    %get3A_78 = arith.constant 3072 : index
    %get3A_79 = vector.load %arg1[%get3A_77, %get3A_78] : memref<32x32768xf32, #tpu.memory_space<vmem>>, vector<32x512xf32>
    %slice3A_80 = vector.extract_strided_slice %get3A_79 {offsets = [0, 0], sizes = [32, 128], strides = [1, 1]} : vector<32x512xf32> to vector<32x128xf32>
    %slice3A_81 = vector.extract_strided_slice %get3A_79 {offsets = [0, 128], sizes = [32, 128], strides = [1, 1]} : vector<32x512xf32> to vector<32x128xf32>
    %slice3A_82 = vector.extract_strided_slice %get3A_79 {offsets = [0, 256], sizes = [32, 128], strides = [1, 1]} : vector<32x512xf32> to vector<32x128xf32>
    %slice3A_83 = vector.extract_strided_slice %get3A_79 {offsets = [0, 384], sizes = [32, 128], strides = [1, 1]} : vector<32x512xf32> to vector<32x128xf32>
    %concatenate3A_84 = tpu.concatenate %slice3A_80, %slice3A_81, %slice3A_82, %slice3A_83 in 0 : vector<32x128xf32>, vector<32x128xf32>, vector<32x128xf32>, vector<32x128xf32> -> vector<128x128xf32>
    %dot_general3A_85 = arith.constant dense<0.000000e+00> : vector<128x128xf32>
    %dot_general3A_86 = tpu.matmul %concatenate3A_84, %convert_element_type3A_3, %dot_general3A_85 {dimension_numbers = #tpu.dot_dimension_numbers<[0], [0], [1], [1], [0, 1, 1, 1], [], []>, precision = #tpu.contract_precision<fp32>, transpose_lhs_hint = false} : vector<128x128xf32>, vector<128x128xf32>, vector<128x128xf32> -> vector<128x128xf32>
    %swap3A_87 = arith.constant 768 : index
    %swap3A_88 = arith.constant 0 : index
    %swap3A_89 = vector.load %arg2[%swap3A_87, %swap3A_88] : memref<8192x128xf32, #tpu.memory_space<vmem>>, vector<128x128xf32>
    tpu.vector_store %arg2[%swap3A_87, %swap3A_88], %dot_general3A_86 {strides = array<i32>} : memref<8192x128xf32, #tpu.memory_space<vmem>>, vector<128x128xf32>,
    %get3A_90 = arith.constant 0 : index
    %get3A_91 = arith.constant 3584 : index
    %get3A_92 = vector.load %arg1[%get3A_90, %get3A_91] : memref<32x32768xf32, #tpu.memory_space<vmem>>, vector<32x512xf32>
    %slice3A_93 = vector.extract_strided_slice %get3A_92 {offsets = [0, 0], sizes = [32, 128], strides = [1, 1]} : vector<32x512xf32> to vector<32x128xf32>
    %slice3A_94 = vector.extract_strided_slice %get3A_92 {offsets = [0, 128], sizes = [32, 128], strides = [1, 1]} : vector<32x512xf32> to vector<32x128xf32>
    %slice3A_95 = vector.extract_strided_slice %get3A_92 {offsets = [0, 256], sizes = [32, 128], strides = [1, 1]} : vector<32x512xf32> to vector<32x128xf32>
    %slice3A_96 = vector.extract_strided_slice %get3A_92 {offsets = [0, 384], sizes = [32, 128], strides = [1, 1]} : vector<32x512xf32> to vector<32x128xf32>
    %concatenate3A_97 = tpu.concatenate %slice3A_93, %slice3A_94, %slice3A_95, %slice3A_96 in 0 : vector<32x128xf32>, vector<32x128xf32>, vector<32x128xf32>, vector<32x128xf32> -> vector<128x128xf32>
    %dot_general3A_98 = arith.constant dense<0.000000e+00> : vector<128x128xf32>
    %dot_general3A_99 = tpu.matmul %concatenate3A_97, %convert_element_type3A_3, %dot_general3A_98 {dimension_numbers = #tpu.dot_dimension_numbers<[0], [0], [1], [1], [0, 1, 1, 1], [], []>, precision = #tpu.contract_precision<fp32>, transpose_lhs_hint = false} : vector<128x128xf32>, vector<128x128xf32>, vector<128x128xf32> -> vector<128x128xf32>
    %swap3A_100 = arith.constant 896 : index
    %swap3A_101 = arith.constant 0 : index
    %swap3A_102 = vector.load %arg2[%swap3A_100, %swap3A_101] : memref<8192x128xf32, #tpu.memory_space<vmem>>, vector<128x128xf32>
    tpu.vector_store %arg2[%swap3A_100, %swap3A_101], %dot_general3A_99 {strides = array<i32>} : memref<8192x128xf32, #tpu.memory_space<vmem>>, vector<128x128xf32>,
    %get3A_103 = arith.constant 0 : index
    %get3A_104 = arith.constant 4096 : index
    %get3A_105 = vector.load %arg1[%get3A_103, %get3A_104] : memref<32x32768xf32, #tpu.memory_space<vmem>>, vector<32x512xf32>
    %slice3A_106 = vector.extract_strided_slice %get3A_105 {offsets = [0, 0], sizes = [32, 128], strides = [1, 1]} : vector<32x512xf32> to vector<32x128xf32>
    %slice3A_107 = vector.extract_strided_slice %get3A_105 {offsets = [0, 128], sizes = [32, 128], strides = [1, 1]} : vector<32x512xf32> to vector<32x128xf32>
    %slice3A_108 = vector.extract_strided_slice %get3A_105 {offsets = [0, 256], sizes = [32, 128], strides = [1, 1]} : vector<32x512xf32> to vector<32x128xf32>
    %slice3A_109 = vector.extract_strided_slice %get3A_105 {offsets = [0, 384], sizes = [32, 128], strides = [1, 1]} : vector<32x512xf32> to vector<32x128xf32>
    %concatenate3A_110 = tpu.concatenate %slice3A_106, %slice3A_107, %slice3A_108, %slice3A_109 in 0 : vector<32x128xf32>, vector<32x128xf32>, vector<32x128xf32>, vector<32x128xf32> -> vector<128x128xf32>
    %dot_general3A_111 = arith.constant dense<0.000000e+00> : vector<128x128xf32>
    %dot_general3A_112 = tpu.matmul %concatenate3A_110, %convert_element_type3A_3, %dot_general3A_111 {dimension_numbers = #tpu.dot_dimension_numbers<[0], [0], [1], [1], [0, 1, 1, 1], [], []>, precision = #tpu.contract_precision<fp32>, transpose_lhs_hint = false} : vector<128x128xf32>, vector<128x128xf32>, vector<128x128xf32> -> vector<128x128xf32>
    %swap3A_113 = arith.constant 1024 : index
    %swap3A_114 = arith.constant 0 : index
    %swap3A_115 = vector.load %arg2[%swap3A_113, %swap3A_114] : memref<8192x128xf32, #tpu.memory_space<vmem>>, vector<128x128xf32>
    tpu.vector_store %arg2[%swap3A_113, %swap3A_114], %dot_general3A_112 {strides = array<i32>} : memref<8192x128xf32, #tpu.memory_space<vmem>>, vector<128x128xf32>,
    %get3A_116 = arith.constant 0 : index
    %get3A_117 = arith.constant 4608 : index
    %get3A_118 = vector.load %arg1[%get3A_116, %get3A_117] : memref<32x32768xf32, #tpu.memory_space<vmem>>, vector<32x512xf32>
    %slice3A_119 = vector.extract_strided_slice %get3A_118 {offsets = [0, 0], sizes = [32, 128], strides = [1, 1]} : vector<32x512xf32> to vector<32x128xf32>
    %slice3A_120 = vector.extract_strided_slice %get3A_118 {offsets = [0, 128], sizes = [32, 128], strides = [1, 1]} : vector<32x512xf32> to vector<32x128xf32>
    %slice3A_121 = vector.extract_strided_slice %get3A_118 {offsets = [0, 256], sizes = [32, 128], strides = [1, 1]} : vector<32x512xf32> to vector<32x128xf32>
    %slice3A_122 = vector.extract_strided_slice %get3A_118 {offsets = [0, 384], sizes = [32, 128], strides = [1, 1]} : vector<32x512xf32> to vector<32x128xf32>
    %concatenate3A_123 = tpu.concatenate %slice3A_119, %slice3A_120, %slice3A_121, %slice3A_122 in 0 : vector<32x128xf32>, vector<32x128xf32>, vector<32x128xf32>, vector<32x128xf32> -> vector<128x128xf32>
    %dot_general3A_124 = arith.constant dense<0.000000e+00> : vector<128x128xf32>
    %dot_general3A_125 = tpu.matmul %concatenate3A_123, %convert_element_type3A_3, %dot_general3A_124 {dimension_numbers = #tpu.dot_dimension_numbers<[0], [0], [1], [1], [0, 1, 1, 1], [], []>, precision = #tpu.contract_precision<fp32>, transpose_lhs_hint = false} : vector<128x128xf32>, vector<128x128xf32>, vector<128x128xf32> -> vector<128x128xf32>
    %swap3A_126 = arith.constant 1152 : index
    %swap3A_127 = arith.constant 0 : index
    %swap3A_128 = vector.load %arg2[%swap3A_126, %swap3A_127] : memref<8192x128xf32, #tpu.memory_space<vmem>>, vector<128x128xf32>
    tpu.vector_store %arg2[%swap3A_126, %swap3A_127], %dot_general3A_125 {strides = array<i32>} : memref<8192x128xf32, #tpu.memory_space<vmem>>, vector<128x128xf32>,
    %get3A_129 = arith.constant 0 : index
    %get3A_130 = arith.constant 5120 : index
    %get3A_131 = vector.load %arg1[%get3A_129, %get3A_130] : memref<32x32768xf32, #tpu.memory_space<vmem>>, vector<32x512xf32>
    %slice3A_132 = vector.extract_strided_slice %get3A_131 {offsets = [0, 0], sizes = [32, 128], strides = [1, 1]} : vector<32x512xf32> to vector<32x128xf32>
    %slice3A_133 = vector.extract_strided_slice %get3A_131 {offsets = [0, 128], sizes = [32, 128], strides = [1, 1]} : vector<32x512xf32> to vector<32x128xf32>
    %slice3A_134 = vector.extract_strided_slice %get3A_131 {offsets = [0, 256], sizes = [32, 128], strides = [1, 1]} : vector<32x512xf32> to vector<32x128xf32>
    %slice3A_135 = vector.extract_strided_slice %get3A_131 {offsets = [0, 384], sizes = [32, 128], strides = [1, 1]} : vector<32x512xf32> to vector<32x128xf32>
    %concatenate3A_136 = tpu.concatenate %slice3A_132, %slice3A_133, %slice3A_134, %slice3A_135 in 0 : vector<32x128xf32>, vector<32x128xf32>, vector<32x128xf32>, vector<32x128xf32> -> vector<128x128xf32>
    %dot_general3A_137 = arith.constant dense<0.000000e+00> : vector<128x128xf32>
    %dot_general3A_138 = tpu.matmul %concatenate3A_136, %convert_element_type3A_3, %dot_general3A_137 {dimension_numbers = #tpu.dot_dimension_numbers<[0], [0], [1], [1], [0, 1, 1, 1], [], []>, precision = #tpu.contract_precision<fp32>, transpose_lhs_hint = false} : vector<128x128xf32>, vector<128x128xf32>, vector<128x128xf32> -> vector<128x128xf32>
    %swap3A_139 = arith.constant 1280 : index
    %swap3A_140 = arith.constant 0 : index
    %swap3A_141 = vector.load %arg2[%swap3A_139, %swap3A_140] : memref<8192x128xf32, #tpu.memory_space<vmem>>, vector<128x128xf32>
    tpu.vector_store %arg2[%swap3A_139, %swap3A_140], %dot_general3A_138 {strides = array<i32>} : memref<8192x128xf32, #tpu.memory_space<vmem>>, vector<128x128xf32>,
    %get3A_142 = arith.constant 0 : index
    %get3A_143 = arith.constant 5632 : index
    %get3A_144 = vector.load %arg1[%get3A_142, %get3A_143] : memref<32x32768xf32, #tpu.memory_space<vmem>>, vector<32x512xf32>
    %slice3A_145 = vector.extract_strided_slice %get3A_144 {offsets = [0, 0], sizes = [32, 128], strides = [1, 1]} : vector<32x512xf32> to vector<32x128xf32>
    %slice3A_146 = vector.extract_strided_slice %get3A_144 {offsets = [0, 128], sizes = [32, 128], strides = [1, 1]} : vector<32x512xf32> to vector<32x128xf32>
    %slice3A_147 = vector.extract_strided_slice %get3A_144 {offsets = [0, 256], sizes = [32, 128], strides = [1, 1]} : vector<32x512xf32> to vector<32x128xf32>
    %slice3A_148 = vector.extract_strided_slice %get3A_144 {offsets = [0, 384], sizes = [32, 128], strides = [1, 1]} : vector<32x512xf32> to vector<32x128xf32>
    %concatenate3A_149 = tpu.concatenate %slice3A_145, %slice3A_146, %slice3A_147, %slice3A_148 in 0 : vector<32x128xf32>, vector<32x128xf32>, vector<32x128xf32>, vector<32x128xf32> -> vector<128x128xf32>
    %dot_general3A_150 = arith.constant dense<0.000000e+00> : vector<128x128xf32>
    %dot_general3A_151 = tpu.matmul %concatenate3A_149, %convert_element_type3A_3, %dot_general3A_150 {dimension_numbers = #tpu.dot_dimension_numbers<[0], [0], [1], [1], [0, 1, 1, 1], [], []>, precision = #tpu.contract_precision<fp32>, transpose_lhs_hint = false} : vector<128x128xf32>, vector<128x128xf32>, vector<128x128xf32> -> vector<128x128xf32>
    %swap3A_152 = arith.constant 1408 : index
    %swap3A_153 = arith.constant 0 : index
    %swap3A_154 = vector.load %arg2[%swap3A_152, %swap3A_153] : memref<8192x128xf32, #tpu.memory_space<vmem>>, vector<128x128xf32>
    tpu.vector_store %arg2[%swap3A_152, %swap3A_153], %dot_general3A_151 {strides = array<i32>} : memref<8192x128xf32, #tpu.memory_space<vmem>>, vector<128x128xf32>,
    %get3A_155 = arith.constant 0 : index
    %get3A_156 = arith.constant 6144 : index
    %get3A_157 = vector.load %arg1[%get3A_155, %get3A_156] : memref<32x32768xf32, #tpu.memory_space<vmem>>, vector<32x512xf32>
    %slice3A_158 = vector.extract_strided_slice %get3A_157 {offsets = [0, 0], sizes = [32, 128], strides = [1, 1]} : vector<32x512xf32> to vector<32x128xf32>
    %slice3A_159 = vector.extract_strided_slice %get3A_157 {offsets = [0, 128], sizes = [32, 128], strides = [1, 1]} : vector<32x512xf32> to vector<32x128xf32>
    %slice3A_160 = vector.extract_strided_slice %get3A_157 {offsets = [0, 256], sizes = [32, 128], strides = [1, 1]} : vector<32x512xf32> to vector<32x128xf32>
    %slice3A_161 = vector.extract_strided_slice %get3A_157 {offsets = [0, 384], sizes = [32, 128], strides = [1, 1]} : vector<32x512xf32> to vector<32x128xf32>
    %concatenate3A_162 = tpu.concatenate %slice3A_158, %slice3A_159, %slice3A_160, %slice3A_161 in 0 : vector<32x128xf32>, vector<32x128xf32>, vector<32x128xf32>, vector<32x128xf32> -> vector<128x128xf32>
    %dot_general3A_163 = arith.constant dense<0.000000e+00> : vector<128x128xf32>
    %dot_general3A_164 = tpu.matmul %concatenate3A_162, %convert_element_type3A_3, %dot_general3A_163 {dimension_numbers = #tpu.dot_dimension_numbers<[0], [0], [1], [1], [0, 1, 1, 1], [], []>, precision = #tpu.contract_precision<fp32>, transpose_lhs_hint = false} : vector<128x128xf32>, vector<128x128xf32>, vector<128x128xf32> -> vector<128x128xf32>
    %swap3A_165 = arith.constant 1536 : index
    %swap3A_166 = arith.constant 0 : index
    %swap3A_167 = vector.load %arg2[%swap3A_165, %swap3A_166] : memref<8192x128xf32, #tpu.memory_space<vmem>>, vector<128x128xf32>
    tpu.vector_store %arg2[%swap3A_165, %swap3A_166], %dot_general3A_164 {strides = array<i32>} : memref<8192x128xf32, #tpu.memory_space<vmem>>, vector<128x128xf32>,
    %get3A_168 = arith.constant 0 : index
    %get3A_169 = arith.constant 6656 : index
    %get3A_170 = vector.load %arg1[%get3A_168, %get3A_169] : memref<32x32768xf32, #tpu.memory_space<vmem>>, vector<32x512xf32>
    %slice3A_171 = vector.extract_strided_slice %get3A_170 {offsets = [0, 0], sizes = [32, 128], strides = [1, 1]} : vector<32x512xf32> to vector<32x128xf32>
    %slice3A_172 = vector.extract_strided_slice %get3A_170 {offsets = [0, 128], sizes = [32, 128], strides = [1, 1]} : vector<32x512xf32> to vector<32x128xf32>
    %slice3A_173 = vector.extract_strided_slice %get3A_170 {offsets = [0, 256], sizes = [32, 128], strides = [1, 1]} : vector<32x512xf32> to vector<32x128xf32>
    %slice3A_174 = vector.extract_strided_slice %get3A_170 {offsets = [0, 384], sizes = [32, 128], strides = [1, 1]} : vector<32x512xf32> to vector<32x128xf32>
    %concatenate3A_175 = tpu.concatenate %slice3A_171, %slice3A_172, %slice3A_173, %slice3A_174 in 0 : vector<32x128xf32>, vector<32x128xf32>, vector<32x128xf32>, vector<32x128xf32> -> vector<128x128xf32>
    %dot_general3A_176 = arith.constant dense<0.000000e+00> : vector<128x128xf32>
    %dot_general3A_177 = tpu.matmul %concatenate3A_175, %convert_element_type3A_3, %dot_general3A_176 {dimension_numbers = #tpu.dot_dimension_numbers<[0], [0], [1], [1], [0, 1, 1, 1], [], []>, precision = #tpu.contract_precision<fp32>, transpose_lhs_hint = false} : vector<128x128xf32>, vector<128x128xf32>, vector<128x128xf32> -> vector<128x128xf32>
    %swap3A_178 = arith.constant 1664 : index
    %swap3A_179 = arith.constant 0 : index
    %swap3A_180 = vector.load %arg2[%swap3A_178, %swap3A_179] : memref<8192x128xf32, #tpu.memory_space<vmem>>, vector<128x128xf32>
    tpu.vector_store %arg2[%swap3A_178, %swap3A_179], %dot_general3A_177 {strides = array<i32>} : memref<8192x128xf32, #tpu.memory_space<vmem>>, vector<128x128xf32>,
    %get3A_181 = arith.constant 0 : index
    %get3A_182 = arith.constant 7168 : index
    %get3A_183 = vector.load %arg1[%get3A_181, %get3A_182] : memref<32x32768xf32, #tpu.memory_space<vmem>>, vector<32x512xf32>
    %slice3A_184 = vector.extract_strided_slice %get3A_183 {offsets = [0, 0], sizes = [32, 128], strides = [1, 1]} : vector<32x512xf32> to vector<32x128xf32>
    %slice3A_185 = vector.extract_strided_slice %get3A_183 {offsets = [0, 128], sizes = [32, 128], strides = [1, 1]} : vector<32x512xf32> to vector<32x128xf32>
    %slice3A_186 = vector.extract_strided_slice %get3A_183 {offsets = [0, 256], sizes = [32, 128], strides = [1, 1]} : vector<32x512xf32> to vector<32x128xf32>
    %slice3A_187 = vector.extract_strided_slice %get3A_183 {offsets = [0, 384], sizes = [32, 128], strides = [1, 1]} : vector<32x512xf32> to vector<32x128xf32>
    %concatenate3A_188 = tpu.concatenate %slice3A_184, %slice3A_185, %slice3A_186, %slice3A_187 in 0 : vector<32x128xf32>, vector<32x128xf32>, vector<32x128xf32>, vector<32x128xf32> -> vector<128x128xf32>
    %dot_general3A_189 = arith.constant dense<0.000000e+00> : vector<128x128xf32>
    %dot_general3A_190 = tpu.matmul %concatenate3A_188, %convert_element_type3A_3, %dot_general3A_189 {dimension_numbers = #tpu.dot_dimension_numbers<[0], [0], [1], [1], [0, 1, 1, 1], [], []>, precision = #tpu.contract_precision<fp32>, transpose_lhs_hint = false} : vector<128x128xf32>, vector<128x128xf32>, vector<128x128xf32> -> vector<128x128xf32>
    %swap3A_191 = arith.constant 1792 : index
    %swap3A_192 = arith.constant 0 : index
    %swap3A_193 = vector.load %arg2[%swap3A_191, %swap3A_192] : memref<8192x128xf32, #tpu.memory_space<vmem>>, vector<128x128xf32>
    tpu.vector_store %arg2[%swap3A_191, %swap3A_192], %dot_general3A_190 {strides = array<i32>} : memref<8192x128xf32, #tpu.memory_space<vmem>>, vector<128x128xf32>,
    %get3A_194 = arith.constant 0 : index
    %get3A_195 = arith.constant 7680 : index
    %get3A_196 = vector.load %arg1[%get3A_194, %get3A_195] : memref<32x32768xf32, #tpu.memory_space<vmem>>, vector<32x512xf32>
    %slice3A_197 = vector.extract_strided_slice %get3A_196 {offsets = [0, 0], sizes = [32, 128], strides = [1, 1]} : vector<32x512xf32> to vector<32x128xf32>
    %slice3A_198 = vector.extract_strided_slice %get3A_196 {offsets = [0, 128], sizes = [32, 128], strides = [1, 1]} : vector<32x512xf32> to vector<32x128xf32>
    %slice3A_199 = vector.extract_strided_slice %get3A_196 {offsets = [0, 256], sizes = [32, 128], strides = [1, 1]} : vector<32x512xf32> to vector<32x128xf32>
    %slice3A_200 = vector.extract_strided_slice %get3A_196 {offsets = [0, 384], sizes = [32, 128], strides = [1, 1]} : vector<32x512xf32> to vector<32x128xf32>
    %concatenate3A_201 = tpu.concatenate %slice3A_197, %slice3A_198, %slice3A_199, %slice3A_200 in 0 : vector<32x128xf32>, vector<32x128xf32>, vector<32x128xf32>, vector<32x128xf32> -> vector<128x128xf32>
    %dot_general3A_202 = arith.constant dense<0.000000e+00> : vector<128x128xf32>
    %dot_general3A_203 = tpu.matmul %concatenate3A_201, %convert_element_type3A_3, %dot_general3A_202 {dimension_numbers = #tpu.dot_dimension_numbers<[0], [0], [1], [1], [0, 1, 1, 1], [], []>, precision = #tpu.contract_precision<fp32>, transpose_lhs_hint = false} : vector<128x128xf32>, vector<128x128xf32>, vector<128x128xf32> -> vector<128x128xf32>
    %swap3A_204 = arith.constant 1920 : index
    %swap3A_205 = arith.constant 0 : index
    %swap3A_206 = vector.load %arg2[%swap3A_204, %swap3A_205] : memref<8192x128xf32, #tpu.memory_space<vmem>>, vector<128x128xf32>
    tpu.vector_store %arg2[%swap3A_204, %swap3A_205], %dot_general3A_203 {strides = array<i32>} : memref<8192x128xf32, #tpu.memory_space<vmem>>, vector<128x128xf32>,
    %get3A_207 = arith.constant 0 : index
    %get3A_208 = arith.constant 8192 : index
    %get3A_209 = vector.load %arg1[%get3A_207, %get3A_208] : memref<32x32768xf32, #tpu.memory_space<vmem>>, vector<32x512xf32>
    %slice3A_210 = vector.extract_strided_slice %get3A_209 {offsets = [0, 0], sizes = [32, 128], strides = [1, 1]} : vector<32x512xf32> to vector<32x128xf32>
    %slice3A_211 = vector.extract_strided_slice %get3A_209 {offsets = [0, 128], sizes = [32, 128], strides = [1, 1]} : vector<32x512xf32> to vector<32x128xf32>
    %slice3A_212 = vector.extract_strided_slice %get3A_209 {offsets = [0, 256], sizes = [32, 128], strides = [1, 1]} : vector<32x512xf32> to vector<32x128xf32>
    %slice3A_213 = vector.extract_strided_slice %get3A_209 {offsets = [0, 384], sizes = [32, 128], strides = [1, 1]} : vector<32x512xf32> to vector<32x128xf32>
    %concatenate3A_214 = tpu.concatenate %slice3A_210, %slice3A_211, %slice3A_212, %slice3A_213 in 0 : vector<32x128xf32>, vector<32x128xf32>, vector<32x128xf32>, vector<32x128xf32> -> vector<128x128xf32>
    %dot_general3A_215 = arith.constant dense<0.000000e+00> : vector<128x128xf32>
    %dot_general3A_216 = tpu.matmul %concatenate3A_214, %convert_element_type3A_3, %dot_general3A_215 {dimension_numbers = #tpu.dot_dimension_numbers<[0], [0], [1], [1], [0, 1, 1, 1], [], []>, precision = #tpu.contract_precision<fp32>, transpose_lhs_hint = false} : vector<128x128xf32>, vector<128x128xf32>, vector<128x128xf32> -> vector<128x128xf32>
    %swap3A_217 = arith.constant 2048 : index
    %swap3A_218 = arith.constant 0 : index
    %swap3A_219 = vector.load %arg2[%swap3A_217, %swap3A_218] : memref<8192x128xf32, #tpu.memory_space<vmem>>, vector<128x128xf32>
    tpu.vector_store %arg2[%swap3A_217, %swap3A_218], %dot_general3A_216 {strides = array<i32>} : memref<8192x128xf32, #tpu.memory_space<vmem>>, vector<128x128xf32>,
    %get3A_220 = arith.constant 0 : index
    %get3A_221 = arith.constant 8704 : index
    %get3A_222 = vector.load %arg1[%get3A_220, %get3A_221] : memref<32x32768xf32, #tpu.memory_space<vmem>>, vector<32x512xf32>
    %slice3A_223 = vector.extract_strided_slice %get3A_222 {offsets = [0, 0], sizes = [32, 128], strides = [1, 1]} : vector<32x512xf32> to vector<32x128xf32>
    %slice3A_224 = vector.extract_strided_slice %get3A_222 {offsets = [0, 128], sizes = [32, 128], strides = [1, 1]} : vector<32x512xf32> to vector<32x128xf32>
    %slice3A_225 = vector.extract_strided_slice %get3A_222 {offsets = [0, 256], sizes = [32, 128], strides = [1, 1]} : vector<32x512xf32> to vector<32x128xf32>
    %slice3A_226 = vector.extract_strided_slice %get3A_222 {offsets = [0, 384], sizes = [32, 128], strides = [1, 1]} : vector<32x512xf32> to vector<32x128xf32>
    %concatenate3A_227 = tpu.concatenate %slice3A_223, %slice3A_224, %slice3A_225, %slice3A_226 in 0 : vector<32x128xf32>, vector<32x128xf32>, vector<32x128xf32>, vector<32x128xf32> -> vector<128x128xf32>
    %dot_general3A_228 = arith.constant dense<0.000000e+00> : vector<128x128xf32>
    %dot_general3A_229 = tpu.matmul %concatenate3A_227, %convert_element_type3A_3, %dot_general3A_228 {dimension_numbers = #tpu.dot_dimension_numbers<[0], [0], [1], [1], [0, 1, 1, 1], [], []>, precision = #tpu.contract_precision<fp32>, transpose_lhs_hint = false} : vector<128x128xf32>, vector<128x128xf32>, vector<128x128xf32> -> vector<128x128xf32>
    %swap3A_230 = arith.constant 2176 : index
    %swap3A_231 = arith.constant 0 : index
    %swap3A_232 = vector.load %arg2[%swap3A_230, %swap3A_231] : memref<8192x128xf32, #tpu.memory_space<vmem>>, vector<128x128xf32>
    tpu.vector_store %arg2[%swap3A_230, %swap3A_231], %dot_general3A_229 {strides = array<i32>} : memref<8192x128xf32, #tpu.memory_space<vmem>>, vector<128x128xf32>,
    %get3A_233 = arith.constant 0 : index
    %get3A_234 = arith.constant 9216 : index
    %get3A_235 = vector.load %arg1[%get3A_233, %get3A_234] : memref<32x32768xf32, #tpu.memory_space<vmem>>, vector<32x512xf32>
    %slice3A_236 = vector.extract_strided_slice %get3A_235 {offsets = [0, 0], sizes = [32, 128], strides = [1, 1]} : vector<32x512xf32> to vector<32x128xf32>
    %slice3A_237 = vector.extract_strided_slice %get3A_235 {offsets = [0, 128], sizes = [32, 128], strides = [1, 1]} : vector<32x512xf32> to vector<32x128xf32>
    %slice3A_238 = vector.extract_strided_slice %get3A_235 {offsets = [0, 256], sizes = [32, 128], strides = [1, 1]} : vector<32x512xf32> to vector<32x128xf32>
    %slice3A_239 = vector.extract_strided_slice %get3A_235 {offsets = [0, 384], sizes = [32, 128], strides = [1, 1]} : vector<32x512xf32> to vector<32x128xf32>
    %concatenate3A_240 = tpu.concatenate %slice3A_236, %slice3A_237, %slice3A_238, %slice3A_239 in 0 : vector<32x128xf32>, vector<32x128xf32>, vector<32x128xf32>, vector<32x128xf32> -> vector<128x128xf32>
    %dot_general3A_241 = arith.constant dense<0.000000e+00> : vector<128x128xf32>
    %dot_general3A_242 = tpu.matmul %concatenate3A_240, %convert_element_type3A_3, %dot_general3A_241 {dimension_numbers = #tpu.dot_dimension_numbers<[0], [0], [1], [1], [0, 1, 1, 1], [], []>, precision = #tpu.contract_precision<fp32>, transpose_lhs_hint = false} : vector<128x128xf32>, vector<128x128xf32>, vector<128x128xf32> -> vector<128x128xf32>
    %swap3A_243 = arith.constant 2304 : index
    %swap3A_244 = arith.constant 0 : index
    %swap3A_245 = vector.load %arg2[%swap3A_243, %swap3A_244] : memref<8192x128xf32, #tpu.memory_space<vmem>>, vector<128x128xf32>
    tpu.vector_store %arg2[%swap3A_243, %swap3A_244], %dot_general3A_242 {strides = array<i32>} : memref<8192x128xf32, #tpu.memory_space<vmem>>, vector<128x128xf32>,
    %get3A_246 = arith.constant 0 : index
    %get3A_247 = arith.constant 9728 : index
    %get3A_248 = vector.load %arg1[%get3A_246, %get3A_247] : memref<32x32768xf32, #tpu.memory_space<vmem>>, vector<32x512xf32>
    %slice3A_249 = vector.extract_strided_slice %get3A_248 {offsets = [0, 0], sizes = [32, 128], strides = [1, 1]} : vector<32x512xf32> to vector<32x128xf32>
    %slice3A_250 = vector.extract_strided_slice %get3A_248 {offsets = [0, 128], sizes = [32, 128], strides = [1, 1]} : vector<32x512xf32> to vector<32x128xf32>
    %slice3A_251 = vector.extract_strided_slice %get3A_248 {offsets = [0, 256], sizes = [32, 128], strides = [1, 1]} : vector<32x512xf32> to vector<32x128xf32>
    %slice3A_252 = vector.extract_strided_slice %get3A_248 {offsets = [0, 384], sizes = [32, 128], strides = [1, 1]} : vector<32x512xf32> to vector<32x128xf32>
    %concatenate3A_253 = tpu.concatenate %slice3A_249, %slice3A_250, %slice3A_251, %slice3A_252 in 0 : vector<32x128xf32>, vector<32x128xf32>, vector<32x128xf32>, vector<32x128xf32> -> vector<128x128xf32>
    %dot_general3A_254 = arith.constant dense<0.000000e+00> : vector<128x128xf32>
    %dot_general3A_255 = tpu.matmul %concatenate3A_253, %convert_element_type3A_3, %dot_general3A_254 {dimension_numbers = #tpu.dot_dimension_numbers<[0], [0], [1], [1], [0, 1, 1, 1], [], []>, precision = #tpu.contract_precision<fp32>, transpose_lhs_hint = false} : vector<128x128xf32>, vector<128x128xf32>, vector<128x128xf32> -> vector<128x128xf32>
    %swap3A_256 = arith.constant 2432 : index
    %swap3A_257 = arith.constant 0 : index
    %swap3A_258 = vector.load %arg2[%swap3A_256, %swap3A_257] : memref<8192x128xf32, #tpu.memory_space<vmem>>, vector<128x128xf32>
    tpu.vector_store %arg2[%swap3A_256, %swap3A_257], %dot_general3A_255 {strides = array<i32>} : memref<8192x128xf32, #tpu.memory_space<vmem>>, vector<128x128xf32>,
    %get3A_259 = arith.constant 0 : index
    %get3A_260 = arith.constant 10240 : index
    %get3A_261 = vector.load %arg1[%get3A_259, %get3A_260] : memref<32x32768xf32, #tpu.memory_space<vmem>>, vector<32x512xf32>
    %slice3A_262 = vector.extract_strided_slice %get3A_261 {offsets = [0, 0], sizes = [32, 128], strides = [1, 1]} : vector<32x512xf32> to vector<32x128xf32>
    %slice3A_263 = vector.extract_strided_slice %get3A_261 {offsets = [0, 128], sizes = [32, 128], strides = [1, 1]} : vector<32x512xf32> to vector<32x128xf32>
    %slice3A_264 = vector.extract_strided_slice %get3A_261 {offsets = [0, 256], sizes = [32, 128], strides = [1, 1]} : vector<32x512xf32> to vector<32x128xf32>
    %slice3A_265 = vector.extract_strided_slice %get3A_261 {offsets = [0, 384], sizes = [32, 128], strides = [1, 1]} : vector<32x512xf32> to vector<32x128xf32>
    %concatenate3A_266 = tpu.concatenate %slice3A_262, %slice3A_263, %slice3A_264, %slice3A_265 in 0 : vector<32x128xf32>, vector<32x128xf32>, vector<32x128xf32>, vector<32x128xf32> -> vector<128x128xf32>
    %dot_general3A_267 = arith.constant dense<0.000000e+00> : vector<128x128xf32>
    %dot_general3A_268 = tpu.matmul %concatenate3A_266, %convert_element_type3A_3, %dot_general3A_267 {dimension_numbers = #tpu.dot_dimension_numbers<[0], [0], [1], [1], [0, 1, 1, 1], [], []>, precision = #tpu.contract_precision<fp32>, transpose_lhs_hint = false} : vector<128x128xf32>, vector<128x128xf32>, vector<128x128xf32> -> vector<128x128xf32>
    %swap3A_269 = arith.constant 2560 : index
    %swap3A_270 = arith.constant 0 : index
    %swap3A_271 = vector.load %arg2[%swap3A_269, %swap3A_270] : memref<8192x128xf32, #tpu.memory_space<vmem>>, vector<128x128xf32>
    tpu.vector_store %arg2[%swap3A_269, %swap3A_270], %dot_general3A_268 {strides = array<i32>} : memref<8192x128xf32, #tpu.memory_space<vmem>>, vector<128x128xf32>,
    %get3A_272 = arith.constant 0 : index
    %get3A_273 = arith.constant 10752 : index
    %get3A_274 = vector.load %arg1[%get3A_272, %get3A_273] : memref<32x32768xf32, #tpu.memory_space<vmem>>, vector<32x512xf32>
    %slice3A_275 = vector.extract_strided_slice %get3A_274 {offsets = [0, 0], sizes = [32, 128], strides = [1, 1]} : vector<32x512xf32> to vector<32x128xf32>
    %slice3A_276 = vector.extract_strided_slice %get3A_274 {offsets = [0, 128], sizes = [32, 128], strides = [1, 1]} : vector<32x512xf32> to vector<32x128xf32>
    %slice3A_277 = vector.extract_strided_slice %get3A_274 {offsets = [0, 256], sizes = [32, 128], strides = [1, 1]} : vector<32x512xf32> to vector<32x128xf32>
    %slice3A_278 = vector.extract_strided_slice %get3A_274 {offsets = [0, 384], sizes = [32, 128], strides = [1, 1]} : vector<32x512xf32> to vector<32x128xf32>
    %concatenate3A_279 = tpu.concatenate %slice3A_275, %slice3A_276, %slice3A_277, %slice3A_278 in 0 : vector<32x128xf32>, vector<32x128xf32>, vector<32x128xf32>, vector<32x128xf32> -> vector<128x128xf32>
    %dot_general3A_280 = arith.constant dense<0.000000e+00> : vector<128x128xf32>
    %dot_general3A_281 = tpu.matmul %concatenate3A_279, %convert_element_type3A_3, %dot_general3A_280 {dimension_numbers = #tpu.dot_dimension_numbers<[0], [0], [1], [1], [0, 1, 1, 1], [], []>, precision = #tpu.contract_precision<fp32>, transpose_lhs_hint = false} : vector<128x128xf32>, vector<128x128xf32>, vector<128x128xf32> -> vector<128x128xf32>
    %swap3A_282 = arith.constant 2688 : index
    %swap3A_283 = arith.constant 0 : index
    %swap3A_284 = vector.load %arg2[%swap3A_282, %swap3A_283] : memref<8192x128xf32, #tpu.memory_space<vmem>>, vector<128x128xf32>
    tpu.vector_store %arg2[%swap3A_282, %swap3A_283], %dot_general3A_281 {strides = array<i32>} : memref<8192x128xf32, #tpu.memory_space<vmem>>, vector<128x128xf32>,
    %get3A_285 = arith.constant 0 : index
    %get3A_286 = arith.constant 11264 : index
    %get3A_287 = vector.load %arg1[%get3A_285, %get3A_286] : memref<32x32768xf32, #tpu.memory_space<vmem>>, vector<32x512xf32>
    %slice3A_288 = vector.extract_strided_slice %get3A_287 {offsets = [0, 0], sizes = [32, 128], strides = [1, 1]} : vector<32x512xf32> to vector<32x128xf32>
    %slice3A_289 = vector.extract_strided_slice %get3A_287 {offsets = [0, 128], sizes = [32, 128], strides = [1, 1]} : vector<32x512xf32> to vector<32x128xf32>
    %slice3A_290 = vector.extract_strided_slice %get3A_287 {offsets = [0, 256], sizes = [32, 128], strides = [1, 1]} : vector<32x512xf32> to vector<32x128xf32>
    %slice3A_291 = vector.extract_strided_slice %get3A_287 {offsets = [0, 384], sizes = [32, 128], strides = [1, 1]} : vector<32x512xf32> to vector<32x128xf32>
    %concatenate3A_292 = tpu.concatenate %slice3A_288, %slice3A_289, %slice3A_290, %slice3A_291 in 0 : vector<32x128xf32>, vector<32x128xf32>, vector<32x128xf32>, vector<32x128xf32> -> vector<128x128xf32>
    %dot_general3A_293 = arith.constant dense<0.000000e+00> : vector<128x128xf32>
    %dot_general3A_294 = tpu.matmul %concatenate3A_292, %convert_element_type3A_3, %dot_general3A_293 {dimension_numbers = #tpu.dot_dimension_numbers<[0], [0], [1], [1], [0, 1, 1, 1], [], []>, precision = #tpu.contract_precision<fp32>, transpose_lhs_hint = false} : vector<128x128xf32>, vector<128x128xf32>, vector<128x128xf32> -> vector<128x128xf32>
    %swap3A_295 = arith.constant 2816 : index
    %swap3A_296 = arith.constant 0 : index
    %swap3A_297 = vector.load %arg2[%swap3A_295, %swap3A_296] : memref<8192x128xf32, #tpu.memory_space<vmem>>, vector<128x128xf32>
    tpu.vector_store %arg2[%swap3A_295, %swap3A_296], %dot_general3A_294 {strides = array<i32>} : memref<8192x128xf32, #tpu.memory_space<vmem>>, vector<128x128xf32>,
    %get3A_298 = arith.constant 0 : index
    %get3A_299 = arith.constant 11776 : index
    %get3A_300 = vector.load %arg1[%get3A_298, %get3A_299] : memref<32x32768xf32, #tpu.memory_space<vmem>>, vector<32x512xf32>
    %slice3A_301 = vector.extract_strided_slice %get3A_300 {offsets = [0, 0], sizes = [32, 128], strides = [1, 1]} : vector<32x512xf32> to vector<32x128xf32>
    %slice3A_302 = vector.extract_strided_slice %get3A_300 {offsets = [0, 128], sizes = [32, 128], strides = [1, 1]} : vector<32x512xf32> to vector<32x128xf32>
    %slice3A_303 = vector.extract_strided_slice %get3A_300 {offsets = [0, 256], sizes = [32, 128], strides = [1, 1]} : vector<32x512xf32> to vector<32x128xf32>
    %slice3A_304 = vector.extract_strided_slice %get3A_300 {offsets = [0, 384], sizes = [32, 128], strides = [1, 1]} : vector<32x512xf32> to vector<32x128xf32>
    %concatenate3A_305 = tpu.concatenate %slice3A_301, %slice3A_302, %slice3A_303, %slice3A_304 in 0 : vector<32x128xf32>, vector<32x128xf32>, vector<32x128xf32>, vector<32x128xf32> -> vector<128x128xf32>
    %dot_general3A_306 = arith.constant dense<0.000000e+00> : vector<128x128xf32>
    %dot_general3A_307 = tpu.matmul %concatenate3A_305, %convert_element_type3A_3, %dot_general3A_306 {dimension_numbers = #tpu.dot_dimension_numbers<[0], [0], [1], [1], [0, 1, 1, 1], [], []>, precision = #tpu.contract_precision<fp32>, transpose_lhs_hint = false} : vector<128x128xf32>, vector<128x128xf32>, vector<128x128xf32> -> vector<128x128xf32>
    %swap3A_308 = arith.constant 2944 : index
    %swap3A_309 = arith.constant 0 : index
    %swap3A_310 = vector.load %arg2[%swap3A_308, %swap3A_309] : memref<8192x128xf32, #tpu.memory_space<vmem>>, vector<128x128xf32>
    tpu.vector_store %arg2[%swap3A_308, %swap3A_309], %dot_general3A_307 {strides = array<i32>} : memref<8192x128xf32, #tpu.memory_space<vmem>>, vector<128x128xf32>,
    %get3A_311 = arith.constant 0 : index
    %get3A_312 = arith.constant 12288 : index
    %get3A_313 = vector.load %arg1[%get3A_311, %get3A_312] : memref<32x32768xf32, #tpu.memory_space<vmem>>, vector<32x512xf32>
    %slice3A_314 = vector.extract_strided_slice %get3A_313 {offsets = [0, 0], sizes = [32, 128], strides = [1, 1]} : vector<32x512xf32> to vector<32x128xf32>
    %slice3A_315 = vector.extract_strided_slice %get3A_313 {offsets = [0, 128], sizes = [32, 128], strides = [1, 1]} : vector<32x512xf32> to vector<32x128xf32>
    %slice3A_316 = vector.extract_strided_slice %get3A_313 {offsets = [0, 256], sizes = [32, 128], strides = [1, 1]} : vector<32x512xf32> to vector<32x128xf32>
    %slice3A_317 = vector.extract_strided_slice %get3A_313 {offsets = [0, 384], sizes = [32, 128], strides = [1, 1]} : vector<32x512xf32> to vector<32x128xf32>
    %concatenate3A_318 = tpu.concatenate %slice3A_314, %slice3A_315, %slice3A_316, %slice3A_317 in 0 : vector<32x128xf32>, vector<32x128xf32>, vector<32x128xf32>, vector<32x128xf32> -> vector<128x128xf32>
    %dot_general3A_319 = arith.constant dense<0.000000e+00> : vector<128x128xf32>
    %dot_general3A_320 = tpu.matmul %concatenate3A_318, %convert_element_type3A_3, %dot_general3A_319 {dimension_numbers = #tpu.dot_dimension_numbers<[0], [0], [1], [1], [0, 1, 1, 1], [], []>, precision = #tpu.contract_precision<fp32>, transpose_lhs_hint = false} : vector<128x128xf32>, vector<128x128xf32>, vector<128x128xf32> -> vector<128x128xf32>
    %swap3A_321 = arith.constant 3072 : index
    %swap3A_322 = arith.constant 0 : index
    %swap3A_323 = vector.load %arg2[%swap3A_321, %swap3A_322] : memref<8192x128xf32, #tpu.memory_space<vmem>>, vector<128x128xf32>
    tpu.vector_store %arg2[%swap3A_321, %swap3A_322], %dot_general3A_320 {strides = array<i32>} : memref<8192x128xf32, #tpu.memory_space<vmem>>, vector<128x128xf32>,
    %get3A_324 = arith.constant 0 : index
    %get3A_325 = arith.constant 12800 : index
    %get3A_326 = vector.load %arg1[%get3A_324, %get3A_325] : memref<32x32768xf32, #tpu.memory_space<vmem>>, vector<32x512xf32>
    %slice3A_327 = vector.extract_strided_slice %get3A_326 {offsets = [0, 0], sizes = [32, 128], strides = [1, 1]} : vector<32x512xf32> to vector<32x128xf32>
    %slice3A_328 = vector.extract_strided_slice %get3A_326 {offsets = [0, 128], sizes = [32, 128], strides = [1, 1]} : vector<32x512xf32> to vector<32x128xf32>
    %slice3A_329 = vector.extract_strided_slice %get3A_326 {offsets = [0, 256], sizes = [32, 128], strides = [1, 1]} : vector<32x512xf32> to vector<32x128xf32>
    %slice3A_330 = vector.extract_strided_slice %get3A_326 {offsets = [0, 384], sizes = [32, 128], strides = [1, 1]} : vector<32x512xf32> to vector<32x128xf32>
    %concatenate3A_331 = tpu.concatenate %slice3A_327, %slice3A_328, %slice3A_329, %slice3A_330 in 0 : vector<32x128xf32>, vector<32x128xf32>, vector<32x128xf32>, vector<32x128xf32> -> vector<128x128xf32>
    %dot_general3A_332 = arith.constant dense<0.000000e+00> : vector<128x128xf32>
    %dot_general3A_333 = tpu.matmul %concatenate3A_331, %convert_element_type3A_3, %dot_general3A_332 {dimension_numbers = #tpu.dot_dimension_numbers<[0], [0], [1], [1], [0, 1, 1, 1], [], []>, precision = #tpu.contract_precision<fp32>, transpose_lhs_hint = false} : vector<128x128xf32>, vector<128x128xf32>, vector<128x128xf32> -> vector<128x128xf32>
    %swap3A_334 = arith.constant 3200 : index
    %swap3A_335 = arith.constant 0 : index
    %swap3A_336 = vector.load %arg2[%swap3A_334, %swap3A_335] : memref<8192x128xf32, #tpu.memory_space<vmem>>, vector<128x128xf32>
    tpu.vector_store %arg2[%swap3A_334, %swap3A_335], %dot_general3A_333 {strides = array<i32>} : memref<8192x128xf32, #tpu.memory_space<vmem>>, vector<128x128xf32>,
    %get3A_337 = arith.constant 0 : index
    %get3A_338 = arith.constant 13312 : index
    %get3A_339 = vector.load %arg1[%get3A_337, %get3A_338] : memref<32x32768xf32, #tpu.memory_space<vmem>>, vector<32x512xf32>
    %slice3A_340 = vector.extract_strided_slice %get3A_339 {offsets = [0, 0], sizes = [32, 128], strides = [1, 1]} : vector<32x512xf32> to vector<32x128xf32>
    %slice3A_341 = vector.extract_strided_slice %get3A_339 {offsets = [0, 128], sizes = [32, 128], strides = [1, 1]} : vector<32x512xf32> to vector<32x128xf32>
    %slice3A_342 = vector.extract_strided_slice %get3A_339 {offsets = [0, 256], sizes = [32, 128], strides = [1, 1]} : vector<32x512xf32> to vector<32x128xf32>
    %slice3A_343 = vector.extract_strided_slice %get3A_339 {offsets = [0, 384], sizes = [32, 128], strides = [1, 1]} : vector<32x512xf32> to vector<32x128xf32>
    %concatenate3A_344 = tpu.concatenate %slice3A_340, %slice3A_341, %slice3A_342, %slice3A_343 in 0 : vector<32x128xf32>, vector<32x128xf32>, vector<32x128xf32>, vector<32x128xf32> -> vector<128x128xf32>
    %dot_general3A_345 = arith.constant dense<0.000000e+00> : vector<128x128xf32>
    %dot_general3A_346 = tpu.matmul %concatenate3A_344, %convert_element_type3A_3, %dot_general3A_345 {dimension_numbers = #tpu.dot_dimension_numbers<[0], [0], [1], [1], [0, 1, 1, 1], [], []>, precision = #tpu.contract_precision<fp32>, transpose_lhs_hint = false} : vector<128x128xf32>, vector<128x128xf32>, vector<128x128xf32> -> vector<128x128xf32>
    %swap3A_347 = arith.constant 3328 : index
    %swap3A_348 = arith.constant 0 : index
    %swap3A_349 = vector.load %arg2[%swap3A_347, %swap3A_348] : memref<8192x128xf32, #tpu.memory_space<vmem>>, vector<128x128xf32>
    tpu.vector_store %arg2[%swap3A_347, %swap3A_348], %dot_general3A_346 {strides = array<i32>} : memref<8192x128xf32, #tpu.memory_space<vmem>>, vector<128x128xf32>,
    %get3A_350 = arith.constant 0 : index
    %get3A_351 = arith.constant 13824 : index
    %get3A_352 = vector.load %arg1[%get3A_350, %get3A_351] : memref<32x32768xf32, #tpu.memory_space<vmem>>, vector<32x512xf32>
    %slice3A_353 = vector.extract_strided_slice %get3A_352 {offsets = [0, 0], sizes = [32, 128], strides = [1, 1]} : vector<32x512xf32> to vector<32x128xf32>
    %slice3A_354 = vector.extract_strided_slice %get3A_352 {offsets = [0, 128], sizes = [32, 128], strides = [1, 1]} : vector<32x512xf32> to vector<32x128xf32>
    %slice3A_355 = vector.extract_strided_slice %get3A_352 {offsets = [0, 256], sizes = [32, 128], strides = [1, 1]} : vector<32x512xf32> to vector<32x128xf32>
    %slice3A_356 = vector.extract_strided_slice %get3A_352 {offsets = [0, 384], sizes = [32, 128], strides = [1, 1]} : vector<32x512xf32> to vector<32x128xf32>
    %concatenate3A_357 = tpu.concatenate %slice3A_353, %slice3A_354, %slice3A_355, %slice3A_356 in 0 : vector<32x128xf32>, vector<32x128xf32>, vector<32x128xf32>, vector<32x128xf32> -> vector<128x128xf32>
    %dot_general3A_358 = arith.constant dense<0.000000e+00> : vector<128x128xf32>
    %dot_general3A_359 = tpu.matmul %concatenate3A_357, %convert_element_type3A_3, %dot_general3A_358 {dimension_numbers = #tpu.dot_dimension_numbers<[0], [0], [1], [1], [0, 1, 1, 1], [], []>, precision = #tpu.contract_precision<fp32>, transpose_lhs_hint = false} : vector<128x128xf32>, vector<128x128xf32>, vector<128x128xf32> -> vector<128x128xf32>
    %swap3A_360 = arith.constant 3456 : index
    %swap3A_361 = arith.constant 0 : index
    %swap3A_362 = vector.load %arg2[%swap3A_360, %swap3A_361] : memref<8192x128xf32, #tpu.memory_space<vmem>>, vector<128x128xf32>
    tpu.vector_store %arg2[%swap3A_360, %swap3A_361], %dot_general3A_359 {strides = array<i32>} : memref<8192x128xf32, #tpu.memory_space<vmem>>, vector<128x128xf32>,
    %get3A_363 = arith.constant 0 : index
    %get3A_364 = arith.constant 14336 : index
    %get3A_365 = vector.load %arg1[%get3A_363, %get3A_364] : memref<32x32768xf32, #tpu.memory_space<vmem>>, vector<32x512xf32>
    %slice3A_366 = vector.extract_strided_slice %get3A_365 {offsets = [0, 0], sizes = [32, 128], strides = [1, 1]} : vector<32x512xf32> to vector<32x128xf32>
    %slice3A_367 = vector.extract_strided_slice %get3A_365 {offsets = [0, 128], sizes = [32, 128], strides = [1, 1]} : vector<32x512xf32> to vector<32x128xf32>
    %slice3A_368 = vector.extract_strided_slice %get3A_365 {offsets = [0, 256], sizes = [32, 128], strides = [1, 1]} : vector<32x512xf32> to vector<32x128xf32>
    %slice3A_369 = vector.extract_strided_slice %get3A_365 {offsets = [0, 384], sizes = [32, 128], strides = [1, 1]} : vector<32x512xf32> to vector<32x128xf32>
    %concatenate3A_370 = tpu.concatenate %slice3A_366, %slice3A_367, %slice3A_368, %slice3A_369 in 0 : vector<32x128xf32>, vector<32x128xf32>, vector<32x128xf32>, vector<32x128xf32> -> vector<128x128xf32>
    %dot_general3A_371 = arith.constant dense<0.000000e+00> : vector<128x128xf32>
    %dot_general3A_372 = tpu.matmul %concatenate3A_370, %convert_element_type3A_3, %dot_general3A_371 {dimension_numbers = #tpu.dot_dimension_numbers<[0], [0], [1], [1], [0, 1, 1, 1], [], []>, precision = #tpu.contract_precision<fp32>, transpose_lhs_hint = false} : vector<128x128xf32>, vector<128x128xf32>, vector<128x128xf32> -> vector<128x128xf32>
    %swap3A_373 = arith.constant 3584 : index
    %swap3A_374 = arith.constant 0 : index
    %swap3A_375 = vector.load %arg2[%swap3A_373, %swap3A_374] : memref<8192x128xf32, #tpu.memory_space<vmem>>, vector<128x128xf32>
    tpu.vector_store %arg2[%swap3A_373, %swap3A_374], %dot_general3A_372 {strides = array<i32>} : memref<8192x128xf32, #tpu.memory_space<vmem>>, vector<128x128xf32>,
    %get3A_376 = arith.constant 0 : index
    %get3A_377 = arith.constant 14848 : index
    %get3A_378 = vector.load %arg1[%get3A_376, %get3A_377] : memref<32x32768xf32, #tpu.memory_space<vmem>>, vector<32x512xf32>
    %slice3A_379 = vector.extract_strided_slice %get3A_378 {offsets = [0, 0], sizes = [32, 128], strides = [1, 1]} : vector<32x512xf32> to vector<32x128xf32>
    %slice3A_380 = vector.extract_strided_slice %get3A_378 {offsets = [0, 128], sizes = [32, 128], strides = [1, 1]} : vector<32x512xf32> to vector<32x128xf32>
    %slice3A_381 = vector.extract_strided_slice %get3A_378 {offsets = [0, 256], sizes = [32, 128], strides = [1, 1]} : vector<32x512xf32> to vector<32x128xf32>
    %slice3A_382 = vector.extract_strided_slice %get3A_378 {offsets = [0, 384], sizes = [32, 128], strides = [1, 1]} : vector<32x512xf32> to vector<32x128xf32>
    %concatenate3A_383 = tpu.concatenate %slice3A_379, %slice3A_380, %slice3A_381, %slice3A_382 in 0 : vector<32x128xf32>, vector<32x128xf32>, vector<32x128xf32>, vector<32x128xf32> -> vector<128x128xf32>
    %dot_general3A_384 = arith.constant dense<0.000000e+00> : vector<128x128xf32>
    %dot_general3A_385 = tpu.matmul %concatenate3A_383, %convert_element_type3A_3, %dot_general3A_384 {dimension_numbers = #tpu.dot_dimension_numbers<[0], [0], [1], [1], [0, 1, 1, 1], [], []>, precision = #tpu.contract_precision<fp32>, transpose_lhs_hint = false} : vector<128x128xf32>, vector<128x128xf32>, vector<128x128xf32> -> vector<128x128xf32>
    %swap3A_386 = arith.constant 3712 : index
    %swap3A_387 = arith.constant 0 : index
    %swap3A_388 = vector.load %arg2[%swap3A_386, %swap3A_387] : memref<8192x128xf32, #tpu.memory_space<vmem>>, vector<128x128xf32>
    tpu.vector_store %arg2[%swap3A_386, %swap3A_387], %dot_general3A_385 {strides = array<i32>} : memref<8192x128xf32, #tpu.memory_space<vmem>>, vector<128x128xf32>,
    %get3A_389 = arith.constant 0 : index
    %get3A_390 = arith.constant 15360 : index
    %get3A_391 = vector.load %arg1[%get3A_389, %get3A_390] : memref<32x32768xf32, #tpu.memory_space<vmem>>, vector<32x512xf32>
    %slice3A_392 = vector.extract_strided_slice %get3A_391 {offsets = [0, 0], sizes = [32, 128], strides = [1, 1]} : vector<32x512xf32> to vector<32x128xf32>
    %slice3A_393 = vector.extract_strided_slice %get3A_391 {offsets = [0, 128], sizes = [32, 128], strides = [1, 1]} : vector<32x512xf32> to vector<32x128xf32>
    %slice3A_394 = vector.extract_strided_slice %get3A_391 {offsets = [0, 256], sizes = [32, 128], strides = [1, 1]} : vector<32x512xf32> to vector<32x128xf32>
    %slice3A_395 = vector.extract_strided_slice %get3A_391 {offsets = [0, 384], sizes = [32, 128], strides = [1, 1]} : vector<32x512xf32> to vector<32x128xf32>
    %concatenate3A_396 = tpu.concatenate %slice3A_392, %slice3A_393, %slice3A_394, %slice3A_395 in 0 : vector<32x128xf32>, vector<32x128xf32>, vector<32x128xf32>, vector<32x128xf32> -> vector<128x128xf32>
    %dot_general3A_397 = arith.constant dense<0.000000e+00> : vector<128x128xf32>
    %dot_general3A_398 = tpu.matmul %concatenate3A_396, %convert_element_type3A_3, %dot_general3A_397 {dimension_numbers = #tpu.dot_dimension_numbers<[0], [0], [1], [1], [0, 1, 1, 1], [], []>, precision = #tpu.contract_precision<fp32>, transpose_lhs_hint = false} : vector<128x128xf32>, vector<128x128xf32>, vector<128x128xf32> -> vector<128x128xf32>
    %swap3A_399 = arith.constant 3840 : index
    %swap3A_400 = arith.constant 0 : index
    %swap3A_401 = vector.load %arg2[%swap3A_399, %swap3A_400] : memref<8192x128xf32, #tpu.memory_space<vmem>>, vector<128x128xf32>
    tpu.vector_store %arg2[%swap3A_399, %swap3A_400], %dot_general3A_398 {strides = array<i32>} : memref<8192x128xf32, #tpu.memory_space<vmem>>, vector<128x128xf32>,
    %get3A_402 = arith.constant 0 : index
    %get3A_403 = arith.constant 15872 : index
    %get3A_404 = vector.load %arg1[%get3A_402, %get3A_403] : memref<32x32768xf32, #tpu.memory_space<vmem>>, vector<32x512xf32>
    %slice3A_405 = vector.extract_strided_slice %get3A_404 {offsets = [0, 0], sizes = [32, 128], strides = [1, 1]} : vector<32x512xf32> to vector<32x128xf32>
    %slice3A_406 = vector.extract_strided_slice %get3A_404 {offsets = [0, 128], sizes = [32, 128], strides = [1, 1]} : vector<32x512xf32> to vector<32x128xf32>
    %slice3A_407 = vector.extract_strided_slice %get3A_404 {offsets = [0, 256], sizes = [32, 128], strides = [1, 1]} : vector<32x512xf32> to vector<32x128xf32>
    %slice3A_408 = vector.extract_strided_slice %get3A_404 {offsets = [0, 384], sizes = [32, 128], strides = [1, 1]} : vector<32x512xf32> to vector<32x128xf32>
    %concatenate3A_409 = tpu.concatenate %slice3A_405, %slice3A_406, %slice3A_407, %slice3A_408 in 0 : vector<32x128xf32>, vector<32x128xf32>, vector<32x128xf32>, vector<32x128xf32> -> vector<128x128xf32>
    %dot_general3A_410 = arith.constant dense<0.000000e+00> : vector<128x128xf32>
    %dot_general3A_411 = tpu.matmul %concatenate3A_409, %convert_element_type3A_3, %dot_general3A_410 {dimension_numbers = #tpu.dot_dimension_numbers<[0], [0], [1], [1], [0, 1, 1, 1], [], []>, precision = #tpu.contract_precision<fp32>, transpose_lhs_hint = false} : vector<128x128xf32>, vector<128x128xf32>, vector<128x128xf32> -> vector<128x128xf32>
    %swap3A_412 = arith.constant 3968 : index
    %swap3A_413 = arith.constant 0 : index
    %swap3A_414 = vector.load %arg2[%swap3A_412, %swap3A_413] : memref<8192x128xf32, #tpu.memory_space<vmem>>, vector<128x128xf32>
    tpu.vector_store %arg2[%swap3A_412, %swap3A_413], %dot_general3A_411 {strides = array<i32>} : memref<8192x128xf32, #tpu.memory_space<vmem>>, vector<128x128xf32>,
    %get3A_415 = arith.constant 0 : index
    %get3A_416 = arith.constant 16384 : index
    %get3A_417 = vector.load %arg1[%get3A_415, %get3A_416] : memref<32x32768xf32, #tpu.memory_space<vmem>>, vector<32x512xf32>
    %slice3A_418 = vector.extract_strided_slice %get3A_417 {offsets = [0, 0], sizes = [32, 128], strides = [1, 1]} : vector<32x512xf32> to vector<32x128xf32>
    %slice3A_419 = vector.extract_strided_slice %get3A_417 {offsets = [0, 128], sizes = [32, 128], strides = [1, 1]} : vector<32x512xf32> to vector<32x128xf32>
    %slice3A_420 = vector.extract_strided_slice %get3A_417 {offsets = [0, 256], sizes = [32, 128], strides = [1, 1]} : vector<32x512xf32> to vector<32x128xf32>
    %slice3A_421 = vector.extract_strided_slice %get3A_417 {offsets = [0, 384], sizes = [32, 128], strides = [1, 1]} : vector<32x512xf32> to vector<32x128xf32>
    %concatenate3A_422 = tpu.concatenate %slice3A_418, %slice3A_419, %slice3A_420, %slice3A_421 in 0 : vector<32x128xf32>, vector<32x128xf32>, vector<32x128xf32>, vector<32x128xf32> -> vector<128x128xf32>
    %dot_general3A_423 = arith.constant dense<0.000000e+00> : vector<128x128xf32>
    %dot_general3A_424 = tpu.matmul %concatenate3A_422, %convert_element_type3A_3, %dot_general3A_423 {dimension_numbers = #tpu.dot_dimension_numbers<[0], [0], [1], [1], [0, 1, 1, 1], [], []>, precision = #tpu.contract_precision<fp32>, transpose_lhs_hint = false} : vector<128x128xf32>, vector<128x128xf32>, vector<128x128xf32> -> vector<128x128xf32>
    %swap3A_425 = arith.constant 4096 : index
    %swap3A_426 = arith.constant 0 : index
    %swap3A_427 = vector.load %arg2[%swap3A_425, %swap3A_426] : memref<8192x128xf32, #tpu.memory_space<vmem>>, vector<128x128xf32>
    tpu.vector_store %arg2[%swap3A_425, %swap3A_426], %dot_general3A_424 {strides = array<i32>} : memref<8192x128xf32, #tpu.memory_space<vmem>>, vector<128x128xf32>,
    %get3A_428 = arith.constant 0 : index
    %get3A_429 = arith.constant 16896 : index
    %get3A_430 = vector.load %arg1[%get3A_428, %get3A_429] : memref<32x32768xf32, #tpu.memory_space<vmem>>, vector<32x512xf32>
    %slice3A_431 = vector.extract_strided_slice %get3A_430 {offsets = [0, 0], sizes = [32, 128], strides = [1, 1]} : vector<32x512xf32> to vector<32x128xf32>
    %slice3A_432 = vector.extract_strided_slice %get3A_430 {offsets = [0, 128], sizes = [32, 128], strides = [1, 1]} : vector<32x512xf32> to vector<32x128xf32>
    %slice3A_433 = vector.extract_strided_slice %get3A_430 {offsets = [0, 256], sizes = [32, 128], strides = [1, 1]} : vector<32x512xf32> to vector<32x128xf32>
    %slice3A_434 = vector.extract_strided_slice %get3A_430 {offsets = [0, 384], sizes = [32, 128], strides = [1, 1]} : vector<32x512xf32> to vector<32x128xf32>
    %concatenate3A_435 = tpu.concatenate %slice3A_431, %slice3A_432, %slice3A_433, %slice3A_434 in 0 : vector<32x128xf32>, vector<32x128xf32>, vector<32x128xf32>, vector<32x128xf32> -> vector<128x128xf32>
    %dot_general3A_436 = arith.constant dense<0.000000e+00> : vector<128x128xf32>
    %dot_general3A_437 = tpu.matmul %concatenate3A_435, %convert_element_type3A_3, %dot_general3A_436 {dimension_numbers = #tpu.dot_dimension_numbers<[0], [0], [1], [1], [0, 1, 1, 1], [], []>, precision = #tpu.contract_precision<fp32>, transpose_lhs_hint = false} : vector<128x128xf32>, vector<128x128xf32>, vector<128x128xf32> -> vector<128x128xf32>
    %swap3A_438 = arith.constant 4224 : index
    %swap3A_439 = arith.constant 0 : index
    %swap3A_440 = vector.load %arg2[%swap3A_438, %swap3A_439] : memref<8192x128xf32, #tpu.memory_space<vmem>>, vector<128x128xf32>
    tpu.vector_store %arg2[%swap3A_438, %swap3A_439], %dot_general3A_437 {strides = array<i32>} : memref<8192x128xf32, #tpu.memory_space<vmem>>, vector<128x128xf32>,
    %get3A_441 = arith.constant 0 : index
    %get3A_442 = arith.constant 17408 : index
    %get3A_443 = vector.load %arg1[%get3A_441, %get3A_442] : memref<32x32768xf32, #tpu.memory_space<vmem>>, vector<32x512xf32>
    %slice3A_444 = vector.extract_strided_slice %get3A_443 {offsets = [0, 0], sizes = [32, 128], strides = [1, 1]} : vector<32x512xf32> to vector<32x128xf32>
    %slice3A_445 = vector.extract_strided_slice %get3A_443 {offsets = [0, 128], sizes = [32, 128], strides = [1, 1]} : vector<32x512xf32> to vector<32x128xf32>
    %slice3A_446 = vector.extract_strided_slice %get3A_443 {offsets = [0, 256], sizes = [32, 128], strides = [1, 1]} : vector<32x512xf32> to vector<32x128xf32>
    %slice3A_447 = vector.extract_strided_slice %get3A_443 {offsets = [0, 384], sizes = [32, 128], strides = [1, 1]} : vector<32x512xf32> to vector<32x128xf32>
    %concatenate3A_448 = tpu.concatenate %slice3A_444, %slice3A_445, %slice3A_446, %slice3A_447 in 0 : vector<32x128xf32>, vector<32x128xf32>, vector<32x128xf32>, vector<32x128xf32> -> vector<128x128xf32>
    %dot_general3A_449 = arith.constant dense<0.000000e+00> : vector<128x128xf32>
    %dot_general3A_450 = tpu.matmul %concatenate3A_448, %convert_element_type3A_3, %dot_general3A_449 {dimension_numbers = #tpu.dot_dimension_numbers<[0], [0], [1], [1], [0, 1, 1, 1], [], []>, precision = #tpu.contract_precision<fp32>, transpose_lhs_hint = false} : vector<128x128xf32>, vector<128x128xf32>, vector<128x128xf32> -> vector<128x128xf32>
    %swap3A_451 = arith.constant 4352 : index
    %swap3A_452 = arith.constant 0 : index
    %swap3A_453 = vector.load %arg2[%swap3A_451, %swap3A_452] : memref<8192x128xf32, #tpu.memory_space<vmem>>, vector<128x128xf32>
    tpu.vector_store %arg2[%swap3A_451, %swap3A_452], %dot_general3A_450 {strides = array<i32>} : memref<8192x128xf32, #tpu.memory_space<vmem>>, vector<128x128xf32>,
    %get3A_454 = arith.constant 0 : index
    %get3A_455 = arith.constant 17920 : index
    %get3A_456 = vector.load %arg1[%get3A_454, %get3A_455] : memref<32x32768xf32, #tpu.memory_space<vmem>>, vector<32x512xf32>
    %slice3A_457 = vector.extract_strided_slice %get3A_456 {offsets = [0, 0], sizes = [32, 128], strides = [1, 1]} : vector<32x512xf32> to vector<32x128xf32>
    %slice3A_458 = vector.extract_strided_slice %get3A_456 {offsets = [0, 128], sizes = [32, 128], strides = [1, 1]} : vector<32x512xf32> to vector<32x128xf32>
    %slice3A_459 = vector.extract_strided_slice %get3A_456 {offsets = [0, 256], sizes = [32, 128], strides = [1, 1]} : vector<32x512xf32> to vector<32x128xf32>
    %slice3A_460 = vector.extract_strided_slice %get3A_456 {offsets = [0, 384], sizes = [32, 128], strides = [1, 1]} : vector<32x512xf32> to vector<32x128xf32>
    %concatenate3A_461 = tpu.concatenate %slice3A_457, %slice3A_458, %slice3A_459, %slice3A_460 in 0 : vector<32x128xf32>, vector<32x128xf32>, vector<32x128xf32>, vector<32x128xf32> -> vector<128x128xf32>
    %dot_general3A_462 = arith.constant dense<0.000000e+00> : vector<128x128xf32>
    %dot_general3A_463 = tpu.matmul %concatenate3A_461, %convert_element_type3A_3, %dot_general3A_462 {dimension_numbers = #tpu.dot_dimension_numbers<[0], [0], [1], [1], [0, 1, 1, 1], [], []>, precision = #tpu.contract_precision<fp32>, transpose_lhs_hint = false} : vector<128x128xf32>, vector<128x128xf32>, vector<128x128xf32> -> vector<128x128xf32>
    %swap3A_464 = arith.constant 4480 : index
    %swap3A_465 = arith.constant 0 : index
    %swap3A_466 = vector.load %arg2[%swap3A_464, %swap3A_465] : memref<8192x128xf32, #tpu.memory_space<vmem>>, vector<128x128xf32>
    tpu.vector_store %arg2[%swap3A_464, %swap3A_465], %dot_general3A_463 {strides = array<i32>} : memref<8192x128xf32, #tpu.memory_space<vmem>>, vector<128x128xf32>,
    %get3A_467 = arith.constant 0 : index
    %get3A_468 = arith.constant 18432 : index
    %get3A_469 = vector.load %arg1[%get3A_467, %get3A_468] : memref<32x32768xf32, #tpu.memory_space<vmem>>, vector<32x512xf32>
    %slice3A_470 = vector.extract_strided_slice %get3A_469 {offsets = [0, 0], sizes = [32, 128], strides = [1, 1]} : vector<32x512xf32> to vector<32x128xf32>
    %slice3A_471 = vector.extract_strided_slice %get3A_469 {offsets = [0, 128], sizes = [32, 128], strides = [1, 1]} : vector<32x512xf32> to vector<32x128xf32>
    %slice3A_472 = vector.extract_strided_slice %get3A_469 {offsets = [0, 256], sizes = [32, 128], strides = [1, 1]} : vector<32x512xf32> to vector<32x128xf32>
    %slice3A_473 = vector.extract_strided_slice %get3A_469 {offsets = [0, 384], sizes = [32, 128], strides = [1, 1]} : vector<32x512xf32> to vector<32x128xf32>
    %concatenate3A_474 = tpu.concatenate %slice3A_470, %slice3A_471, %slice3A_472, %slice3A_473 in 0 : vector<32x128xf32>, vector<32x128xf32>, vector<32x128xf32>, vector<32x128xf32> -> vector<128x128xf32>
    %dot_general3A_475 = arith.constant dense<0.000000e+00> : vector<128x128xf32>
    %dot_general3A_476 = tpu.matmul %concatenate3A_474, %convert_element_type3A_3, %dot_general3A_475 {dimension_numbers = #tpu.dot_dimension_numbers<[0], [0], [1], [1], [0, 1, 1, 1], [], []>, precision = #tpu.contract_precision<fp32>, transpose_lhs_hint = false} : vector<128x128xf32>, vector<128x128xf32>, vector<128x128xf32> -> vector<128x128xf32>
    %swap3A_477 = arith.constant 4608 : index
    %swap3A_478 = arith.constant 0 : index
    %swap3A_479 = vector.load %arg2[%swap3A_477, %swap3A_478] : memref<8192x128xf32, #tpu.memory_space<vmem>>, vector<128x128xf32>
    tpu.vector_store %arg2[%swap3A_477, %swap3A_478], %dot_general3A_476 {strides = array<i32>} : memref<8192x128xf32, #tpu.memory_space<vmem>>, vector<128x128xf32>,
    %get3A_480 = arith.constant 0 : index
    %get3A_481 = arith.constant 18944 : index
    %get3A_482 = vector.load %arg1[%get3A_480, %get3A_481] : memref<32x32768xf32, #tpu.memory_space<vmem>>, vector<32x512xf32>
    %slice3A_483 = vector.extract_strided_slice %get3A_482 {offsets = [0, 0], sizes = [32, 128], strides = [1, 1]} : vector<32x512xf32> to vector<32x128xf32>
    %slice3A_484 = vector.extract_strided_slice %get3A_482 {offsets = [0, 128], sizes = [32, 128], strides = [1, 1]} : vector<32x512xf32> to vector<32x128xf32>
    %slice3A_485 = vector.extract_strided_slice %get3A_482 {offsets = [0, 256], sizes = [32, 128], strides = [1, 1]} : vector<32x512xf32> to vector<32x128xf32>
    %slice3A_486 = vector.extract_strided_slice %get3A_482 {offsets = [0, 384], sizes = [32, 128], strides = [1, 1]} : vector<32x512xf32> to vector<32x128xf32>
    %concatenate3A_487 = tpu.concatenate %slice3A_483, %slice3A_484, %slice3A_485, %slice3A_486 in 0 : vector<32x128xf32>, vector<32x128xf32>, vector<32x128xf32>, vector<32x128xf32> -> vector<128x128xf32>
    %dot_general3A_488 = arith.constant dense<0.000000e+00> : vector<128x128xf32>
    %dot_general3A_489 = tpu.matmul %concatenate3A_487, %convert_element_type3A_3, %dot_general3A_488 {dimension_numbers = #tpu.dot_dimension_numbers<[0], [0], [1], [1], [0, 1, 1, 1], [], []>, precision = #tpu.contract_precision<fp32>, transpose_lhs_hint = false} : vector<128x128xf32>, vector<128x128xf32>, vector<128x128xf32> -> vector<128x128xf32>
    %swap3A_490 = arith.constant 4736 : index
    %swap3A_491 = arith.constant 0 : index
    %swap3A_492 = vector.load %arg2[%swap3A_490, %swap3A_491] : memref<8192x128xf32, #tpu.memory_space<vmem>>, vector<128x128xf32>
    tpu.vector_store %arg2[%swap3A_490, %swap3A_491], %dot_general3A_489 {strides = array<i32>} : memref<8192x128xf32, #tpu.memory_space<vmem>>, vector<128x128xf32>,
    %get3A_493 = arith.constant 0 : index
    %get3A_494 = arith.constant 19456 : index
    %get3A_495 = vector.load %arg1[%get3A_493, %get3A_494] : memref<32x32768xf32, #tpu.memory_space<vmem>>, vector<32x512xf32>
    %slice3A_496 = vector.extract_strided_slice %get3A_495 {offsets = [0, 0], sizes = [32, 128], strides = [1, 1]} : vector<32x512xf32> to vector<32x128xf32>
    %slice3A_497 = vector.extract_strided_slice %get3A_495 {offsets = [0, 128], sizes = [32, 128], strides = [1, 1]} : vector<32x512xf32> to vector<32x128xf32>
    %slice3A_498 = vector.extract_strided_slice %get3A_495 {offsets = [0, 256], sizes = [32, 128], strides = [1, 1]} : vector<32x512xf32> to vector<32x128xf32>
    %slice3A_499 = vector.extract_strided_slice %get3A_495 {offsets = [0, 384], sizes = [32, 128], strides = [1, 1]} : vector<32x512xf32> to vector<32x128xf32>
    %concatenate3A_500 = tpu.concatenate %slice3A_496, %slice3A_497, %slice3A_498, %slice3A_499 in 0 : vector<32x128xf32>, vector<32x128xf32>, vector<32x128xf32>, vector<32x128xf32> -> vector<128x128xf32>
    %dot_general3A_501 = arith.constant dense<0.000000e+00> : vector<128x128xf32>
    %dot_general3A_502 = tpu.matmul %concatenate3A_500, %convert_element_type3A_3, %dot_general3A_501 {dimension_numbers = #tpu.dot_dimension_numbers<[0], [0], [1], [1], [0, 1, 1, 1], [], []>, precision = #tpu.contract_precision<fp32>, transpose_lhs_hint = false} : vector<128x128xf32>, vector<128x128xf32>, vector<128x128xf32> -> vector<128x128xf32>
    %swap3A_503 = arith.constant 4864 : index
    %swap3A_504 = arith.constant 0 : index
    %swap3A_505 = vector.load %arg2[%swap3A_503, %swap3A_504] : memref<8192x128xf32, #tpu.memory_space<vmem>>, vector<128x128xf32>
    tpu.vector_store %arg2[%swap3A_503, %swap3A_504], %dot_general3A_502 {strides = array<i32>} : memref<8192x128xf32, #tpu.memory_space<vmem>>, vector<128x128xf32>,
    %get3A_506 = arith.constant 0 : index
    %get3A_507 = arith.constant 19968 : index
    %get3A_508 = vector.load %arg1[%get3A_506, %get3A_507] : memref<32x32768xf32, #tpu.memory_space<vmem>>, vector<32x512xf32>
    %slice3A_509 = vector.extract_strided_slice %get3A_508 {offsets = [0, 0], sizes = [32, 128], strides = [1, 1]} : vector<32x512xf32> to vector<32x128xf32>
    %slice3A_510 = vector.extract_strided_slice %get3A_508 {offsets = [0, 128], sizes = [32, 128], strides = [1, 1]} : vector<32x512xf32> to vector<32x128xf32>
    %slice3A_511 = vector.extract_strided_slice %get3A_508 {offsets = [0, 256], sizes = [32, 128], strides = [1, 1]} : vector<32x512xf32> to vector<32x128xf32>
    %slice3A_512 = vector.extract_strided_slice %get3A_508 {offsets = [0, 384], sizes = [32, 128], strides = [1, 1]} : vector<32x512xf32> to vector<32x128xf32>
    %concatenate3A_513 = tpu.concatenate %slice3A_509, %slice3A_510, %slice3A_511, %slice3A_512 in 0 : vector<32x128xf32>, vector<32x128xf32>, vector<32x128xf32>, vector<32x128xf32> -> vector<128x128xf32>
    %dot_general3A_514 = arith.constant dense<0.000000e+00> : vector<128x128xf32>
    %dot_general3A_515 = tpu.matmul %concatenate3A_513, %convert_element_type3A_3, %dot_general3A_514 {dimension_numbers = #tpu.dot_dimension_numbers<[0], [0], [1], [1], [0, 1, 1, 1], [], []>, precision = #tpu.contract_precision<fp32>, transpose_lhs_hint = false} : vector<128x128xf32>, vector<128x128xf32>, vector<128x128xf32> -> vector<128x128xf32>
    %swap3A_516 = arith.constant 4992 : index
    %swap3A_517 = arith.constant 0 : index
    %swap3A_518 = vector.load %arg2[%swap3A_516, %swap3A_517] : memref<8192x128xf32, #tpu.memory_space<vmem>>, vector<128x128xf32>
    tpu.vector_store %arg2[%swap3A_516, %swap3A_517], %dot_general3A_515 {strides = array<i32>} : memref<8192x128xf32, #tpu.memory_space<vmem>>, vector<128x128xf32>,
    %get3A_519 = arith.constant 0 : index
    %get3A_520 = arith.constant 20480 : index
    %get3A_521 = vector.load %arg1[%get3A_519, %get3A_520] : memref<32x32768xf32, #tpu.memory_space<vmem>>, vector<32x512xf32>
    %slice3A_522 = vector.extract_strided_slice %get3A_521 {offsets = [0, 0], sizes = [32, 128], strides = [1, 1]} : vector<32x512xf32> to vector<32x128xf32>
    %slice3A_523 = vector.extract_strided_slice %get3A_521 {offsets = [0, 128], sizes = [32, 128], strides = [1, 1]} : vector<32x512xf32> to vector<32x128xf32>
    %slice3A_524 = vector.extract_strided_slice %get3A_521 {offsets = [0, 256], sizes = [32, 128], strides = [1, 1]} : vector<32x512xf32> to vector<32x128xf32>
    %slice3A_525 = vector.extract_strided_slice %get3A_521 {offsets = [0, 384], sizes = [32, 128], strides = [1, 1]} : vector<32x512xf32> to vector<32x128xf32>
    %concatenate3A_526 = tpu.concatenate %slice3A_522, %slice3A_523, %slice3A_524, %slice3A_525 in 0 : vector<32x128xf32>, vector<32x128xf32>, vector<32x128xf32>, vector<32x128xf32> -> vector<128x128xf32>
    %dot_general3A_527 = arith.constant dense<0.000000e+00> : vector<128x128xf32>
    %dot_general3A_528 = tpu.matmul %concatenate3A_526, %convert_element_type3A_3, %dot_general3A_527 {dimension_numbers = #tpu.dot_dimension_numbers<[0], [0], [1], [1], [0, 1, 1, 1], [], []>, precision = #tpu.contract_precision<fp32>, transpose_lhs_hint = false} : vector<128x128xf32>, vector<128x128xf32>, vector<128x128xf32> -> vector<128x128xf32>
    %swap3A_529 = arith.constant 5120 : index
    %swap3A_530 = arith.constant 0 : index
    %swap3A_531 = vector.load %arg2[%swap3A_529, %swap3A_530] : memref<8192x128xf32, #tpu.memory_space<vmem>>, vector<128x128xf32>
    tpu.vector_store %arg2[%swap3A_529, %swap3A_530], %dot_general3A_528 {strides = array<i32>} : memref<8192x128xf32, #tpu.memory_space<vmem>>, vector<128x128xf32>,
    %get3A_532 = arith.constant 0 : index
    %get3A_533 = arith.constant 20992 : index
    %get3A_534 = vector.load %arg1[%get3A_532, %get3A_533] : memref<32x32768xf32, #tpu.memory_space<vmem>>, vector<32x512xf32>
    %slice3A_535 = vector.extract_strided_slice %get3A_534 {offsets = [0, 0], sizes = [32, 128], strides = [1, 1]} : vector<32x512xf32> to vector<32x128xf32>
    %slice3A_536 = vector.extract_strided_slice %get3A_534 {offsets = [0, 128], sizes = [32, 128], strides = [1, 1]} : vector<32x512xf32> to vector<32x128xf32>
    %slice3A_537 = vector.extract_strided_slice %get3A_534 {offsets = [0, 256], sizes = [32, 128], strides = [1, 1]} : vector<32x512xf32> to vector<32x128xf32>
    %slice3A_538 = vector.extract_strided_slice %get3A_534 {offsets = [0, 384], sizes = [32, 128], strides = [1, 1]} : vector<32x512xf32> to vector<32x128xf32>
    %concatenate3A_539 = tpu.concatenate %slice3A_535, %slice3A_536, %slice3A_537, %slice3A_538 in 0 : vector<32x128xf32>, vector<32x128xf32>, vector<32x128xf32>, vector<32x128xf32> -> vector<128x128xf32>
    %dot_general3A_540 = arith.constant dense<0.000000e+00> : vector<128x128xf32>
    %dot_general3A_541 = tpu.matmul %concatenate3A_539, %convert_element_type3A_3, %dot_general3A_540 {dimension_numbers = #tpu.dot_dimension_numbers<[0], [0], [1], [1], [0, 1, 1, 1], [], []>, precision = #tpu.contract_precision<fp32>, transpose_lhs_hint = false} : vector<128x128xf32>, vector<128x128xf32>, vector<128x128xf32> -> vector<128x128xf32>
    %swap3A_542 = arith.constant 5248 : index
    %swap3A_543 = arith.constant 0 : index
    %swap3A_544 = vector.load %arg2[%swap3A_542, %swap3A_543] : memref<8192x128xf32, #tpu.memory_space<vmem>>, vector<128x128xf32>
    tpu.vector_store %arg2[%swap3A_542, %swap3A_543], %dot_general3A_541 {strides = array<i32>} : memref<8192x128xf32, #tpu.memory_space<vmem>>, vector<128x128xf32>,
    %get3A_545 = arith.constant 0 : index
    %get3A_546 = arith.constant 21504 : index
    %get3A_547 = vector.load %arg1[%get3A_545, %get3A_546] : memref<32x32768xf32, #tpu.memory_space<vmem>>, vector<32x512xf32>
    %slice3A_548 = vector.extract_strided_slice %get3A_547 {offsets = [0, 0], sizes = [32, 128], strides = [1, 1]} : vector<32x512xf32> to vector<32x128xf32>
    %slice3A_549 = vector.extract_strided_slice %get3A_547 {offsets = [0, 128], sizes = [32, 128], strides = [1, 1]} : vector<32x512xf32> to vector<32x128xf32>
    %slice3A_550 = vector.extract_strided_slice %get3A_547 {offsets = [0, 256], sizes = [32, 128], strides = [1, 1]} : vector<32x512xf32> to vector<32x128xf32>
    %slice3A_551 = vector.extract_strided_slice %get3A_547 {offsets = [0, 384], sizes = [32, 128], strides = [1, 1]} : vector<32x512xf32> to vector<32x128xf32>
    %concatenate3A_552 = tpu.concatenate %slice3A_548, %slice3A_549, %slice3A_550, %slice3A_551 in 0 : vector<32x128xf32>, vector<32x128xf32>, vector<32x128xf32>, vector<32x128xf32> -> vector<128x128xf32>
    %dot_general3A_553 = arith.constant dense<0.000000e+00> : vector<128x128xf32>
    %dot_general3A_554 = tpu.matmul %concatenate3A_552, %convert_element_type3A_3, %dot_general3A_553 {dimension_numbers = #tpu.dot_dimension_numbers<[0], [0], [1], [1], [0, 1, 1, 1], [], []>, precision = #tpu.contract_precision<fp32>, transpose_lhs_hint = false} : vector<128x128xf32>, vector<128x128xf32>, vector<128x128xf32> -> vector<128x128xf32>
    %swap3A_555 = arith.constant 5376 : index
    %swap3A_556 = arith.constant 0 : index
    %swap3A_557 = vector.load %arg2[%swap3A_555, %swap3A_556] : memref<8192x128xf32, #tpu.memory_space<vmem>>, vector<128x128xf32>
    tpu.vector_store %arg2[%swap3A_555, %swap3A_556], %dot_general3A_554 {strides = array<i32>} : memref<8192x128xf32, #tpu.memory_space<vmem>>, vector<128x128xf32>,
    %get3A_558 = arith.constant 0 : index
    %get3A_559 = arith.constant 22016 : index
    %get3A_560 = vector.load %arg1[%get3A_558, %get3A_559] : memref<32x32768xf32, #tpu.memory_space<vmem>>, vector<32x512xf32>
    %slice3A_561 = vector.extract_strided_slice %get3A_560 {offsets = [0, 0], sizes = [32, 128], strides = [1, 1]} : vector<32x512xf32> to vector<32x128xf32>
    %slice3A_562 = vector.extract_strided_slice %get3A_560 {offsets = [0, 128], sizes = [32, 128], strides = [1, 1]} : vector<32x512xf32> to vector<32x128xf32>
    %slice3A_563 = vector.extract_strided_slice %get3A_560 {offsets = [0, 256], sizes = [32, 128], strides = [1, 1]} : vector<32x512xf32> to vector<32x128xf32>
    %slice3A_564 = vector.extract_strided_slice %get3A_560 {offsets = [0, 384], sizes = [32, 128], strides = [1, 1]} : vector<32x512xf32> to vector<32x128xf32>
    %concatenate3A_565 = tpu.concatenate %slice3A_561, %slice3A_562, %slice3A_563, %slice3A_564 in 0 : vector<32x128xf32>, vector<32x128xf32>, vector<32x128xf32>, vector<32x128xf32> -> vector<128x128xf32>
    %dot_general3A_566 = arith.constant dense<0.000000e+00> : vector<128x128xf32>
    %dot_general3A_567 = tpu.matmul %concatenate3A_565, %convert_element_type3A_3, %dot_general3A_566 {dimension_numbers = #tpu.dot_dimension_numbers<[0], [0], [1], [1], [0, 1, 1, 1], [], []>, precision = #tpu.contract_precision<fp32>, transpose_lhs_hint = false} : vector<128x128xf32>, vector<128x128xf32>, vector<128x128xf32> -> vector<128x128xf32>
    %swap3A_568 = arith.constant 5504 : index
    %swap3A_569 = arith.constant 0 : index
    %swap3A_570 = vector.load %arg2[%swap3A_568, %swap3A_569] : memref<8192x128xf32, #tpu.memory_space<vmem>>, vector<128x128xf32>
    tpu.vector_store %arg2[%swap3A_568, %swap3A_569], %dot_general3A_567 {strides = array<i32>} : memref<8192x128xf32, #tpu.memory_space<vmem>>, vector<128x128xf32>,
    %get3A_571 = arith.constant 0 : index
    %get3A_572 = arith.constant 22528 : index
    %get3A_573 = vector.load %arg1[%get3A_571, %get3A_572] : memref<32x32768xf32, #tpu.memory_space<vmem>>, vector<32x512xf32>
    %slice3A_574 = vector.extract_strided_slice %get3A_573 {offsets = [0, 0], sizes = [32, 128], strides = [1, 1]} : vector<32x512xf32> to vector<32x128xf32>
    %slice3A_575 = vector.extract_strided_slice %get3A_573 {offsets = [0, 128], sizes = [32, 128], strides = [1, 1]} : vector<32x512xf32> to vector<32x128xf32>
    %slice3A_576 = vector.extract_strided_slice %get3A_573 {offsets = [0, 256], sizes = [32, 128], strides = [1, 1]} : vector<32x512xf32> to vector<32x128xf32>
    %slice3A_577 = vector.extract_strided_slice %get3A_573 {offsets = [0, 384], sizes = [32, 128], strides = [1, 1]} : vector<32x512xf32> to vector<32x128xf32>
    %concatenate3A_578 = tpu.concatenate %slice3A_574, %slice3A_575, %slice3A_576, %slice3A_577 in 0 : vector<32x128xf32>, vector<32x128xf32>, vector<32x128xf32>, vector<32x128xf32> -> vector<128x128xf32>
    %dot_general3A_579 = arith.constant dense<0.000000e+00> : vector<128x128xf32>
    %dot_general3A_580 = tpu.matmul %concatenate3A_578, %convert_element_type3A_3, %dot_general3A_579 {dimension_numbers = #tpu.dot_dimension_numbers<[0], [0], [1], [1], [0, 1, 1, 1], [], []>, precision = #tpu.contract_precision<fp32>, transpose_lhs_hint = false} : vector<128x128xf32>, vector<128x128xf32>, vector<128x128xf32> -> vector<128x128xf32>
    %swap3A_581 = arith.constant 5632 : index
    %swap3A_582 = arith.constant 0 : index
    %swap3A_583 = vector.load %arg2[%swap3A_581, %swap3A_582] : memref<8192x128xf32, #tpu.memory_space<vmem>>, vector<128x128xf32>
    tpu.vector_store %arg2[%swap3A_581, %swap3A_582], %dot_general3A_580 {strides = array<i32>} : memref<8192x128xf32, #tpu.memory_space<vmem>>, vector<128x128xf32>,
    %get3A_584 = arith.constant 0 : index
    %get3A_585 = arith.constant 23040 : index
    %get3A_586 = vector.load %arg1[%get3A_584, %get3A_585] : memref<32x32768xf32, #tpu.memory_space<vmem>>, vector<32x512xf32>
    %slice3A_587 = vector.extract_strided_slice %get3A_586 {offsets = [0, 0], sizes = [32, 128], strides = [1, 1]} : vector<32x512xf32> to vector<32x128xf32>
    %slice3A_588 = vector.extract_strided_slice %get3A_586 {offsets = [0, 128], sizes = [32, 128], strides = [1, 1]} : vector<32x512xf32> to vector<32x128xf32>
    %slice3A_589 = vector.extract_strided_slice %get3A_586 {offsets = [0, 256], sizes = [32, 128], strides = [1, 1]} : vector<32x512xf32> to vector<32x128xf32>
    %slice3A_590 = vector.extract_strided_slice %get3A_586 {offsets = [0, 384], sizes = [32, 128], strides = [1, 1]} : vector<32x512xf32> to vector<32x128xf32>
    %concatenate3A_591 = tpu.concatenate %slice3A_587, %slice3A_588, %slice3A_589, %slice3A_590 in 0 : vector<32x128xf32>, vector<32x128xf32>, vector<32x128xf32>, vector<32x128xf32> -> vector<128x128xf32>
    %dot_general3A_592 = arith.constant dense<0.000000e+00> : vector<128x128xf32>
    %dot_general3A_593 = tpu.matmul %concatenate3A_591, %convert_element_type3A_3, %dot_general3A_592 {dimension_numbers = #tpu.dot_dimension_numbers<[0], [0], [1], [1], [0, 1, 1, 1], [], []>, precision = #tpu.contract_precision<fp32>, transpose_lhs_hint = false} : vector<128x128xf32>, vector<128x128xf32>, vector<128x128xf32> -> vector<128x128xf32>
    %swap3A_594 = arith.constant 5760 : index
    %swap3A_595 = arith.constant 0 : index
    %swap3A_596 = vector.load %arg2[%swap3A_594, %swap3A_595] : memref<8192x128xf32, #tpu.memory_space<vmem>>, vector<128x128xf32>
    tpu.vector_store %arg2[%swap3A_594, %swap3A_595], %dot_general3A_593 {strides = array<i32>} : memref<8192x128xf32, #tpu.memory_space<vmem>>, vector<128x128xf32>,
    %get3A_597 = arith.constant 0 : index
    %get3A_598 = arith.constant 23552 : index
    %get3A_599 = vector.load %arg1[%get3A_597, %get3A_598] : memref<32x32768xf32, #tpu.memory_space<vmem>>, vector<32x512xf32>
    %slice3A_600 = vector.extract_strided_slice %get3A_599 {offsets = [0, 0], sizes = [32, 128], strides = [1, 1]} : vector<32x512xf32> to vector<32x128xf32>
    %slice3A_601 = vector.extract_strided_slice %get3A_599 {offsets = [0, 128], sizes = [32, 128], strides = [1, 1]} : vector<32x512xf32> to vector<32x128xf32>
    %slice3A_602 = vector.extract_strided_slice %get3A_599 {offsets = [0, 256], sizes = [32, 128], strides = [1, 1]} : vector<32x512xf32> to vector<32x128xf32>
    %slice3A_603 = vector.extract_strided_slice %get3A_599 {offsets = [0, 384], sizes = [32, 128], strides = [1, 1]} : vector<32x512xf32> to vector<32x128xf32>
    %concatenate3A_604 = tpu.concatenate %slice3A_600, %slice3A_601, %slice3A_602, %slice3A_603 in 0 : vector<32x128xf32>, vector<32x128xf32>, vector<32x128xf32>, vector<32x128xf32> -> vector<128x128xf32>
    %dot_general3A_605 = arith.constant dense<0.000000e+00> : vector<128x128xf32>
    %dot_general3A_606 = tpu.matmul %concatenate3A_604, %convert_element_type3A_3, %dot_general3A_605 {dimension_numbers = #tpu.dot_dimension_numbers<[0], [0], [1], [1], [0, 1, 1, 1], [], []>, precision = #tpu.contract_precision<fp32>, transpose_lhs_hint = false} : vector<128x128xf32>, vector<128x128xf32>, vector<128x128xf32> -> vector<128x128xf32>
    %swap3A_607 = arith.constant 5888 : index
    %swap3A_608 = arith.constant 0 : index
    %swap3A_609 = vector.load %arg2[%swap3A_607, %swap3A_608] : memref<8192x128xf32, #tpu.memory_space<vmem>>, vector<128x128xf32>
    tpu.vector_store %arg2[%swap3A_607, %swap3A_608], %dot_general3A_606 {strides = array<i32>} : memref<8192x128xf32, #tpu.memory_space<vmem>>, vector<128x128xf32>,
    %get3A_610 = arith.constant 0 : index
    %get3A_611 = arith.constant 24064 : index
    %get3A_612 = vector.load %arg1[%get3A_610, %get3A_611] : memref<32x32768xf32, #tpu.memory_space<vmem>>, vector<32x512xf32>
    %slice3A_613 = vector.extract_strided_slice %get3A_612 {offsets = [0, 0], sizes = [32, 128], strides = [1, 1]} : vector<32x512xf32> to vector<32x128xf32>
    %slice3A_614 = vector.extract_strided_slice %get3A_612 {offsets = [0, 128], sizes = [32, 128], strides = [1, 1]} : vector<32x512xf32> to vector<32x128xf32>
    %slice3A_615 = vector.extract_strided_slice %get3A_612 {offsets = [0, 256], sizes = [32, 128], strides = [1, 1]} : vector<32x512xf32> to vector<32x128xf32>
    %slice3A_616 = vector.extract_strided_slice %get3A_612 {offsets = [0, 384], sizes = [32, 128], strides = [1, 1]} : vector<32x512xf32> to vector<32x128xf32>
    %concatenate3A_617 = tpu.concatenate %slice3A_613, %slice3A_614, %slice3A_615, %slice3A_616 in 0 : vector<32x128xf32>, vector<32x128xf32>, vector<32x128xf32>, vector<32x128xf32> -> vector<128x128xf32>
    %dot_general3A_618 = arith.constant dense<0.000000e+00> : vector<128x128xf32>
    %dot_general3A_619 = tpu.matmul %concatenate3A_617, %convert_element_type3A_3, %dot_general3A_618 {dimension_numbers = #tpu.dot_dimension_numbers<[0], [0], [1], [1], [0, 1, 1, 1], [], []>, precision = #tpu.contract_precision<fp32>, transpose_lhs_hint = false} : vector<128x128xf32>, vector<128x128xf32>, vector<128x128xf32> -> vector<128x128xf32>
    %swap3A_620 = arith.constant 6016 : index
    %swap3A_621 = arith.constant 0 : index
    %swap3A_622 = vector.load %arg2[%swap3A_620, %swap3A_621] : memref<8192x128xf32, #tpu.memory_space<vmem>>, vector<128x128xf32>
    tpu.vector_store %arg2[%swap3A_620, %swap3A_621], %dot_general3A_619 {strides = array<i32>} : memref<8192x128xf32, #tpu.memory_space<vmem>>, vector<128x128xf32>,
    %get3A_623 = arith.constant 0 : index
    %get3A_624 = arith.constant 24576 : index
    %get3A_625 = vector.load %arg1[%get3A_623, %get3A_624] : memref<32x32768xf32, #tpu.memory_space<vmem>>, vector<32x512xf32>
    %slice3A_626 = vector.extract_strided_slice %get3A_625 {offsets = [0, 0], sizes = [32, 128], strides = [1, 1]} : vector<32x512xf32> to vector<32x128xf32>
    %slice3A_627 = vector.extract_strided_slice %get3A_625 {offsets = [0, 128], sizes = [32, 128], strides = [1, 1]} : vector<32x512xf32> to vector<32x128xf32>
    %slice3A_628 = vector.extract_strided_slice %get3A_625 {offsets = [0, 256], sizes = [32, 128], strides = [1, 1]} : vector<32x512xf32> to vector<32x128xf32>
    %slice3A_629 = vector.extract_strided_slice %get3A_625 {offsets = [0, 384], sizes = [32, 128], strides = [1, 1]} : vector<32x512xf32> to vector<32x128xf32>
    %concatenate3A_630 = tpu.concatenate %slice3A_626, %slice3A_627, %slice3A_628, %slice3A_629 in 0 : vector<32x128xf32>, vector<32x128xf32>, vector<32x128xf32>, vector<32x128xf32> -> vector<128x128xf32>
    %dot_general3A_631 = arith.constant dense<0.000000e+00> : vector<128x128xf32>
    %dot_general3A_632 = tpu.matmul %concatenate3A_630, %convert_element_type3A_3, %dot_general3A_631 {dimension_numbers = #tpu.dot_dimension_numbers<[0], [0], [1], [1], [0, 1, 1, 1], [], []>, precision = #tpu.contract_precision<fp32>, transpose_lhs_hint = false} : vector<128x128xf32>, vector<128x128xf32>, vector<128x128xf32> -> vector<128x128xf32>
    %swap3A_633 = arith.constant 6144 : index
    %swap3A_634 = arith.constant 0 : index
    %swap3A_635 = vector.load %arg2[%swap3A_633, %swap3A_634] : memref<8192x128xf32, #tpu.memory_space<vmem>>, vector<128x128xf32>
    tpu.vector_store %arg2[%swap3A_633, %swap3A_634], %dot_general3A_632 {strides = array<i32>} : memref<8192x128xf32, #tpu.memory_space<vmem>>, vector<128x128xf32>,
    %get3A_636 = arith.constant 0 : index
    %get3A_637 = arith.constant 25088 : index
    %get3A_638 = vector.load %arg1[%get3A_636, %get3A_637] : memref<32x32768xf32, #tpu.memory_space<vmem>>, vector<32x512xf32>
    %slice3A_639 = vector.extract_strided_slice %get3A_638 {offsets = [0, 0], sizes = [32, 128], strides = [1, 1]} : vector<32x512xf32> to vector<32x128xf32>
    %slice3A_640 = vector.extract_strided_slice %get3A_638 {offsets = [0, 128], sizes = [32, 128], strides = [1, 1]} : vector<32x512xf32> to vector<32x128xf32>
    %slice3A_641 = vector.extract_strided_slice %get3A_638 {offsets = [0, 256], sizes = [32, 128], strides = [1, 1]} : vector<32x512xf32> to vector<32x128xf32>
    %slice3A_642 = vector.extract_strided_slice %get3A_638 {offsets = [0, 384], sizes = [32, 128], strides = [1, 1]} : vector<32x512xf32> to vector<32x128xf32>
    %concatenate3A_643 = tpu.concatenate %slice3A_639, %slice3A_640, %slice3A_641, %slice3A_642 in 0 : vector<32x128xf32>, vector<32x128xf32>, vector<32x128xf32>, vector<32x128xf32> -> vector<128x128xf32>
    %dot_general3A_644 = arith.constant dense<0.000000e+00> : vector<128x128xf32>
    %dot_general3A_645 = tpu.matmul %concatenate3A_643, %convert_element_type3A_3, %dot_general3A_644 {dimension_numbers = #tpu.dot_dimension_numbers<[0], [0], [1], [1], [0, 1, 1, 1], [], []>, precision = #tpu.contract_precision<fp32>, transpose_lhs_hint = false} : vector<128x128xf32>, vector<128x128xf32>, vector<128x128xf32> -> vector<128x128xf32>
    %swap3A_646 = arith.constant 6272 : index
    %swap3A_647 = arith.constant 0 : index
    %swap3A_648 = vector.load %arg2[%swap3A_646, %swap3A_647] : memref<8192x128xf32, #tpu.memory_space<vmem>>, vector<128x128xf32>
    tpu.vector_store %arg2[%swap3A_646, %swap3A_647], %dot_general3A_645 {strides = array<i32>} : memref<8192x128xf32, #tpu.memory_space<vmem>>, vector<128x128xf32>,
    %get3A_649 = arith.constant 0 : index
    %get3A_650 = arith.constant 25600 : index
    %get3A_651 = vector.load %arg1[%get3A_649, %get3A_650] : memref<32x32768xf32, #tpu.memory_space<vmem>>, vector<32x512xf32>
    %slice3A_652 = vector.extract_strided_slice %get3A_651 {offsets = [0, 0], sizes = [32, 128], strides = [1, 1]} : vector<32x512xf32> to vector<32x128xf32>
    %slice3A_653 = vector.extract_strided_slice %get3A_651 {offsets = [0, 128], sizes = [32, 128], strides = [1, 1]} : vector<32x512xf32> to vector<32x128xf32>
    %slice3A_654 = vector.extract_strided_slice %get3A_651 {offsets = [0, 256], sizes = [32, 128], strides = [1, 1]} : vector<32x512xf32> to vector<32x128xf32>
    %slice3A_655 = vector.extract_strided_slice %get3A_651 {offsets = [0, 384], sizes = [32, 128], strides = [1, 1]} : vector<32x512xf32> to vector<32x128xf32>
    %concatenate3A_656 = tpu.concatenate %slice3A_652, %slice3A_653, %slice3A_654, %slice3A_655 in 0 : vector<32x128xf32>, vector<32x128xf32>, vector<32x128xf32>, vector<32x128xf32> -> vector<128x128xf32>
    %dot_general3A_657 = arith.constant dense<0.000000e+00> : vector<128x128xf32>
    %dot_general3A_658 = tpu.matmul %concatenate3A_656, %convert_element_type3A_3, %dot_general3A_657 {dimension_numbers = #tpu.dot_dimension_numbers<[0], [0], [1], [1], [0, 1, 1, 1], [], []>, precision = #tpu.contract_precision<fp32>, transpose_lhs_hint = false} : vector<128x128xf32>, vector<128x128xf32>, vector<128x128xf32> -> vector<128x128xf32>
    %swap3A_659 = arith.constant 6400 : index
    %swap3A_660 = arith.constant 0 : index
    %swap3A_661 = vector.load %arg2[%swap3A_659, %swap3A_660] : memref<8192x128xf32, #tpu.memory_space<vmem>>, vector<128x128xf32>
    tpu.vector_store %arg2[%swap3A_659, %swap3A_660], %dot_general3A_658 {strides = array<i32>} : memref<8192x128xf32, #tpu.memory_space<vmem>>, vector<128x128xf32>,
    %get3A_662 = arith.constant 0 : index
    %get3A_663 = arith.constant 26112 : index
    %get3A_664 = vector.load %arg1[%get3A_662, %get3A_663] : memref<32x32768xf32, #tpu.memory_space<vmem>>, vector<32x512xf32>
    %slice3A_665 = vector.extract_strided_slice %get3A_664 {offsets = [0, 0], sizes = [32, 128], strides = [1, 1]} : vector<32x512xf32> to vector<32x128xf32>
    %slice3A_666 = vector.extract_strided_slice %get3A_664 {offsets = [0, 128], sizes = [32, 128], strides = [1, 1]} : vector<32x512xf32> to vector<32x128xf32>
    %slice3A_667 = vector.extract_strided_slice %get3A_664 {offsets = [0, 256], sizes = [32, 128], strides = [1, 1]} : vector<32x512xf32> to vector<32x128xf32>
    %slice3A_668 = vector.extract_strided_slice %get3A_664 {offsets = [0, 384], sizes = [32, 128], strides = [1, 1]} : vector<32x512xf32> to vector<32x128xf32>
    %concatenate3A_669 = tpu.concatenate %slice3A_665, %slice3A_666, %slice3A_667, %slice3A_668 in 0 : vector<32x128xf32>, vector<32x128xf32>, vector<32x128xf32>, vector<32x128xf32> -> vector<128x128xf32>
    %dot_general3A_670 = arith.constant dense<0.000000e+00> : vector<128x128xf32>
    %dot_general3A_671 = tpu.matmul %concatenate3A_669, %convert_element_type3A_3, %dot_general3A_670 {dimension_numbers = #tpu.dot_dimension_numbers<[0], [0], [1], [1], [0, 1, 1, 1], [], []>, precision = #tpu.contract_precision<fp32>, transpose_lhs_hint = false} : vector<128x128xf32>, vector<128x128xf32>, vector<128x128xf32> -> vector<128x128xf32>
    %swap3A_672 = arith.constant 6528 : index
    %swap3A_673 = arith.constant 0 : index
    %swap3A_674 = vector.load %arg2[%swap3A_672, %swap3A_673] : memref<8192x128xf32, #tpu.memory_space<vmem>>, vector<128x128xf32>
    tpu.vector_store %arg2[%swap3A_672, %swap3A_673], %dot_general3A_671 {strides = array<i32>} : memref<8192x128xf32, #tpu.memory_space<vmem>>, vector<128x128xf32>,
    %get3A_675 = arith.constant 0 : index
    %get3A_676 = arith.constant 26624 : index
    %get3A_677 = vector.load %arg1[%get3A_675, %get3A_676] : memref<32x32768xf32, #tpu.memory_space<vmem>>, vector<32x512xf32>
    %slice3A_678 = vector.extract_strided_slice %get3A_677 {offsets = [0, 0], sizes = [32, 128], strides = [1, 1]} : vector<32x512xf32> to vector<32x128xf32>
    %slice3A_679 = vector.extract_strided_slice %get3A_677 {offsets = [0, 128], sizes = [32, 128], strides = [1, 1]} : vector<32x512xf32> to vector<32x128xf32>
    %slice3A_680 = vector.extract_strided_slice %get3A_677 {offsets = [0, 256], sizes = [32, 128], strides = [1, 1]} : vector<32x512xf32> to vector<32x128xf32>
    %slice3A_681 = vector.extract_strided_slice %get3A_677 {offsets = [0, 384], sizes = [32, 128], strides = [1, 1]} : vector<32x512xf32> to vector<32x128xf32>
    %concatenate3A_682 = tpu.concatenate %slice3A_678, %slice3A_679, %slice3A_680, %slice3A_681 in 0 : vector<32x128xf32>, vector<32x128xf32>, vector<32x128xf32>, vector<32x128xf32> -> vector<128x128xf32>
    %dot_general3A_683 = arith.constant dense<0.000000e+00> : vector<128x128xf32>
    %dot_general3A_684 = tpu.matmul %concatenate3A_682, %convert_element_type3A_3, %dot_general3A_683 {dimension_numbers = #tpu.dot_dimension_numbers<[0], [0], [1], [1], [0, 1, 1, 1], [], []>, precision = #tpu.contract_precision<fp32>, transpose_lhs_hint = false} : vector<128x128xf32>, vector<128x128xf32>, vector<128x128xf32> -> vector<128x128xf32>
    %swap3A_685 = arith.constant 6656 : index
    %swap3A_686 = arith.constant 0 : index
    %swap3A_687 = vector.load %arg2[%swap3A_685, %swap3A_686] : memref<8192x128xf32, #tpu.memory_space<vmem>>, vector<128x128xf32>
    tpu.vector_store %arg2[%swap3A_685, %swap3A_686], %dot_general3A_684 {strides = array<i32>} : memref<8192x128xf32, #tpu.memory_space<vmem>>, vector<128x128xf32>,
    %get3A_688 = arith.constant 0 : index
    %get3A_689 = arith.constant 27136 : index
    %get3A_690 = vector.load %arg1[%get3A_688, %get3A_689] : memref<32x32768xf32, #tpu.memory_space<vmem>>, vector<32x512xf32>
    %slice3A_691 = vector.extract_strided_slice %get3A_690 {offsets = [0, 0], sizes = [32, 128], strides = [1, 1]} : vector<32x512xf32> to vector<32x128xf32>
    %slice3A_692 = vector.extract_strided_slice %get3A_690 {offsets = [0, 128], sizes = [32, 128], strides = [1, 1]} : vector<32x512xf32> to vector<32x128xf32>
    %slice3A_693 = vector.extract_strided_slice %get3A_690 {offsets = [0, 256], sizes = [32, 128], strides = [1, 1]} : vector<32x512xf32> to vector<32x128xf32>
    %slice3A_694 = vector.extract_strided_slice %get3A_690 {offsets = [0, 384], sizes = [32, 128], strides = [1, 1]} : vector<32x512xf32> to vector<32x128xf32>
    %concatenate3A_695 = tpu.concatenate %slice3A_691, %slice3A_692, %slice3A_693, %slice3A_694 in 0 : vector<32x128xf32>, vector<32x128xf32>, vector<32x128xf32>, vector<32x128xf32> -> vector<128x128xf32>
    %dot_general3A_696 = arith.constant dense<0.000000e+00> : vector<128x128xf32>
    %dot_general3A_697 = tpu.matmul %concatenate3A_695, %convert_element_type3A_3, %dot_general3A_696 {dimension_numbers = #tpu.dot_dimension_numbers<[0], [0], [1], [1], [0, 1, 1, 1], [], []>, precision = #tpu.contract_precision<fp32>, transpose_lhs_hint = false} : vector<128x128xf32>, vector<128x128xf32>, vector<128x128xf32> -> vector<128x128xf32>
    %swap3A_698 = arith.constant 6784 : index
    %swap3A_699 = arith.constant 0 : index
    %swap3A_700 = vector.load %arg2[%swap3A_698, %swap3A_699] : memref<8192x128xf32, #tpu.memory_space<vmem>>, vector<128x128xf32>
    tpu.vector_store %arg2[%swap3A_698, %swap3A_699], %dot_general3A_697 {strides = array<i32>} : memref<8192x128xf32, #tpu.memory_space<vmem>>, vector<128x128xf32>,
    %get3A_701 = arith.constant 0 : index
    %get3A_702 = arith.constant 27648 : index
    %get3A_703 = vector.load %arg1[%get3A_701, %get3A_702] : memref<32x32768xf32, #tpu.memory_space<vmem>>, vector<32x512xf32>
    %slice3A_704 = vector.extract_strided_slice %get3A_703 {offsets = [0, 0], sizes = [32, 128], strides = [1, 1]} : vector<32x512xf32> to vector<32x128xf32>
    %slice3A_705 = vector.extract_strided_slice %get3A_703 {offsets = [0, 128], sizes = [32, 128], strides = [1, 1]} : vector<32x512xf32> to vector<32x128xf32>
    %slice3A_706 = vector.extract_strided_slice %get3A_703 {offsets = [0, 256], sizes = [32, 128], strides = [1, 1]} : vector<32x512xf32> to vector<32x128xf32>
    %slice3A_707 = vector.extract_strided_slice %get3A_703 {offsets = [0, 384], sizes = [32, 128], strides = [1, 1]} : vector<32x512xf32> to vector<32x128xf32>
    %concatenate3A_708 = tpu.concatenate %slice3A_704, %slice3A_705, %slice3A_706, %slice3A_707 in 0 : vector<32x128xf32>, vector<32x128xf32>, vector<32x128xf32>, vector<32x128xf32> -> vector<128x128xf32>
    %dot_general3A_709 = arith.constant dense<0.000000e+00> : vector<128x128xf32>
    %dot_general3A_710 = tpu.matmul %concatenate3A_708, %convert_element_type3A_3, %dot_general3A_709 {dimension_numbers = #tpu.dot_dimension_numbers<[0], [0], [1], [1], [0, 1, 1, 1], [], []>, precision = #tpu.contract_precision<fp32>, transpose_lhs_hint = false} : vector<128x128xf32>, vector<128x128xf32>, vector<128x128xf32> -> vector<128x128xf32>
    %swap3A_711 = arith.constant 6912 : index
    %swap3A_712 = arith.constant 0 : index
    %swap3A_713 = vector.load %arg2[%swap3A_711, %swap3A_712] : memref<8192x128xf32, #tpu.memory_space<vmem>>, vector<128x128xf32>
    tpu.vector_store %arg2[%swap3A_711, %swap3A_712], %dot_general3A_710 {strides = array<i32>} : memref<8192x128xf32, #tpu.memory_space<vmem>>, vector<128x128xf32>,
    %get3A_714 = arith.constant 0 : index
    %get3A_715 = arith.constant 28160 : index
    %get3A_716 = vector.load %arg1[%get3A_714, %get3A_715] : memref<32x32768xf32, #tpu.memory_space<vmem>>, vector<32x512xf32>
    %slice3A_717 = vector.extract_strided_slice %get3A_716 {offsets = [0, 0], sizes = [32, 128], strides = [1, 1]} : vector<32x512xf32> to vector<32x128xf32>
    %slice3A_718 = vector.extract_strided_slice %get3A_716 {offsets = [0, 128], sizes = [32, 128], strides = [1, 1]} : vector<32x512xf32> to vector<32x128xf32>
    %slice3A_719 = vector.extract_strided_slice %get3A_716 {offsets = [0, 256], sizes = [32, 128], strides = [1, 1]} : vector<32x512xf32> to vector<32x128xf32>
    %slice3A_720 = vector.extract_strided_slice %get3A_716 {offsets = [0, 384], sizes = [32, 128], strides = [1, 1]} : vector<32x512xf32> to vector<32x128xf32>
    %concatenate3A_721 = tpu.concatenate %slice3A_717, %slice3A_718, %slice3A_719, %slice3A_720 in 0 : vector<32x128xf32>, vector<32x128xf32>, vector<32x128xf32>, vector<32x128xf32> -> vector<128x128xf32>
    %dot_general3A_722 = arith.constant dense<0.000000e+00> : vector<128x128xf32>
    %dot_general3A_723 = tpu.matmul %concatenate3A_721, %convert_element_type3A_3, %dot_general3A_722 {dimension_numbers = #tpu.dot_dimension_numbers<[0], [0], [1], [1], [0, 1, 1, 1], [], []>, precision = #tpu.contract_precision<fp32>, transpose_lhs_hint = false} : vector<128x128xf32>, vector<128x128xf32>, vector<128x128xf32> -> vector<128x128xf32>
    %swap3A_724 = arith.constant 7040 : index
    %swap3A_725 = arith.constant 0 : index
    %swap3A_726 = vector.load %arg2[%swap3A_724, %swap3A_725] : memref<8192x128xf32, #tpu.memory_space<vmem>>, vector<128x128xf32>
    tpu.vector_store %arg2[%swap3A_724, %swap3A_725], %dot_general3A_723 {strides = array<i32>} : memref<8192x128xf32, #tpu.memory_space<vmem>>, vector<128x128xf32>,
    %get3A_727 = arith.constant 0 : index
    %get3A_728 = arith.constant 28672 : index
    %get3A_729 = vector.load %arg1[%get3A_727, %get3A_728] : memref<32x32768xf32, #tpu.memory_space<vmem>>, vector<32x512xf32>
    %slice3A_730 = vector.extract_strided_slice %get3A_729 {offsets = [0, 0], sizes = [32, 128], strides = [1, 1]} : vector<32x512xf32> to vector<32x128xf32>
    %slice3A_731 = vector.extract_strided_slice %get3A_729 {offsets = [0, 128], sizes = [32, 128], strides = [1, 1]} : vector<32x512xf32> to vector<32x128xf32>
    %slice3A_732 = vector.extract_strided_slice %get3A_729 {offsets = [0, 256], sizes = [32, 128], strides = [1, 1]} : vector<32x512xf32> to vector<32x128xf32>
    %slice3A_733 = vector.extract_strided_slice %get3A_729 {offsets = [0, 384], sizes = [32, 128], strides = [1, 1]} : vector<32x512xf32> to vector<32x128xf32>
    %concatenate3A_734 = tpu.concatenate %slice3A_730, %slice3A_731, %slice3A_732, %slice3A_733 in 0 : vector<32x128xf32>, vector<32x128xf32>, vector<32x128xf32>, vector<32x128xf32> -> vector<128x128xf32>
    %dot_general3A_735 = arith.constant dense<0.000000e+00> : vector<128x128xf32>
    %dot_general3A_736 = tpu.matmul %concatenate3A_734, %convert_element_type3A_3, %dot_general3A_735 {dimension_numbers = #tpu.dot_dimension_numbers<[0], [0], [1], [1], [0, 1, 1, 1], [], []>, precision = #tpu.contract_precision<fp32>, transpose_lhs_hint = false} : vector<128x128xf32>, vector<128x128xf32>, vector<128x128xf32> -> vector<128x128xf32>
    %swap3A_737 = arith.constant 7168 : index
    %swap3A_738 = arith.constant 0 : index
    %swap3A_739 = vector.load %arg2[%swap3A_737, %swap3A_738] : memref<8192x128xf32, #tpu.memory_space<vmem>>, vector<128x128xf32>
    tpu.vector_store %arg2[%swap3A_737, %swap3A_738], %dot_general3A_736 {strides = array<i32>} : memref<8192x128xf32, #tpu.memory_space<vmem>>, vector<128x128xf32>,
    %get3A_740 = arith.constant 0 : index
    %get3A_741 = arith.constant 29184 : index
    %get3A_742 = vector.load %arg1[%get3A_740, %get3A_741] : memref<32x32768xf32, #tpu.memory_space<vmem>>, vector<32x512xf32>
    %slice3A_743 = vector.extract_strided_slice %get3A_742 {offsets = [0, 0], sizes = [32, 128], strides = [1, 1]} : vector<32x512xf32> to vector<32x128xf32>
    %slice3A_744 = vector.extract_strided_slice %get3A_742 {offsets = [0, 128], sizes = [32, 128], strides = [1, 1]} : vector<32x512xf32> to vector<32x128xf32>
    %slice3A_745 = vector.extract_strided_slice %get3A_742 {offsets = [0, 256], sizes = [32, 128], strides = [1, 1]} : vector<32x512xf32> to vector<32x128xf32>
    %slice3A_746 = vector.extract_strided_slice %get3A_742 {offsets = [0, 384], sizes = [32, 128], strides = [1, 1]} : vector<32x512xf32> to vector<32x128xf32>
    %concatenate3A_747 = tpu.concatenate %slice3A_743, %slice3A_744, %slice3A_745, %slice3A_746 in 0 : vector<32x128xf32>, vector<32x128xf32>, vector<32x128xf32>, vector<32x128xf32> -> vector<128x128xf32>
    %dot_general3A_748 = arith.constant dense<0.000000e+00> : vector<128x128xf32>
    %dot_general3A_749 = tpu.matmul %concatenate3A_747, %convert_element_type3A_3, %dot_general3A_748 {dimension_numbers = #tpu.dot_dimension_numbers<[0], [0], [1], [1], [0, 1, 1, 1], [], []>, precision = #tpu.contract_precision<fp32>, transpose_lhs_hint = false} : vector<128x128xf32>, vector<128x128xf32>, vector<128x128xf32> -> vector<128x128xf32>
    %swap3A_750 = arith.constant 7296 : index
    %swap3A_751 = arith.constant 0 : index
    %swap3A_752 = vector.load %arg2[%swap3A_750, %swap3A_751] : memref<8192x128xf32, #tpu.memory_space<vmem>>, vector<128x128xf32>
    tpu.vector_store %arg2[%swap3A_750, %swap3A_751], %dot_general3A_749 {strides = array<i32>} : memref<8192x128xf32, #tpu.memory_space<vmem>>, vector<128x128xf32>,
    %get3A_753 = arith.constant 0 : index
    %get3A_754 = arith.constant 29696 : index
    %get3A_755 = vector.load %arg1[%get3A_753, %get3A_754] : memref<32x32768xf32, #tpu.memory_space<vmem>>, vector<32x512xf32>
    %slice3A_756 = vector.extract_strided_slice %get3A_755 {offsets = [0, 0], sizes = [32, 128], strides = [1, 1]} : vector<32x512xf32> to vector<32x128xf32>
    %slice3A_757 = vector.extract_strided_slice %get3A_755 {offsets = [0, 128], sizes = [32, 128], strides = [1, 1]} : vector<32x512xf32> to vector<32x128xf32>
    %slice3A_758 = vector.extract_strided_slice %get3A_755 {offsets = [0, 256], sizes = [32, 128], strides = [1, 1]} : vector<32x512xf32> to vector<32x128xf32>
    %slice3A_759 = vector.extract_strided_slice %get3A_755 {offsets = [0, 384], sizes = [32, 128], strides = [1, 1]} : vector<32x512xf32> to vector<32x128xf32>
    %concatenate3A_760 = tpu.concatenate %slice3A_756, %slice3A_757, %slice3A_758, %slice3A_759 in 0 : vector<32x128xf32>, vector<32x128xf32>, vector<32x128xf32>, vector<32x128xf32> -> vector<128x128xf32>
    %dot_general3A_761 = arith.constant dense<0.000000e+00> : vector<128x128xf32>
    %dot_general3A_762 = tpu.matmul %concatenate3A_760, %convert_element_type3A_3, %dot_general3A_761 {dimension_numbers = #tpu.dot_dimension_numbers<[0], [0], [1], [1], [0, 1, 1, 1], [], []>, precision = #tpu.contract_precision<fp32>, transpose_lhs_hint = false} : vector<128x128xf32>, vector<128x128xf32>, vector<128x128xf32> -> vector<128x128xf32>
    %swap3A_763 = arith.constant 7424 : index
    %swap3A_764 = arith.constant 0 : index
    %swap3A_765 = vector.load %arg2[%swap3A_763, %swap3A_764] : memref<8192x128xf32, #tpu.memory_space<vmem>>, vector<128x128xf32>
    tpu.vector_store %arg2[%swap3A_763, %swap3A_764], %dot_general3A_762 {strides = array<i32>} : memref<8192x128xf32, #tpu.memory_space<vmem>>, vector<128x128xf32>,
    %get3A_766 = arith.constant 0 : index
    %get3A_767 = arith.constant 30208 : index
    %get3A_768 = vector.load %arg1[%get3A_766, %get3A_767] : memref<32x32768xf32, #tpu.memory_space<vmem>>, vector<32x512xf32>
    %slice3A_769 = vector.extract_strided_slice %get3A_768 {offsets = [0, 0], sizes = [32, 128], strides = [1, 1]} : vector<32x512xf32> to vector<32x128xf32>
    %slice3A_770 = vector.extract_strided_slice %get3A_768 {offsets = [0, 128], sizes = [32, 128], strides = [1, 1]} : vector<32x512xf32> to vector<32x128xf32>
    %slice3A_771 = vector.extract_strided_slice %get3A_768 {offsets = [0, 256], sizes = [32, 128], strides = [1, 1]} : vector<32x512xf32> to vector<32x128xf32>
    %slice3A_772 = vector.extract_strided_slice %get3A_768 {offsets = [0, 384], sizes = [32, 128], strides = [1, 1]} : vector<32x512xf32> to vector<32x128xf32>
    %concatenate3A_773 = tpu.concatenate %slice3A_769, %slice3A_770, %slice3A_771, %slice3A_772 in 0 : vector<32x128xf32>, vector<32x128xf32>, vector<32x128xf32>, vector<32x128xf32> -> vector<128x128xf32>
    %dot_general3A_774 = arith.constant dense<0.000000e+00> : vector<128x128xf32>
    %dot_general3A_775 = tpu.matmul %concatenate3A_773, %convert_element_type3A_3, %dot_general3A_774 {dimension_numbers = #tpu.dot_dimension_numbers<[0], [0], [1], [1], [0, 1, 1, 1], [], []>, precision = #tpu.contract_precision<fp32>, transpose_lhs_hint = false} : vector<128x128xf32>, vector<128x128xf32>, vector<128x128xf32> -> vector<128x128xf32>
    %swap3A_776 = arith.constant 7552 : index
    %swap3A_777 = arith.constant 0 : index
    %swap3A_778 = vector.load %arg2[%swap3A_776, %swap3A_777] : memref<8192x128xf32, #tpu.memory_space<vmem>>, vector<128x128xf32>
    tpu.vector_store %arg2[%swap3A_776, %swap3A_777], %dot_general3A_775 {strides = array<i32>} : memref<8192x128xf32, #tpu.memory_space<vmem>>, vector<128x128xf32>,
    %get3A_779 = arith.constant 0 : index
    %get3A_780 = arith.constant 30720 : index
    %get3A_781 = vector.load %arg1[%get3A_779, %get3A_780] : memref<32x32768xf32, #tpu.memory_space<vmem>>, vector<32x512xf32>
    %slice3A_782 = vector.extract_strided_slice %get3A_781 {offsets = [0, 0], sizes = [32, 128], strides = [1, 1]} : vector<32x512xf32> to vector<32x128xf32>
    %slice3A_783 = vector.extract_strided_slice %get3A_781 {offsets = [0, 128], sizes = [32, 128], strides = [1, 1]} : vector<32x512xf32> to vector<32x128xf32>
    %slice3A_784 = vector.extract_strided_slice %get3A_781 {offsets = [0, 256], sizes = [32, 128], strides = [1, 1]} : vector<32x512xf32> to vector<32x128xf32>
    %slice3A_785 = vector.extract_strided_slice %get3A_781 {offsets = [0, 384], sizes = [32, 128], strides = [1, 1]} : vector<32x512xf32> to vector<32x128xf32>
    %concatenate3A_786 = tpu.concatenate %slice3A_782, %slice3A_783, %slice3A_784, %slice3A_785 in 0 : vector<32x128xf32>, vector<32x128xf32>, vector<32x128xf32>, vector<32x128xf32> -> vector<128x128xf32>
    %dot_general3A_787 = arith.constant dense<0.000000e+00> : vector<128x128xf32>
    %dot_general3A_788 = tpu.matmul %concatenate3A_786, %convert_element_type3A_3, %dot_general3A_787 {dimension_numbers = #tpu.dot_dimension_numbers<[0], [0], [1], [1], [0, 1, 1, 1], [], []>, precision = #tpu.contract_precision<fp32>, transpose_lhs_hint = false} : vector<128x128xf32>, vector<128x128xf32>, vector<128x128xf32> -> vector<128x128xf32>
    %swap3A_789 = arith.constant 7680 : index
    %swap3A_790 = arith.constant 0 : index
    %swap3A_791 = vector.load %arg2[%swap3A_789, %swap3A_790] : memref<8192x128xf32, #tpu.memory_space<vmem>>, vector<128x128xf32>
    tpu.vector_store %arg2[%swap3A_789, %swap3A_790], %dot_general3A_788 {strides = array<i32>} : memref<8192x128xf32, #tpu.memory_space<vmem>>, vector<128x128xf32>,
    %get3A_792 = arith.constant 0 : index
    %get3A_793 = arith.constant 31232 : index
    %get3A_794 = vector.load %arg1[%get3A_792, %get3A_793] : memref<32x32768xf32, #tpu.memory_space<vmem>>, vector<32x512xf32>
    %slice3A_795 = vector.extract_strided_slice %get3A_794 {offsets = [0, 0], sizes = [32, 128], strides = [1, 1]} : vector<32x512xf32> to vector<32x128xf32>
    %slice3A_796 = vector.extract_strided_slice %get3A_794 {offsets = [0, 128], sizes = [32, 128], strides = [1, 1]} : vector<32x512xf32> to vector<32x128xf32>
    %slice3A_797 = vector.extract_strided_slice %get3A_794 {offsets = [0, 256], sizes = [32, 128], strides = [1, 1]} : vector<32x512xf32> to vector<32x128xf32>
    %slice3A_798 = vector.extract_strided_slice %get3A_794 {offsets = [0, 384], sizes = [32, 128], strides = [1, 1]} : vector<32x512xf32> to vector<32x128xf32>
    %concatenate3A_799 = tpu.concatenate %slice3A_795, %slice3A_796, %slice3A_797, %slice3A_798 in 0 : vector<32x128xf32>, vector<32x128xf32>, vector<32x128xf32>, vector<32x128xf32> -> vector<128x128xf32>
    %dot_general3A_800 = arith.constant dense<0.000000e+00> : vector<128x128xf32>
    %dot_general3A_801 = tpu.matmul %concatenate3A_799, %convert_element_type3A_3, %dot_general3A_800 {dimension_numbers = #tpu.dot_dimension_numbers<[0], [0], [1], [1], [0, 1, 1, 1], [], []>, precision = #tpu.contract_precision<fp32>, transpose_lhs_hint = false} : vector<128x128xf32>, vector<128x128xf32>, vector<128x128xf32> -> vector<128x128xf32>
    %swap3A_802 = arith.constant 7808 : index
    %swap3A_803 = arith.constant 0 : index
    %swap3A_804 = vector.load %arg2[%swap3A_802, %swap3A_803] : memref<8192x128xf32, #tpu.memory_space<vmem>>, vector<128x128xf32>
    tpu.vector_store %arg2[%swap3A_802, %swap3A_803], %dot_general3A_801 {strides = array<i32>} : memref<8192x128xf32, #tpu.memory_space<vmem>>, vector<128x128xf32>,
    %get3A_805 = arith.constant 0 : index
    %get3A_806 = arith.constant 31744 : index
    %get3A_807 = vector.load %arg1[%get3A_805, %get3A_806] : memref<32x32768xf32, #tpu.memory_space<vmem>>, vector<32x512xf32>
    %slice3A_808 = vector.extract_strided_slice %get3A_807 {offsets = [0, 0], sizes = [32, 128], strides = [1, 1]} : vector<32x512xf32> to vector<32x128xf32>
    %slice3A_809 = vector.extract_strided_slice %get3A_807 {offsets = [0, 128], sizes = [32, 128], strides = [1, 1]} : vector<32x512xf32> to vector<32x128xf32>
    %slice3A_810 = vector.extract_strided_slice %get3A_807 {offsets = [0, 256], sizes = [32, 128], strides = [1, 1]} : vector<32x512xf32> to vector<32x128xf32>
    %slice3A_811 = vector.extract_strided_slice %get3A_807 {offsets = [0, 384], sizes = [32, 128], strides = [1, 1]} : vector<32x512xf32> to vector<32x128xf32>
    %concatenate3A_812 = tpu.concatenate %slice3A_808, %slice3A_809, %slice3A_810, %slice3A_811 in 0 : vector<32x128xf32>, vector<32x128xf32>, vector<32x128xf32>, vector<32x128xf32> -> vector<128x128xf32>
    %dot_general3A_813 = arith.constant dense<0.000000e+00> : vector<128x128xf32>
    %dot_general3A_814 = tpu.matmul %concatenate3A_812, %convert_element_type3A_3, %dot_general3A_813 {dimension_numbers = #tpu.dot_dimension_numbers<[0], [0], [1], [1], [0, 1, 1, 1], [], []>, precision = #tpu.contract_precision<fp32>, transpose_lhs_hint = false} : vector<128x128xf32>, vector<128x128xf32>, vector<128x128xf32> -> vector<128x128xf32>
    %swap3A_815 = arith.constant 7936 : index
    %swap3A_816 = arith.constant 0 : index
    %swap3A_817 = vector.load %arg2[%swap3A_815, %swap3A_816] : memref<8192x128xf32, #tpu.memory_space<vmem>>, vector<128x128xf32>
    tpu.vector_store %arg2[%swap3A_815, %swap3A_816], %dot_general3A_814 {strides = array<i32>} : memref<8192x128xf32, #tpu.memory_space<vmem>>, vector<128x128xf32>,
    %get3A_818 = arith.constant 0 : index
    %get3A_819 = arith.constant 32256 : index
    %get3A_820 = vector.load %arg1[%get3A_818, %get3A_819] : memref<32x32768xf32, #tpu.memory_space<vmem>>, vector<32x512xf32>
    %slice3A_821 = vector.extract_strided_slice %get3A_820 {offsets = [0, 0], sizes = [32, 128], strides = [1, 1]} : vector<32x512xf32> to vector<32x128xf32>
    %slice3A_822 = vector.extract_strided_slice %get3A_820 {offsets = [0, 128], sizes = [32, 128], strides = [1, 1]} : vector<32x512xf32> to vector<32x128xf32>
    %slice3A_823 = vector.extract_strided_slice %get3A_820 {offsets = [0, 256], sizes = [32, 128], strides = [1, 1]} : vector<32x512xf32> to vector<32x128xf32>
    %slice3A_824 = vector.extract_strided_slice %get3A_820 {offsets = [0, 384], sizes = [32, 128], strides = [1, 1]} : vector<32x512xf32> to vector<32x128xf32>
    %concatenate3A_825 = tpu.concatenate %slice3A_821, %slice3A_822, %slice3A_823, %slice3A_824 in 0 : vector<32x128xf32>, vector<32x128xf32>, vector<32x128xf32>, vector<32x128xf32> -> vector<128x128xf32>
    %dot_general3A_826 = arith.constant dense<0.000000e+00> : vector<128x128xf32>
    %dot_general3A_827 = tpu.matmul %concatenate3A_825, %convert_element_type3A_3, %dot_general3A_826 {dimension_numbers = #tpu.dot_dimension_numbers<[0], [0], [1], [1], [0, 1, 1, 1], [], []>, precision = #tpu.contract_precision<fp32>, transpose_lhs_hint = false} : vector<128x128xf32>, vector<128x128xf32>, vector<128x128xf32> -> vector<128x128xf32>
    %swap3A_828 = arith.constant 8064 : index
    %swap3A_829 = arith.constant 0 : index
    %swap3A_830 = vector.load %arg2[%swap3A_828, %swap3A_829] : memref<8192x128xf32, #tpu.memory_space<vmem>>, vector<128x128xf32>
    tpu.vector_store %arg2[%swap3A_828, %swap3A_829], %dot_general3A_827 {strides = array<i32>} : memref<8192x128xf32, #tpu.memory_space<vmem>>, vector<128x128xf32>,
    return
  }
  func.func @transform_0(%arg0: i32) -> (i32, i32) {
    %c0_i32 = arith.constant 0 : i32
    %c0_i32_0 = arith.constant 0 : i32
    return %c0_i32, %arg0 : i32, i32
  }
  func.func @transform_1(%arg0: i32) -> (i32, i32) {
    %c0_i32 = arith.constant 0 : i32
    %c0_i32_0 = arith.constant 0 : i32
    return %arg0, %c0_i32 : i32, i32
  }
}

</mosaic_0001>

<sc_bundles>
// kernel: kernel.4.cloned.1.call-start
scs
__scs_entry_jumppad:
0x0: {  	(pc) =	sbr.rel $0x88, $3  }
0x1: {  	(tag) =	ssettag $0x0;
	lr =	simm.s32 $0x1  }
0x2: {  	[smem:$0x3F9E] =	sst lr;
	_ =	strace $0xD0000000  }
0x3: {  	_ = 	snop  }
0x4: {  	_ = 	snop  }
0x5: {  	_ = 	snop  }
0x6: {  	_ = 	snop  }
0x7: {  	_ = 	snop  }
__scs_overlays_trampoline_lowered:
0x8: {  	[smem:$0x3FAD] =	sst s0  }
0x9: {  	[smem:$0x3FAE] =	sst s1  }
0xa: {  	[smem:$0x3FAF] =	sst s2  }
0xb: {  	[smem:$0x3FB0] =	sst s3  }
0xc: {  	[smem:$0x3FB1] =	sst s4  }
0xd: {  	[smem:$0x3FB2] =	sst s5  }
0xe: {  	[smem:$0x3FB3] =	sst s6  }
0xf: {  	[smem:$0x3FB4] =	sst s7  }
0x10: {  	[smem:$0x3FB5] =	sst s8  }
0x11: {  	[smem:$0x3FB6] =	sst s9;
	s0 =	simm.s32 @!p0 $0x0  }
0x12: {  	s1 =	sld [smem:$0x3F9C];
	s0 =	simm.s32 @p0 $0x1  }
0x13: {  	[smem:$0x3FB7] =	sst s0;
	s0 =	simm.s32 @!p1 $0x0  }
0x14: {  	s2 =	sld [smem:$0x3F9B];
	s0 =	simm.s32 @p1 $0x1  }
0x15: {  	[smem:$0x3FB8] =	sst s0;
	s0 =	simm.s32 @!p2 $0x0  }
0x16: {  	s3 =	sld [smem:$0x3FDB];
	s0 =	simm.s32 @p2 $0x1  }
0x17: {  	s4 =	simm.s32 $0x1BF5;
	[smem:$0x3FBA] =	sst s0  }
0x18: {  	s0 =	sld [smem:$0x3F9D];
	_ =	swait.ge [sflag:s4], $0x0  }
0x19: {  	s7 =	sld [smem:$0x3F9E]  }
0x1a: {  	s8 =	sadd.s32 $0xFFFFE003, lr  }
0x1b: {  	s9 =	sadd.s32 $0xFFFFFEF7, lr;
	s5 =	simm.s32 $0xFFFFFFFF;
	p2 =	slt.u32 s8, $0xFFFFF086  }
0x1c: {  	p1 =	slt.u32 s9, $0xF7A;
	s5 =	simm.s32 @!p2 $0x0  }
0x1d: {  	s5 =	simm.s32 @p1 $0x1;
	p0 =	seq.s32 s7, s2  }
0x1e: {  	s7 =	smul.u32 @!p0 $0xF7A, s2;
	p2 =	seq.s32 @!p0 s5, $0x0  }
0x1f: {  	s9 =	smul.u32 $0xF7A, s1;
	s8 =	simm.s32 @!p0 $0x1BF5;
	p2 =	por !p2, p0  }
0x20: {  	[sflag:s8] =	ssyncset.s32 @!p0 $0xFFFFF086;
	s6 =	sadd.s32 @!p0 s3, s7;
	s7 =	simm.s32 @!p0 $0x108  }
0x21: {  	s3 =	sadd.s32 s3, s9;
	s6 =	sadd.s32 @!p0 $0x88, s6;
	s7 =	simm.s32 @p2 $0x1082  }
0x22: {  	[simem:s7], [sflag:s8] =	dma.local @!p0 [hbm:s6], $0xF7A  }
0x23: {  	s9 =	sor.u32 $0xD0000000, s2;
	s6 =	simm.s32 $0x108;
	_ =	swait.ge @!p0 [sflag:s8], $0x0  }
0x24: {  	s3 =	sadd.s32 $0x88, s3;
	s6 =	simm.s32 @!p1 $0x1082;
	[sflag:s4] =	ssyncset.s32 $0xFFFFF086  }
0x25: {  	[simem:s6], [sflag:s4] =	dma.local [hbm:s3], $0xF7A  }
0x26: {  	[smem:$0x3F9E] =	sst s1;
	(tag) =	ssettag s2;
	_ =	strace s9  }
0x27: {  	s1 =	sld [smem:$0x3FAE]  }
0x28: {  	s2 =	sld [smem:$0x3FAF]  }
0x29: {  	s4 =	sld [smem:$0x3FB1]  }
0x2a: {  	p0 =	seq.s32 s5, $0x0;
	s5 =	sld [smem:$0x3FB2]  }
0x2b: {  	s6 =	sld [smem:$0x3FB3]  }
0x2c: {  	s7 =	sld [smem:$0x3FB4]  }
0x2d: {  	s3 =	simm.s32 $0x108;
	s8 =	sld [smem:$0x3FB5]  }
0x2e: {  	s3 =	simm.s32 @!p0 $0x1082;
	s9 =	sld [smem:$0x3FB6]  }
0x2f: {  	lr =	sadd.s32 s0, s3;
	s0 =	sld [smem:$0x3FAD]  }
0x30: {  	s3 =	sld [smem:$0x3FB0]  }
0x31: {  	[smem:$0x3FB9] =	sst s10  }
0x32: {  	s10 =	sld [smem:$0x3FB7];
	_ =	sdelay $0x3  }
0x33: {  	p0 =	seq.s32 s10, $0x1;
	s10 =	sld [smem:$0x3FB9];
	_ =	sdelay $0x3  }
0x34: {  	[smem:$0x3FB9] =	sst s10  }
0x35: {  	s10 =	sld [smem:$0x3FB8];
	_ =	sdelay $0x3  }
0x36: {  	p1 =	seq.s32 s10, $0x1;
	s10 =	sld [smem:$0x3FB9];
	_ =	sdelay $0x3  }
0x37: {  	[smem:$0x3FB9] =	sst s10  }
0x38: {  	s10 =	sld [smem:$0x3FBA]  }
0x39: {  	_ = 	snop;
	(pc) =	sbr.ind lr, $3  }
0x3a: {  	_ = 	snop  }
0x3b: {  	_ = 	snop  }
0x3c: {  	p2 =	seq.s32 s10, $0x1;
	s10 =	sld [smem:$0x3FB9]  }
0x3d: {  	_ =	shalt  }
0x3e: {  	_ =	shalt  }
0x3f: {  	_ =	shalt  }
0x40: {  	_ =	shalt  }
0x41: {  	_ =	shalt  }
0x42: {  	_ =	shalt  }
0x43: {  	_ =	shalt  }
0x44: {  	_ =	shalt  }
0x45: {  	_ =	shalt  }
0x46: {  	_ =	shalt  }
0x47: {  	_ =	shalt  }
0x48: {  	_ =	shalt  }
0x49: {  	_ =	shalt  }
0x4a: {  	_ =	shalt  }
0x4b: {  	_ =	shalt  }
0x4c: {  	_ =	shalt  }
0x4d: {  	_ =	shalt  }
0x4e: {  	_ =	shalt  }
0x4f: {  	_ =	shalt  }
0x50: {  	_ =	shalt  }
0x51: {  	_ =	shalt  }
0x52: {  	_ =	shalt  }
0x53: {  	_ =	shalt  }
0x54: {  	_ =	shalt  }
0x55: {  	_ =	shalt  }
0x56: {  	_ =	shalt  }
0x57: {  	_ =	shalt  }
0x58: {  	_ =	shalt  }
0x59: {  	_ =	shalt  }
0x5a: {  	_ =	shalt  }
0x5b: {  	_ =	shalt  }
0x5c: {  	_ =	shalt  }
0x5d: {  	_ =	shalt  }
0x5e: {  	_ =	shalt  }
0x5f: {  	_ =	shalt  }
0x60: {  	_ =	shalt  }
0x61: {  	_ =	shalt  }
0x62: {  	_ =	shalt  }
0x63: {  	_ =	shalt  }
0x64: {  	_ =	shalt  }
0x65: {  	_ =	shalt  }
0x66: {  	_ =	shalt  }
0x67: {  	_ =	shalt  }
0x68: {  	_ =	shalt  }
0x69: {  	_ =	shalt  }
0x6a: {  	_ =	shalt  }
0x6b: {  	_ =	shalt  }
0x6c: {  	_ =	shalt  }
0x6d: {  	_ =	shalt  }
0x6e: {  	_ =	shalt  }
0x6f: {  	_ =	shalt  }
0x70: {  	_ =	shalt  }
0x71: {  	_ =	shalt  }
0x72: {  	_ =	shalt  }
0x73: {  	_ =	shalt  }
0x74: {  	_ =	shalt  }
0x75: {  	_ =	shalt  }
0x76: {  	_ =	shalt  }
0x77: {  	_ =	shalt  }
0x78: {  	_ =	shalt  }
0x79: {  	_ =	shalt  }
0x7a: {  	_ =	shalt  }
0x7b: {  	_ =	shalt  }
0x7c: {  	_ =	shalt  }
0x7d: {  	_ =	shalt  }
0x7e: {  	_ =	shalt  }
0x7f: {  	_ =	shalt  }
0x80: {  	_ =	shalt  }
0x81: {  	_ =	shalt  }
0x82: {  	_ =	shalt  }
0x83: {  	_ =	shalt  }
0x84: {  	_ =	shalt  }
0x85: {  	_ =	shalt  }
0x86: {  	_ =	shalt  }
0x87: {  	_ =	shalt  }
.Lfunc_end0:
.L_simem_size_0:
called_computation_lowered:
.L_overlay_start_0:
0x88: {  	s2 =	sld [smem:$0x3FD9]  }
0x89: {  	s3 =	sld [smem:$0x3FFE];
	_ =	sdelay $0x1  }
0x8a: {  	s1 =	srdreg.scid  }
0x8b: {  	s0 =	sand.u32 $0x1, s1  }
0x8c: {  	s17 =	sshll.u32 s0, $0xA;
	s2 =	sadd.s32 s3, s2  }
0x8d: {  	s2 =	sadd.s32 s2, s17  }
0x8e: {  	[smem:$0x3FC5] =	sst s2  }
0x8f: {  	_ = 	snop  }
0x90: {  	s2 =	sld [smem:$0x3FC8]  }
0x91: {  	s18 =	sld [smem:$0x3FD0];
	(tm) =	ssettm $0x1  }
0x92: {  	s4 =	sld [smem:$0x3FFB];
	_ =	sdelay $0x3  }
0x93: {  	_ =	strace s4  }
0x94: {  	s4 =	sld [smem:$0x3FFC];
	_ =	sdelay $0x3  }
0x95: {  	_ =	strace s4  }
0x96: {  	s4 =	sld [smem:$0x3FFD];
	_ =	sdelay $0x3  }
0x97: {  	_ =	strace s4  }
0x98: {  	_ =	strace $0x8FFFFFFF  }
0x99: {  	s19 =	sld [smem:$0x3FDB];
	_ =	sdelay $0x1  }
0x9a: {  	s5 =	simm.s32 $_scs_section_size  }
0x9b: {  	s6 =	simm.s32 $_size__tile_overlayer_lowered;
	s7 =	simm.s32 $_tile_overlayer_lowered  }
0x9c: {  	s22 =	simm.s32 $0x1BFF;
	s21 =	sshll.u32 s7, $0x1;
	s4 =	sadd.s32 s5, s19  }
0x9d: {  	s8 =	simm.s32 $0x0;
	s20 =	sshll.u32 s6, $0x1;
	s6 =	sadd.s32 s21, s4  }
0x9e: {  	[timem:s8], [sflag:s22] =	dma.local [hbm:s6], s20  }
0x9f: {  	_ =	swait.ge [sflag:s22], s20  }
0xa0: {  	s5 =	ssub.s32 $0x0, s20;
	[sflag:s22] =	ssyncset.done $0x0  }
0xa1: {  	[sflag:s22] =	ssyncadd.s32 s5;
	_ =	sdelay $0x1  }
0xa2: {  	s23 =	simm.s32 $0x1B8B  }
0xa3: {  	_ =	swait.ge [sflag:s23], $0x1  }
0xa4: {  	[sflag:s23] =	ssyncset.done $0x0  }
0xa5: {  	s25 =	simm.s32 $0x1B8E;
	s24 =	sld [smem:$0x3FFE];
	[sflag:s23] =	ssyncadd.s32 $0xFFFFFFFF  }
0xa6: {  	s26 =	simm.s32 $execute0_lowered;
	[smem:$0x3FD2] =	sst s25  }
0xa7: {  	s6 =	sshll.u32 s26, $0x1;
	_ =	strace $0x80000046;
	[dreg:$0x1] =	wrdreg $0xFFFFFFFF  }
0xa8: {  	s28 =	simm.s32 $_size_execute0_lowered;
	s4 =	sadd.s32 s4, s6;
	[dreg:$0x0] =	wrdreg $0x0  }
0xa9: {  	s6 =	sshll.u32 s28, $0x1;
	[dreg:$0x2] =	wrdreg s4  }
0xaa: {  	[dreg:$0x3] =	wrdreg s6  }
0xab: {  	[dreg:$0x4] =	wrdreg $0xC0  }
0xac: {  	_ =	task [dreg:s8], $0x5FFFF  }
0xad: {  	[dreg:$0x1] =	wrdreg $0xFFFFFFFF  }
0xae: {  	[dreg:$0x0] =	wrdreg $0x60  }
0xaf: {  	[dreg:$0x2] =	wrdreg s24  }
0xb0: {  	[dreg:$0x3] =	wrdreg s2  }
0xb1: {  	[dreg:$0x4] =	wrdreg s18  }
0xb2: {  	[dreg:$0x5] =	wrdreg $0x9  }
0xb3: {  	_ =	task.clear_ibuf [dreg:s8], $0x6FFFF;
	_ =	strace $0x90000046  }
0xb4: {  	s29 =	simm.s32 $0x9;
	_ =	strace $0x80000048  }
0xb5: {  	_ =	swait.ge [sflag:s29], $0x1  }
0xb6: {  	[sflag:s29] =	ssyncadd.s32 $0xFFFFFFFF  }
0xb7: {  	_ =	strace $0x90000048  }
0xb8: {  	_ =	sfence  }
0xb9: {  	s30 =	sld [smem:$0x0];
	_ =	sdelay $0x2  }
0xba: {  	s31 =	sshll.u32 s1, $0xD;
	s1 =	sshrl.u32 s1, $0x2  }
0xbb: {  	s3 =	sand.u32 $0x4000, s31;
	s1 =	sadd.s32 s1, s30  }
0xbc: {  	s0 =	sor.u32 s3, s0;
	s1 =	sshll.u32 s1, $0x11  }
0xbd: {  	s0 =	sor.u32 s1, s0  }
0xbe: {  	s0 =	sadd.s32 $0x8F2B, s0  }
0xbf: {  	[sflag:s0] =	ssyncadd.remote.s32 $0x1  }
0xc0: {  	_ =	sfence.sel $0xFFFF  }
0xc1: {  	[dreg:$0x0] =	wrdreg $0xFFFFFFFF;
	(pc) =	sbr.abs _section_cstart, $3  }
0xc2: {  	[dreg:$0x1] =	wrdreg $0xFFFFFFFF  }
0xc3: {  	_ =	task.clear_ibuf [dreg:s8], $0x2FFFF;
	_ =	strace $0x9FFFFFFF  }
0xc4: {  	(tm) =	ssettm $0x7FFFFFFF  }
0xc5: {  	_ =	shalt  }
tec
execute0_lowered:
.L_overlay_start_1:
0x0: {  	(tag) =	ssettag $0x1  }
0x1: {  	s0 =	rddreg [dreg:$0x0]  }
0x2: {  	s1 =	rddreg [dreg:$0x1]  }
0x3: {  	s2 =	srdreg.scid;
	s3 =	simm.s32 $0x0;
	s4 =	stileid.u32  }
0x4: {  	s9 =	simm.s32 $0x2;
	s10 =	simm.s32 $0x80;
	s24 =	simm.s32 $0x6EA0  }
0x5: {  	s25 =	simm.s32 $0xBE0;
	s28 =	simm.s32 $0xC60;
	s29 =	simm.s32 $0x8EA0  }
0x6: {  	s30 =	simm.s32 $0xCE0;
	s31 =	simm.s32 $0x9EA0;
	s11 =	simm.s32 $0xE60  }
0x7: {  	s12 =	simm.s32 $0xCEA0;
	s13 =	simm.s32 $0x1;
	s14 =	simm.s32 $0xD6A0  }
0x8: {  	s16 =	simm.s32 $0x0;
	s2 =	sand.u32 $0x1, s2;
	[smem:$0x7FF] =	sst s3  }
0x9: {  	s4 =	sshll.u32 s4, $0xA;
	s6 =	sadd.s32 $0x19400, s0;
	s5 =	sshll.u32 s2, $0x9  }
0xa: {  	_ =	strace $0x80000047;
	s2 =	ssub.s32 $0x2, s2;
	s4 =	sor.u32 s5, s4  }
.Ltmp0:
0xb: {  	s5 =	sadd.s32 $0x400, s0;
	s7 =	sshrl.u32 s2, $0x1;
	(pc) =	sbr.rel .LBB2_1-.Ltmp0, $4  }
0xc: {  	s8 =	sshrl.u32 s4, $0x3;
	s26 =	ssub.s32 s2, s7;
	s7 =	simm.s32 $0xDE0  }
0xd: {  	s2 =	simm.s32 $0x40;
	s1 =	sadd.s32 s1, s8;
	s0 =	smax.u32 s26, $0x1  }
0xe: {  	s26 =	simm.s32 $0x7EA0;
	s8 =	simm.s32 $0xBEA0;
	[dreg:$0x4] =	wrdreg s1  }
0xf: {  	[dreg:$0x5] =	wrdreg s0;
	s0 =	simm.s32 $0xD60;
	s1 =	simm.s32 $0xAEA0  }
.LBB2_18:
0x10: {  	s16 =	rddreg [dreg:$0x6]  }
0x11: {  	s15 =	rddreg [dreg:$0x5];
	s16 =	sadd.s32 $0x1, s16  }
0x12: {  	p0 =	sne.s32 s16, s15  }
.Ltmp1:
0x13: {  	_ = 	snop;
	(pc) =	sbr.rel @!p0 .LBB2_19-.Ltmp1, $1  }
0x14: {  	_ =	sdelay $0x3  }
.LBB2_1:
0x15: {  	[dreg:$0x6] =	wrdreg s16  }
.Ltmp2:
0x16: {  	s15 =	rddreg [dreg:$0x4];
	(pc) =	sbr.rel .LBB2_2-.Ltmp2, $4  }
0x17: {  	[tilespmem:s3], [sflag:$0x2] =	stream.linear.gather [hbm4b:s15+s3], $0x200, $0x38;
	[tilespmem:$0xDAA0] =	vst v63  }
0x18: {  	_ =	swait.ge [sflag:s9], $0x200  }
0x19: {  	[sflag:s9] =	ssyncset.done $0x0  }
0x1a: {  	s15 =	simm.s32 $0x0;
	[sflag:s9] =	ssyncadd.s32 $0xFFFFFE00  }
.LBB2_17:
0x1b: {  	s15 =	sadd.s32 $0x1, s15  }
0x1c: {  	s16 =	sshll.u32 s16, $0x2;
	s17 =	rddreg [dreg:$0x2];
	p0 =	sne.s32 s15, $0x10  }
.Ltmp3:
0x1d: {  	s16 =	sadd.s32 s17, s16;
	(pc) =	sbr.rel @!p0 .LBB2_18-.Ltmp3, $4  }
0x1e: {  	[hbm4b:s16+s3] =	stream.linear.scatter [tilespmem:s14], [sflag:$0x2], $0x400, $0x38;
	[tilespmem:$0xDAA0] =	vst v63  }
0x1f: {  	_ =	swait.ge [sflag:s9], $0x400  }
0x20: {  	[sflag:s9] =	ssyncset.done $0x0  }
0x21: {  	[sflag:s9] =	ssyncadd.s32 $0xFFFFFC00  }
.LBB2_2:
0x22: {  	s19 =	sshll.u32 s15, $0x5  }
0x23: {  	s16 =	sor.u32 s4, s19  }
0x24: {  	s17 =	smul.u32 $0x32, s16;
	_ =	sdelay $0x1  }
0x25: {  	s17 =	sshrl.u32 s17, $0x3  }
0x26: {  	s18 =	simm.s32 $0x210;
	s20 =	sadd.s32 s5, s17;
	s17 =	simm.s32 $0x0  }
0x27: {  	[tilespmem:s18], [sflag:$0x2] =	stream.linear.gather [hbm4b:s20+s17], $0x640, $0x38;
	[tilespmem:$0xDAA0] =	vst v63  }
0x28: {  	_ =	swait.ge [sflag:s9], $0x640  }
0x29: {  	[sflag:s9] =	ssyncset.done $0x0  }
0x2a: {  	[sflag:s9] =	ssyncadd.s32 $0xFFFFF9C0  }
0x2b: {  	v0 =	vld [tilespmem:$0x210]  }
0x2c: {  	v1 =	vld [tilespmem:$0x220]  }
0x2d: {  	v2 =	vld [tilespmem:$0x230]  }
0x2e: {  	v6 =	vld [tilespmem:$0x240]  }
0x2f: {  	v42 =	vld [tilespmem:$0x250]  }
0x30: {  	v44 =	vld [tilespmem:$0x260]  }
0x31: {  	v9 =	vld [tilespmem:$0x270]  }
0x32: {  	v11 =	vld [tilespmem:$0x280]  }
0x33: {  	v49 =	vld [tilespmem:$0x290]  }
0x34: {  	v53 =	vld [tilespmem:$0x2A0];
	v3 =	vand.u32 $0xFFFFFE00, v0;
	v4 =	vshll.u32 v0, $0x2;
	v0 =	vshrl.u32 v0, $0x7  }
0x35: {  	v55 =	vld [tilespmem:$0x2B0];
	v5 =	vshll.u32 v1, $0x2;
	v7 =	vand.u32 $0xFFFFFE00, v1;
	v1 =	vshrl.u32 v1, $0x7  }
0x36: {  	v57 =	vld [tilespmem:$0x2C0];
	v43 =	vand.u32 $0xFFFFFE00, v2;
	v45 =	vshll.u32 v6, $0x2;
	v8 =	vand.u32 $0xFFFFFE00, v6  }
0x37: {  	v15 =	vld [tilespmem:$0x2D0];
	v6 =	vshrl.u32 v6, $0x7;
	v46 =	vand.u32 $0xFFFFFE00, v42;
	v47 =	vshll.u32 v42, $0x2  }
0x38: {  	v17 =	vld [tilespmem:$0x2E0];
	v10 =	vshll.u32 v44, $0x2;
	v12 =	vand.u32 $0xFFFFFE00, v44;
	v50 =	vand.u32 $0xFFFFFE00, v9  }
0x39: {  	v63 =	vld [tilespmem:$0x2F0];
	v51 =	vshll.u32 v9, $0x2;
	v9 =	vshrl.u32 v9, $0x7;
	v52 =	vshll.u32 v11, $0x2  }
0x3a: {  	v24 =	vld [tilespmem:$0x300];
	v13 =	vand.u32 $0xFFFFFE00, v11;
	v11 =	vshrl.u32 v11, $0x7;
	v54 =	vshll.u32 v49, $0x2  }
0x3b: {  	v26 =	vld [tilespmem:$0x310];
	v56 =	vand.u32 $0xFFFFFE00, v49;
	v58 =	vshll.u32 v53, $0x2;
	v14 =	vand.u32 $0xFFFFFE00, v53  }
0x3c: {  	v34 =	vld [tilespmem:$0x350];
	v60 =	vand.u32 $0xFFFFFE00, v55;
	v61 =	vshll.u32 v55, $0x2;
	v16 =	vshll.u32 v57, $0x2  }
0x3d: {  	v18 =	vand.u32 $0xFFFFFE00, v57;
	v21 =	vand.u32 $0xFFFFFE00, v15;
	v22 =	vshll.u32 v15, $0x2  }
0x3e: {  	v15 =	vshrl.u32 v15, $0x7;
	v23 =	vshll.u32 v17, $0x2;
	v19 =	vand.u32 $0xFFFFFE00, v17  }
0x3f: {  	v17 =	vshrl.u32 v17, $0x7;
	v25 =	vshll.u32 v63, $0x2;
	v27 =	vand.u32 $0xFFFFFE00, v63  }
0x40: {  	v29 =	vshll.u32 v24, $0x2;
	v20 =	vand.u32 $0xFFFFFE00, v24;
	v31 =	vand.u32 $0xFFFFFE00, v26  }
0x41: {  	v32 =	vshll.u32 v26, $0x2;
	v39 =	vshll.u32 v34, $0x2;
	v4 =	vand.u32 $0x1FC, v4  }
0x42: {  	v0 =	vand.u32 $0x3, v0;
	v5 =	vand.u32 $0x1FC, v5;
	v41 =	vand.u32 $0x3, v1  }
0x43: {  	v28 =	vld [tilespmem:$0x320];
	v10 =	vand.u32 $0x1FC, v10;
	v9 =	vand.u32 $0x3, v9;
	v11 =	vand.u32 $0x3, v11  }
0x44: {  	v16 =	vand.u32 $0x1FC, v16;
	v15 =	vand.u32 $0x3, v15;
	v17 =	vand.u32 $0x3, v17  }
0x45: {  	v3 =	vor.u32 v3, v4;
	v5 =	vor.u32 v7, v5;
	v4 =	vshrl.u32 v42, $0x7  }
0x46: {  	v7 =	vshrl.u32 v44, $0x7;
	v48 =	vor.u32 v12, v10;
	v10 =	vand.u32 $0x1FC, v52  }
0x47: {  	v12 =	vshrl.u32 v53, $0x7;
	v62 =	vor.u32 v18, v16;
	v16 =	vand.u32 $0x1FC, v23  }
0x48: {  	v40 =	vld [tilespmem:$0x370];
	v18 =	vshrl.u32 v24, $0x7;
	v24 =	vand.u32 $0xFFFFFE00, v28;
	v1 =	vor.u32 v0, v3  }
0x49: {  	v0 =	vor.u32 v41, v5;
	v3 =	vshll.u32 v2, $0x2;
	v2 =	vshrl.u32 v2, $0x7  }
0x4a: {  	v5 =	vand.u32 $0x1FC, v45;
	v4 =	vand.u32 $0x3, v4;
	v7 =	vand.u32 $0x3, v7  }
0x4b: {  	v38 =	vld [tilespmem:$0x360];
	v10 =	vor.u32 v13, v10;
	v59 =	vand.u32 $0x3, v12;
	v13 =	vshrl.u32 v57, $0x7  }
0x4c: {  	v16 =	vor.u32 v19, v16;
	v30 =	vand.u32 $0x3, v18;
	v19 =	vshrl.u32 v28, $0x7  }
0x4d: {  	v41 =	vand.u32 $0xFFFFFE00, v34;
	v45 =	vand.u32 $0xFFFFFE00, v40;
	v3 =	vand.u32 $0x1FC, v3  }
0x4e: {  	v23 =	vld [tilespmem:$0x340];
	v2 =	vand.u32 $0x3, v2;
	v5 =	vor.u32 v8, v5;
	v8 =	vand.u32 $0x1FC, v47  }
0x4f: {  	v52 =	vld [tilespmem:$0x3C0];
	v13 =	vand.u32 $0x3, v13;
	v19 =	vand.u32 $0x3, v19;
	v3 =	vor.u32 v43, v3  }
0x50: {  	v43 =	vshll.u32 v38, $0x2;
	v2 =	vor.u32 v2, v3;
	v3 =	vand.u32 $0x3, v6  }
0x51: {  	v6 =	vor.u32 v46, v8;
	v8 =	vshrl.u32 v49, $0x7;
	v46 =	vshll.u32 v40, $0x2  }
0x52: {  	v5 =	vor.u32 v3, v5;
	v3 =	vor.u32 v7, v48;
	v7 =	vand.u32 $0x1FC, v51  }
0x53: {  	v4 =	vor.u32 v4, v6;
	v8 =	vand.u32 $0x3, v8;
	v6 =	vor.u32 v50, v7  }
0x54: {  	v37 =	vshll.u32 v23, $0x2;
	v57 =	vshll.u32 v52, $0x2;
	v7 =	vor.u32 v9, v6  }
0x55: {  	v42 =	vld [tilespmem:$0x380];
	v6 =	vor.u32 v11, v10;
	v9 =	vand.u32 $0x1FC, v54;
	v11 =	vand.u32 $0x1FC, v58  }
0x56: {  	v10 =	vshrl.u32 v55, $0x7;
	v9 =	vor.u32 v56, v9;
	v11 =	vor.u32 v14, v11  }
0x57: {  	v48 =	vld [tilespmem:$0x3B0];
	v14 =	vand.u32 $0x1FC, v61;
	v10 =	vand.u32 $0x3, v10;
	v8 =	vor.u32 v8, v9  }
0x58: {  	v12 =	vor.u32 v60, v14;
	v11 =	vor.u32 v59, v11;
	v9 =	vor.u32 v13, v62  }
0x59: {  	v13 =	vand.u32 $0x1FC, v22;
	v14 =	vshrl.u32 v63, $0x7;
	v22 =	vshll.u32 v28, $0x2  }
0x5a: {  	v28 =	vshll.u32 v42, $0x2;
	v10 =	vor.u32 v10, v12;
	v12 =	vor.u32 v21, v13  }
0x5b: {  	v14 =	vand.u32 $0x3, v14;
	v22 =	vand.u32 $0x1FC, v22;
	v28 =	vand.u32 $0x1FC, v28  }
0x5c: {  	v53 =	vshll.u32 v48, $0x2;
	v55 =	vand.u32 $0xFFFFFE00, v48;
	v13 =	vor.u32 v15, v12  }
0x5d: {  	v12 =	vor.u32 v17, v16;
	v15 =	vand.u32 $0x1FC, v25;
	v17 =	vand.u32 $0x1FC, v29  }
0x5e: {  	v54 =	vld [tilespmem:$0x3D0];
	v16 =	vshrl.u32 v26, $0x7;
	v33 =	vor.u32 v24, v22;
	v25 =	vand.u32 $0xFFFFFE00, v23  }
0x5f: {  	v22 =	vand.u32 $0x1FC, v37;
	v23 =	vshrl.u32 v23, $0x7;
	v26 =	vand.u32 $0xFFFFFE00, v38  }
0x60: {  	v24 =	vshrl.u32 v38, $0x7;
	v15 =	vor.u32 v27, v15;
	v17 =	vor.u32 v20, v17  }
0x61: {  	v56 =	vld [tilespmem:$0x3E0];
	v20 =	vand.u32 $0x1FC, v32;
	v16 =	vand.u32 $0x3, v16;
	v23 =	vand.u32 $0x3, v23  }
0x62: {  	v22 =	vor.u32 v25, v22;
	v44 =	vand.u32 $0x3, v24;
	v25 =	vshrl.u32 v42, $0x7  }
0x63: {  	v21 =	vld [tilespmem:$0x330];
	v32 =	vand.u32 $0xFFFFFE00, v52;
	v59 =	vand.u32 $0xFFFFFE00, v54;
	v60 =	vshll.u32 v54, $0x2  }
0x64: {  	v14 =	vor.u32 v14, v15;
	v18 =	vor.u32 v31, v20;
	v17 =	vor.u32 v30, v17  }
0x65: {  	v29 =	vld [tilespmem:$0x3A0];
	v15 =	vor.u32 v19, v33;
	v20 =	vshrl.u32 v34, $0x7;
	v30 =	vand.u32 $0xFFFFFE00, v42  }
0x66: {  	v25 =	vand.u32 $0x3, v25;
	v34 =	vshll.u32 v56, $0x2;
	v16 =	vor.u32 v16, v18  }
0x67: {  	v27 =	vld [tilespmem:$0x390];
	v20 =	vand.u32 $0x3, v20;
	v47 =	vor.u32 v30, v28;
	v30 =	vshrl.u32 v52, $0x7  }
0x68: {  	v34 =	vand.u32 $0x1FC, v34;
	v35 =	vand.u32 $0xFFFFFE00, v21;
	v36 =	vshll.u32 v21, $0x2  }
0x69: {  	v21 =	vshrl.u32 v21, $0x7;
	v58 =	vand.u32 $0x3, v30;
	v19 =	vand.u32 $0x1FC, v36  }
0x6a: {  	v21 =	vand.u32 $0x3, v21;
	v51 =	vshll.u32 v29, $0x2;
	v31 =	vand.u32 $0xFFFFFE00, v29  }
0x6b: {  	v33 =	vld [tilespmem:$0x3F0];
	v29 =	vshrl.u32 v29, $0x7;
	v36 =	vand.u32 $0xFFFFFE00, v56;
	v18 =	vor.u32 v35, v19  }
0x6c: {  	v62 =	vld [tilespmem:$0x410];
	v49 =	vand.u32 $0xFFFFFE00, v27;
	v50 =	vshll.u32 v27, $0x2;
	v27 =	vshrl.u32 v27, $0x7  }
0x6d: {  	v42 =	vld [tilespmem:$0x420];
	v28 =	vand.u32 $0x1FC, v51;
	v29 =	vand.u32 $0x3, v29;
	v61 =	vor.u32 v36, v34  }
0x6e: {  	v19 =	vor.u32 v21, v18;
	v18 =	vor.u32 v23, v22;
	v21 =	vand.u32 $0x1FC, v39  }
0x6f: {  	[tilespmem:$0x900] =	vst v10;
	v10 =	vld [tilespmem:$0x630];
	v23 =	vand.u32 $0x1FC, v43;
	v22 =	vshrl.u32 v40, $0x7;
	v27 =	vand.u32 $0x3, v27  }
0x70: {  	v28 =	vor.u32 v31, v28;
	v31 =	vshrl.u32 v56, $0x7;
	v63 =	vand.u32 $0xFFFFFE00, v33  }
0x71: {  	v40 =	vshll.u32 v33, $0x2;
	v33 =	vshrl.u32 v33, $0x7;
	v43 =	vshll.u32 v62, $0x2  }
0x72: {  	v38 =	vand.u32 $0xFFFFFE00, v42;
	v36 =	vshrl.u32 v42, $0x7;
	v21 =	vor.u32 v41, v21  }
0x73: {  	v23 =	vor.u32 v26, v23;
	v26 =	vand.u32 $0x1FC, v46;
	v22 =	vand.u32 $0x3, v22  }
0x74: {  	v31 =	vand.u32 $0x3, v31;
	v33 =	vand.u32 $0x3, v33;
	[tilespmem:$0x980] =	vst v19;
	v19 =	vand.u32 $0xFFFFFE00, v10  }
0x75: {  	v35 =	vld [tilespmem:$0x400];
	v20 =	vor.u32 v20, v21;
	v24 =	vor.u32 v45, v26;
	v23 =	vor.u32 v44, v23  }
0x76: {  	v52 =	vld [tilespmem:$0x470];
	v21 =	vor.u32 v25, v47;
	v25 =	vand.u32 $0x1FC, v50;
	v26 =	vshrl.u32 v48, $0x7  }
0x77: {  	v45 =	vand.u32 $0xFFFFFE00, v62;
	v47 =	vshll.u32 v42, $0x2;
	v48 =	vand.u32 $0x3, v36  }
0x78: {  	v22 =	vor.u32 v22, v24;
	v24 =	vor.u32 v49, v25;
	v26 =	vand.u32 $0x3, v26  }
0x79: {  	v39 =	vld [tilespmem:$0x450];
	v25 =	vor.u32 v27, v24;
	v24 =	vor.u32 v29, v28;
	v27 =	vand.u32 $0x1FC, v53  }
0x7a: {  	v29 =	vand.u32 $0x1FC, v57;
	v28 =	vshrl.u32 v54, $0x7;
	v41 =	vshll.u32 v35, $0x2  }
0x7b: {  	v37 =	vand.u32 $0xFFFFFE00, v35;
	v35 =	vshrl.u32 v35, $0x7;
	v57 =	vshll.u32 v52, $0x2  }
0x7c: {  	v46 =	vld [tilespmem:$0x440];
	v27 =	vor.u32 v55, v27;
	v29 =	vor.u32 v32, v29;
	v32 =	vand.u32 $0x1FC, v60  }
0x7d: {  	v28 =	vand.u32 $0x3, v28;
	v34 =	vand.u32 $0x1FC, v41;
	v35 =	vand.u32 $0x3, v35  }
0x7e: {  	v56 =	vld [tilespmem:$0x480];
	v53 =	vand.u32 $0xFFFFFE00, v39;
	v54 =	vshll.u32 v39, $0x2;
	v39 =	vshrl.u32 v39, $0x7  }
0x7f: {  	v44 =	vld [tilespmem:$0x430];
	v26 =	vor.u32 v26, v27;
	v30 =	vor.u32 v59, v32;
	v29 =	vor.u32 v58, v29  }
0x80: {  	v27 =	vor.u32 v31, v61;
	v31 =	vand.u32 $0x1FC, v40;
	v34 =	vor.u32 v37, v34  }
0x81: {  	v32 =	vshrl.u32 v62, $0x7;
	v40 =	vshll.u32 v46, $0x2;
	v42 =	vand.u32 $0xFFFFFE00, v46  }
0x82: {  	v37 =	vshrl.u32 v46, $0x7;
	v39 =	vand.u32 $0x3, v39;
	v59 =	vand.u32 $0xFFFFFE00, v52  }
0x83: {  	[tilespmem:$0x9B0] =	vst v23;
	v23 =	vld [tilespmem:$0x690];
	v61 =	vshll.u32 v56, $0x2;
	v28 =	vor.u32 v28, v30;
	v30 =	vor.u32 v63, v31  }
0x84: {  	v32 =	vand.u32 $0x3, v32;
	v49 =	vand.u32 $0xFFFFFE00, v44;
	v50 =	vshll.u32 v44, $0x2  }
0x85: {  	v40 =	vand.u32 $0x1FC, v40;
	v37 =	vand.u32 $0x3, v37;
	v31 =	vor.u32 v33, v30  }
0x86: {  	v30 =	vor.u32 v35, v34;
	v33 =	vand.u32 $0x1FC, v43;
	v35 =	vand.u32 $0x1FC, v47  }
0x87: {  	[tilespmem:$0x950] =	vst v17;
	v34 =	vshrl.u32 v44, $0x7;
	v51 =	vor.u32 v42, v40;
	v44 =	vand.u32 $0xFFFFFE00, v56  }
0x88: {  	v41 =	vld [tilespmem:$0x460];
	v42 =	vshrl.u32 v56, $0x7;
	[tilespmem:$0xA20] =	vst v28;
	v28 =	vshll.u32 v23, $0x2;
	v17 =	vshrl.u32 v23, $0x7  }
0x89: {  	v60 =	vld [tilespmem:$0x4A0];
	[tilespmem:$0x9E0] =	vst v25;
	v33 =	vor.u32 v45, v33;
	v35 =	vor.u32 v38, v35;
	v38 =	vand.u32 $0x1FC, v50  }
0x8a: {  	v25 =	vld [tilespmem:$0x6A0];
	v34 =	vand.u32 $0x3, v34;
	v62 =	vand.u32 $0x3, v42;
	[tilespmem:$0xA50] =	vst v30;
	v30 =	vand.u32 $0xFFFFFE00, v23  }
0x8b: {  	v17 =	vand.u32 $0x3, v17;
	v32 =	vor.u32 v32, v33;
	v36 =	vor.u32 v49, v38  }
0x8c: {  	v58 =	vld [tilespmem:$0x490];
	v35 =	vor.u32 v48, v35;
	v33 =	vor.u32 v37, v51;
	v37 =	vand.u32 $0x1FC, v54  }
0x8d: {  	v55 =	vshll.u32 v41, $0x2;
	v43 =	vand.u32 $0xFFFFFE00, v41;
	v41 =	vshrl.u32 v41, $0x7  }
0x8e: {  	[tilespmem:$0xA10] =	vst v29;
	v38 =	vshrl.u32 v52, $0x7;
	v46 =	vshll.u32 v60, $0x2;
	v48 =	vand.u32 $0xFFFFFE00, v60  }
0x8f: {  	v29 =	vld [tilespmem:$0x6B0];
	[tilespmem:$0xA40] =	vst v31;
	v31 =	vshll.u32 v25, $0x2;
	v34 =	vor.u32 v34, v36;
	v40 =	vand.u32 $0x1FC, v55  }
0x90: {  	v36 =	vor.u32 v53, v37;
	v41 =	vand.u32 $0x3, v41;
	v38 =	vand.u32 $0x3, v38  }
0x91: {  	v47 =	vld [tilespmem:$0x4C0];
	v63 =	vand.u32 $0xFFFFFE00, v58;
	v50 =	vshll.u32 v58, $0x2;
	v46 =	vand.u32 $0x1FC, v46  }
0x92: {  	v56 =	vld [tilespmem:$0x4E0];
	[tilespmem:$0xA90] =	vst v33;
	v33 =	vand.u32 $0xFFFFFE00, v25;
	v40 =	vor.u32 v43, v40;
	v37 =	vor.u32 v39, v36  }
0x93: {  	v39 =	vand.u32 $0x1FC, v57;
	v43 =	vshrl.u32 v60, $0x7;
	v51 =	vor.u32 v48, v46  }
0x94: {  	v45 =	vld [tilespmem:$0x4B0];
	[tilespmem:$0xA70] =	vst v35;
	v35 =	vshll.u32 v29, $0x2;
	v36 =	vor.u32 v41, v40;
	v39 =	vor.u32 v59, v39  }
0x95: {  	v41 =	vand.u32 $0x1FC, v61;
	v40 =	vshrl.u32 v58, $0x7;
	v43 =	vand.u32 $0x3, v43  }
0x96: {  	v55 =	vshll.u32 v47, $0x2;
	v49 =	vand.u32 $0xFFFFFE00, v47;
	v47 =	vshrl.u32 v47, $0x7  }
0x97: {  	v61 =	vshll.u32 v56, $0x2;
	v48 =	vshrl.u32 v56, $0x7;
	v38 =	vor.u32 v38, v39  }
0x98: {  	v52 =	vld [tilespmem:$0x4D0];
	v41 =	vor.u32 v44, v41;
	v44 =	vand.u32 $0x1FC, v50;
	v40 =	vand.u32 $0x3, v40  }
0x99: {  	v39 =	vor.u32 v43, v51;
	v53 =	vand.u32 $0xFFFFFE00, v45;
	v54 =	vshll.u32 v45, $0x2  }
0x9a: {  	[tilespmem:$0xA60] =	vst v32;
	v32 =	vld [tilespmem:$0x6C0];
	v45 =	vshrl.u32 v45, $0x7;
	v46 =	vand.u32 $0x1FC, v55;
	v47 =	vand.u32 $0x3, v47  }
0x9b: {  	v50 =	vand.u32 $0xFFFFFE00, v56;
	[tilespmem:$0xAB0] =	vst v36;
	v36 =	vand.u32 $0xFFFFFE00, v29;
	v42 =	vor.u32 v63, v44  }
0x9c: {  	v60 =	vld [tilespmem:$0x500];
	v41 =	vor.u32 v62, v41;
	v43 =	vand.u32 $0x1FC, v54;
	v45 =	vand.u32 $0x3, v45  }
0x9d: {  	[tilespmem:$0xA80] =	vst v34;
	v34 =	vld [tilespmem:$0x6D0];
	v46 =	vor.u32 v49, v46;
	v57 =	vshll.u32 v52, $0x2;
	v59 =	vand.u32 $0xFFFFFE00, v52  }
0x9e: {  	v58 =	vld [tilespmem:$0x4F0];
	v44 =	vshrl.u32 v52, $0x7;
	v62 =	vand.u32 $0x3, v48;
	v40 =	vor.u32 v40, v42  }
0x9f: {  	[tilespmem:$0xAA0] =	vst v37;
	v42 =	vor.u32 v53, v43;
	v44 =	vand.u32 $0x3, v44;
	v37 =	vshll.u32 v32, $0x2  }
0xa0: {  	v43 =	vor.u32 v45, v42;
	v42 =	vor.u32 v47, v46;
	v45 =	vand.u32 $0x1FC, v57  }
0xa1: {  	[tilespmem:$0xAD0] =	vst v41;
	v47 =	vand.u32 $0x1FC, v61;
	v52 =	vshll.u32 v60, $0x2;
	v54 =	vand.u32 $0xFFFFFE00, v60  }
0xa2: {  	v51 =	vld [tilespmem:$0x510];
	v49 =	vshrl.u32 v60, $0x7;
	[tilespmem:$0xAE0] =	vst v40;
	v40 =	vand.u32 $0xFFFFFE00, v32;
	v41 =	vshll.u32 v34, $0x2  }
0xa3: {  	v45 =	vor.u32 v59, v45;
	v47 =	vor.u32 v50, v47;
	v63 =	vand.u32 $0xFFFFFE00, v58  }
0xa4: {  	v53 =	vld [tilespmem:$0x520];
	v56 =	vshll.u32 v58, $0x2;
	v46 =	vshrl.u32 v58, $0x7;
	v52 =	vand.u32 $0x1FC, v52  }
0xa5: {  	v49 =	vand.u32 $0x3, v49;
	v44 =	vor.u32 v44, v45;
	v50 =	vand.u32 $0x1FC, v56  }
0xa6: {  	v46 =	vand.u32 $0x3, v46;
	v57 =	vor.u32 v54, v52;
	v47 =	vor.u32 v62, v47  }
0xa7: {  	v58 =	vld [tilespmem:$0x530];
	v60 =	vand.u32 $0xFFFFFE00, v51;
	v61 =	vshll.u32 v51, $0x2;
	v51 =	vshrl.u32 v51, $0x7  }
0xa8: {  	v48 =	vor.u32 v63, v50;
	v45 =	vor.u32 v49, v57;
	v49 =	vand.u32 $0x1FC, v61  }
0xa9: {  	v51 =	vand.u32 $0x3, v51;
	v63 =	vld [tilespmem:$0x540];
	v46 =	vor.u32 v46, v48;
	v62 =	vshll.u32 v53, $0x2  }
0xaa: {  	v57 =	vld [tilespmem:$0x570];
	v55 =	vand.u32 $0xFFFFFE00, v53;
	v53 =	vshrl.u32 v53, $0x7;
	v48 =	vor.u32 v60, v49  }
0xab: {  	v52 =	vand.u32 $0x1FC, v62;
	v53 =	vand.u32 $0x3, v53;
	v49 =	vor.u32 v51, v48  }
0xac: {  	v60 =	vld [tilespmem:$0x550];
	v52 =	vor.u32 v55, v52;
	v59 =	vshll.u32 v58, $0x2;
	v61 =	vand.u32 $0xFFFFFE00, v58  }
0xad: {  	v50 =	vshrl.u32 v58, $0x7;
	v48 =	vor.u32 v53, v52;
	v51 =	vand.u32 $0x1FC, v59  }
0xae: {  	v55 =	vld [tilespmem:$0x560];
	v50 =	vand.u32 $0x3, v50;
	v51 =	vor.u32 v61, v51;
	v62 =	vshll.u32 v63, $0x2  }
0xaf: {  	v56 =	vand.u32 $0xFFFFFE00, v63;
	v54 =	vshrl.u32 v63, $0x7;
	v61 =	vshll.u32 v57, $0x2  }
0xb0: {  	v53 =	vand.u32 $0x1FC, v62;
	v50 =	vor.u32 v50, v51;
	v51 =	vand.u32 $0x3, v54  }
0xb1: {  	v54 =	vand.u32 $0xFFFFFE00, v60;
	v63 =	vshll.u32 v60, $0x2;
	v52 =	vshrl.u32 v60, $0x7  }
0xb2: {  	v59 =	vld [tilespmem:$0x580];
	v53 =	vor.u32 v56, v53;
	v56 =	vand.u32 $0x1FC, v63;
	v52 =	vand.u32 $0x3, v52  }
0xb3: {  	v58 =	vshll.u32 v55, $0x2;
	v60 =	vand.u32 $0xFFFFFE00, v55;
	v55 =	vshrl.u32 v55, $0x7  }
0xb4: {  	v54 =	vor.u32 v54, v56;
	v53 =	vor.u32 v51, v53;
	v58 =	vand.u32 $0x1FC, v58  }
0xb5: {  	[tilespmem:$0xB20] =	vst v44;
	v44 =	vld [tilespmem:$0x760];
	v52 =	vor.u32 v52, v54;
	v54 =	vand.u32 $0xFFFFFE00, v57;
	v57 =	vshrl.u32 v57, $0x7  }
0xb6: {  	v56 =	vld [tilespmem:$0x590];
	v55 =	vand.u32 $0x3, v55;
	v60 =	vor.u32 v60, v58;
	v57 =	vand.u32 $0x3, v57  }
0xb7: {  	v58 =	vshll.u32 v59, $0x2;
	v51 =	vor.u32 v55, v60;
	v55 =	vand.u32 $0x1FC, v61  }
0xb8: {  	v60 =	vld [tilespmem:$0x5A0];
	v61 =	vand.u32 $0xFFFFFE00, v59;
	v58 =	vand.u32 $0x1FC, v58;
	v59 =	vshrl.u32 v59, $0x7  }
0xb9: {  	v54 =	vor.u32 v54, v55;
	v59 =	vand.u32 $0x3, v59;
	v58 =	vor.u32 v61, v58  }
0xba: {  	[tilespmem:$0xBA0] =	vst v52;
	v52 =	vshll.u32 v44, $0x2;
	v61 =	vld [tilespmem:$0x5B0];
	v55 =	vor.u32 v57, v54;
	v54 =	vor.u32 v59, v58  }
0xbb: {  	v62 =	vshll.u32 v56, $0x2;
	v63 =	vand.u32 $0xFFFFFE00, v56;
	v56 =	vshrl.u32 v56, $0x7  }
0xbc: {  	v59 =	vld [tilespmem:$0x5C0];
	v57 =	vand.u32 $0x1FC, v62;
	v56 =	vand.u32 $0x3, v56;
	[tilespmem:$0xBD0] =	vst v54;
	v54 =	vand.u32 $0xFFFFFE00, v44  }
0xbd: {  	[tilespmem:$0xBC0] =	vst v55;
	v55 =	vshrl.u32 v44, $0x7;
	v57 =	vor.u32 v63, v57;
	v62 =	vshll.u32 v60, $0x2  }
0xbe: {  	[tilespmem:$0x860] =	vst v1;
	v56 =	vor.u32 v56, v57;
	v57 =	vand.u32 $0xFFFFFE00, v60;
	v60 =	vshrl.u32 v60, $0x7  }
0xbf: {  	[tilespmem:$0x870] =	vst v0;
	v58 =	vand.u32 $0x1FC, v62;
	v62 =	vld [tilespmem:$0x5D0];
	v1 =	vand.u32 $0xFFFFFE00, v61;
	v0 =	vand.u32 $0x3, v60  }
0xc0: {  	[tilespmem:$0x880] =	vst v2;
	v57 =	vor.u32 v57, v58;
	v58 =	vshll.u32 v61, $0x2;
	v61 =	vshrl.u32 v61, $0x7  }
0xc1: {  	[tilespmem:$0x890] =	vst v5;
	v2 =	vshll.u32 v59, $0x2;
	v5 =	vand.u32 $0xFFFFFE00, v59;
	v63 =	vshrl.u32 v59, $0x7  }
0xc2: {  	v58 =	vand.u32 $0x1FC, v58;
	v60 =	vand.u32 $0x3, v61;
	v61 =	vld [tilespmem:$0x5E0];
	v2 =	vand.u32 $0x1FC, v2  }
0xc3: {  	[tilespmem:$0x8C0] =	vst v7;
	v7 =	vld [tilespmem:$0x600];
	v58 =	vor.u32 v1, v58;
	v1 =	vor.u32 v0, v57;
	v2 =	vor.u32 v5, v2  }
0xc4: {  	v57 =	vld [tilespmem:$0x5F0];
	v0 =	vor.u32 v60, v58;
	v60 =	vand.u32 $0x3, v63;
	v63 =	vshll.u32 v62, $0x2  }
0xc5: {  	[tilespmem:$0x8B0] =	vst v3;
	v2 =	vor.u32 v60, v2;
	v3 =	vand.u32 $0xFFFFFE00, v62;
	v60 =	vand.u32 $0x1FC, v63  }
0xc6: {  	[tilespmem:$0xBE0] =	vst v56;
	v56 =	vand.u32 $0x3, v55;
	v58 =	vld [tilespmem:$0x610];
	v63 =	vshrl.u32 v62, $0x7;
	v3 =	vor.u32 v3, v60  }
0xc7: {  	v59 =	vshll.u32 v61, $0x2;
	v60 =	vand.u32 $0xFFFFFE00, v61;
	v62 =	vshrl.u32 v61, $0x7  }
0xc8: {  	[tilespmem:$0x8A0] =	vst v4;
	v5 =	vand.u32 $0x3, v63;
	v61 =	vshll.u32 v7, $0x2;
	v4 =	vand.u32 $0x1FC, v59  }
0xc9: {  	[tilespmem:$0x8F0] =	vst v11;
	v63 =	vand.u32 $0x3, v62;
	v11 =	vshll.u32 v57, $0x2;
	v59 =	vand.u32 $0xFFFFFE00, v57  }
0xca: {  	[tilespmem:$0x8D0] =	vst v6;
	v44 =	vld [tilespmem:$0x810];
	v6 =	vor.u32 v60, v4;
	v4 =	vor.u32 v5, v3;
	v5 =	vand.u32 $0x1FC, v11  }
0xcb: {  	[tilespmem:$0x920] =	vst v13;
	v60 =	vshrl.u32 v57, $0x7;
	v13 =	vshll.u32 v58, $0x2;
	v57 =	vand.u32 $0xFFFFFE00, v58  }
0xcc: {  	[tilespmem:$0x8E0] =	vst v8;
	v58 =	vshrl.u32 v58, $0x7;
	v3 =	vor.u32 v63, v6;
	v8 =	vand.u32 $0x3, v60  }
0xcd: {  	[tilespmem:$0x930] =	vst v12;
	v62 =	vld [tilespmem:$0x620];
	v5 =	vor.u32 v59, v5;
	v63 =	vand.u32 $0xFFFFFE00, v7;
	v6 =	vand.u32 $0x1FC, v61  }
0xce: {  	v7 =	vshrl.u32 v7, $0x7;
	v12 =	vand.u32 $0x3, v58;
	[tilespmem:$0xC20] =	vst v4;
	v4 =	vand.u32 $0x1FC, v52  }
0xcf: {  	v52 =	vand.u32 $0xFFFFFE00, v44;
	v5 =	vor.u32 v8, v5;
	v6 =	vor.u32 v63, v6  }
0xd0: {  	v59 =	vld [tilespmem:$0x640];
	v8 =	vand.u32 $0x1FC, v13;
	v7 =	vand.u32 $0x3, v7;
	v4 =	vor.u32 v54, v4  }
0xd1: {  	v8 =	vor.u32 v57, v8;
	v7 =	vor.u32 v7, v6;
	v4 =	vor.u32 v56, v4  }
0xd2: {  	v6 =	vor.u32 v12, v8;
	v60 =	vshll.u32 v62, $0x2;
	v61 =	vand.u32 $0xFFFFFE00, v62  }
0xd3: {  	[tilespmem:$0x910] =	vst v9;
	v63 =	vld [tilespmem:$0x650];
	v9 =	vshrl.u32 v62, $0x7;
	v62 =	vshll.u32 v10, $0x2;
	v10 =	vshrl.u32 v10, $0x7  }
0xd4: {  	v8 =	vand.u32 $0x1FC, v60;
	v9 =	vand.u32 $0x3, v9;
	v12 =	vand.u32 $0x1FC, v62  }
0xd5: {  	[tilespmem:$0x9A0] =	vst v20;
	v57 =	vld [tilespmem:$0x660];
	v10 =	vand.u32 $0x3, v10;
	v8 =	vor.u32 v61, v8;
	v20 =	vshll.u32 v59, $0x2  }
0xd6: {  	v58 =	vand.u32 $0xFFFFFE00, v59;
	v11 =	vshrl.u32 v59, $0x7;
	v8 =	vor.u32 v9, v8  }
0xd7: {  	v9 =	vor.u32 v19, v12;
	v12 =	vand.u32 $0x1FC, v20;
	v11 =	vand.u32 $0x3, v11  }
0xd8: {  	v60 =	vshll.u32 v63, $0x2;
	v61 =	vand.u32 $0xFFFFFE00, v63;
	v13 =	vshrl.u32 v63, $0x7  }
0xd9: {  	[tilespmem:$0xAC0] =	vst v38;
	v38 =	vld [tilespmem:$0x6E0];
	v19 =	vshrl.u32 v25, $0x7;
	v20 =	vshrl.u32 v32, $0x7;
	v12 =	vor.u32 v58, v12  }
0xda: {  	[tilespmem:$0x940] =	vst v14;
	v59 =	vld [tilespmem:$0x670];
	v10 =	vor.u32 v10, v9;
	v13 =	vand.u32 $0x3, v13;
	v62 =	vshll.u32 v57, $0x2  }
0xdb: {  	[tilespmem:$0x9D0] =	vst v21;
	v21 =	vand.u32 $0xFFFFFE00, v57;
	v14 =	vshrl.u32 v57, $0x7;
	v19 =	vand.u32 $0x3, v19  }
0xdc: {  	[tilespmem:$0x970] =	vst v15;
	v63 =	vld [tilespmem:$0x680];
	v58 =	vand.u32 $0xFFFFFE00, v34;
	v20 =	vand.u32 $0x3, v20;
	v9 =	vor.u32 v11, v12  }
0xdd: {  	[tilespmem:$0x960] =	vst v16;
	v32 =	vld [tilespmem:$0x720];
	v11 =	vand.u32 $0x1FC, v60;
	v12 =	vand.u32 $0x1FC, v62;
	v14 =	vand.u32 $0x3, v14  }
0xde: {  	[tilespmem:$0x9C0] =	vst v22;
	v60 =	vshll.u32 v38, $0x2;
	v11 =	vor.u32 v61, v11;
	v12 =	vor.u32 v21, v12  }
0xdf: {  	[tilespmem:$0x9F0] =	vst v24;
	v57 =	vld [tilespmem:$0x6F0];
	v61 =	vand.u32 $0xFFFFFE00, v38;
	v11 =	vor.u32 v13, v11;
	v22 =	vshll.u32 v59, $0x2  }
0xe0: {  	[tilespmem:$0xA00] =	vst v26;
	v24 =	vand.u32 $0xFFFFFE00, v59;
	v15 =	vshrl.u32 v59, $0x7;
	v13 =	vand.u32 $0x1FC, v22  }
0xe1: {  	[tilespmem:$0xA30] =	vst v27;
	v15 =	vand.u32 $0x3, v15;
	v26 =	vshll.u32 v63, $0x2;
	v27 =	vand.u32 $0xFFFFFE00, v63  }
0xe2: {  	[tilespmem:$0xAF0] =	vst v39;
	v16 =	vshrl.u32 v63, $0x7;
	v22 =	vshrl.u32 v34, $0x7;
	v39 =	vand.u32 $0xFFFFFE00, v32  }
0xe3: {  	[tilespmem:$0x990] =	vst v18;
	v18 =	vor.u32 v24, v13;
	v13 =	vor.u32 v14, v12;
	v14 =	vand.u32 $0x1FC, v26  }
0xe4: {  	v16 =	vand.u32 $0x3, v16;
	v22 =	vand.u32 $0x3, v22;
	v62 =	vshll.u32 v57, $0x2  }
0xe5: {  	v59 =	vld [tilespmem:$0x700];
	v23 =	vshrl.u32 v57, $0x7;
	v26 =	vshrl.u32 v32, $0x7;
	v12 =	vor.u32 v15, v18  }
0xe6: {  	[tilespmem:$0xB60] =	vst v49;
	v49 =	vld [tilespmem:$0x770];
	v14 =	vor.u32 v27, v14;
	v15 =	vand.u32 $0x1FC, v28;
	v18 =	vshrl.u32 v29, $0x7  }
0xe7: {  	[tilespmem:$0xBF0] =	vst v1;
	v23 =	vand.u32 $0x3, v23;
	v1 =	vand.u32 $0x3, v26;
	v14 =	vor.u32 v16, v14  }
0xe8: {  	v63 =	vld [tilespmem:$0x710];
	v15 =	vor.u32 v30, v15;
	v16 =	vand.u32 $0x1FC, v31;
	v18 =	vand.u32 $0x3, v18  }
0xe9: {  	v34 =	vld [tilespmem:$0x730];
	v30 =	vand.u32 $0xFFFFFE00, v57;
	v21 =	vor.u32 v33, v16;
	v16 =	vor.u32 v17, v15  }
0xea: {  	v17 =	vand.u32 $0x1FC, v35;
	v31 =	vshll.u32 v59, $0x2;
	v33 =	vand.u32 $0xFFFFFE00, v59  }
0xeb: {  	v25 =	vshrl.u32 v59, $0x7;
	v59 =	vand.u32 $0xFFFFFE00, v49;
	v15 =	vor.u32 v19, v21  }
0xec: {  	v17 =	vor.u32 v36, v17;
	v19 =	vand.u32 $0x1FC, v37;
	v21 =	vshrl.u32 v38, $0x7  }
0xed: {  	[tilespmem:$0xB00] =	vst v43;
	v26 =	vld [tilespmem:$0x7B0];
	v25 =	vand.u32 $0x3, v25;
	v35 =	vshll.u32 v63, $0x2;
	v36 =	vand.u32 $0xFFFFFE00, v63  }
0xee: {  	[tilespmem:$0xB10] =	vst v42;
	v28 =	vld [tilespmem:$0x7C0];
	v37 =	vshll.u32 v32, $0x2;
	v42 =	vand.u32 $0xFFFFFE00, v34;
	v27 =	vshrl.u32 v34, $0x7  }
0xef: {  	[tilespmem:$0xB30] =	vst v47;
	v17 =	vor.u32 v18, v17;
	v18 =	vor.u32 v40, v19;
	v19 =	vand.u32 $0x1FC, v41  }
0xf0: {  	[tilespmem:$0xB90] =	vst v53;
	v53 =	vld [tilespmem:$0x780];
	v21 =	vand.u32 $0x3, v21;
	v40 =	vshll.u32 v34, $0x2;
	v43 =	vand.u32 $0x3, v27  }
0xf1: {  	[tilespmem:$0xB50] =	vst v45;
	v57 =	vld [tilespmem:$0x790];
	v24 =	vor.u32 v58, v19;
	v19 =	vor.u32 v20, v18;
	v20 =	vand.u32 $0x1FC, v60  }
0xf2: {  	[tilespmem:$0xCA0] =	vst v11;
	v58 =	vshll.u32 v49, $0x2;
	v60 =	vshrl.u32 v49, $0x7;
	v11 =	vshrl.u32 v26, $0x7  }
0xf3: {  	[tilespmem:$0xCC0] =	vst v12;
	v34 =	vshll.u32 v28, $0x2;
	v12 =	vshrl.u32 v28, $0x7;
	v18 =	vor.u32 v22, v24  }
0xf4: {  	[tilespmem:$0xB40] =	vst v46;
	v20 =	vor.u32 v61, v20;
	v22 =	vand.u32 $0x1FC, v62;
	v24 =	vshrl.u32 v63, $0x7  }
0xf5: {  	[tilespmem:$0xC70] =	vst v8;
	v38 =	vld [tilespmem:$0x740];
	v8 =	vand.u32 $0x3, v60;
	v61 =	vshll.u32 v53, $0x2;
	v63 =	vand.u32 $0xFFFFFE00, v53  }
0xf6: {  	[tilespmem:$0xC50] =	vst v7;
	v27 =	vand.u32 $0xFFFFFE00, v57;
	v7 =	vshrl.u32 v57, $0x7;
	v11 =	vand.u32 $0x3, v11  }
0xf7: {  	[tilespmem:$0xB70] =	vst v48;
	v32 =	vld [tilespmem:$0x7D0];
	v12 =	vand.u32 $0x3, v12;
	v20 =	vor.u32 v21, v20;
	v21 =	vor.u32 v30, v22  }
0xf8: {  	v55 =	vld [tilespmem:$0x840];
	[tilespmem:$0xC60] =	vst v6;
	v22 =	vand.u32 $0x1FC, v31;
	v24 =	vand.u32 $0x3, v24;
	v6 =	vand.u32 $0x1FC, v61  }
0xf9: {  	[tilespmem:$0xB80] =	vst v50;
	v41 =	vld [tilespmem:$0x750];
	v7 =	vand.u32 $0x3, v7;
	v31 =	vshll.u32 v26, $0x2;
	v22 =	vor.u32 v33, v22  }
0xfa: {  	[tilespmem:$0xBB0] =	vst v51;
	v21 =	vor.u32 v23, v21;
	v23 =	vand.u32 $0x1FC, v35;
	v45 =	vshll.u32 v38, $0x2  }
0xfb: {  	[tilespmem:$0xC10] =	vst v2;
	v2 =	vand.u32 $0xFFFFFE00, v38;
	v46 =	vshrl.u32 v38, $0x7;
	v6 =	vor.u32 v63, v6  }
0xfc: {  	[tilespmem:$0xCB0] =	vst v13;
	v33 =	vand.u32 $0xFFFFFE00, v26;
	v38 =	vshll.u32 v32, $0x2;
	v13 =	vshrl.u32 v32, $0x7  }
0xfd: {  	[tilespmem:$0xC00] =	vst v0;
	v63 =	vshrl.u32 v55, $0x7;
	v22 =	vor.u32 v25, v22;
	v23 =	vor.u32 v36, v23  }
0xfe: {  	[tilespmem:$0xC30] =	vst v3;
	v62 =	vld [tilespmem:$0x7A0];
	v25 =	vand.u32 $0x1FC, v37;
	v47 =	vand.u32 $0x3, v46;
	v48 =	vshll.u32 v41, $0x2  }
0xff: {  	[tilespmem:$0xC40] =	vst v5;
	v3 =	vand.u32 $0xFFFFFE00, v41;
	v51 =	vshrl.u32 v41, $0x7;
	v36 =	vand.u32 $0xFFFFFE00, v28  }
0x100: {  	[tilespmem:$0xDB0] =	vst v4;
	v23 =	vor.u32 v24, v23;
	v24 =	vor.u32 v39, v25;
	v25 =	vand.u32 $0x1FC, v40  }
0x101: {  	[tilespmem:$0xC80] =	vst v10;
	v50 =	vand.u32 $0x1FC, v48;
	v5 =	vand.u32 $0x3, v51;
	v39 =	vand.u32 $0xFFFFFE00, v32  }
0x102: {  	[tilespmem:$0xC90] =	vst v9;
	v25 =	vor.u32 v42, v25;
	v0 =	vor.u32 v1, v24;
	v24 =	vand.u32 $0x1FC, v45  }
0x103: {  	[tilespmem:$0xCD0] =	vst v14;
	v3 =	vor.u32 v3, v50;
	v29 =	vshll.u32 v62, $0x2;
	v30 =	vand.u32 $0xFFFFFE00, v62  }
0x104: {  	[tilespmem:$0xCE0] =	vst v16;
	v35 =	vld [tilespmem:$0x7E0];
	v9 =	vshrl.u32 v62, $0x7;
	v50 =	vshll.u32 v44, $0x2;
	v62 =	vshll.u32 v55, $0x2  }
0x105: {  	[tilespmem:$0xCF0] =	vst v15;
	v1 =	vor.u32 v43, v25;
	v2 =	vor.u32 v2, v24;
	v3 =	vor.u32 v5, v3  }
0x106: {  	[tilespmem:$0xD00] =	vst v17;
	v5 =	vand.u32 $0x1FC, v58;
	v24 =	vshrl.u32 v53, $0x7;
	v25 =	vshll.u32 v57, $0x2  }
0x107: {  	v37 =	vld [tilespmem:$0x7F0];
	v9 =	vand.u32 $0x3, v9;
	[tilespmem:$0xD70] =	vst v0;
	v0 =	vand.u32 $0x3, v13;
	v4 =	vand.u32 $0x1FC, v50  }
0x108: {  	[tilespmem:$0xD10] =	vst v19;
	v41 =	vld [tilespmem:$0x800];
	v53 =	vshrl.u32 v44, $0x7;
	v2 =	vor.u32 v47, v2;
	v5 =	vor.u32 v59, v5  }
0x109: {  	v10 =	vand.u32 $0x3, v24;
	v40 =	vshll.u32 v35, $0x2;
	[tilespmem:$0xD80] =	vst v1;
	v1 =	vand.u32 $0xFFFFFE00, v35  }
0x10a: {  	[tilespmem:$0xD20] =	vst v18;
	v4 =	vor.u32 v52, v4;
	v58 =	vand.u32 $0x3, v53;
	v5 =	vor.u32 v8, v5  }
0x10b: {  	[tilespmem:$0xD30] =	vst v20;
	v8 =	vand.u32 $0x1FC, v25;
	v6 =	vor.u32 v10, v6;
	v10 =	vand.u32 $0x1FC, v31  }
0x10c: {  	v51 =	vld [tilespmem:$0x830];
	v42 =	vand.u32 $0x1FC, v40;
	[tilespmem:$0xD90] =	vst v2;
	v2 =	vshrl.u32 v35, $0x7;
	v43 =	vshll.u32 v37, $0x2  }
0x10d: {  	[tilespmem:$0xDA0] =	vst v3;
	v3 =	vand.u32 $0xFFFFFE00, v37;
	v45 =	vshrl.u32 v37, $0x7;
	v48 =	vand.u32 $0xFFFFFE00, v41  }
0x10e: {  	[tilespmem:$0xD40] =	vst v21;
	v49 =	vshrl.u32 v41, $0x7;
	v8 =	vor.u32 v27, v8;
	v1 =	vor.u32 v1, v42  }
0x10f: {  	[tilespmem:$0xD50] =	vst v22;
	v2 =	vand.u32 $0x3, v2;
	v7 =	vor.u32 v7, v8;
	v8 =	vand.u32 $0x1FC, v29  }
0x110: {  	v47 =	vld [tilespmem:$0x820];
	v46 =	vand.u32 $0x3, v45;
	[tilespmem:$0xDC0] =	vst v5;
	v5 =	vand.u32 $0x3, v49;
	v8 =	vor.u32 v30, v8  }
0x111: {  	[tilespmem:$0xD60] =	vst v23;
	v60 =	vshll.u32 v51, $0x2;
	v8 =	vor.u32 v9, v8;
	v9 =	vor.u32 v33, v10  }
0x112: {  	[tilespmem:$0xDD0] =	vst v6;
	v1 =	vor.u32 v2, v1;
	v9 =	vor.u32 v11, v9;
	v11 =	vand.u32 $0x1FC, v38  }
0x113: {  	v61 =	vshrl.u32 v51, $0x7;
	[tilespmem:$0xE30] =	vst v1;
	v1 =	vor.u32 v58, v4;
	v11 =	vor.u32 v39, v11  }
0x114: {  	[tilespmem:$0xDE0] =	vst v7;
	v4 =	vand.u32 $0x1FC, v60;
	v0 =	vor.u32 v0, v11;
	v11 =	vand.u32 $0x1FC, v43  }
0x115: {  	v10 =	vand.u32 $0x1FC, v34;
	v54 =	vshll.u32 v47, $0x2;
	[tilespmem:$0xE60] =	vst v1;
	v3 =	vor.u32 v3, v11  }
0x116: {  	v10 =	vor.u32 v36, v10;
	[tilespmem:$0xDF0] =	vst v8;
	v2 =	vor.u32 v46, v3;
	v3 =	vshll.u32 v41, $0x2  }
0x117: {  	v56 =	vand.u32 $0xFFFFFE00, v47;
	v10 =	vor.u32 v12, v10;
	[tilespmem:$0xE00] =	vst v9;
	v3 =	vand.u32 $0x1FC, v3  }
0x118: {  	v57 =	vshrl.u32 v47, $0x7;
	v1 =	vand.u32 $0xFFFFFE00, v55;
	[tilespmem:$0xE10] =	vst v10;
	v3 =	vor.u32 v48, v3  }
0x119: {  	[tilespmem:$0xE40] =	vst v2;
	v2 =	vand.u32 $0xFFFFFE00, v51;
	v3 =	vor.u32 v5, v3;
	v5 =	vand.u32 $0x1FC, v54  }
0x11a: {  	v59 =	vand.u32 $0x3, v57;
	[tilespmem:$0xE20] =	vst v0;
	v2 =	vor.u32 v2, v4;
	v0 =	vor.u32 v56, v5  }
0x11b: {  	v4 =	vand.u32 $0x1FC, v62;
	[tilespmem:$0xE50] =	vst v3;
	v3 =	vand.u32 $0x3, v61;
	v0 =	vor.u32 v59, v0  }
0x11c: {  	v1 =	vor.u32 v1, v4;
	[tilespmem:$0xE70] =	vst v0;
	v0 =	vor.u32 v3, v2;
	v2 =	vand.u32 $0x3, v63  }
0x11d: {  	[tilespmem:$0xE80] =	vst v0;
	v0 =	vor.u32 v2, v1  }
0x11e: {  	s23 =	simm.s32 $0x860;
	s21 =	simm.s32 $0xEA0;
	[tilespmem:$0xE90] =	vst v0  }
0x11f: {  	[tilespmem:s21], [sflag:$0x1] =	stream.indirect.gather [hbm4b:s6+s10], $0x20, s23, s10, $0xb8;
	[tilespmem:$0xDAA0] =	vst v63  }
0x120: {  	s22 =	simm.s32 $0x8E0;
	s23 =	simm.s32 $0x1EA0  }
0x121: {  	[tilespmem:s23], [sflag:$0x1] =	stream.indirect.gather [hbm4b:s6+s10], $0x20, s22, s10, $0xb8;
	[tilespmem:$0xDAA0] =	vst v63  }
0x122: {  	s22 =	simm.s32 $0x960;
	s23 =	simm.s32 $0x2EA0  }
0x123: {  	[tilespmem:s23], [sflag:$0x1] =	stream.indirect.gather [hbm4b:s6+s10], $0x20, s22, s10, $0xb8;
	[tilespmem:$0xDAA0] =	vst v63  }
0x124: {  	s22 =	simm.s32 $0x9E0;
	s23 =	simm.s32 $0x3EA0  }
0x125: {  	[tilespmem:s23], [sflag:$0x1] =	stream.indirect.gather [hbm4b:s6+s10], $0x20, s22, s10, $0xb8;
	[tilespmem:$0xDAA0] =	vst v63  }
0x126: {  	s22 =	simm.s32 $0xA60;
	s23 =	simm.s32 $0x4EA0  }
0x127: {  	[tilespmem:s23], [sflag:$0x1] =	stream.indirect.gather [hbm4b:s6+s10], $0x20, s22, s10, $0xb8;
	[tilespmem:$0xDAA0] =	vst v63  }
0x128: {  	s21 =	simm.s32 $0xAE0;
	s22 =	simm.s32 $0x5EA0  }
0x129: {  	[tilespmem:s22], [sflag:$0x1] =	stream.indirect.gather [hbm4b:s6+s10], $0x20, s21, s10, $0xb8;
	[tilespmem:$0xDAA0] =	vst v63  }
0x12a: {  	s23 =	simm.s32 $0xB60  }
0x12b: {  	[tilespmem:s24], [sflag:$0x1] =	stream.indirect.gather [hbm4b:s6+s10], $0x20, s23, s10, $0xb8;
	[tilespmem:$0xDAA0] =	vst v63  }
0x12c: {  	_ = 	snop  }
0x12d: {  	[tilespmem:s26], [sflag:$0x1] =	stream.indirect.gather [hbm4b:s6+s10], $0x20, s25, s10, $0xb8;
	[tilespmem:$0xDAA0] =	vst v63  }
0x12e: {  	_ = 	snop  }
0x12f: {  	[tilespmem:s29], [sflag:$0x1] =	stream.indirect.gather [hbm4b:s6+s10], $0x20, s28, s10, $0xb8;
	[tilespmem:$0xDAA0] =	vst v63  }
0x130: {  	_ = 	snop  }
0x131: {  	[tilespmem:s31], [sflag:$0x1] =	stream.indirect.gather [hbm4b:s6+s10], $0x20, s30, s10, $0xb8;
	[tilespmem:$0xDAA0] =	vst v63  }
0x132: {  	_ = 	snop  }
0x133: {  	[tilespmem:s1], [sflag:$0x1] =	stream.indirect.gather [hbm4b:s6+s10], $0x20, s0, s10, $0xb8;
	[tilespmem:$0xDAA0] =	vst v63  }
0x134: {  	_ = 	snop  }
0x135: {  	[tilespmem:s8], [sflag:$0x1] =	stream.indirect.gather [hbm4b:s6+s10], $0x20, s7, s10, $0xb8;
	[tilespmem:$0xDAA0] =	vst v63  }
0x136: {  	_ = 	snop  }
0x137: {  	[tilespmem:s12], [sflag:$0x1] =	stream.indirect.gather [hbm4b:s6+s2], $0x20, s11, s2, $0xb8;
	[tilespmem:$0xDAA0] =	vst v63  }
0x138: {  	_ =	swait.ge [sflag:s13], $0x1000  }
0x139: {  	[sflag:s13] =	ssyncset.done $0x0  }
0x13a: {  	[sflag:s13] =	ssyncadd.s32 $0xFFFFF000  }
0x13b: {  	_ =	swait.ge [sflag:s13], $0x1000  }
0x13c: {  	[sflag:s13] =	ssyncset.done $0x0  }
0x13d: {  	[sflag:s13] =	ssyncadd.s32 $0xFFFFF000  }
0x13e: {  	_ =	swait.ge [sflag:s13], $0x1000  }
0x13f: {  	[sflag:s13] =	ssyncset.done $0x0  }
0x140: {  	[sflag:s13] =	ssyncadd.s32 $0xFFFFF000  }
0x141: {  	_ =	swait.ge [sflag:s13], $0x1000  }
0x142: {  	[sflag:s13] =	ssyncset.done $0x0  }
0x143: {  	[sflag:s13] =	ssyncadd.s32 $0xFFFFF000  }
0x144: {  	_ =	swait.ge [sflag:s13], $0x1000  }
0x145: {  	[sflag:s13] =	ssyncset.done $0x0  }
0x146: {  	[sflag:s13] =	ssyncadd.s32 $0xFFFFF000  }
0x147: {  	_ =	swait.ge [sflag:s13], $0x1000  }
0x148: {  	[sflag:s13] =	ssyncset.done $0x0  }
0x149: {  	[sflag:s13] =	ssyncadd.s32 $0xFFFFF000  }
0x14a: {  	_ =	swait.ge [sflag:s13], $0x1000  }
0x14b: {  	[sflag:s13] =	ssyncset.done $0x0  }
0x14c: {  	[sflag:s13] =	ssyncadd.s32 $0xFFFFF000  }
0x14d: {  	_ =	swait.ge [sflag:s13], $0x1000  }
0x14e: {  	[sflag:s13] =	ssyncset.done $0x0  }
0x14f: {  	[sflag:s13] =	ssyncadd.s32 $0xFFFFF000  }
0x150: {  	_ =	swait.ge [sflag:s13], $0x1000  }
0x151: {  	[sflag:s13] =	ssyncset.done $0x0  }
0x152: {  	[sflag:s13] =	ssyncadd.s32 $0xFFFFF000  }
0x153: {  	_ =	swait.ge [sflag:s13], $0x1000  }
0x154: {  	[sflag:s13] =	ssyncset.done $0x0  }
0x155: {  	[sflag:s13] =	ssyncadd.s32 $0xFFFFF000  }
0x156: {  	_ =	swait.ge [sflag:s13], $0x1000  }
0x157: {  	[sflag:s13] =	ssyncset.done $0x0  }
0x158: {  	[sflag:s13] =	ssyncadd.s32 $0xFFFFF000  }
0x159: {  	_ =	swait.ge [sflag:s13], $0x1000  }
.Ltmp4:
0x15a: {  	[sflag:s13] =	ssyncset.done $0x0;
	(pc) =	sbr.rel .LBB2_3-.Ltmp4, $4  }
0x15b: {  	[sflag:s13] =	ssyncadd.s32 $0xFFFFF000  }
0x15c: {  	_ =	swait.ge [sflag:s13], $0x800  }
0x15d: {  	[sflag:s13] =	ssyncset.done $0x0  }
0x15e: {  	s20 =	simm.s32 $0xEB0;
	v0 =	vmov s19;
	[sflag:s13] =	ssyncadd.s32 $0xFFFFF800  }
.LBB2_4:
0x15f: {  	v3 =	vimm.f32 $0.0e+00  }
.LBB2_16:
0x160: {  	v1 =	vbroadcast v1, $0x0;
	_ =	sdelay $0x1  }
0x161: {  	v4 =	vcvt.s32.f32 v1;
	_ =	sdelay $0x1  }
0x162: {  	(erf) = vrcp.f32 v4;
	_ =	sdelay $0x7  }
0x163: {  	s19 =	sshll.u32 s17, $0x5;
	s17 =	sadd.s32 $0x1, s17  }
0x164: {  	p0 =	sne.s32 s17, $0x20;
	vm0 =	vgt.s32 v1, $0x0;
	v1 =	vpop (erf)  }
.Ltmp5:
0x165: {  	v1 =	vnsel vm0, $0x0, v1;
	(pc) =	sbr.rel @!p0 .LBB2_17-.Ltmp5, $4  }
0x166: {  	v2 =	vmul.f32 v2, v1  }
0x167: {  	s19 =	sand.u32 $0x3FFFFFE0, s19;
	v1 =	vmul.f32 v3, v1  }
0x168: {  	[tilespmem:s19+$0xD6A0] =	vst v2  }
0x169: {  	s20 =	sadd.s32 $0x640, s20;
	s18 =	sadd.s32 $0x32, s18;
	[tilespmem:s19+$0xD6B0] =	vst v1  }
.LBB2_3:
0x16a: {  	_ =	sdelay $0x3  }
0x16b: {  	v1 =	vld.idx.msk [tilespmem:v0+s17+$0x0 ss:$0x1], $0xffff;
	_ =	sdelay $0x4  }
0x16c: {  	(v2sf) =	vpush v1, $0x0;
	_ =	sdelay $0xe  }
0x16d: {  	s19 =	spop (v2sf)  }
0x16e: {  	p0 =	slt.s32 s19, $0x1  }
.Ltmp6:
0x16f: {  	_ = 	snop;
	(pc) =	sbr.rel @p0 .LBB2_4-.Ltmp6, $2  }
0x170: {  	_ =	sdelay $0x2  }
0x171: {  	v2 =	vimm.f32 $0.0e+00  }
0x172: {  	v3 =	vld [tilespmem:s18+$0x0];
	p3 =	sne.s32 s19, $0x1  }
.Ltmp7:
0x173: {  	_ = 	snop;
	(pc) =	sbr.rel @!p3 .LBB2_6-.Ltmp7, $3  }
0x174: {  	_ =	sdelay $0x1  }
0x175: {  	s19 =	sadd.s32 $0xFFFFFFFF, s19;
	s21 =	sadd.s32 $0x1, s18  }
0x176: {  	p0 =	por $0x0, $0x0;
	p1 =	por $0x0, $0x0;
	p2 =	por $0x0, $0x0;
	(v2sf) =	vpush v3, $0x0  }
0x177: {  	v3 =	vld [tilespmem:s21+$0x0];
	_ =	sdelay $0x4  }
0x178: {  	(v2sf) =	vpush v3, $0x0;
	_ =	sdelay $0x6  }
0x179: {  	p3 =	sne.s32 s19, $0x1  }
.Ltmp8:
0x17a: {  	_ = 	snop;
	(pc) =	sbr.rel @!p3 .LBB2_8-.Ltmp8, $2  }
0x17b: {  	_ =	sdelay $0x2  }
0x17c: {  	s19 =	sadd.s32 $0xFFFFFFFF, s19;
	s22 =	sadd.s32 $0x1, s21;
	p0 =	por $0x1, $0x1  }
0x17d: {  	v3 =	vld [tilespmem:s22+$0x0];
	_ =	sdelay $0x4  }
0x17e: {  	(v2sf) =	vpush v3, $0x0;
	_ =	sdelay $0x3  }
0x17f: {  	p3 =	sne.s32 s19, $0x1  }
.Ltmp9:
0x180: {  	_ = 	snop;
	(pc) =	sbr.rel @!p3 .LBB2_10-.Ltmp9, $2  }
0x181: {  	_ =	sdelay $0x2  }
0x182: {  	s21 =	sadd.s32 $0xFFFFFFFF, s19;
	s22 =	sadd.s32 $0x1, s22;
	p1 =	por $0x1, $0x1;
	v3 =	vld [tilespmem:s20+$0x0]  }
0x183: {  	v5 =	vld [tilespmem:s22+$0x0];
	_ =	sdelay $0x4  }
0x184: {  	(v2sf) =	vpush v5, $0x0;
	_ =	sdelay $0x3  }
0x185: {  	p4 =	sne.s32 s21, $0x1  }
.Ltmp10:
0x186: {  	v4 =	vld [tilespmem:s20+$0xFFFFFFF0];
	(pc) =	sbr.rel @!p4 .LBB2_12-.Ltmp10, $4  }
0x187: {  	s19 =	spop (v2sf)  }
0x188: {  	p3 =	seq.s32 s19, $0x0  }
0x189: {  	s19 =	sadd.s32 $0x20, s20;
	v7 =	vpsel p3, $0x0, v3  }
0x18a: {  	s21 =	sadd.s32 $0xFFFFFFFF, s21;
	s22 =	sadd.s32 $0x1, s22;
	p2 =	por $0x1, $0x1;
	v6 =	vld [tilespmem:s19+$0x0];
	v5 =	vadd.f32 v7, v2;
	v7 =	vimm.f32 $0.0e+00  }
.LBB2_13:
0x18b: {  	v8 =	vld [tilespmem:s22+$0x0];
	p4 =	sne.s32 s21, $0x1;
	s21 =	sadd.s32 $0xFFFFFFFF, s21;
	v9 =	vpsel p3, $0x0, v4  }
.Ltmp11:
0x18c: {  	v4 =	vld [tilespmem:s19+$0xFFFFFFF0];
	v7 =	vadd.f32 v9, v7;
	(pc) =	sbr.rel @p4 .LBB2_13-.Ltmp11, $4  }
0x18d: {  	s23 =	spop (v2sf)  }
0x18e: {  	p3 =	seq.s32 s23, $0x0  }
0x18f: {  	s19 =	sadd.s32 $0x20, s19;
	v9 =	vpsel p3, $0x0, v6  }
0x190: {  	s22 =	sadd.s32 $0x1, s22;
	(v2sf) =	vpush v8, $0x0;
	v6 =	vld [tilespmem:s19+$0x0];
	v5 =	vadd.f32 v9, v5  }
0x191: {  	_ = 	snop  }
.LBB2_15:
0x192: {  	_ =	sdelay $0x2  }
0x193: {  	v8 =	vld @p1 [tilespmem:s19+$0xFFFFFFF0];
	s19 =	sadd.s32 @p1 $0x20, s19;
	s21 =	smov.u32 s20  }
0x194: {  	s21 =	smov.u32 @p1 s19  }
0x195: {  	s22 =	spop @p1 (v2sf);
	p3 =	por !p3, !p2;
	v9 =	vld @p0 [tilespmem:s21+$0x0]  }
0x196: {  	p4 =	seq.s32 @p1 s22, $0x0;
	v4 =	vpsel !p3, $0x0, v4;
	s22 =	smov.u32 s20;
	v10 =	vld @p0 [tilespmem:s21+$0xFFFFFFF0]  }
0x197: {  	p5 =	por !p4, !p1;
	v4 =	vadd.f32 @p2 v4, v7;
	p4 =	por @!p1 p0, p0;
	s21 =	sadd.s32 @p0 $0x20, s21  }
0x198: {  	s19 =	spop @p0 (v2sf);
	v6 =	vpsel !p5, $0x0, v6;
	p4 =	por !p4, !p1;
	s22 =	smov.u32 @p0 s21;
	v7 =	vpsel p1, v8, v0  }
0x199: {  	p3 =	seq.s32 @p0 s19, $0x0;
	v5 =	vadd.f32 @p1 v6, v5;
	v4 =	vpsel p2, v4, v2;
	v62 =	vld [tilespmem:s22+$0x0];
	v7 =	vpsel !p4, $0x0, v7  }
0x19a: {  	v63 =	vld [tilespmem:s22+$0xFFFFFFF0];
	p4 =	por !p3, !p0;
	p3 =	por @!p0 p0, p0;
	v3 =	vpsel p0, v9, v3;
	v4 =	vadd.f32 @p1 v7, v4  }
0x19b: {  	v5 =	vpsel p1, v5, v2;
	v8 =	vpsel p0, v10, v0;
	p5 =	por !p3, !p0;
	v3 =	vpsel !p4, $0x0, v3  }
.Ltmp12:
0x19c: {  	v8 =	vpsel !p5, $0x0, v8;
	v3 =	vadd.f32 @p0 v3, v5;
	v4 =	vpsel p1, v4, v2;
	(pc) =	sbr.rel .LBB2_16-.Ltmp12, $4  }
0x19d: {  	v4 =	vadd.f32 @p0 v8, v4;
	s23 =	spop (v2sf)  }
0x19e: {  	v3 =	vpsel p0, v3, v2;
	p6 =	seq.s32 s23, $0x0  }
0x19f: {  	v2 =	vpsel p0, v4, v2;
	v5 =	vpsel p6, $0x0, v62;
	v4 =	vpsel p6, $0x0, v63  }
0x1a0: {  	v3 =	vadd.f32 v5, v3;
	v2 =	vadd.f32 v4, v2  }
.LBB2_6:
.Ltmp13:
0x1a1: {  	(pc) =	sbr.rel .LBB2_15-.Ltmp13, $2  }
0x1a2: {  	_ =	sdelay $0x2  }
0x1a3: {  	s19 =	smov.u32 s20;
	v7 =	vimm.f32 $0.0e+00;
	v5 =	vimm.f32 $0.0e+00  }
.LBB2_8:
.Ltmp14:
0x1a4: {  	(pc) =	sbr.rel .LBB2_15-.Ltmp14, $2  }
0x1a5: {  	_ =	sdelay $0x2  }
0x1a6: {  	s19 =	smov.u32 s20;
	v7 =	vimm.f32 $0.0e+00;
	v5 =	vimm.f32 $0.0e+00  }
.LBB2_10:
.Ltmp15:
0x1a7: {  	_ = 	snop;
	(pc) =	sbr.rel .LBB2_15-.Ltmp15, $2  }
0x1a8: {  	_ =	sdelay $0x3  }
0x1a9: {  	s19 =	smov.u32 s20;
	v7 =	vimm.f32 $0.0e+00;
	v5 =	vimm.f32 $0.0e+00;
	v6 =	vmov v3  }
.LBB2_12:
.Ltmp16:
0x1aa: {  	(pc) =	sbr.rel .LBB2_15-.Ltmp16, $2  }
0x1ab: {  	_ =	sdelay $0x2  }
0x1ac: {  	v7 =	vimm.f32 $0.0e+00  }
.LBB2_19:
0x1ad: {  	_ =	sfence.sel $0x180000  }
0x1ae: {  	[bflag:$0x0] =	sbarrier.arrive $0xFFFF  }
0x1af: {  	_ =	strace $0x90000047  }
0x1b0: {  	s0 =	stileid.u32;
	[bflag:$0x2] =	sbarrier.arrive $0xFFFF  }
0x1b1: {  	p0 =	sne.s32 s0, $0x0;
	s0 =	rddreg [dreg:$0x3]  }
0x1b2: {  	s0 =	sadd.s32 @!p0 $0x100000, s0  }
0x1b3: {  	[sflag:s0] =	ssyncadd.tile.s32 @!p0 $0x1;
	_ =	shalt  }
.Lfunc_end2:
_tile_overlayer_lowered:
.L_overlay_start_2:
0x1b4: {  	(tag) =	ssettag $0x2  }
0x1b5: {  	s0 =	rddreg [dreg:$0x0];
	s2 =	stileid.u32  }
0x1b6: {  	s1 =	rddreg [dreg:$0x1];
	p0 =	sne.s32 s2, $0x0  }
0x1b7: {  	s3 =	rddreg [dreg:$0x2];
	[bflag:$0x3] =	sbarrier.arrive $0xFFFF;
	s2 =	simm.s32 @!p0 $0x1C02  }
0x1b8: {  	[timem:s3], [sflag:s2] =	dma.local @!p0 [hbm:s0], s1  }
0x1b9: {  	s0 =	simm.s32 @!p0 $0x2  }
0x1ba: {  	_ =	swait.ge @!p0 [sflag:s0], s1  }
0x1bb: {  	s1 =	ssub.s32 @!p0 $0x0, s1;
	[sflag:s0] =	ssyncset.done @!p0 $0x0  }
0x1bc: {  	[sflag:s0] =	ssyncadd.s32 @!p0 s1  }
0x1bd: {  	[bflag:$0x3] =	sbarrier.arrive $0xFFFF  }
0x1be: {  	_ =	shalt  }

</sc_bundles>
